<compile_context>
chip_gen: v7x
topology: tpu7x:2x2x1
jax: 0.10.2.dev20260603
libtpu: 0.0.44.dev20260713+nightly
codegen_flags: <defaults>
</compile_context>

<pallas_src>
import functools

import jax
import jax.numpy as jnp
from jax import lax
from jax.experimental import pallas as pl
from jax.experimental.pallas import tpu as pltpu
from jax.experimental.pallas import tpu_sc as plsc

B = 2
N = 10000
NT = B * N
SEQ = 512
D = 256
H = 4
C = D // H
DG = 256
E = 320000

BN = 2000
NB = N // BN



def _stage_a_body(wq_ref, xe_ref, bq_ref, mask_ref, wm_ref, bm_ref,
                  wg4_ref, a8_ref, h4_ref, asad_ref):
    xb = jnp.dot(wq_ref[...], xe_ref[0], preferred_element_type=jnp.float32)
    xb = xb + bq_ref[...] + mask_ref[...] * wm_ref[...] + bm_ref[...]
    asad = jnp.zeros((BN, 8), jnp.float32)
    for k in range(H):
        hk = jnp.dot(xb, wg4_ref[k], preferred_element_type=jnp.float32)
        h4_ref[k] = hk
        asad = asad + jnp.dot(hk, a8_ref[k], preferred_element_type=jnp.float32)
    asad_ref[...] = asad


def _stage_a(x_enc, mask, Wq, bq, wm, bm, Wg, a_src, a_dst):
    wg4 = Wg.reshape(D, H, C).transpose(1, 0, 2)
    a8 = jnp.zeros((H, C, 8), jnp.float32)
    for k in range(H):
        a8 = a8.at[k, :, k].set(a_src[k])
        a8 = a8.at[k, :, 4 + k].set(a_dst[k])
    bq2 = jnp.broadcast_to(bq[None, :, None], (B, N, 1)).reshape(NT, 1)
    mask2 = mask.reshape(NT, 1)

    grid = (B, NB)
    h4, asad = pl.pallas_call(
        _stage_a_body,
        grid=grid,
        in_specs=[
            pl.BlockSpec((BN, SEQ), lambda b, n: (n, 0)),
            pl.BlockSpec((1, SEQ, D), lambda b, n: (b, 0, 0)),
            pl.BlockSpec((BN, 1), lambda b, n: (b * NB + n, 0)),
            pl.BlockSpec((BN, 1), lambda b, n: (b * NB + n, 0)),
            pl.BlockSpec((1, D), lambda b, n: (0, 0)),
            pl.BlockSpec((1, D), lambda b, n: (0, 0)),
            pl.BlockSpec((H, D, C), lambda b, n: (0, 0, 0)),
            pl.BlockSpec((H, C, 8), lambda b, n: (0, 0, 0)),
        ],
        out_specs=[
            pl.BlockSpec((H, BN, C), lambda b, n: (0, b * NB + n, 0)),
            pl.BlockSpec((BN, 8), lambda b, n: (b * NB + n, 0)),
        ],
        out_shape=[
            jax.ShapeDtypeStruct((H, NT, C), jnp.float32),
            jax.ShapeDtypeStruct((NT, 8), jnp.float32),
        ],
    )(Wq, x_enc, bq2, mask2, wm[None, :], bm[None, :], wg4, a8)
    return h4, asad



NT_PAD = 20480
ETOT = E + NT
CH = 128
CPT = 88
EP = 32 * CPT * CH
ROWS_PER_TILE = NT_PAD // 16


def _att_kernel(src_hbm, dst_hbm, as_hbm, ad_hbm, z16_hbm, ee_hbm, den_hbm,
                src_loc, dst_loc, rs0, rs1, rd0, rd1, eef0, eef1,
                ee_store, den_acc, sem_g, sem_s):
    c = lax.axis_index("c")
    s = lax.axis_index("s")
    w = c * 16 + s
    lane = lax.iota(jnp.int32, 16)
    hmask = lane < 4
    lane_c = jnp.where(hmask, lane, 3)
    rss = [rs0, rs1]
    rds = [rd0, rd1]
    eefs = [eef0, eef1]

    pltpu.sync_copy(src_hbm.at[pl.ds(w * CPT, CPT)], src_loc)
    pltpu.sync_copy(dst_hbm.at[pl.ds(w * CPT, CPT)], dst_loc)

    def _zden(i, carry):
        pltpu.sync_copy(z16_hbm.at[pl.ds(i * CH, CH)],
                        den_acc.at[pl.ds(s * ROWS_PER_TILE + i * CH, CH)])
        return carry
    lax.fori_loop(0, ROWS_PER_TILE // CH, _zden, 0)
    plsc.subcore_barrier()

    def _issue_gather(j, b):
        pltpu.async_copy(as_hbm.at[src_loc.at[j]], rss[b], sem_g)
        pltpu.async_copy(ad_hbm.at[dst_loc.at[j]], rds[b], sem_g)

    def _wait_gather(j, b):
        pltpu.make_async_copy(as_hbm.at[src_loc.at[j]], rss[b], sem_g).wait()
        pltpu.make_async_copy(ad_hbm.at[dst_loc.at[j]], rds[b], sem_g).wait()

    def _wait_scatter(j, b):
        pltpu.make_async_copy(eefs[b], den_acc.at[dst_loc.at[j]],
                              sem_s).wait()

    _issue_gather(0, 0)

    def _pass0(jj, carry):
        for b in range(2):
            j = 2 * jj + b
            _wait_gather(j, b)

            @pl.when(j > 0)
            def _():
                _wait_scatter(j - 1, 1 - b)

            @pl.when(j < CPT - 1)
            def _():
                _issue_gather(j + 1, 1 - b)

            def _ee(v, cc):
                e = rss[b][v, :] + rds[b][v, :]
                e = jnp.where(e > 0.0, e, 0.2 * e)
                ee = jnp.exp(e)
                eefs[b][v, :] = ee
                plsc.store_scatter(ee_store,
                                   [lane_c * (CPT * CH) + j * CH + v], ee,
                                   mask=hmask)
                return cc
            lax.fori_loop(0, CH, _ee, 0)
            pltpu.async_copy(eefs[b], den_acc.at[dst_loc.at[j]], sem_s,
                             add=True)
        return carry
    lax.fori_loop(0, CPT // 2, _pass0, 0)
    _wait_scatter(CPT - 1, 1)
    pltpu.sync_copy(ee_store, ee_hbm.at[w])
    plsc.subcore_barrier()
    pltpu.sync_copy(
        den_acc.at[pl.ds(s * ROWS_PER_TILE, ROWS_PER_TILE)],
        den_hbm.at[c, pl.ds(s * ROWS_PER_TILE, ROWS_PER_TILE)])


def _agg_kernel(src4_hbm, dst_hbm, ee_hbm, h_hbm, z64_hbm, out_hbm,
                src_loc, dst_loc, ee_row0, ee_row1,
                hbuf0, hbuf1, wbuf0, wbuf1, acc, sem_g, sem_s):
    c = lax.axis_index("c")
    s = lax.axis_index("s")
    w = c * 16 + s
    ee_rows = [ee_row0, ee_row1]
    hbufs = [hbuf0, hbuf1]
    wbufs = [wbuf0, wbuf1]

    pltpu.sync_copy(dst_hbm.at[pl.ds(w * CPT, CPT)], dst_loc)

    for h in range(H):
        def _issue_gather(j, b):
            pltpu.async_copy(ee_hbm.at[w, h, j], ee_rows[b], sem_g)
            pltpu.async_copy(h_hbm.at[src_loc.at[j]], hbufs[b], sem_g)

        def _wait_gather(j, b):
            pltpu.make_async_copy(ee_hbm.at[w, h, j], ee_rows[b], sem_g).wait()
            pltpu.make_async_copy(h_hbm.at[src_loc.at[j]], hbufs[b],
                                  sem_g).wait()

        def _wait_scatter(j, b):
            pltpu.make_async_copy(wbufs[b], acc.at[dst_loc.at[j]],
                                  sem_s).wait()

        pltpu.sync_copy(src4_hbm.at[h, pl.ds(w * CPT, CPT)], src_loc)

        def _zacc(i, carry):
            pltpu.sync_copy(z64_hbm.at[pl.ds(i * CH, CH)],
                            acc.at[pl.ds(s * ROWS_PER_TILE + i * CH, CH)])
            return carry
        lax.fori_loop(0, ROWS_PER_TILE // CH, _zacc, 0)
        plsc.subcore_barrier()

        _issue_gather(0, 0)

        def _pair(jj, carry):
            for b in range(2):
                j = 2 * jj + b
                _wait_gather(j, b)

                @pl.when(j > 0)
                def _():
                    _wait_scatter(j - 1, 1 - b)

                @pl.when(j < CPT - 1)
                def _():
                    _issue_gather(j + 1, 1 - b)

                def _wgt(v, cc):
                    sv = plsc.load_gather(
                        ee_rows[b], [jnp.full((16,), v, jnp.int32)])
                    for u in range(2):
                        hv = hbufs[b][v, pl.ds(32 * u, 32)]
                        lo, hi = plsc.unpack(
                            hv, format=plsc.PackFormat.INTERLEAVED)
                        wbufs[b][v, pl.ds(32 * u, 16)] = lo * sv
                        wbufs[b][v, pl.ds(32 * u + 16, 16)] = hi * sv
                    return cc
                lax.fori_loop(0, CH, _wgt, 0)
                pltpu.async_copy(wbufs[b], acc.at[dst_loc.at[j]], sem_s,
                                 add=True)
            return carry
        lax.fori_loop(0, CPT // 2, _pair, 0)
        _wait_scatter(CPT - 1, 1)
        plsc.subcore_barrier()

        pltpu.sync_copy(
            acc.at[pl.ds(s * ROWS_PER_TILE, ROWS_PER_TILE)],
            out_hbm.at[c * H + h, pl.ds(s * ROWS_PER_TILE, ROWS_PER_TILE)])
        plsc.subcore_barrier()


def _edge_stage(h4, asad, edge_index):
    loops = jnp.arange(NT, dtype=jnp.int32)
    src = jnp.concatenate([edge_index[0].astype(jnp.int32), loops])
    dst = jnp.concatenate([edge_index[1].astype(jnp.int32), loops])
    def _interleave(x2d):
        return (x2d.reshape(CPT, 32, CH).transpose(1, 0, 2)
                .reshape(EP // CH, CH))

    src2d = _interleave(jnp.concatenate(
        [src, jnp.zeros((EP - ETOT,), jnp.int32)]).reshape(EP // CH, CH))
    dst2d = _interleave(jnp.concatenate(
        [dst, jnp.full((EP - ETOT,), NT, jnp.int32)]).reshape(EP // CH, CH))
    asz = jnp.zeros((NT_PAD, 16), jnp.float32).at[:NT, 0:4].set(asad[:, 0:4])
    adz = jnp.zeros((NT_PAD, 16), jnp.float32).at[:NT, 0:4].set(asad[:, 4:8])
    htab = (h4.reshape(H * NT, 2, 2, 16).transpose(0, 1, 3, 2)
            .reshape(H * NT, C).astype(jnp.bfloat16))

    z16 = jnp.zeros((ROWS_PER_TILE, 16), jnp.float32)
    z64 = jnp.zeros((ROWS_PER_TILE, C), jnp.float32)

    mesh = plsc.VectorSubcoreMesh(core_axis_name="c", subcore_axis_name="s",
                                  num_cores=2, num_subcores=16)
    params = pltpu.CompilerParams(needs_layout_passes=False,
                                  use_tc_tiling_on_sc=False)
    ee_hbm, den_part = pl.kernel(
        _att_kernel,
        out_type=[
            jax.ShapeDtypeStruct((32, CPT * 4 * CH), jnp.float32),
            jax.ShapeDtypeStruct((2, NT_PAD, 16), jnp.float32),
        ],
        mesh=mesh,
        compiler_params=params,
        scratch_types=[
            pltpu.VMEM((CPT, CH), jnp.int32),
            pltpu.VMEM((CPT, CH), jnp.int32),
            pltpu.VMEM((CH, 16), jnp.float32),
            pltpu.VMEM((CH, 16), jnp.float32),
            pltpu.VMEM((CH, 16), jnp.float32),
            pltpu.VMEM((CH, 16), jnp.float32),
            pltpu.VMEM((CH, 16), jnp.float32),
            pltpu.VMEM((CH, 16), jnp.float32),
            pltpu.VMEM((CPT * 4 * CH,), jnp.float32),
            pltpu.VMEM_SHARED((NT_PAD, 16), jnp.float32),
            pltpu.SemaphoreType.DMA,
            pltpu.SemaphoreType.DMA,
        ],
    )(src2d, dst2d, asz, adz, z16)

    src4 = (src2d[None, :, :]
            + (jnp.arange(H, dtype=jnp.int32) * NT)[:, None, None])
    out_part = pl.kernel(
        _agg_kernel,
        out_type=jax.ShapeDtypeStruct((2 * H, NT_PAD, C), jnp.float32),
        mesh=mesh,
        compiler_params=params,
        scratch_types=[
            pltpu.VMEM((CPT, CH), jnp.int32),
            pltpu.VMEM((CPT, CH), jnp.int32),
            pltpu.VMEM((CH,), jnp.float32),
            pltpu.VMEM((CH,), jnp.float32),
            pltpu.VMEM((CH, C), jnp.bfloat16),
            pltpu.VMEM((CH, C), jnp.bfloat16),
            pltpu.VMEM((CH, C), jnp.float32),
            pltpu.VMEM((CH, C), jnp.float32),
            pltpu.VMEM_SHARED((NT_PAD, C), jnp.float32),
            pltpu.SemaphoreType.DMA,
            pltpu.SemaphoreType.DMA,
        ],
    )(src4, dst2d, ee_hbm.reshape(32, H, CPT, CH), htab, z64)
    return out_part.reshape(2, H, NT_PAD, C), den_part



def _stage_c1_body(p_ref, den_ref, bg_ref, wpT_ref, y_ref, *, n_sc):
    parts = []
    for k in range(H):
        num = p_ref[0, k]
        d = den_ref[0, :, k:k + 1]
        for s in range(1, n_sc):
            num = num + p_ref[s, k]
            d = d + den_ref[s, :, k:k + 1]
        x3k = num / (d + 1e-16) + bg_ref[0, k * C:(k + 1) * C][None, :]
        parts.append(x3k)
    x3 = jnp.concatenate(parts, axis=1)
    acc = lax.dot_general(wpT_ref[...], x3, (((0,), (0,)), ((), ())),
                          preferred_element_type=jnp.float32)
    nidx = pl.program_id(1)

    @pl.when(nidx == 0)
    def _():
        y_ref[0] = acc

    @pl.when(nidx != 0)
    def _():
        y_ref[0] = y_ref[0] + acc


def _stage_c2_body(y_ref, bp_ref, wtT_ref, bt_ref, z_ref):
    z_ref[0] = jnp.dot(y_ref[0] + bp_ref[...], wtT_ref[...],
                       preferred_element_type=jnp.float32) + bt_ref[...]


def _stage_c(out_part, den_part, bg, Wp, bp, Wt, bt):
    n_sc = out_part.shape[0]
    grid = (B, NB)
    y = pl.pallas_call(
        functools.partial(_stage_c1_body, n_sc=n_sc),
        grid=grid,
        in_specs=[
            pl.BlockSpec((n_sc, H, BN, C), lambda b, n: (0, 0, b * NB + n, 0)),
            pl.BlockSpec((n_sc, BN, den_part.shape[2]),
                         lambda b, n: (0, b * NB + n, 0)),
            pl.BlockSpec((1, D), lambda b, n: (0, 0)),
            pl.BlockSpec((BN, SEQ), lambda b, n: (n, 0)),
        ],
        out_specs=pl.BlockSpec((1, SEQ, D), lambda b, n: (b, 0, 0)),
        out_shape=jax.ShapeDtypeStruct((B, SEQ, D), jnp.float32),
    )(out_part, den_part, bg[None, :], Wp.T)

    z = pl.pallas_call(
        _stage_c2_body,
        grid=(B,),
        in_specs=[
            pl.BlockSpec((1, SEQ, D), lambda b: (b, 0, 0)),
            pl.BlockSpec((SEQ, 1), lambda b: (0, 0)),
            pl.BlockSpec((D, DG), lambda b: (0, 0)),
            pl.BlockSpec((1, DG), lambda b: (0, 0)),
        ],
        out_specs=pl.BlockSpec((1, SEQ, DG), lambda b: (b, 0, 0)),
        out_shape=jax.ShapeDtypeStruct((B, SEQ, DG), jnp.float32),
    )(y, bp[:, None], Wt.T, bt[None, :])
    return z



def kernel(x_enc, mask, edge_index, Wq, bq, wm, bm, Wg, a_src, a_dst, bg,
           Wp, bp, Wt, bt):
    h4, asad = _stage_a(x_enc, mask, Wq, bq, wm, bm, Wg, a_src, a_dst)
    out_part, den_part = _edge_stage(h4, asad, edge_index)
    return _stage_c(out_part, den_part, bg, Wp, bp, Wt, bt)

# --- scband reference (transcript-rebuilt; emitter-appended) ---
"""Pipeline reference for scband-graph-encoder-41094247088643 (READ-ONLY COPY).

The authoritative reference and input builder live on the scoring server;
editing this copy changes nothing except your own understanding.
"""

import jax, jax.numpy as jnp
import numpy as np

B = 2
N = 10000          # node_count per graph
NT = B * N         # total nodes in batched graph
SEQ = 512
D = 256            # d_data
H = 4              # heads
C = D // H         # per-head out channels
DOUT = H * C       # concat output dim
DG = 256           # d_graph
E = 320000         # edges (avg_degree=16 over 20000 nodes)


def setup_inputs(seed: int = 0) -> dict:
    key = jax.random.key(seed)
    ks = jax.random.split(key, 16)
    x_enc = jax.random.normal(ks[0], (B, SEQ, D), dtype=jnp.float32)
    mask = jax.random.uniform(ks[1], (B, N), dtype=jnp.float32)
    edge_index = jax.random.randint(ks[2], (2, E), 0, NT, dtype=jnp.int32)
    # query_proj: Linear(seq_len -> node_count), weight [N, SEQ]
    Wq = jax.random.normal(ks[3], (N, SEQ), dtype=jnp.float32) / jnp.sqrt(SEQ)
    bq = jax.random.normal(ks[4], (N,), dtype=jnp.float32) * 0.01
    # mask_proj: Linear(1 -> d_data)
    wm = jax.random.normal(ks[5], (D,), dtype=jnp.float32)
    bm = jax.random.normal(ks[6], (D,), dtype=jnp.float32) * 0.01
    # GATConv: lin weight [D, H*C], attention vectors a_src/a_dst [H, C], bias [H*C]
    Wg = jax.random.normal(ks[7], (D, H * C), dtype=jnp.float32) / jnp.sqrt(D)
    a_src = jax.random.normal(ks[8], (H, C), dtype=jnp.float32) * 0.1
    a_dst = jax.random.normal(ks[9], (H, C), dtype=jnp.float32) * 0.1
    bg = jax.random.normal(ks[10], (H * C,), dtype=jnp.float32) * 0.01
    # project: Linear(node_count -> seq_len), weight [SEQ, N]
    Wp = jax.random.normal(ks[11], (SEQ, N), dtype=jnp.float32) / jnp.sqrt(N)
    bp = jax.random.normal(ks[12], (SEQ,), dtype=jnp.float32) * 0.01
    # temp_project: Linear(DOUT -> d_graph), weight [DG, DOUT]
    Wt = jax.random.normal(ks[13], (DG, DOUT), dtype=jnp.float32) / jnp.sqrt(DOUT)
    bt = jax.random.normal(ks[14], (DG,), dtype=jnp.float32) * 0.01
    return {"x_enc": x_enc, "mask": mask, "edge_index": edge_index,
            "Wq": Wq, "bq": bq, "wm": wm, "bm": bm,
            "Wg": Wg, "a_src": a_src, "a_dst": a_dst, "bg": bg,
            "Wp": Wp, "bp": bp, "Wt": Wt, "bt": bt}


def reference(x_enc, mask, edge_index, Wq, bq, wm, bm, Wg, a_src, a_dst, bg, Wp, bp, Wt, bt):
    # q = query_proj(x_enc.permute(0,2,1)).permute(0,2,1)  -> [B, N, D]
    q = jnp.einsum('bsd,ns->bnd', x_enc, Wq) + bq[None, :, None]
    # mask_embed = mask_proj(mask.unsqueeze(-1)) -> [B, N, D]
    mask_embed = mask[:, :, None] * wm[None, None, :] + bm[None, None, :]
    # batched graph node features: cat over batch == reshape
    x = (mask_embed + q).reshape(NT, D)

    # GATConv with default add_self_loops=True
    loops = jnp.arange(NT, dtype=edge_index.dtype)
    src = jnp.concatenate([edge_index[0], loops])
    dst = jnp.concatenate([edge_index[1], loops])

    h = (x @ Wg).reshape(NT, H, C)
    as_ = jnp.sum(h * a_src[None, :, :], axis=-1)  # [NT, H]
    ad_ = jnp.sum(h * a_dst[None, :, :], axis=-1)  # [NT, H]
    e = as_[src] + ad_[dst]                        # [Etot, H]
    e = jnp.where(e > 0, e, 0.2 * e)               # LeakyReLU(0.2)
    m = jax.ops.segment_max(e, dst, num_segments=NT)
    m = jnp.where(jnp.isfinite(m), m, 0.0)
    ee = jnp.exp(e - m[dst])
    den = jax.ops.segment_sum(ee, dst, num_segments=NT)
    alpha = ee / (den[dst] + 1e-16)                # softmax over incoming edges
    out = jax.ops.segment_sum(alpha[:, :, None] * h[src], dst, num_segments=NT)
    out = out.reshape(NT, H * C) + bg[None, :]

    x3 = out.reshape(B, N, DOUT)
    # project: Linear(N -> SEQ) applied over node axis
    y = jnp.einsum('bnd,sn->bsd', x3, Wp) + bp[None, :, None]
    # temp_project
    z = y @ Wt.T + bt[None, None, :]
    return z

if __name__ == "__main__":
    import jax
    _d = setup_inputs()
    print(jax.jit(kernel)(*tuple(_d.values())))

</pallas_src>

<mosaic_0001>
#map = affine_map<(d0, d1) -> (0, 0, 0)>
#map1 = affine_map<(d0, d1) -> (0, 0)>
#map2 = affine_map<(d0, d1) -> (0, 0, 0, 0)>
module attributes {stable_mosaic.version = 14 : i64} {
  func.func @_agg_kernel(%arg0: i32, %arg1: i32, %arg2: memref<4x2816x128xi32, #tpu.memory_space<hbm>>, %arg3: memref<2816x128xi32, #tpu.memory_space<hbm>>, %arg4: memref<32x4x88x128xf32, #tpu.memory_space<hbm>>, %arg5: memref<80000x64xbf16, #tpu.memory_space<hbm>>, %arg6: memref<1280x64xf32, #tpu.memory_space<hbm>>, %arg7: memref<8x20480x64xf32, #tpu.memory_space<hbm>>, %arg8: memref<88x128xi32, #tpu.memory_space<vmem>>, %arg9: memref<88x128xi32, #tpu.memory_space<vmem>>, %arg10: memref<128xf32, #tpu.memory_space<vmem>>, %arg11: memref<128xf32, #tpu.memory_space<vmem>>, %arg12: memref<128x64xbf16, #tpu.memory_space<vmem>>, %arg13: memref<128x64xbf16, #tpu.memory_space<vmem>>, %arg14: memref<128x64xf32, #tpu.memory_space<vmem>>, %arg15: memref<128x64xf32, #tpu.memory_space<vmem>>, %arg16: memref<20480x64xf32, #tpu.memory_space<vmem_shared>>, %arg17: memref<!tpu.dma_semaphore, #tpu.memory_space<semaphore_mem>>, %arg18: memref<!tpu.dma_semaphore, #tpu.memory_space<semaphore_mem>>) attributes {dimension_semantics = [#tpu.dimension_semantics<core_parallel>, #tpu.dimension_semantics<subcore_parallel>], iteration_bounds = array<i64: 2, 16>, scalar_prefetch = 0 : i64, scratch_operands = 11 : i64, tpu.core_type = #tpu.core_type<sc_vector_subcore>, window_params = [{transform_indices = #map}, {transform_indices = #map1}, {transform_indices = #map2}, {transform_indices = #map1}, {transform_indices = #map1}, {transform_indices = #map}]} {
    %mul3A = arith.constant 16 : i32
    %mul3A_0 = arith.muli %arg0, %mul3A : i32
    %add3A = arith.addi %mul3A_0, %arg1 : i32
    %mul3A_1 = arith.constant 88 : i32
    %mul3A_2 = arith.muli %add3A, %mul3A_1 : i32
    "tpu.region"() ({
      %run_scoped3A_190 = tpu.sem_alloc : memref<!tpu.dma_semaphore, #tpu.memory_space<semaphore_mem>>
      %dma_start3A_191 = arith.constant 0 : i32
      %dma_start3A_192 = tpu.memref_slice %arg3[%mul3A_2, %dma_start3A_191] : memref<2816x128xi32, #tpu.memory_space<hbm>> -> memref<88x128xi32, #tpu.memory_space<hbm>>
      %dma_start3A_193 = arith.constant 0 : i32
      %dma_start3A_194 = tpu.memref_slice %arg3[%mul3A_2, %dma_start3A_193] : memref<2816x128xi32, #tpu.memory_space<hbm>> -> memref<88x128xi32, #tpu.memory_space<hbm>>
      tpu.enqueue_dma source(%dma_start3A_194 : memref<88x128xi32, #tpu.memory_space<hbm>>) target(%arg9 : memref<88x128xi32, #tpu.memory_space<vmem>>) target_semaphore(%run_scoped3A_190 : memref<!tpu.dma_semaphore, #tpu.memory_space<semaphore_mem>>)
      %dma_wait3A_195 = arith.constant 0 : i32
      %dma_wait3A_196 = tpu.memref_slice %arg3[%mul3A_2, %dma_wait3A_195] : memref<2816x128xi32, #tpu.memory_space<hbm>> -> memref<88x128xi32, #tpu.memory_space<hbm>>
      %dma_wait3A_197 = arith.constant 0 : i32
      %dma_wait3A_198 = tpu.memref_slice %arg3[%mul3A_2, %dma_wait3A_197] : memref<2816x128xi32, #tpu.memory_space<hbm>> -> memref<88x128xi32, #tpu.memory_space<hbm>>
      tpu.wait_dma2 semaphore(%run_scoped3A_190 : memref<!tpu.dma_semaphore, #tpu.memory_space<semaphore_mem>>) src(%dma_wait3A_198 : memref<88x128xi32, #tpu.memory_space<hbm>>) dst(%arg9 : memref<88x128xi32, #tpu.memory_space<vmem>>)
      tpu.yield
    }) : () -> ()
    %mul3A_3 = arith.constant 88 : i32
    %mul3A_4 = arith.muli %add3A, %mul3A_3 : i32
    %run_scoped3A = arith.constant 0 : i32
    "tpu.region"() ({
      %run_scoped3A_190 = tpu.sem_alloc : memref<!tpu.dma_semaphore, #tpu.memory_space<semaphore_mem>>
      %dma_start3A_191 = arith.constant 0 : i32
      %dma_start3A_192 = tpu.memref_slice %arg2[%run_scoped3A, %mul3A_4, %dma_start3A_191] : memref<4x2816x128xi32, #tpu.memory_space<hbm>> -> memref<1x88x128xi32, #tpu.memory_space<hbm>>
      %dma_start3A_193 = tpu.memref_squeeze %dma_start3A_192 : memref<1x88x128xi32, #tpu.memory_space<hbm>> -> memref<88x128xi32, #tpu.memory_space<hbm>>
      %dma_start3A_194 = arith.constant 0 : i32
      %dma_start3A_195 = tpu.memref_slice %arg2[%run_scoped3A, %mul3A_4, %dma_start3A_194] : memref<4x2816x128xi32, #tpu.memory_space<hbm>> -> memref<1x88x128xi32, #tpu.memory_space<hbm>>
      %dma_start3A_196 = tpu.memref_squeeze %dma_start3A_195 : memref<1x88x128xi32, #tpu.memory_space<hbm>> -> memref<88x128xi32, #tpu.memory_space<hbm>>
      tpu.enqueue_dma source(%dma_start3A_196 : memref<88x128xi32, #tpu.memory_space<hbm>>) target(%arg8 : memref<88x128xi32, #tpu.memory_space<vmem>>) target_semaphore(%run_scoped3A_190 : memref<!tpu.dma_semaphore, #tpu.memory_space<semaphore_mem>>)
      %dma_wait3A_197 = arith.constant 0 : i32
      %dma_wait3A_198 = tpu.memref_slice %arg2[%run_scoped3A, %mul3A_4, %dma_wait3A_197] : memref<4x2816x128xi32, #tpu.memory_space<hbm>> -> memref<1x88x128xi32, #tpu.memory_space<hbm>>
      %dma_wait3A_199 = tpu.memref_squeeze %dma_wait3A_198 : memref<1x88x128xi32, #tpu.memory_space<hbm>> -> memref<88x128xi32, #tpu.memory_space<hbm>>
      %dma_wait3A_200 = arith.constant 0 : i32
      %dma_wait3A_201 = tpu.memref_slice %arg2[%run_scoped3A, %mul3A_4, %dma_wait3A_200] : memref<4x2816x128xi32, #tpu.memory_space<hbm>> -> memref<1x88x128xi32, #tpu.memory_space<hbm>>
      %dma_wait3A_202 = tpu.memref_squeeze %dma_wait3A_201 : memref<1x88x128xi32, #tpu.memory_space<hbm>> -> memref<88x128xi32, #tpu.memory_space<hbm>>
      tpu.wait_dma2 semaphore(%run_scoped3A_190 : memref<!tpu.dma_semaphore, #tpu.memory_space<semaphore_mem>>) src(%dma_wait3A_202 : memref<88x128xi32, #tpu.memory_space<hbm>>) dst(%arg8 : memref<88x128xi32, #tpu.memory_space<vmem>>)
      tpu.yield
    }) : () -> ()
    %scan3A = arith.constant 0 : i32
    %scan3A_5 = arith.constant 0 : i32
    %scan3A_6 = arith.constant 10 : i32
    %scan3A_7 = arith.addi %scan3A_5, %scan3A_6 : i32
    %scan3A_8 = arith.constant 1 : i32
    scf.for %scan3A_190 = %scan3A_5 to %scan3A_7 step %scan3A_8  : i32 {
      %mul3A_191 = arith.constant 128 : i32
      %mul3A_192 = arith.muli %scan3A_190, %mul3A_191 : i32
      %mul3A_193 = arith.constant 1280 : i32
      %mul3A_194 = arith.muli %arg1, %mul3A_193 : i32
      %mul3A_195 = arith.constant 128 : i32
      %mul3A_196 = arith.muli %scan3A_190, %mul3A_195 : i32
      %add3A_197 = arith.addi %mul3A_194, %mul3A_196 : i32
      "tpu.region"() ({
        %run_scoped3A_198 = tpu.sem_alloc : memref<!tpu.dma_semaphore, #tpu.memory_space<semaphore_mem>>
        %dma_start3A_199 = arith.constant 0 : i32
        %dma_start3A_200 = tpu.memref_slice %arg16[%add3A_197, %dma_start3A_199] : memref<20480x64xf32, #tpu.memory_space<vmem_shared>> -> memref<128x64xf32, #tpu.memory_space<vmem_shared>>
        %dma_start3A_201 = arith.constant 0 : i32
        %dma_start3A_202 = tpu.memref_slice %arg6[%mul3A_192, %dma_start3A_201] : memref<1280x64xf32, #tpu.memory_space<hbm>> -> memref<128x64xf32, #tpu.memory_space<hbm>>
        tpu.enqueue_dma source(%dma_start3A_202 : memref<128x64xf32, #tpu.memory_space<hbm>>) target(%dma_start3A_200 : memref<128x64xf32, #tpu.memory_space<vmem_shared>>) target_semaphore(%run_scoped3A_198 : memref<!tpu.dma_semaphore, #tpu.memory_space<semaphore_mem>>)
        %dma_wait3A_203 = arith.constant 0 : i32
        %dma_wait3A_204 = tpu.memref_slice %arg16[%add3A_197, %dma_wait3A_203] : memref<20480x64xf32, #tpu.memory_space<vmem_shared>> -> memref<128x64xf32, #tpu.memory_space<vmem_shared>>
        %dma_wait3A_205 = arith.constant 0 : i32
        %dma_wait3A_206 = tpu.memref_slice %arg6[%mul3A_192, %dma_wait3A_205] : memref<1280x64xf32, #tpu.memory_space<hbm>> -> memref<128x64xf32, #tpu.memory_space<hbm>>
        tpu.wait_dma2 semaphore(%run_scoped3A_198 : memref<!tpu.dma_semaphore, #tpu.memory_space<semaphore_mem>>) src(%dma_wait3A_206 : memref<128x64xf32, #tpu.memory_space<hbm>>) dst(%dma_wait3A_204 : memref<128x64xf32, #tpu.memory_space<vmem_shared>>)
        tpu.yield
      }) : () -> ()
    }
    %scan3A_9 = arith.constant 10 : i32
    %barrier3A = arith.constant 0 : index
    tpu.barrier barrier_id(%barrier3A)
    %dma_start3A = arith.constant 0 : i32
    %dma_start3A_10 = arith.constant 0 : i32
    %dma_start3A_11 = arith.constant 0 : i32
    %dma_start3A_12 = tpu.memref_slice %arg4[%add3A, %dma_start3A, %dma_start3A_10, %dma_start3A_11] : memref<32x4x88x128xf32, #tpu.memory_space<hbm>> -> memref<1x1x1x128xf32, #tpu.memory_space<hbm>>
    %dma_start3A_13 = tpu.memref_squeeze %dma_start3A_12 : memref<1x1x1x128xf32, #tpu.memory_space<hbm>> -> memref<128xf32, #tpu.memory_space<hbm>>
    %dma_start3A_14 = arith.constant 0 : i32
    %dma_start3A_15 = tpu.memref_slice %arg4[%add3A, %dma_start3A, %dma_start3A_10, %dma_start3A_14] : memref<32x4x88x128xf32, #tpu.memory_space<hbm>> -> memref<1x1x1x128xf32, #tpu.memory_space<hbm>>
    %dma_start3A_16 = tpu.memref_squeeze %dma_start3A_15 : memref<1x1x1x128xf32, #tpu.memory_space<hbm>> -> memref<128xf32, #tpu.memory_space<hbm>>
    tpu.enqueue_dma source(%dma_start3A_16 : memref<128xf32, #tpu.memory_space<hbm>>) target(%arg10 : memref<128xf32, #tpu.memory_space<vmem>>) target_semaphore(%arg17 : memref<!tpu.dma_semaphore, #tpu.memory_space<semaphore_mem>>)
    %dma_start3A_17 = arith.constant 0 : i32
    %dma_start3A_18 = arith.constant 0 : i32
    %dma_start3A_19 = tpu.memref_slice %arg8[%dma_start3A_17, %dma_start3A_18] : memref<88x128xi32, #tpu.memory_space<vmem>> -> memref<1x128xi32, #tpu.memory_space<vmem>>
    %dma_start3A_20 = tpu.memref_squeeze %dma_start3A_19 : memref<1x128xi32, #tpu.memory_space<vmem>> -> memref<128xi32, #tpu.memory_space<vmem>>
    %dma_start3A_21 = arith.constant 0 : i32
    %dma_start3A_22 = arith.constant 0 : i32
    %dma_start3A_23 = tpu.memref_slice %arg5[%dma_start3A_21, %dma_start3A_22] : memref<80000x64xbf16, #tpu.memory_space<hbm>> -> memref<80000x64xbf16, #tpu.memory_space<hbm>>
    tpu.enqueue_indirect_dma source(%dma_start3A_23 : memref<80000x64xbf16, #tpu.memory_space<hbm>>) target(%arg12 : memref<128x64xbf16, #tpu.memory_space<vmem>>) offsets(%dma_start3A_20 : memref<128xi32, #tpu.memory_space<vmem>>) semaphore(%arg17 : memref<!tpu.dma_semaphore, #tpu.memory_space<semaphore_mem>>)
    %scan3A_24 = arith.constant 0 : i32
    %scan3A_25 = arith.constant 0 : i32
    %scan3A_26 = arith.constant 44 : i32
    %scan3A_27 = arith.addi %scan3A_25, %scan3A_26 : i32
    %scan3A_28 = arith.constant 1 : i32
    scf.for %scan3A_190 = %scan3A_25 to %scan3A_27 step %scan3A_28  : i32 {
      %mul3A_191 = arith.constant 2 : i32
      %mul3A_192 = arith.muli %mul3A_191, %scan3A_190 : i32
      %add3A_193 = arith.constant 0 : i32
      %add3A_194 = arith.addi %mul3A_192, %add3A_193 : i32
      %dma_wait3A_195 = arith.constant 0 : i32
      %dma_wait3A_196 = arith.constant 0 : i32
      %dma_wait3A_197 = tpu.memref_slice %arg4[%add3A, %dma_wait3A_195, %add3A_194, %dma_wait3A_196] : memref<32x4x88x128xf32, #tpu.memory_space<hbm>> -> memref<1x1x1x128xf32, #tpu.memory_space<hbm>>
      %dma_wait3A_198 = tpu.memref_squeeze %dma_wait3A_197 : memref<1x1x1x128xf32, #tpu.memory_space<hbm>> -> memref<128xf32, #tpu.memory_space<hbm>>
      %dma_wait3A_199 = arith.constant 0 : i32
      %dma_wait3A_200 = tpu.memref_slice %arg4[%add3A, %dma_wait3A_195, %add3A_194, %dma_wait3A_199] : memref<32x4x88x128xf32, #tpu.memory_space<hbm>> -> memref<1x1x1x128xf32, #tpu.memory_space<hbm>>
      %dma_wait3A_201 = tpu.memref_squeeze %dma_wait3A_200 : memref<1x1x1x128xf32, #tpu.memory_space<hbm>> -> memref<128xf32, #tpu.memory_space<hbm>>
      tpu.wait_dma2 semaphore(%arg17 : memref<!tpu.dma_semaphore, #tpu.memory_space<semaphore_mem>>) src(%dma_wait3A_201 : memref<128xf32, #tpu.memory_space<hbm>>) dst(%arg10 : memref<128xf32, #tpu.memory_space<vmem>>)
      %dma_wait3A_202 = arith.constant 0 : i32
      %dma_wait3A_203 = tpu.memref_slice %arg8[%add3A_194, %dma_wait3A_202] : memref<88x128xi32, #tpu.memory_space<vmem>> -> memref<1x128xi32, #tpu.memory_space<vmem>>
      %dma_wait3A_204 = tpu.memref_squeeze %dma_wait3A_203 : memref<1x128xi32, #tpu.memory_space<vmem>> -> memref<128xi32, #tpu.memory_space<vmem>>
      %dma_wait3A_205 = arith.constant 0 : i32
      %dma_wait3A_206 = arith.constant 0 : i32
      %dma_wait3A_207 = tpu.memref_slice %arg5[%dma_wait3A_205, %dma_wait3A_206] : memref<80000x64xbf16, #tpu.memory_space<hbm>> -> memref<80000x64xbf16, #tpu.memory_space<hbm>>
      tpu.wait_indirect_dma semaphore(%arg17 : memref<!tpu.dma_semaphore, #tpu.memory_space<semaphore_mem>>) src(%dma_wait3A_207 : memref<80000x64xbf16, #tpu.memory_space<hbm>>) dst(%arg12 : memref<128x64xbf16, #tpu.memory_space<vmem>>)
      %gt3A = arith.constant 0 : i32
      %gt3A_208 = arith.cmpi sgt, %add3A_194, %gt3A : i32
      %convert_element_type3A = arith.extui %gt3A_208 : i1 to i32
      %cond3A = arith.constant 0 : i32
      %cond3A_209 = arith.cmpi ne, %convert_element_type3A, %cond3A : i32
      scf.if %cond3A_209 {
        %sub3A = arith.constant 1 : i32
        %sub3A_265 = arith.subi %add3A_194, %sub3A : i32
        %dma_wait3A_266 = arith.constant 0 : i32
        %dma_wait3A_267 = tpu.memref_slice %arg9[%sub3A_265, %dma_wait3A_266] : memref<88x128xi32, #tpu.memory_space<vmem>> -> memref<1x128xi32, #tpu.memory_space<vmem>>
        %dma_wait3A_268 = tpu.memref_squeeze %dma_wait3A_267 : memref<1x128xi32, #tpu.memory_space<vmem>> -> memref<128xi32, #tpu.memory_space<vmem>>
        %dma_wait3A_269 = arith.constant 0 : i32
        %dma_wait3A_270 = arith.constant 0 : i32
        %dma_wait3A_271 = tpu.memref_slice %arg16[%dma_wait3A_269, %dma_wait3A_270] : memref<20480x64xf32, #tpu.memory_space<vmem_shared>> -> memref<20480x64xf32, #tpu.memory_space<vmem_shared>>
        tpu.wait_indirect_dma semaphore(%arg18 : memref<!tpu.dma_semaphore, #tpu.memory_space<semaphore_mem>>) src(%arg15 : memref<128x64xf32, #tpu.memory_space<vmem>>) dst(%dma_wait3A_271 : memref<20480x64xf32, #tpu.memory_space<vmem_shared>>)
      } else {
      }
      %lt3A = arith.constant 87 : i32
      %lt3A_210 = arith.cmpi slt, %add3A_194, %lt3A : i32
      %convert_element_type3A_211 = arith.extui %lt3A_210 : i1 to i32
      %cond3A_212 = arith.constant 0 : i32
      %cond3A_213 = arith.cmpi ne, %convert_element_type3A_211, %cond3A_212 : i32
      scf.if %cond3A_213 {
        %add3A_265 = arith.constant 1 : i32
        %add3A_266 = arith.addi %add3A_194, %add3A_265 : i32
        %dma_start3A_267 = arith.constant 0 : i32
        %dma_start3A_268 = arith.constant 0 : i32
        %dma_start3A_269 = tpu.memref_slice %arg4[%add3A, %dma_start3A_267, %add3A_266, %dma_start3A_268] : memref<32x4x88x128xf32, #tpu.memory_space<hbm>> -> memref<1x1x1x128xf32, #tpu.memory_space<hbm>>
        %dma_start3A_270 = tpu.memref_squeeze %dma_start3A_269 : memref<1x1x1x128xf32, #tpu.memory_space<hbm>> -> memref<128xf32, #tpu.memory_space<hbm>>
        %dma_start3A_271 = arith.constant 0 : i32
        %dma_start3A_272 = tpu.memref_slice %arg4[%add3A, %dma_start3A_267, %add3A_266, %dma_start3A_271] : memref<32x4x88x128xf32, #tpu.memory_space<hbm>> -> memref<1x1x1x128xf32, #tpu.memory_space<hbm>>
        %dma_start3A_273 = tpu.memref_squeeze %dma_start3A_272 : memref<1x1x1x128xf32, #tpu.memory_space<hbm>> -> memref<128xf32, #tpu.memory_space<hbm>>
        tpu.enqueue_dma source(%dma_start3A_273 : memref<128xf32, #tpu.memory_space<hbm>>) target(%arg11 : memref<128xf32, #tpu.memory_space<vmem>>) target_semaphore(%arg17 : memref<!tpu.dma_semaphore, #tpu.memory_space<semaphore_mem>>)
        %dma_start3A_274 = arith.constant 0 : i32
        %dma_start3A_275 = tpu.memref_slice %arg8[%add3A_266, %dma_start3A_274] : memref<88x128xi32, #tpu.memory_space<vmem>> -> memref<1x128xi32, #tpu.memory_space<vmem>>
        %dma_start3A_276 = tpu.memref_squeeze %dma_start3A_275 : memref<1x128xi32, #tpu.memory_space<vmem>> -> memref<128xi32, #tpu.memory_space<vmem>>
        %dma_start3A_277 = arith.constant 0 : i32
        %dma_start3A_278 = arith.constant 0 : i32
        %dma_start3A_279 = tpu.memref_slice %arg5[%dma_start3A_277, %dma_start3A_278] : memref<80000x64xbf16, #tpu.memory_space<hbm>> -> memref<80000x64xbf16, #tpu.memory_space<hbm>>
        tpu.enqueue_indirect_dma source(%dma_start3A_279 : memref<80000x64xbf16, #tpu.memory_space<hbm>>) target(%arg13 : memref<128x64xbf16, #tpu.memory_space<vmem>>) offsets(%dma_start3A_276 : memref<128xi32, #tpu.memory_space<vmem>>) semaphore(%arg17 : memref<!tpu.dma_semaphore, #tpu.memory_space<semaphore_mem>>)
      } else {
      }
      %scan3A_214 = arith.constant 0 : i32
      %scan3A_215 = arith.constant 0 : i32
      %scan3A_216 = arith.constant 128 : i32
      %scan3A_217 = arith.addi %scan3A_215, %scan3A_216 : i32
      %scan3A_218 = arith.constant 1 : i32
      scf.for %scan3A_265 = %scan3A_215 to %scan3A_217 step %scan3A_218  : i32 {
        %broadcast_in_dim3A = vector.broadcast %scan3A_265 : i32 to vector<16xi32>
        %gather3A = tpu.vector_load_idx %arg10[%broadcast_in_dim3A] : memref<128xf32, #tpu.memory_space<vmem>>[vector<16xi32>], vector<16xf32>,
        %get3A = arith.index_cast %scan3A_265 : i32 to index
        %get3A_266 = arith.constant 0 : index
        %get3A_267 = tpu.vector_load %arg12[%get3A, %get3A_266] {strides = array<i32>} : memref<128x64xbf16, #tpu.memory_space<vmem>>, vector<32xbf16>,
        %unpack3A = tpu.unpack_subelements %get3A_267, 0 {pack_format = #tpu.pack_format<interleaved>} : vector<32xbf16> -> vector<16xf32>
        %unpack3A_268 = tpu.unpack_subelements %get3A_267, 1 {pack_format = #tpu.pack_format<interleaved>} : vector<32xbf16> -> vector<16xf32>
        %mul3A_269 = arith.mulf %unpack3A, %gather3A : vector<16xf32>
        %swap3A = arith.index_cast %scan3A_265 : i32 to index
        %swap3A_270 = arith.constant 0 : index
        %swap3A_271 = tpu.vector_load %arg14[%swap3A, %swap3A_270] {strides = array<i32>} : memref<128x64xf32, #tpu.memory_space<vmem>>, vector<16xf32>,
        tpu.vector_store %arg14[%swap3A, %swap3A_270], %mul3A_269 {strides = array<i32>} : memref<128x64xf32, #tpu.memory_space<vmem>>, vector<16xf32>,
        %mul3A_272 = arith.mulf %unpack3A_268, %gather3A : vector<16xf32>
        %swap3A_273 = arith.index_cast %scan3A_265 : i32 to index
        %swap3A_274 = arith.constant 16 : index
        %swap3A_275 = tpu.vector_load %arg14[%swap3A_273, %swap3A_274] {strides = array<i32>} : memref<128x64xf32, #tpu.memory_space<vmem>>, vector<16xf32>,
        tpu.vector_store %arg14[%swap3A_273, %swap3A_274], %mul3A_272 {strides = array<i32>} : memref<128x64xf32, #tpu.memory_space<vmem>>, vector<16xf32>,
        %get3A_276 = arith.index_cast %scan3A_265 : i32 to index
        %get3A_277 = arith.constant 32 : index
        %get3A_278 = tpu.vector_load %arg12[%get3A_276, %get3A_277] {strides = array<i32>} : memref<128x64xbf16, #tpu.memory_space<vmem>>, vector<32xbf16>,
        %unpack3A_279 = tpu.unpack_subelements %get3A_278, 0 {pack_format = #tpu.pack_format<interleaved>} : vector<32xbf16> -> vector<16xf32>
        %unpack3A_280 = tpu.unpack_subelements %get3A_278, 1 {pack_format = #tpu.pack_format<interleaved>} : vector<32xbf16> -> vector<16xf32>
        %mul3A_281 = arith.mulf %unpack3A_279, %gather3A : vector<16xf32>
        %swap3A_282 = arith.index_cast %scan3A_265 : i32 to index
        %swap3A_283 = arith.constant 32 : index
        %swap3A_284 = tpu.vector_load %arg14[%swap3A_282, %swap3A_283] {strides = array<i32>} : memref<128x64xf32, #tpu.memory_space<vmem>>, vector<16xf32>,
        tpu.vector_store %arg14[%swap3A_282, %swap3A_283], %mul3A_281 {strides = array<i32>} : memref<128x64xf32, #tpu.memory_space<vmem>>, vector<16xf32>,
        %mul3A_285 = arith.mulf %unpack3A_280, %gather3A : vector<16xf32>
        %swap3A_286 = arith.index_cast %scan3A_265 : i32 to index
        %swap3A_287 = arith.constant 48 : index
        %swap3A_288 = tpu.vector_load %arg14[%swap3A_286, %swap3A_287] {strides = array<i32>} : memref<128x64xf32, #tpu.memory_space<vmem>>, vector<16xf32>,
        tpu.vector_store %arg14[%swap3A_286, %swap3A_287], %mul3A_285 {strides = array<i32>} : memref<128x64xf32, #tpu.memory_space<vmem>>, vector<16xf32>,
      }
      %scan3A_219 = arith.constant 128 : i32
      %dma_start3A_220 = arith.constant 0 : i32
      %dma_start3A_221 = tpu.memref_slice %arg9[%add3A_194, %dma_start3A_220] : memref<88x128xi32, #tpu.memory_space<vmem>> -> memref<1x128xi32, #tpu.memory_space<vmem>>
      %dma_start3A_222 = tpu.memref_squeeze %dma_start3A_221 : memref<1x128xi32, #tpu.memory_space<vmem>> -> memref<128xi32, #tpu.memory_space<vmem>>
      %dma_start3A_223 = arith.constant 0 : i32
      %dma_start3A_224 = arith.constant 0 : i32
      %dma_start3A_225 = tpu.memref_slice %arg16[%dma_start3A_223, %dma_start3A_224] : memref<20480x64xf32, #tpu.memory_space<vmem_shared>> -> memref<20480x64xf32, #tpu.memory_space<vmem_shared>>
      tpu.enqueue_indirect_dma source(%arg14 : memref<128x64xf32, #tpu.memory_space<vmem>>) target(%dma_start3A_225 : memref<20480x64xf32, #tpu.memory_space<vmem_shared>>) offsets(%dma_start3A_222 : memref<128xi32, #tpu.memory_space<vmem>>) semaphore(%arg18 : memref<!tpu.dma_semaphore, #tpu.memory_space<semaphore_mem>>) {add = true}
      %mul3A_226 = arith.constant 2 : i32
      %mul3A_227 = arith.muli %mul3A_226, %scan3A_190 : i32
      %add3A_228 = arith.constant 1 : i32
      %add3A_229 = arith.addi %mul3A_227, %add3A_228 : i32
      %dma_wait3A_230 = arith.constant 0 : i32
      %dma_wait3A_231 = arith.constant 0 : i32
      %dma_wait3A_232 = tpu.memref_slice %arg4[%add3A, %dma_wait3A_230, %add3A_229, %dma_wait3A_231] : memref<32x4x88x128xf32, #tpu.memory_space<hbm>> -> memref<1x1x1x128xf32, #tpu.memory_space<hbm>>
      %dma_wait3A_233 = tpu.memref_squeeze %dma_wait3A_232 : memref<1x1x1x128xf32, #tpu.memory_space<hbm>> -> memref<128xf32, #tpu.memory_space<hbm>>
      %dma_wait3A_234 = arith.constant 0 : i32
      %dma_wait3A_235 = tpu.memref_slice %arg4[%add3A, %dma_wait3A_230, %add3A_229, %dma_wait3A_234] : memref<32x4x88x128xf32, #tpu.memory_space<hbm>> -> memref<1x1x1x128xf32, #tpu.memory_space<hbm>>
      %dma_wait3A_236 = tpu.memref_squeeze %dma_wait3A_235 : memref<1x1x1x128xf32, #tpu.memory_space<hbm>> -> memref<128xf32, #tpu.memory_space<hbm>>
      tpu.wait_dma2 semaphore(%arg17 : memref<!tpu.dma_semaphore, #tpu.memory_space<semaphore_mem>>) src(%dma_wait3A_236 : memref<128xf32, #tpu.memory_space<hbm>>) dst(%arg11 : memref<128xf32, #tpu.memory_space<vmem>>)
      %dma_wait3A_237 = arith.constant 0 : i32
      %dma_wait3A_238 = tpu.memref_slice %arg8[%add3A_229, %dma_wait3A_237] : memref<88x128xi32, #tpu.memory_space<vmem>> -> memref<1x128xi32, #tpu.memory_space<vmem>>
      %dma_wait3A_239 = tpu.memref_squeeze %dma_wait3A_238 : memref<1x128xi32, #tpu.memory_space<vmem>> -> memref<128xi32, #tpu.memory_space<vmem>>
      %dma_wait3A_240 = arith.constant 0 : i32
      %dma_wait3A_241 = arith.constant 0 : i32
      %dma_wait3A_242 = tpu.memref_slice %arg5[%dma_wait3A_240, %dma_wait3A_241] : memref<80000x64xbf16, #tpu.memory_space<hbm>> -> memref<80000x64xbf16, #tpu.memory_space<hbm>>
      tpu.wait_indirect_dma semaphore(%arg17 : memref<!tpu.dma_semaphore, #tpu.memory_space<semaphore_mem>>) src(%dma_wait3A_242 : memref<80000x64xbf16, #tpu.memory_space<hbm>>) dst(%arg13 : memref<128x64xbf16, #tpu.memory_space<vmem>>)
      %gt3A_243 = arith.constant 0 : i32
      %gt3A_244 = arith.cmpi sgt, %add3A_229, %gt3A_243 : i32
      %convert_element_type3A_245 = arith.extui %gt3A_244 : i1 to i32
      %cond3A_246 = arith.constant 0 : i32
      %cond3A_247 = arith.cmpi ne, %convert_element_type3A_245, %cond3A_246 : i32
      scf.if %cond3A_247 {
        %sub3A = arith.constant 1 : i32
        %sub3A_265 = arith.subi %add3A_229, %sub3A : i32
        %dma_wait3A_266 = arith.constant 0 : i32
        %dma_wait3A_267 = tpu.memref_slice %arg9[%sub3A_265, %dma_wait3A_266] : memref<88x128xi32, #tpu.memory_space<vmem>> -> memref<1x128xi32, #tpu.memory_space<vmem>>
        %dma_wait3A_268 = tpu.memref_squeeze %dma_wait3A_267 : memref<1x128xi32, #tpu.memory_space<vmem>> -> memref<128xi32, #tpu.memory_space<vmem>>
        %dma_wait3A_269 = arith.constant 0 : i32
        %dma_wait3A_270 = arith.constant 0 : i32
        %dma_wait3A_271 = tpu.memref_slice %arg16[%dma_wait3A_269, %dma_wait3A_270] : memref<20480x64xf32, #tpu.memory_space<vmem_shared>> -> memref<20480x64xf32, #tpu.memory_space<vmem_shared>>
        tpu.wait_indirect_dma semaphore(%arg18 : memref<!tpu.dma_semaphore, #tpu.memory_space<semaphore_mem>>) src(%arg14 : memref<128x64xf32, #tpu.memory_space<vmem>>) dst(%dma_wait3A_271 : memref<20480x64xf32, #tpu.memory_space<vmem_shared>>)
      } else {
      }
      %lt3A_248 = arith.constant 87 : i32
      %lt3A_249 = arith.cmpi slt, %add3A_229, %lt3A_248 : i32
      %convert_element_type3A_250 = arith.extui %lt3A_249 : i1 to i32
      %cond3A_251 = arith.constant 0 : i32
      %cond3A_252 = arith.cmpi ne, %convert_element_type3A_250, %cond3A_251 : i32
      scf.if %cond3A_252 {
        %add3A_265 = arith.constant 1 : i32
        %add3A_266 = arith.addi %add3A_229, %add3A_265 : i32
        %dma_start3A_267 = arith.constant 0 : i32
        %dma_start3A_268 = arith.constant 0 : i32
        %dma_start3A_269 = tpu.memref_slice %arg4[%add3A, %dma_start3A_267, %add3A_266, %dma_start3A_268] : memref<32x4x88x128xf32, #tpu.memory_space<hbm>> -> memref<1x1x1x128xf32, #tpu.memory_space<hbm>>
        %dma_start3A_270 = tpu.memref_squeeze %dma_start3A_269 : memref<1x1x1x128xf32, #tpu.memory_space<hbm>> -> memref<128xf32, #tpu.memory_space<hbm>>
        %dma_start3A_271 = arith.constant 0 : i32
        %dma_start3A_272 = tpu.memref_slice %arg4[%add3A, %dma_start3A_267, %add3A_266, %dma_start3A_271] : memref<32x4x88x128xf32, #tpu.memory_space<hbm>> -> memref<1x1x1x128xf32, #tpu.memory_space<hbm>>
        %dma_start3A_273 = tpu.memref_squeeze %dma_start3A_272 : memref<1x1x1x128xf32, #tpu.memory_space<hbm>> -> memref<128xf32, #tpu.memory_space<hbm>>
        tpu.enqueue_dma source(%dma_start3A_273 : memref<128xf32, #tpu.memory_space<hbm>>) target(%arg10 : memref<128xf32, #tpu.memory_space<vmem>>) target_semaphore(%arg17 : memref<!tpu.dma_semaphore, #tpu.memory_space<semaphore_mem>>)
        %dma_start3A_274 = arith.constant 0 : i32
        %dma_start3A_275 = tpu.memref_slice %arg8[%add3A_266, %dma_start3A_274] : memref<88x128xi32, #tpu.memory_space<vmem>> -> memref<1x128xi32, #tpu.memory_space<vmem>>
        %dma_start3A_276 = tpu.memref_squeeze %dma_start3A_275 : memref<1x128xi32, #tpu.memory_space<vmem>> -> memref<128xi32, #tpu.memory_space<vmem>>
        %dma_start3A_277 = arith.constant 0 : i32
        %dma_start3A_278 = arith.constant 0 : i32
        %dma_start3A_279 = tpu.memref_slice %arg5[%dma_start3A_277, %dma_start3A_278] : memref<80000x64xbf16, #tpu.memory_space<hbm>> -> memref<80000x64xbf16, #tpu.memory_space<hbm>>
        tpu.enqueue_indirect_dma source(%dma_start3A_279 : memref<80000x64xbf16, #tpu.memory_space<hbm>>) target(%arg12 : memref<128x64xbf16, #tpu.memory_space<vmem>>) offsets(%dma_start3A_276 : memref<128xi32, #tpu.memory_space<vmem>>) semaphore(%arg17 : memref<!tpu.dma_semaphore, #tpu.memory_space<semaphore_mem>>)
      } else {
      }
      %scan3A_253 = arith.constant 0 : i32
      %scan3A_254 = arith.constant 0 : i32
      %scan3A_255 = arith.constant 128 : i32
      %scan3A_256 = arith.addi %scan3A_254, %scan3A_255 : i32
      %scan3A_257 = arith.constant 1 : i32
      scf.for %scan3A_265 = %scan3A_254 to %scan3A_256 step %scan3A_257  : i32 {
        %broadcast_in_dim3A = vector.broadcast %scan3A_265 : i32 to vector<16xi32>
        %gather3A = tpu.vector_load_idx %arg11[%broadcast_in_dim3A] : memref<128xf32, #tpu.memory_space<vmem>>[vector<16xi32>], vector<16xf32>,
        %get3A = arith.index_cast %scan3A_265 : i32 to index
        %get3A_266 = arith.constant 0 : index
        %get3A_267 = tpu.vector_load %arg13[%get3A, %get3A_266] {strides = array<i32>} : memref<128x64xbf16, #tpu.memory_space<vmem>>, vector<32xbf16>,
        %unpack3A = tpu.unpack_subelements %get3A_267, 0 {pack_format = #tpu.pack_format<interleaved>} : vector<32xbf16> -> vector<16xf32>
        %unpack3A_268 = tpu.unpack_subelements %get3A_267, 1 {pack_format = #tpu.pack_format<interleaved>} : vector<32xbf16> -> vector<16xf32>
        %mul3A_269 = arith.mulf %unpack3A, %gather3A : vector<16xf32>
        %swap3A = arith.index_cast %scan3A_265 : i32 to index
        %swap3A_270 = arith.constant 0 : index
        %swap3A_271 = tpu.vector_load %arg15[%swap3A, %swap3A_270] {strides = array<i32>} : memref<128x64xf32, #tpu.memory_space<vmem>>, vector<16xf32>,
        tpu.vector_store %arg15[%swap3A, %swap3A_270], %mul3A_269 {strides = array<i32>} : memref<128x64xf32, #tpu.memory_space<vmem>>, vector<16xf32>,
        %mul3A_272 = arith.mulf %unpack3A_268, %gather3A : vector<16xf32>
        %swap3A_273 = arith.index_cast %scan3A_265 : i32 to index
        %swap3A_274 = arith.constant 16 : index
        %swap3A_275 = tpu.vector_load %arg15[%swap3A_273, %swap3A_274] {strides = array<i32>} : memref<128x64xf32, #tpu.memory_space<vmem>>, vector<16xf32>,
        tpu.vector_store %arg15[%swap3A_273, %swap3A_274], %mul3A_272 {strides = array<i32>} : memref<128x64xf32, #tpu.memory_space<vmem>>, vector<16xf32>,
        %get3A_276 = arith.index_cast %scan3A_265 : i32 to index
        %get3A_277 = arith.constant 32 : index
        %get3A_278 = tpu.vector_load %arg13[%get3A_276, %get3A_277] {strides = array<i32>} : memref<128x64xbf16, #tpu.memory_space<vmem>>, vector<32xbf16>,
        %unpack3A_279 = tpu.unpack_subelements %get3A_278, 0 {pack_format = #tpu.pack_format<interleaved>} : vector<32xbf16> -> vector<16xf32>
        %unpack3A_280 = tpu.unpack_subelements %get3A_278, 1 {pack_format = #tpu.pack_format<interleaved>} : vector<32xbf16> -> vector<16xf32>
        %mul3A_281 = arith.mulf %unpack3A_279, %gather3A : vector<16xf32>
        %swap3A_282 = arith.index_cast %scan3A_265 : i32 to index
        %swap3A_283 = arith.constant 32 : index
        %swap3A_284 = tpu.vector_load %arg15[%swap3A_282, %swap3A_283] {strides = array<i32>} : memref<128x64xf32, #tpu.memory_space<vmem>>, vector<16xf32>,
        tpu.vector_store %arg15[%swap3A_282, %swap3A_283], %mul3A_281 {strides = array<i32>} : memref<128x64xf32, #tpu.memory_space<vmem>>, vector<16xf32>,
        %mul3A_285 = arith.mulf %unpack3A_280, %gather3A : vector<16xf32>
        %swap3A_286 = arith.index_cast %scan3A_265 : i32 to index
        %swap3A_287 = arith.constant 48 : index
        %swap3A_288 = tpu.vector_load %arg15[%swap3A_286, %swap3A_287] {strides = array<i32>} : memref<128x64xf32, #tpu.memory_space<vmem>>, vector<16xf32>,
        tpu.vector_store %arg15[%swap3A_286, %swap3A_287], %mul3A_285 {strides = array<i32>} : memref<128x64xf32, #tpu.memory_space<vmem>>, vector<16xf32>,
      }
      %scan3A_258 = arith.constant 128 : i32
      %dma_start3A_259 = arith.constant 0 : i32
      %dma_start3A_260 = tpu.memref_slice %arg9[%add3A_229, %dma_start3A_259] : memref<88x128xi32, #tpu.memory_space<vmem>> -> memref<1x128xi32, #tpu.memory_space<vmem>>
      %dma_start3A_261 = tpu.memref_squeeze %dma_start3A_260 : memref<1x128xi32, #tpu.memory_space<vmem>> -> memref<128xi32, #tpu.memory_space<vmem>>
      %dma_start3A_262 = arith.constant 0 : i32
      %dma_start3A_263 = arith.constant 0 : i32
      %dma_start3A_264 = tpu.memref_slice %arg16[%dma_start3A_262, %dma_start3A_263] : memref<20480x64xf32, #tpu.memory_space<vmem_shared>> -> memref<20480x64xf32, #tpu.memory_space<vmem_shared>>
      tpu.enqueue_indirect_dma source(%arg15 : memref<128x64xf32, #tpu.memory_space<vmem>>) target(%dma_start3A_264 : memref<20480x64xf32, #tpu.memory_space<vmem_shared>>) offsets(%dma_start3A_261 : memref<128xi32, #tpu.memory_space<vmem>>) semaphore(%arg18 : memref<!tpu.dma_semaphore, #tpu.memory_space<semaphore_mem>>) {add = true}
    }
    %scan3A_29 = arith.constant 44 : i32
    %dma_wait3A = arith.constant 87 : i32
    %dma_wait3A_30 = arith.constant 0 : i32
    %dma_wait3A_31 = tpu.memref_slice %arg9[%dma_wait3A, %dma_wait3A_30] : memref<88x128xi32, #tpu.memory_space<vmem>> -> memref<1x128xi32, #tpu.memory_space<vmem>>
    %dma_wait3A_32 = tpu.memref_squeeze %dma_wait3A_31 : memref<1x128xi32, #tpu.memory_space<vmem>> -> memref<128xi32, #tpu.memory_space<vmem>>
    %dma_wait3A_33 = arith.constant 0 : i32
    %dma_wait3A_34 = arith.constant 0 : i32
    %dma_wait3A_35 = tpu.memref_slice %arg16[%dma_wait3A_33, %dma_wait3A_34] : memref<20480x64xf32, #tpu.memory_space<vmem_shared>> -> memref<20480x64xf32, #tpu.memory_space<vmem_shared>>
    tpu.wait_indirect_dma semaphore(%arg18 : memref<!tpu.dma_semaphore, #tpu.memory_space<semaphore_mem>>) src(%arg15 : memref<128x64xf32, #tpu.memory_space<vmem>>) dst(%dma_wait3A_35 : memref<20480x64xf32, #tpu.memory_space<vmem_shared>>)
    %barrier3A_36 = arith.constant 0 : index
    tpu.barrier barrier_id(%barrier3A_36)
    %mul3A_37 = arith.constant 1280 : i32
    %mul3A_38 = arith.muli %arg1, %mul3A_37 : i32
    %mul3A_39 = arith.constant 4 : i32
    %mul3A_40 = arith.muli %arg0, %mul3A_39 : i32
    %add3A_41 = arith.constant 0 : i32
    %add3A_42 = arith.addi %mul3A_40, %add3A_41 : i32
    %mul3A_43 = arith.constant 1280 : i32
    %mul3A_44 = arith.muli %arg1, %mul3A_43 : i32
    "tpu.region"() ({
      %run_scoped3A_190 = tpu.sem_alloc : memref<!tpu.dma_semaphore, #tpu.memory_space<semaphore_mem>>
      %dma_start3A_191 = arith.constant 0 : i32
      %dma_start3A_192 = tpu.memref_slice %arg7[%add3A_42, %mul3A_44, %dma_start3A_191] : memref<8x20480x64xf32, #tpu.memory_space<hbm>> -> memref<1x1280x64xf32, #tpu.memory_space<hbm>>
      %dma_start3A_193 = tpu.memref_squeeze %dma_start3A_192 : memref<1x1280x64xf32, #tpu.memory_space<hbm>> -> memref<1280x64xf32, #tpu.memory_space<hbm>>
      %dma_start3A_194 = arith.constant 0 : i32
      %dma_start3A_195 = tpu.memref_slice %arg16[%mul3A_38, %dma_start3A_194] : memref<20480x64xf32, #tpu.memory_space<vmem_shared>> -> memref<1280x64xf32, #tpu.memory_space<vmem_shared>>
      tpu.enqueue_dma source(%dma_start3A_195 : memref<1280x64xf32, #tpu.memory_space<vmem_shared>>) target(%dma_start3A_193 : memref<1280x64xf32, #tpu.memory_space<hbm>>) target_semaphore(%run_scoped3A_190 : memref<!tpu.dma_semaphore, #tpu.memory_space<semaphore_mem>>)
      %dma_wait3A_196 = arith.constant 0 : i32
      %dma_wait3A_197 = tpu.memref_slice %arg7[%add3A_42, %mul3A_44, %dma_wait3A_196] : memref<8x20480x64xf32, #tpu.memory_space<hbm>> -> memref<1x1280x64xf32, #tpu.memory_space<hbm>>
      %dma_wait3A_198 = tpu.memref_squeeze %dma_wait3A_197 : memref<1x1280x64xf32, #tpu.memory_space<hbm>> -> memref<1280x64xf32, #tpu.memory_space<hbm>>
      %dma_wait3A_199 = arith.constant 0 : i32
      %dma_wait3A_200 = tpu.memref_slice %arg16[%mul3A_38, %dma_wait3A_199] : memref<20480x64xf32, #tpu.memory_space<vmem_shared>> -> memref<1280x64xf32, #tpu.memory_space<vmem_shared>>
      tpu.wait_dma2 semaphore(%run_scoped3A_190 : memref<!tpu.dma_semaphore, #tpu.memory_space<semaphore_mem>>) src(%dma_wait3A_200 : memref<1280x64xf32, #tpu.memory_space<vmem_shared>>) dst(%dma_wait3A_198 : memref<1280x64xf32, #tpu.memory_space<hbm>>)
      tpu.yield
    }) : () -> ()
    %barrier3A_45 = arith.constant 0 : index
    tpu.barrier barrier_id(%barrier3A_45)
    %mul3A_46 = arith.constant 88 : i32
    %mul3A_47 = arith.muli %add3A, %mul3A_46 : i32
    %run_scoped3A_48 = arith.constant 1 : i32
    "tpu.region"() ({
      %run_scoped3A_190 = tpu.sem_alloc : memref<!tpu.dma_semaphore, #tpu.memory_space<semaphore_mem>>
      %dma_start3A_191 = arith.constant 0 : i32
      %dma_start3A_192 = tpu.memref_slice %arg2[%run_scoped3A_48, %mul3A_47, %dma_start3A_191] : memref<4x2816x128xi32, #tpu.memory_space<hbm>> -> memref<1x88x128xi32, #tpu.memory_space<hbm>>
      %dma_start3A_193 = tpu.memref_squeeze %dma_start3A_192 : memref<1x88x128xi32, #tpu.memory_space<hbm>> -> memref<88x128xi32, #tpu.memory_space<hbm>>
      %dma_start3A_194 = arith.constant 0 : i32
      %dma_start3A_195 = tpu.memref_slice %arg2[%run_scoped3A_48, %mul3A_47, %dma_start3A_194] : memref<4x2816x128xi32, #tpu.memory_space<hbm>> -> memref<1x88x128xi32, #tpu.memory_space<hbm>>
      %dma_start3A_196 = tpu.memref_squeeze %dma_start3A_195 : memref<1x88x128xi32, #tpu.memory_space<hbm>> -> memref<88x128xi32, #tpu.memory_space<hbm>>
      tpu.enqueue_dma source(%dma_start3A_196 : memref<88x128xi32, #tpu.memory_space<hbm>>) target(%arg8 : memref<88x128xi32, #tpu.memory_space<vmem>>) target_semaphore(%run_scoped3A_190 : memref<!tpu.dma_semaphore, #tpu.memory_space<semaphore_mem>>)
      %dma_wait3A_197 = arith.constant 0 : i32
      %dma_wait3A_198 = tpu.memref_slice %arg2[%run_scoped3A_48, %mul3A_47, %dma_wait3A_197] : memref<4x2816x128xi32, #tpu.memory_space<hbm>> -> memref<1x88x128xi32, #tpu.memory_space<hbm>>
      %dma_wait3A_199 = tpu.memref_squeeze %dma_wait3A_198 : memref<1x88x128xi32, #tpu.memory_space<hbm>> -> memref<88x128xi32, #tpu.memory_space<hbm>>
      %dma_wait3A_200 = arith.constant 0 : i32
      %dma_wait3A_201 = tpu.memref_slice %arg2[%run_scoped3A_48, %mul3A_47, %dma_wait3A_200] : memref<4x2816x128xi32, #tpu.memory_space<hbm>> -> memref<1x88x128xi32, #tpu.memory_space<hbm>>
      %dma_wait3A_202 = tpu.memref_squeeze %dma_wait3A_201 : memref<1x88x128xi32, #tpu.memory_space<hbm>> -> memref<88x128xi32, #tpu.memory_space<hbm>>
      tpu.wait_dma2 semaphore(%run_scoped3A_190 : memref<!tpu.dma_semaphore, #tpu.memory_space<semaphore_mem>>) src(%dma_wait3A_202 : memref<88x128xi32, #tpu.memory_space<hbm>>) dst(%arg8 : memref<88x128xi32, #tpu.memory_space<vmem>>)
      tpu.yield
    }) : () -> ()
    %scan3A_49 = arith.constant 0 : i32
    %scan3A_50 = arith.constant 0 : i32
    %scan3A_51 = arith.constant 10 : i32
    %scan3A_52 = arith.addi %scan3A_50, %scan3A_51 : i32
    %scan3A_53 = arith.constant 1 : i32
    scf.for %scan3A_190 = %scan3A_50 to %scan3A_52 step %scan3A_53  : i32 {
      %mul3A_191 = arith.constant 128 : i32
      %mul3A_192 = arith.muli %scan3A_190, %mul3A_191 : i32
      %mul3A_193 = arith.constant 1280 : i32
      %mul3A_194 = arith.muli %arg1, %mul3A_193 : i32
      %mul3A_195 = arith.constant 128 : i32
      %mul3A_196 = arith.muli %scan3A_190, %mul3A_195 : i32
      %add3A_197 = arith.addi %mul3A_194, %mul3A_196 : i32
      "tpu.region"() ({
        %run_scoped3A_198 = tpu.sem_alloc : memref<!tpu.dma_semaphore, #tpu.memory_space<semaphore_mem>>
        %dma_start3A_199 = arith.constant 0 : i32
        %dma_start3A_200 = tpu.memref_slice %arg16[%add3A_197, %dma_start3A_199] : memref<20480x64xf32, #tpu.memory_space<vmem_shared>> -> memref<128x64xf32, #tpu.memory_space<vmem_shared>>
        %dma_start3A_201 = arith.constant 0 : i32
        %dma_start3A_202 = tpu.memref_slice %arg6[%mul3A_192, %dma_start3A_201] : memref<1280x64xf32, #tpu.memory_space<hbm>> -> memref<128x64xf32, #tpu.memory_space<hbm>>
        tpu.enqueue_dma source(%dma_start3A_202 : memref<128x64xf32, #tpu.memory_space<hbm>>) target(%dma_start3A_200 : memref<128x64xf32, #tpu.memory_space<vmem_shared>>) target_semaphore(%run_scoped3A_198 : memref<!tpu.dma_semaphore, #tpu.memory_space<semaphore_mem>>)
        %dma_wait3A_203 = arith.constant 0 : i32
        %dma_wait3A_204 = tpu.memref_slice %arg16[%add3A_197, %dma_wait3A_203] : memref<20480x64xf32, #tpu.memory_space<vmem_shared>> -> memref<128x64xf32, #tpu.memory_space<vmem_shared>>
        %dma_wait3A_205 = arith.constant 0 : i32
        %dma_wait3A_206 = tpu.memref_slice %arg6[%mul3A_192, %dma_wait3A_205] : memref<1280x64xf32, #tpu.memory_space<hbm>> -> memref<128x64xf32, #tpu.memory_space<hbm>>
        tpu.wait_dma2 semaphore(%run_scoped3A_198 : memref<!tpu.dma_semaphore, #tpu.memory_space<semaphore_mem>>) src(%dma_wait3A_206 : memref<128x64xf32, #tpu.memory_space<hbm>>) dst(%dma_wait3A_204 : memref<128x64xf32, #tpu.memory_space<vmem_shared>>)
        tpu.yield
      }) : () -> ()
    }
    %scan3A_54 = arith.constant 10 : i32
    %barrier3A_55 = arith.constant 0 : index
    tpu.barrier barrier_id(%barrier3A_55)
    %dma_start3A_56 = arith.constant 1 : i32
    %dma_start3A_57 = arith.constant 0 : i32
    %dma_start3A_58 = arith.constant 0 : i32
    %dma_start3A_59 = tpu.memref_slice %arg4[%add3A, %dma_start3A_56, %dma_start3A_57, %dma_start3A_58] : memref<32x4x88x128xf32, #tpu.memory_space<hbm>> -> memref<1x1x1x128xf32, #tpu.memory_space<hbm>>
    %dma_start3A_60 = tpu.memref_squeeze %dma_start3A_59 : memref<1x1x1x128xf32, #tpu.memory_space<hbm>> -> memref<128xf32, #tpu.memory_space<hbm>>
    %dma_start3A_61 = arith.constant 0 : i32
    %dma_start3A_62 = tpu.memref_slice %arg4[%add3A, %dma_start3A_56, %dma_start3A_57, %dma_start3A_61] : memref<32x4x88x128xf32, #tpu.memory_space<hbm>> -> memref<1x1x1x128xf32, #tpu.memory_space<hbm>>
    %dma_start3A_63 = tpu.memref_squeeze %dma_start3A_62 : memref<1x1x1x128xf32, #tpu.memory_space<hbm>> -> memref<128xf32, #tpu.memory_space<hbm>>
    tpu.enqueue_dma source(%dma_start3A_63 : memref<128xf32, #tpu.memory_space<hbm>>) target(%arg10 : memref<128xf32, #tpu.memory_space<vmem>>) target_semaphore(%arg17 : memref<!tpu.dma_semaphore, #tpu.memory_space<semaphore_mem>>)
    %dma_start3A_64 = arith.constant 0 : i32
    %dma_start3A_65 = arith.constant 0 : i32
    %dma_start3A_66 = tpu.memref_slice %arg8[%dma_start3A_64, %dma_start3A_65] : memref<88x128xi32, #tpu.memory_space<vmem>> -> memref<1x128xi32, #tpu.memory_space<vmem>>
    %dma_start3A_67 = tpu.memref_squeeze %dma_start3A_66 : memref<1x128xi32, #tpu.memory_space<vmem>> -> memref<128xi32, #tpu.memory_space<vmem>>
    %dma_start3A_68 = arith.constant 0 : i32
    %dma_start3A_69 = arith.constant 0 : i32
    %dma_start3A_70 = tpu.memref_slice %arg5[%dma_start3A_68, %dma_start3A_69] : memref<80000x64xbf16, #tpu.memory_space<hbm>> -> memref<80000x64xbf16, #tpu.memory_space<hbm>>
    tpu.enqueue_indirect_dma source(%dma_start3A_70 : memref<80000x64xbf16, #tpu.memory_space<hbm>>) target(%arg12 : memref<128x64xbf16, #tpu.memory_space<vmem>>) offsets(%dma_start3A_67 : memref<128xi32, #tpu.memory_space<vmem>>) semaphore(%arg17 : memref<!tpu.dma_semaphore, #tpu.memory_space<semaphore_mem>>)
    %scan3A_71 = arith.constant 0 : i32
    %scan3A_72 = arith.constant 0 : i32
    %scan3A_73 = arith.constant 44 : i32
    %scan3A_74 = arith.addi %scan3A_72, %scan3A_73 : i32
    %scan3A_75 = arith.constant 1 : i32
    scf.for %scan3A_190 = %scan3A_72 to %scan3A_74 step %scan3A_75  : i32 {
      %mul3A_191 = arith.constant 2 : i32
      %mul3A_192 = arith.muli %mul3A_191, %scan3A_190 : i32
      %add3A_193 = arith.constant 0 : i32
      %add3A_194 = arith.addi %mul3A_192, %add3A_193 : i32
      %dma_wait3A_195 = arith.constant 1 : i32
      %dma_wait3A_196 = arith.constant 0 : i32
      %dma_wait3A_197 = tpu.memref_slice %arg4[%add3A, %dma_wait3A_195, %add3A_194, %dma_wait3A_196] : memref<32x4x88x128xf32, #tpu.memory_space<hbm>> -> memref<1x1x1x128xf32, #tpu.memory_space<hbm>>
      %dma_wait3A_198 = tpu.memref_squeeze %dma_wait3A_197 : memref<1x1x1x128xf32, #tpu.memory_space<hbm>> -> memref<128xf32, #tpu.memory_space<hbm>>
      %dma_wait3A_199 = arith.constant 0 : i32
      %dma_wait3A_200 = tpu.memref_slice %arg4[%add3A, %dma_wait3A_195, %add3A_194, %dma_wait3A_199] : memref<32x4x88x128xf32, #tpu.memory_space<hbm>> -> memref<1x1x1x128xf32, #tpu.memory_space<hbm>>
      %dma_wait3A_201 = tpu.memref_squeeze %dma_wait3A_200 : memref<1x1x1x128xf32, #tpu.memory_space<hbm>> -> memref<128xf32, #tpu.memory_space<hbm>>
      tpu.wait_dma2 semaphore(%arg17 : memref<!tpu.dma_semaphore, #tpu.memory_space<semaphore_mem>>) src(%dma_wait3A_201 : memref<128xf32, #tpu.memory_space<hbm>>) dst(%arg10 : memref<128xf32, #tpu.memory_space<vmem>>)
      %dma_wait3A_202 = arith.constant 0 : i32
      %dma_wait3A_203 = tpu.memref_slice %arg8[%add3A_194, %dma_wait3A_202] : memref<88x128xi32, #tpu.memory_space<vmem>> -> memref<1x128xi32, #tpu.memory_space<vmem>>
      %dma_wait3A_204 = tpu.memref_squeeze %dma_wait3A_203 : memref<1x128xi32, #tpu.memory_space<vmem>> -> memref<128xi32, #tpu.memory_space<vmem>>
      %dma_wait3A_205 = arith.constant 0 : i32
      %dma_wait3A_206 = arith.constant 0 : i32
      %dma_wait3A_207 = tpu.memref_slice %arg5[%dma_wait3A_205, %dma_wait3A_206] : memref<80000x64xbf16, #tpu.memory_space<hbm>> -> memref<80000x64xbf16, #tpu.memory_space<hbm>>
      tpu.wait_indirect_dma semaphore(%arg17 : memref<!tpu.dma_semaphore, #tpu.memory_space<semaphore_mem>>) src(%dma_wait3A_207 : memref<80000x64xbf16, #tpu.memory_space<hbm>>) dst(%arg12 : memref<128x64xbf16, #tpu.memory_space<vmem>>)
      %gt3A = arith.constant 0 : i32
      %gt3A_208 = arith.cmpi sgt, %add3A_194, %gt3A : i32
      %convert_element_type3A = arith.extui %gt3A_208 : i1 to i32
      %cond3A = arith.constant 0 : i32
      %cond3A_209 = arith.cmpi ne, %convert_element_type3A, %cond3A : i32
      scf.if %cond3A_209 {
        %sub3A = arith.constant 1 : i32
        %sub3A_265 = arith.subi %add3A_194, %sub3A : i32
        %dma_wait3A_266 = arith.constant 0 : i32
        %dma_wait3A_267 = tpu.memref_slice %arg9[%sub3A_265, %dma_wait3A_266] : memref<88x128xi32, #tpu.memory_space<vmem>> -> memref<1x128xi32, #tpu.memory_space<vmem>>
        %dma_wait3A_268 = tpu.memref_squeeze %dma_wait3A_267 : memref<1x128xi32, #tpu.memory_space<vmem>> -> memref<128xi32, #tpu.memory_space<vmem>>
        %dma_wait3A_269 = arith.constant 0 : i32
        %dma_wait3A_270 = arith.constant 0 : i32
        %dma_wait3A_271 = tpu.memref_slice %arg16[%dma_wait3A_269, %dma_wait3A_270] : memref<20480x64xf32, #tpu.memory_space<vmem_shared>> -> memref<20480x64xf32, #tpu.memory_space<vmem_shared>>
        tpu.wait_indirect_dma semaphore(%arg18 : memref<!tpu.dma_semaphore, #tpu.memory_space<semaphore_mem>>) src(%arg15 : memref<128x64xf32, #tpu.memory_space<vmem>>) dst(%dma_wait3A_271 : memref<20480x64xf32, #tpu.memory_space<vmem_shared>>)
      } else {
      }
      %lt3A = arith.constant 87 : i32
      %lt3A_210 = arith.cmpi slt, %add3A_194, %lt3A : i32
      %convert_element_type3A_211 = arith.extui %lt3A_210 : i1 to i32
      %cond3A_212 = arith.constant 0 : i32
      %cond3A_213 = arith.cmpi ne, %convert_element_type3A_211, %cond3A_212 : i32
      scf.if %cond3A_213 {
        %add3A_265 = arith.constant 1 : i32
        %add3A_266 = arith.addi %add3A_194, %add3A_265 : i32
        %dma_start3A_267 = arith.constant 1 : i32
        %dma_start3A_268 = arith.constant 0 : i32
        %dma_start3A_269 = tpu.memref_slice %arg4[%add3A, %dma_start3A_267, %add3A_266, %dma_start3A_268] : memref<32x4x88x128xf32, #tpu.memory_space<hbm>> -> memref<1x1x1x128xf32, #tpu.memory_space<hbm>>
        %dma_start3A_270 = tpu.memref_squeeze %dma_start3A_269 : memref<1x1x1x128xf32, #tpu.memory_space<hbm>> -> memref<128xf32, #tpu.memory_space<hbm>>
        %dma_start3A_271 = arith.constant 0 : i32
        %dma_start3A_272 = tpu.memref_slice %arg4[%add3A, %dma_start3A_267, %add3A_266, %dma_start3A_271] : memref<32x4x88x128xf32, #tpu.memory_space<hbm>> -> memref<1x1x1x128xf32, #tpu.memory_space<hbm>>
        %dma_start3A_273 = tpu.memref_squeeze %dma_start3A_272 : memref<1x1x1x128xf32, #tpu.memory_space<hbm>> -> memref<128xf32, #tpu.memory_space<hbm>>
        tpu.enqueue_dma source(%dma_start3A_273 : memref<128xf32, #tpu.memory_space<hbm>>) target(%arg11 : memref<128xf32, #tpu.memory_space<vmem>>) target_semaphore(%arg17 : memref<!tpu.dma_semaphore, #tpu.memory_space<semaphore_mem>>)
        %dma_start3A_274 = arith.constant 0 : i32
        %dma_start3A_275 = tpu.memref_slice %arg8[%add3A_266, %dma_start3A_274] : memref<88x128xi32, #tpu.memory_space<vmem>> -> memref<1x128xi32, #tpu.memory_space<vmem>>
        %dma_start3A_276 = tpu.memref_squeeze %dma_start3A_275 : memref<1x128xi32, #tpu.memory_space<vmem>> -> memref<128xi32, #tpu.memory_space<vmem>>
        %dma_start3A_277 = arith.constant 0 : i32
        %dma_start3A_278 = arith.constant 0 : i32
        %dma_start3A_279 = tpu.memref_slice %arg5[%dma_start3A_277, %dma_start3A_278] : memref<80000x64xbf16, #tpu.memory_space<hbm>> -> memref<80000x64xbf16, #tpu.memory_space<hbm>>
        tpu.enqueue_indirect_dma source(%dma_start3A_279 : memref<80000x64xbf16, #tpu.memory_space<hbm>>) target(%arg13 : memref<128x64xbf16, #tpu.memory_space<vmem>>) offsets(%dma_start3A_276 : memref<128xi32, #tpu.memory_space<vmem>>) semaphore(%arg17 : memref<!tpu.dma_semaphore, #tpu.memory_space<semaphore_mem>>)
      } else {
      }
      %scan3A_214 = arith.constant 0 : i32
      %scan3A_215 = arith.constant 0 : i32
      %scan3A_216 = arith.constant 128 : i32
      %scan3A_217 = arith.addi %scan3A_215, %scan3A_216 : i32
      %scan3A_218 = arith.constant 1 : i32
      scf.for %scan3A_265 = %scan3A_215 to %scan3A_217 step %scan3A_218  : i32 {
        %broadcast_in_dim3A = vector.broadcast %scan3A_265 : i32 to vector<16xi32>
        %gather3A = tpu.vector_load_idx %arg10[%broadcast_in_dim3A] : memref<128xf32, #tpu.memory_space<vmem>>[vector<16xi32>], vector<16xf32>,
        %get3A = arith.index_cast %scan3A_265 : i32 to index
        %get3A_266 = arith.constant 0 : index
        %get3A_267 = tpu.vector_load %arg12[%get3A, %get3A_266] {strides = array<i32>} : memref<128x64xbf16, #tpu.memory_space<vmem>>, vector<32xbf16>,
        %unpack3A = tpu.unpack_subelements %get3A_267, 0 {pack_format = #tpu.pack_format<interleaved>} : vector<32xbf16> -> vector<16xf32>
        %unpack3A_268 = tpu.unpack_subelements %get3A_267, 1 {pack_format = #tpu.pack_format<interleaved>} : vector<32xbf16> -> vector<16xf32>
        %mul3A_269 = arith.mulf %unpack3A, %gather3A : vector<16xf32>
        %swap3A = arith.index_cast %scan3A_265 : i32 to index
        %swap3A_270 = arith.constant 0 : index
        %swap3A_271 = tpu.vector_load %arg14[%swap3A, %swap3A_270] {strides = array<i32>} : memref<128x64xf32, #tpu.memory_space<vmem>>, vector<16xf32>,
        tpu.vector_store %arg14[%swap3A, %swap3A_270], %mul3A_269 {strides = array<i32>} : memref<128x64xf32, #tpu.memory_space<vmem>>, vector<16xf32>,
        %mul3A_272 = arith.mulf %unpack3A_268, %gather3A : vector<16xf32>
        %swap3A_273 = arith.index_cast %scan3A_265 : i32 to index
        %swap3A_274 = arith.constant 16 : index
        %swap3A_275 = tpu.vector_load %arg14[%swap3A_273, %swap3A_274] {strides = array<i32>} : memref<128x64xf32, #tpu.memory_space<vmem>>, vector<16xf32>,
        tpu.vector_store %arg14[%swap3A_273, %swap3A_274], %mul3A_272 {strides = array<i32>} : memref<128x64xf32, #tpu.memory_space<vmem>>, vector<16xf32>,
        %get3A_276 = arith.index_cast %scan3A_265 : i32 to index
        %get3A_277 = arith.constant 32 : index
        %get3A_278 = tpu.vector_load %arg12[%get3A_276, %get3A_277] {strides = array<i32>} : memref<128x64xbf16, #tpu.memory_space<vmem>>, vector<32xbf16>,
        %unpack3A_279 = tpu.unpack_subelements %get3A_278, 0 {pack_format = #tpu.pack_format<interleaved>} : vector<32xbf16> -> vector<16xf32>
        %unpack3A_280 = tpu.unpack_subelements %get3A_278, 1 {pack_format = #tpu.pack_format<interleaved>} : vector<32xbf16> -> vector<16xf32>
        %mul3A_281 = arith.mulf %unpack3A_279, %gather3A : vector<16xf32>
        %swap3A_282 = arith.index_cast %scan3A_265 : i32 to index
        %swap3A_283 = arith.constant 32 : index
        %swap3A_284 = tpu.vector_load %arg14[%swap3A_282, %swap3A_283] {strides = array<i32>} : memref<128x64xf32, #tpu.memory_space<vmem>>, vector<16xf32>,
        tpu.vector_store %arg14[%swap3A_282, %swap3A_283], %mul3A_281 {strides = array<i32>} : memref<128x64xf32, #tpu.memory_space<vmem>>, vector<16xf32>,
        %mul3A_285 = arith.mulf %unpack3A_280, %gather3A : vector<16xf32>
        %swap3A_286 = arith.index_cast %scan3A_265 : i32 to index
        %swap3A_287 = arith.constant 48 : index
        %swap3A_288 = tpu.vector_load %arg14[%swap3A_286, %swap3A_287] {strides = array<i32>} : memref<128x64xf32, #tpu.memory_space<vmem>>, vector<16xf32>,
        tpu.vector_store %arg14[%swap3A_286, %swap3A_287], %mul3A_285 {strides = array<i32>} : memref<128x64xf32, #tpu.memory_space<vmem>>, vector<16xf32>,
      }
      %scan3A_219 = arith.constant 128 : i32
      %dma_start3A_220 = arith.constant 0 : i32
      %dma_start3A_221 = tpu.memref_slice %arg9[%add3A_194, %dma_start3A_220] : memref<88x128xi32, #tpu.memory_space<vmem>> -> memref<1x128xi32, #tpu.memory_space<vmem>>
      %dma_start3A_222 = tpu.memref_squeeze %dma_start3A_221 : memref<1x128xi32, #tpu.memory_space<vmem>> -> memref<128xi32, #tpu.memory_space<vmem>>
      %dma_start3A_223 = arith.constant 0 : i32
      %dma_start3A_224 = arith.constant 0 : i32
      %dma_start3A_225 = tpu.memref_slice %arg16[%dma_start3A_223, %dma_start3A_224] : memref<20480x64xf32, #tpu.memory_space<vmem_shared>> -> memref<20480x64xf32, #tpu.memory_space<vmem_shared>>
      tpu.enqueue_indirect_dma source(%arg14 : memref<128x64xf32, #tpu.memory_space<vmem>>) target(%dma_start3A_225 : memref<20480x64xf32, #tpu.memory_space<vmem_shared>>) offsets(%dma_start3A_222 : memref<128xi32, #tpu.memory_space<vmem>>) semaphore(%arg18 : memref<!tpu.dma_semaphore, #tpu.memory_space<semaphore_mem>>) {add = true}
      %mul3A_226 = arith.constant 2 : i32
      %mul3A_227 = arith.muli %mul3A_226, %scan3A_190 : i32
      %add3A_228 = arith.constant 1 : i32
      %add3A_229 = arith.addi %mul3A_227, %add3A_228 : i32
      %dma_wait3A_230 = arith.constant 1 : i32
      %dma_wait3A_231 = arith.constant 0 : i32
      %dma_wait3A_232 = tpu.memref_slice %arg4[%add3A, %dma_wait3A_230, %add3A_229, %dma_wait3A_231] : memref<32x4x88x128xf32, #tpu.memory_space<hbm>> -> memref<1x1x1x128xf32, #tpu.memory_space<hbm>>
      %dma_wait3A_233 = tpu.memref_squeeze %dma_wait3A_232 : memref<1x1x1x128xf32, #tpu.memory_space<hbm>> -> memref<128xf32, #tpu.memory_space<hbm>>
      %dma_wait3A_234 = arith.constant 0 : i32
      %dma_wait3A_235 = tpu.memref_slice %arg4[%add3A, %dma_wait3A_230, %add3A_229, %dma_wait3A_234] : memref<32x4x88x128xf32, #tpu.memory_space<hbm>> -> memref<1x1x1x128xf32, #tpu.memory_space<hbm>>
      %dma_wait3A_236 = tpu.memref_squeeze %dma_wait3A_235 : memref<1x1x1x128xf32, #tpu.memory_space<hbm>> -> memref<128xf32, #tpu.memory_space<hbm>>
      tpu.wait_dma2 semaphore(%arg17 : memref<!tpu.dma_semaphore, #tpu.memory_space<semaphore_mem>>) src(%dma_wait3A_236 : memref<128xf32, #tpu.memory_space<hbm>>) dst(%arg11 : memref<128xf32, #tpu.memory_space<vmem>>)
      %dma_wait3A_237 = arith.constant 0 : i32
      %dma_wait3A_238 = tpu.memref_slice %arg8[%add3A_229, %dma_wait3A_237] : memref<88x128xi32, #tpu.memory_space<vmem>> -> memref<1x128xi32, #tpu.memory_space<vmem>>
      %dma_wait3A_239 = tpu.memref_squeeze %dma_wait3A_238 : memref<1x128xi32, #tpu.memory_space<vmem>> -> memref<128xi32, #tpu.memory_space<vmem>>
      %dma_wait3A_240 = arith.constant 0 : i32
      %dma_wait3A_241 = arith.constant 0 : i32
      %dma_wait3A_242 = tpu.memref_slice %arg5[%dma_wait3A_240, %dma_wait3A_241] : memref<80000x64xbf16, #tpu.memory_space<hbm>> -> memref<80000x64xbf16, #tpu.memory_space<hbm>>
      tpu.wait_indirect_dma semaphore(%arg17 : memref<!tpu.dma_semaphore, #tpu.memory_space<semaphore_mem>>) src(%dma_wait3A_242 : memref<80000x64xbf16, #tpu.memory_space<hbm>>) dst(%arg13 : memref<128x64xbf16, #tpu.memory_space<vmem>>)
      %gt3A_243 = arith.constant 0 : i32
      %gt3A_244 = arith.cmpi sgt, %add3A_229, %gt3A_243 : i32
      %convert_element_type3A_245 = arith.extui %gt3A_244 : i1 to i32
      %cond3A_246 = arith.constant 0 : i32
      %cond3A_247 = arith.cmpi ne, %convert_element_type3A_245, %cond3A_246 : i32
      scf.if %cond3A_247 {
        %sub3A = arith.constant 1 : i32
        %sub3A_265 = arith.subi %add3A_229, %sub3A : i32
        %dma_wait3A_266 = arith.constant 0 : i32
        %dma_wait3A_267 = tpu.memref_slice %arg9[%sub3A_265, %dma_wait3A_266] : memref<88x128xi32, #tpu.memory_space<vmem>> -> memref<1x128xi32, #tpu.memory_space<vmem>>
        %dma_wait3A_268 = tpu.memref_squeeze %dma_wait3A_267 : memref<1x128xi32, #tpu.memory_space<vmem>> -> memref<128xi32, #tpu.memory_space<vmem>>
        %dma_wait3A_269 = arith.constant 0 : i32
        %dma_wait3A_270 = arith.constant 0 : i32
        %dma_wait3A_271 = tpu.memref_slice %arg16[%dma_wait3A_269, %dma_wait3A_270] : memref<20480x64xf32, #tpu.memory_space<vmem_shared>> -> memref<20480x64xf32, #tpu.memory_space<vmem_shared>>
        tpu.wait_indirect_dma semaphore(%arg18 : memref<!tpu.dma_semaphore, #tpu.memory_space<semaphore_mem>>) src(%arg14 : memref<128x64xf32, #tpu.memory_space<vmem>>) dst(%dma_wait3A_271 : memref<20480x64xf32, #tpu.memory_space<vmem_shared>>)
      } else {
      }
      %lt3A_248 = arith.constant 87 : i32
      %lt3A_249 = arith.cmpi slt, %add3A_229, %lt3A_248 : i32
      %convert_element_type3A_250 = arith.extui %lt3A_249 : i1 to i32
      %cond3A_251 = arith.constant 0 : i32
      %cond3A_252 = arith.cmpi ne, %convert_element_type3A_250, %cond3A_251 : i32
      scf.if %cond3A_252 {
        %add3A_265 = arith.constant 1 : i32
        %add3A_266 = arith.addi %add3A_229, %add3A_265 : i32
        %dma_start3A_267 = arith.constant 1 : i32
        %dma_start3A_268 = arith.constant 0 : i32
        %dma_start3A_269 = tpu.memref_slice %arg4[%add3A, %dma_start3A_267, %add3A_266, %dma_start3A_268] : memref<32x4x88x128xf32, #tpu.memory_space<hbm>> -> memref<1x1x1x128xf32, #tpu.memory_space<hbm>>
        %dma_start3A_270 = tpu.memref_squeeze %dma_start3A_269 : memref<1x1x1x128xf32, #tpu.memory_space<hbm>> -> memref<128xf32, #tpu.memory_space<hbm>>
        %dma_start3A_271 = arith.constant 0 : i32
        %dma_start3A_272 = tpu.memref_slice %arg4[%add3A, %dma_start3A_267, %add3A_266, %dma_start3A_271] : memref<32x4x88x128xf32, #tpu.memory_space<hbm>> -> memref<1x1x1x128xf32, #tpu.memory_space<hbm>>
        %dma_start3A_273 = tpu.memref_squeeze %dma_start3A_272 : memref<1x1x1x128xf32, #tpu.memory_space<hbm>> -> memref<128xf32, #tpu.memory_space<hbm>>
        tpu.enqueue_dma source(%dma_start3A_273 : memref<128xf32, #tpu.memory_space<hbm>>) target(%arg10 : memref<128xf32, #tpu.memory_space<vmem>>) target_semaphore(%arg17 : memref<!tpu.dma_semaphore, #tpu.memory_space<semaphore_mem>>)
        %dma_start3A_274 = arith.constant 0 : i32
        %dma_start3A_275 = tpu.memref_slice %arg8[%add3A_266, %dma_start3A_274] : memref<88x128xi32, #tpu.memory_space<vmem>> -> memref<1x128xi32, #tpu.memory_space<vmem>>
        %dma_start3A_276 = tpu.memref_squeeze %dma_start3A_275 : memref<1x128xi32, #tpu.memory_space<vmem>> -> memref<128xi32, #tpu.memory_space<vmem>>
        %dma_start3A_277 = arith.constant 0 : i32
        %dma_start3A_278 = arith.constant 0 : i32
        %dma_start3A_279 = tpu.memref_slice %arg5[%dma_start3A_277, %dma_start3A_278] : memref<80000x64xbf16, #tpu.memory_space<hbm>> -> memref<80000x64xbf16, #tpu.memory_space<hbm>>
        tpu.enqueue_indirect_dma source(%dma_start3A_279 : memref<80000x64xbf16, #tpu.memory_space<hbm>>) target(%arg12 : memref<128x64xbf16, #tpu.memory_space<vmem>>) offsets(%dma_start3A_276 : memref<128xi32, #tpu.memory_space<vmem>>) semaphore(%arg17 : memref<!tpu.dma_semaphore, #tpu.memory_space<semaphore_mem>>)
      } else {
      }
      %scan3A_253 = arith.constant 0 : i32
      %scan3A_254 = arith.constant 0 : i32
      %scan3A_255 = arith.constant 128 : i32
      %scan3A_256 = arith.addi %scan3A_254, %scan3A_255 : i32
      %scan3A_257 = arith.constant 1 : i32
      scf.for %scan3A_265 = %scan3A_254 to %scan3A_256 step %scan3A_257  : i32 {
        %broadcast_in_dim3A = vector.broadcast %scan3A_265 : i32 to vector<16xi32>
        %gather3A = tpu.vector_load_idx %arg11[%broadcast_in_dim3A] : memref<128xf32, #tpu.memory_space<vmem>>[vector<16xi32>], vector<16xf32>,
        %get3A = arith.index_cast %scan3A_265 : i32 to index
        %get3A_266 = arith.constant 0 : index
        %get3A_267 = tpu.vector_load %arg13[%get3A, %get3A_266] {strides = array<i32>} : memref<128x64xbf16, #tpu.memory_space<vmem>>, vector<32xbf16>,
        %unpack3A = tpu.unpack_subelements %get3A_267, 0 {pack_format = #tpu.pack_format<interleaved>} : vector<32xbf16> -> vector<16xf32>
        %unpack3A_268 = tpu.unpack_subelements %get3A_267, 1 {pack_format = #tpu.pack_format<interleaved>} : vector<32xbf16> -> vector<16xf32>
        %mul3A_269 = arith.mulf %unpack3A, %gather3A : vector<16xf32>
        %swap3A = arith.index_cast %scan3A_265 : i32 to index
        %swap3A_270 = arith.constant 0 : index
        %swap3A_271 = tpu.vector_load %arg15[%swap3A, %swap3A_270] {strides = array<i32>} : memref<128x64xf32, #tpu.memory_space<vmem>>, vector<16xf32>,
        tpu.vector_store %arg15[%swap3A, %swap3A_270], %mul3A_269 {strides = array<i32>} : memref<128x64xf32, #tpu.memory_space<vmem>>, vector<16xf32>,
        %mul3A_272 = arith.mulf %unpack3A_268, %gather3A : vector<16xf32>
        %swap3A_273 = arith.index_cast %scan3A_265 : i32 to index
        %swap3A_274 = arith.constant 16 : index
        %swap3A_275 = tpu.vector_load %arg15[%swap3A_273, %swap3A_274] {strides = array<i32>} : memref<128x64xf32, #tpu.memory_space<vmem>>, vector<16xf32>,
        tpu.vector_store %arg15[%swap3A_273, %swap3A_274], %mul3A_272 {strides = array<i32>} : memref<128x64xf32, #tpu.memory_space<vmem>>, vector<16xf32>,
        %get3A_276 = arith.index_cast %scan3A_265 : i32 to index
        %get3A_277 = arith.constant 32 : index
        %get3A_278 = tpu.vector_load %arg13[%get3A_276, %get3A_277] {strides = array<i32>} : memref<128x64xbf16, #tpu.memory_space<vmem>>, vector<32xbf16>,
        %unpack3A_279 = tpu.unpack_subelements %get3A_278, 0 {pack_format = #tpu.pack_format<interleaved>} : vector<32xbf16> -> vector<16xf32>
        %unpack3A_280 = tpu.unpack_subelements %get3A_278, 1 {pack_format = #tpu.pack_format<interleaved>} : vector<32xbf16> -> vector<16xf32>
        %mul3A_281 = arith.mulf %unpack3A_279, %gather3A : vector<16xf32>
        %swap3A_282 = arith.index_cast %scan3A_265 : i32 to index
        %swap3A_283 = arith.constant 32 : index
        %swap3A_284 = tpu.vector_load %arg15[%swap3A_282, %swap3A_283] {strides = array<i32>} : memref<128x64xf32, #tpu.memory_space<vmem>>, vector<16xf32>,
        tpu.vector_store %arg15[%swap3A_282, %swap3A_283], %mul3A_281 {strides = array<i32>} : memref<128x64xf32, #tpu.memory_space<vmem>>, vector<16xf32>,
        %mul3A_285 = arith.mulf %unpack3A_280, %gather3A : vector<16xf32>
        %swap3A_286 = arith.index_cast %scan3A_265 : i32 to index
        %swap3A_287 = arith.constant 48 : index
        %swap3A_288 = tpu.vector_load %arg15[%swap3A_286, %swap3A_287] {strides = array<i32>} : memref<128x64xf32, #tpu.memory_space<vmem>>, vector<16xf32>,
        tpu.vector_store %arg15[%swap3A_286, %swap3A_287], %mul3A_285 {strides = array<i32>} : memref<128x64xf32, #tpu.memory_space<vmem>>, vector<16xf32>,
      }
      %scan3A_258 = arith.constant 128 : i32
      %dma_start3A_259 = arith.constant 0 : i32
      %dma_start3A_260 = tpu.memref_slice %arg9[%add3A_229, %dma_start3A_259] : memref<88x128xi32, #tpu.memory_space<vmem>> -> memref<1x128xi32, #tpu.memory_space<vmem>>
      %dma_start3A_261 = tpu.memref_squeeze %dma_start3A_260 : memref<1x128xi32, #tpu.memory_space<vmem>> -> memref<128xi32, #tpu.memory_space<vmem>>
      %dma_start3A_262 = arith.constant 0 : i32
      %dma_start3A_263 = arith.constant 0 : i32
      %dma_start3A_264 = tpu.memref_slice %arg16[%dma_start3A_262, %dma_start3A_263] : memref<20480x64xf32, #tpu.memory_space<vmem_shared>> -> memref<20480x64xf32, #tpu.memory_space<vmem_shared>>
      tpu.enqueue_indirect_dma source(%arg15 : memref<128x64xf32, #tpu.memory_space<vmem>>) target(%dma_start3A_264 : memref<20480x64xf32, #tpu.memory_space<vmem_shared>>) offsets(%dma_start3A_261 : memref<128xi32, #tpu.memory_space<vmem>>) semaphore(%arg18 : memref<!tpu.dma_semaphore, #tpu.memory_space<semaphore_mem>>) {add = true}
    }
    %scan3A_76 = arith.constant 44 : i32
    %dma_wait3A_77 = arith.constant 87 : i32
    %dma_wait3A_78 = arith.constant 0 : i32
    %dma_wait3A_79 = tpu.memref_slice %arg9[%dma_wait3A_77, %dma_wait3A_78] : memref<88x128xi32, #tpu.memory_space<vmem>> -> memref<1x128xi32, #tpu.memory_space<vmem>>
    %dma_wait3A_80 = tpu.memref_squeeze %dma_wait3A_79 : memref<1x128xi32, #tpu.memory_space<vmem>> -> memref<128xi32, #tpu.memory_space<vmem>>
    %dma_wait3A_81 = arith.constant 0 : i32
    %dma_wait3A_82 = arith.constant 0 : i32
    %dma_wait3A_83 = tpu.memref_slice %arg16[%dma_wait3A_81, %dma_wait3A_82] : memref<20480x64xf32, #tpu.memory_space<vmem_shared>> -> memref<20480x64xf32, #tpu.memory_space<vmem_shared>>
    tpu.wait_indirect_dma semaphore(%arg18 : memref<!tpu.dma_semaphore, #tpu.memory_space<semaphore_mem>>) src(%arg15 : memref<128x64xf32, #tpu.memory_space<vmem>>) dst(%dma_wait3A_83 : memref<20480x64xf32, #tpu.memory_space<vmem_shared>>)
    %barrier3A_84 = arith.constant 0 : index
    tpu.barrier barrier_id(%barrier3A_84)
    %mul3A_85 = arith.constant 1280 : i32
    %mul3A_86 = arith.muli %arg1, %mul3A_85 : i32
    %mul3A_87 = arith.constant 4 : i32
    %mul3A_88 = arith.muli %arg0, %mul3A_87 : i32
    %add3A_89 = arith.constant 1 : i32
    %add3A_90 = arith.addi %mul3A_88, %add3A_89 : i32
    %mul3A_91 = arith.constant 1280 : i32
    %mul3A_92 = arith.muli %arg1, %mul3A_91 : i32
    "tpu.region"() ({
      %run_scoped3A_190 = tpu.sem_alloc : memref<!tpu.dma_semaphore, #tpu.memory_space<semaphore_mem>>
      %dma_start3A_191 = arith.constant 0 : i32
      %dma_start3A_192 = tpu.memref_slice %arg7[%add3A_90, %mul3A_92, %dma_start3A_191] : memref<8x20480x64xf32, #tpu.memory_space<hbm>> -> memref<1x1280x64xf32, #tpu.memory_space<hbm>>
      %dma_start3A_193 = tpu.memref_squeeze %dma_start3A_192 : memref<1x1280x64xf32, #tpu.memory_space<hbm>> -> memref<1280x64xf32, #tpu.memory_space<hbm>>
      %dma_start3A_194 = arith.constant 0 : i32
      %dma_start3A_195 = tpu.memref_slice %arg16[%mul3A_86, %dma_start3A_194] : memref<20480x64xf32, #tpu.memory_space<vmem_shared>> -> memref<1280x64xf32, #tpu.memory_space<vmem_shared>>
      tpu.enqueue_dma source(%dma_start3A_195 : memref<1280x64xf32, #tpu.memory_space<vmem_shared>>) target(%dma_start3A_193 : memref<1280x64xf32, #tpu.memory_space<hbm>>) target_semaphore(%run_scoped3A_190 : memref<!tpu.dma_semaphore, #tpu.memory_space<semaphore_mem>>)
      %dma_wait3A_196 = arith.constant 0 : i32
      %dma_wait3A_197 = tpu.memref_slice %arg7[%add3A_90, %mul3A_92, %dma_wait3A_196] : memref<8x20480x64xf32, #tpu.memory_space<hbm>> -> memref<1x1280x64xf32, #tpu.memory_space<hbm>>
      %dma_wait3A_198 = tpu.memref_squeeze %dma_wait3A_197 : memref<1x1280x64xf32, #tpu.memory_space<hbm>> -> memref<1280x64xf32, #tpu.memory_space<hbm>>
      %dma_wait3A_199 = arith.constant 0 : i32
      %dma_wait3A_200 = tpu.memref_slice %arg16[%mul3A_86, %dma_wait3A_199] : memref<20480x64xf32, #tpu.memory_space<vmem_shared>> -> memref<1280x64xf32, #tpu.memory_space<vmem_shared>>
      tpu.wait_dma2 semaphore(%run_scoped3A_190 : memref<!tpu.dma_semaphore, #tpu.memory_space<semaphore_mem>>) src(%dma_wait3A_200 : memref<1280x64xf32, #tpu.memory_space<vmem_shared>>) dst(%dma_wait3A_198 : memref<1280x64xf32, #tpu.memory_space<hbm>>)
      tpu.yield
    }) : () -> ()
    %barrier3A_93 = arith.constant 0 : index
    tpu.barrier barrier_id(%barrier3A_93)
    %mul3A_94 = arith.constant 88 : i32
    %mul3A_95 = arith.muli %add3A, %mul3A_94 : i32
    %run_scoped3A_96 = arith.constant 2 : i32
    "tpu.region"() ({
      %run_scoped3A_190 = tpu.sem_alloc : memref<!tpu.dma_semaphore, #tpu.memory_space<semaphore_mem>>
      %dma_start3A_191 = arith.constant 0 : i32
      %dma_start3A_192 = tpu.memref_slice %arg2[%run_scoped3A_96, %mul3A_95, %dma_start3A_191] : memref<4x2816x128xi32, #tpu.memory_space<hbm>> -> memref<1x88x128xi32, #tpu.memory_space<hbm>>
      %dma_start3A_193 = tpu.memref_squeeze %dma_start3A_192 : memref<1x88x128xi32, #tpu.memory_space<hbm>> -> memref<88x128xi32, #tpu.memory_space<hbm>>
      %dma_start3A_194 = arith.constant 0 : i32
      %dma_start3A_195 = tpu.memref_slice %arg2[%run_scoped3A_96, %mul3A_95, %dma_start3A_194] : memref<4x2816x128xi32, #tpu.memory_space<hbm>> -> memref<1x88x128xi32, #tpu.memory_space<hbm>>
      %dma_start3A_196 = tpu.memref_squeeze %dma_start3A_195 : memref<1x88x128xi32, #tpu.memory_space<hbm>> -> memref<88x128xi32, #tpu.memory_space<hbm>>
      tpu.enqueue_dma source(%dma_start3A_196 : memref<88x128xi32, #tpu.memory_space<hbm>>) target(%arg8 : memref<88x128xi32, #tpu.memory_space<vmem>>) target_semaphore(%run_scoped3A_190 : memref<!tpu.dma_semaphore, #tpu.memory_space<semaphore_mem>>)
      %dma_wait3A_197 = arith.constant 0 : i32
      %dma_wait3A_198 = tpu.memref_slice %arg2[%run_scoped3A_96, %mul3A_95, %dma_wait3A_197] : memref<4x2816x128xi32, #tpu.memory_space<hbm>> -> memref<1x88x128xi32, #tpu.memory_space<hbm>>
      %dma_wait3A_199 = tpu.memref_squeeze %dma_wait3A_198 : memref<1x88x128xi32, #tpu.memory_space<hbm>> -> memref<88x128xi32, #tpu.memory_space<hbm>>
      %dma_wait3A_200 = arith.constant 0 : i32
      %dma_wait3A_201 = tpu.memref_slice %arg2[%run_scoped3A_96, %mul3A_95, %dma_wait3A_200] : memref<4x2816x128xi32, #tpu.memory_space<hbm>> -> memref<1x88x128xi32, #tpu.memory_space<hbm>>
      %dma_wait3A_202 = tpu.memref_squeeze %dma_wait3A_201 : memref<1x88x128xi32, #tpu.memory_space<hbm>> -> memref<88x128xi32, #tpu.memory_space<hbm>>
      tpu.wait_dma2 semaphore(%run_scoped3A_190 : memref<!tpu.dma_semaphore, #tpu.memory_space<semaphore_mem>>) src(%dma_wait3A_202 : memref<88x128xi32, #tpu.memory_space<hbm>>) dst(%arg8 : memref<88x128xi32, #tpu.memory_space<vmem>>)
      tpu.yield
    }) : () -> ()
    %scan3A_97 = arith.constant 0 : i32
    %scan3A_98 = arith.constant 0 : i32
    %scan3A_99 = arith.constant 10 : i32
    %scan3A_100 = arith.addi %scan3A_98, %scan3A_99 : i32
    %scan3A_101 = arith.constant 1 : i32
    scf.for %scan3A_190 = %scan3A_98 to %scan3A_100 step %scan3A_101  : i32 {
      %mul3A_191 = arith.constant 128 : i32
      %mul3A_192 = arith.muli %scan3A_190, %mul3A_191 : i32
      %mul3A_193 = arith.constant 1280 : i32
      %mul3A_194 = arith.muli %arg1, %mul3A_193 : i32
      %mul3A_195 = arith.constant 128 : i32
      %mul3A_196 = arith.muli %scan3A_190, %mul3A_195 : i32
      %add3A_197 = arith.addi %mul3A_194, %mul3A_196 : i32
      "tpu.region"() ({
        %run_scoped3A_198 = tpu.sem_alloc : memref<!tpu.dma_semaphore, #tpu.memory_space<semaphore_mem>>
        %dma_start3A_199 = arith.constant 0 : i32
        %dma_start3A_200 = tpu.memref_slice %arg16[%add3A_197, %dma_start3A_199] : memref<20480x64xf32, #tpu.memory_space<vmem_shared>> -> memref<128x64xf32, #tpu.memory_space<vmem_shared>>
        %dma_start3A_201 = arith.constant 0 : i32
        %dma_start3A_202 = tpu.memref_slice %arg6[%mul3A_192, %dma_start3A_201] : memref<1280x64xf32, #tpu.memory_space<hbm>> -> memref<128x64xf32, #tpu.memory_space<hbm>>
        tpu.enqueue_dma source(%dma_start3A_202 : memref<128x64xf32, #tpu.memory_space<hbm>>) target(%dma_start3A_200 : memref<128x64xf32, #tpu.memory_space<vmem_shared>>) target_semaphore(%run_scoped3A_198 : memref<!tpu.dma_semaphore, #tpu.memory_space<semaphore_mem>>)
        %dma_wait3A_203 = arith.constant 0 : i32
        %dma_wait3A_204 = tpu.memref_slice %arg16[%add3A_197, %dma_wait3A_203] : memref<20480x64xf32, #tpu.memory_space<vmem_shared>> -> memref<128x64xf32, #tpu.memory_space<vmem_shared>>
        %dma_wait3A_205 = arith.constant 0 : i32
        %dma_wait3A_206 = tpu.memref_slice %arg6[%mul3A_192, %dma_wait3A_205] : memref<1280x64xf32, #tpu.memory_space<hbm>> -> memref<128x64xf32, #tpu.memory_space<hbm>>
        tpu.wait_dma2 semaphore(%run_scoped3A_198 : memref<!tpu.dma_semaphore, #tpu.memory_space<semaphore_mem>>) src(%dma_wait3A_206 : memref<128x64xf32, #tpu.memory_space<hbm>>) dst(%dma_wait3A_204 : memref<128x64xf32, #tpu.memory_space<vmem_shared>>)
        tpu.yield
      }) : () -> ()
    }
    %scan3A_102 = arith.constant 10 : i32
    %barrier3A_103 = arith.constant 0 : index
    tpu.barrier barrier_id(%barrier3A_103)
    %dma_start3A_104 = arith.constant 2 : i32
    %dma_start3A_105 = arith.constant 0 : i32
    %dma_start3A_106 = arith.constant 0 : i32
    %dma_start3A_107 = tpu.memref_slice %arg4[%add3A, %dma_start3A_104, %dma_start3A_105, %dma_start3A_106] : memref<32x4x88x128xf32, #tpu.memory_space<hbm>> -> memref<1x1x1x128xf32, #tpu.memory_space<hbm>>
    %dma_start3A_108 = tpu.memref_squeeze %dma_start3A_107 : memref<1x1x1x128xf32, #tpu.memory_space<hbm>> -> memref<128xf32, #tpu.memory_space<hbm>>
    %dma_start3A_109 = arith.constant 0 : i32
    %dma_start3A_110 = tpu.memref_slice %arg4[%add3A, %dma_start3A_104, %dma_start3A_105, %dma_start3A_109] : memref<32x4x88x128xf32, #tpu.memory_space<hbm>> -> memref<1x1x1x128xf32, #tpu.memory_space<hbm>>
    %dma_start3A_111 = tpu.memref_squeeze %dma_start3A_110 : memref<1x1x1x128xf32, #tpu.memory_space<hbm>> -> memref<128xf32, #tpu.memory_space<hbm>>
    tpu.enqueue_dma source(%dma_start3A_111 : memref<128xf32, #tpu.memory_space<hbm>>) target(%arg10 : memref<128xf32, #tpu.memory_space<vmem>>) target_semaphore(%arg17 : memref<!tpu.dma_semaphore, #tpu.memory_space<semaphore_mem>>)
    %dma_start3A_112 = arith.constant 0 : i32
    %dma_start3A_113 = arith.constant 0 : i32
    %dma_start3A_114 = tpu.memref_slice %arg8[%dma_start3A_112, %dma_start3A_113] : memref<88x128xi32, #tpu.memory_space<vmem>> -> memref<1x128xi32, #tpu.memory_space<vmem>>
    %dma_start3A_115 = tpu.memref_squeeze %dma_start3A_114 : memref<1x128xi32, #tpu.memory_space<vmem>> -> memref<128xi32, #tpu.memory_space<vmem>>
    %dma_start3A_116 = arith.constant 0 : i32
    %dma_start3A_117 = arith.constant 0 : i32
    %dma_start3A_118 = tpu.memref_slice %arg5[%dma_start3A_116, %dma_start3A_117] : memref<80000x64xbf16, #tpu.memory_space<hbm>> -> memref<80000x64xbf16, #tpu.memory_space<hbm>>
    tpu.enqueue_indirect_dma source(%dma_start3A_118 : memref<80000x64xbf16, #tpu.memory_space<hbm>>) target(%arg12 : memref<128x64xbf16, #tpu.memory_space<vmem>>) offsets(%dma_start3A_115 : memref<128xi32, #tpu.memory_space<vmem>>) semaphore(%arg17 : memref<!tpu.dma_semaphore, #tpu.memory_space<semaphore_mem>>)
    %scan3A_119 = arith.constant 0 : i32
    %scan3A_120 = arith.constant 0 : i32
    %scan3A_121 = arith.constant 44 : i32
    %scan3A_122 = arith.addi %scan3A_120, %scan3A_121 : i32
    %scan3A_123 = arith.constant 1 : i32
    scf.for %scan3A_190 = %scan3A_120 to %scan3A_122 step %scan3A_123  : i32 {
      %mul3A_191 = arith.constant 2 : i32
      %mul3A_192 = arith.muli %mul3A_191, %scan3A_190 : i32
      %add3A_193 = arith.constant 0 : i32
      %add3A_194 = arith.addi %mul3A_192, %add3A_193 : i32
      %dma_wait3A_195 = arith.constant 2 : i32
      %dma_wait3A_196 = arith.constant 0 : i32
      %dma_wait3A_197 = tpu.memref_slice %arg4[%add3A, %dma_wait3A_195, %add3A_194, %dma_wait3A_196] : memref<32x4x88x128xf32, #tpu.memory_space<hbm>> -> memref<1x1x1x128xf32, #tpu.memory_space<hbm>>
      %dma_wait3A_198 = tpu.memref_squeeze %dma_wait3A_197 : memref<1x1x1x128xf32, #tpu.memory_space<hbm>> -> memref<128xf32, #tpu.memory_space<hbm>>
      %dma_wait3A_199 = arith.constant 0 : i32
      %dma_wait3A_200 = tpu.memref_slice %arg4[%add3A, %dma_wait3A_195, %add3A_194, %dma_wait3A_199] : memref<32x4x88x128xf32, #tpu.memory_space<hbm>> -> memref<1x1x1x128xf32, #tpu.memory_space<hbm>>
      %dma_wait3A_201 = tpu.memref_squeeze %dma_wait3A_200 : memref<1x1x1x128xf32, #tpu.memory_space<hbm>> -> memref<128xf32, #tpu.memory_space<hbm>>
      tpu.wait_dma2 semaphore(%arg17 : memref<!tpu.dma_semaphore, #tpu.memory_space<semaphore_mem>>) src(%dma_wait3A_201 : memref<128xf32, #tpu.memory_space<hbm>>) dst(%arg10 : memref<128xf32, #tpu.memory_space<vmem>>)
      %dma_wait3A_202 = arith.constant 0 : i32
      %dma_wait3A_203 = tpu.memref_slice %arg8[%add3A_194, %dma_wait3A_202] : memref<88x128xi32, #tpu.memory_space<vmem>> -> memref<1x128xi32, #tpu.memory_space<vmem>>
      %dma_wait3A_204 = tpu.memref_squeeze %dma_wait3A_203 : memref<1x128xi32, #tpu.memory_space<vmem>> -> memref<128xi32, #tpu.memory_space<vmem>>
      %dma_wait3A_205 = arith.constant 0 : i32
      %dma_wait3A_206 = arith.constant 0 : i32
      %dma_wait3A_207 = tpu.memref_slice %arg5[%dma_wait3A_205, %dma_wait3A_206] : memref<80000x64xbf16, #tpu.memory_space<hbm>> -> memref<80000x64xbf16, #tpu.memory_space<hbm>>
      tpu.wait_indirect_dma semaphore(%arg17 : memref<!tpu.dma_semaphore, #tpu.memory_space<semaphore_mem>>) src(%dma_wait3A_207 : memref<80000x64xbf16, #tpu.memory_space<hbm>>) dst(%arg12 : memref<128x64xbf16, #tpu.memory_space<vmem>>)
      %gt3A = arith.constant 0 : i32
      %gt3A_208 = arith.cmpi sgt, %add3A_194, %gt3A : i32
      %convert_element_type3A = arith.extui %gt3A_208 : i1 to i32
      %cond3A = arith.constant 0 : i32
      %cond3A_209 = arith.cmpi ne, %convert_element_type3A, %cond3A : i32
      scf.if %cond3A_209 {
        %sub3A = arith.constant 1 : i32
        %sub3A_265 = arith.subi %add3A_194, %sub3A : i32
        %dma_wait3A_266 = arith.constant 0 : i32
        %dma_wait3A_267 = tpu.memref_slice %arg9[%sub3A_265, %dma_wait3A_266] : memref<88x128xi32, #tpu.memory_space<vmem>> -> memref<1x128xi32, #tpu.memory_space<vmem>>
        %dma_wait3A_268 = tpu.memref_squeeze %dma_wait3A_267 : memref<1x128xi32, #tpu.memory_space<vmem>> -> memref<128xi32, #tpu.memory_space<vmem>>
        %dma_wait3A_269 = arith.constant 0 : i32
        %dma_wait3A_270 = arith.constant 0 : i32
        %dma_wait3A_271 = tpu.memref_slice %arg16[%dma_wait3A_269, %dma_wait3A_270] : memref<20480x64xf32, #tpu.memory_space<vmem_shared>> -> memref<20480x64xf32, #tpu.memory_space<vmem_shared>>
        tpu.wait_indirect_dma semaphore(%arg18 : memref<!tpu.dma_semaphore, #tpu.memory_space<semaphore_mem>>) src(%arg15 : memref<128x64xf32, #tpu.memory_space<vmem>>) dst(%dma_wait3A_271 : memref<20480x64xf32, #tpu.memory_space<vmem_shared>>)
      } else {
      }
      %lt3A = arith.constant 87 : i32
      %lt3A_210 = arith.cmpi slt, %add3A_194, %lt3A : i32
      %convert_element_type3A_211 = arith.extui %lt3A_210 : i1 to i32
      %cond3A_212 = arith.constant 0 : i32
      %cond3A_213 = arith.cmpi ne, %convert_element_type3A_211, %cond3A_212 : i32
      scf.if %cond3A_213 {
        %add3A_265 = arith.constant 1 : i32
        %add3A_266 = arith.addi %add3A_194, %add3A_265 : i32
        %dma_start3A_267 = arith.constant 2 : i32
        %dma_start3A_268 = arith.constant 0 : i32
        %dma_start3A_269 = tpu.memref_slice %arg4[%add3A, %dma_start3A_267, %add3A_266, %dma_start3A_268] : memref<32x4x88x128xf32, #tpu.memory_space<hbm>> -> memref<1x1x1x128xf32, #tpu.memory_space<hbm>>
        %dma_start3A_270 = tpu.memref_squeeze %dma_start3A_269 : memref<1x1x1x128xf32, #tpu.memory_space<hbm>> -> memref<128xf32, #tpu.memory_space<hbm>>
        %dma_start3A_271 = arith.constant 0 : i32
        %dma_start3A_272 = tpu.memref_slice %arg4[%add3A, %dma_start3A_267, %add3A_266, %dma_start3A_271] : memref<32x4x88x128xf32, #tpu.memory_space<hbm>> -> memref<1x1x1x128xf32, #tpu.memory_space<hbm>>
        %dma_start3A_273 = tpu.memref_squeeze %dma_start3A_272 : memref<1x1x1x128xf32, #tpu.memory_space<hbm>> -> memref<128xf32, #tpu.memory_space<hbm>>
        tpu.enqueue_dma source(%dma_start3A_273 : memref<128xf32, #tpu.memory_space<hbm>>) target(%arg11 : memref<128xf32, #tpu.memory_space<vmem>>) target_semaphore(%arg17 : memref<!tpu.dma_semaphore, #tpu.memory_space<semaphore_mem>>)
        %dma_start3A_274 = arith.constant 0 : i32
        %dma_start3A_275 = tpu.memref_slice %arg8[%add3A_266, %dma_start3A_274] : memref<88x128xi32, #tpu.memory_space<vmem>> -> memref<1x128xi32, #tpu.memory_space<vmem>>
        %dma_start3A_276 = tpu.memref_squeeze %dma_start3A_275 : memref<1x128xi32, #tpu.memory_space<vmem>> -> memref<128xi32, #tpu.memory_space<vmem>>
        %dma_start3A_277 = arith.constant 0 : i32
        %dma_start3A_278 = arith.constant 0 : i32
        %dma_start3A_279 = tpu.memref_slice %arg5[%dma_start3A_277, %dma_start3A_278] : memref<80000x64xbf16, #tpu.memory_space<hbm>> -> memref<80000x64xbf16, #tpu.memory_space<hbm>>
        tpu.enqueue_indirect_dma source(%dma_start3A_279 : memref<80000x64xbf16, #tpu.memory_space<hbm>>) target(%arg13 : memref<128x64xbf16, #tpu.memory_space<vmem>>) offsets(%dma_start3A_276 : memref<128xi32, #tpu.memory_space<vmem>>) semaphore(%arg17 : memref<!tpu.dma_semaphore, #tpu.memory_space<semaphore_mem>>)
      } else {
      }
      %scan3A_214 = arith.constant 0 : i32
      %scan3A_215 = arith.constant 0 : i32
      %scan3A_216 = arith.constant 128 : i32
      %scan3A_217 = arith.addi %scan3A_215, %scan3A_216 : i32
      %scan3A_218 = arith.constant 1 : i32
      scf.for %scan3A_265 = %scan3A_215 to %scan3A_217 step %scan3A_218  : i32 {
        %broadcast_in_dim3A = vector.broadcast %scan3A_265 : i32 to vector<16xi32>
        %gather3A = tpu.vector_load_idx %arg10[%broadcast_in_dim3A] : memref<128xf32, #tpu.memory_space<vmem>>[vector<16xi32>], vector<16xf32>,
        %get3A = arith.index_cast %scan3A_265 : i32 to index
        %get3A_266 = arith.constant 0 : index
        %get3A_267 = tpu.vector_load %arg12[%get3A, %get3A_266] {strides = array<i32>} : memref<128x64xbf16, #tpu.memory_space<vmem>>, vector<32xbf16>,
        %unpack3A = tpu.unpack_subelements %get3A_267, 0 {pack_format = #tpu.pack_format<interleaved>} : vector<32xbf16> -> vector<16xf32>
        %unpack3A_268 = tpu.unpack_subelements %get3A_267, 1 {pack_format = #tpu.pack_format<interleaved>} : vector<32xbf16> -> vector<16xf32>
        %mul3A_269 = arith.mulf %unpack3A, %gather3A : vector<16xf32>
        %swap3A = arith.index_cast %scan3A_265 : i32 to index
        %swap3A_270 = arith.constant 0 : index
        %swap3A_271 = tpu.vector_load %arg14[%swap3A, %swap3A_270] {strides = array<i32>} : memref<128x64xf32, #tpu.memory_space<vmem>>, vector<16xf32>,
        tpu.vector_store %arg14[%swap3A, %swap3A_270], %mul3A_269 {strides = array<i32>} : memref<128x64xf32, #tpu.memory_space<vmem>>, vector<16xf32>,
        %mul3A_272 = arith.mulf %unpack3A_268, %gather3A : vector<16xf32>
        %swap3A_273 = arith.index_cast %scan3A_265 : i32 to index
        %swap3A_274 = arith.constant 16 : index
        %swap3A_275 = tpu.vector_load %arg14[%swap3A_273, %swap3A_274] {strides = array<i32>} : memref<128x64xf32, #tpu.memory_space<vmem>>, vector<16xf32>,
        tpu.vector_store %arg14[%swap3A_273, %swap3A_274], %mul3A_272 {strides = array<i32>} : memref<128x64xf32, #tpu.memory_space<vmem>>, vector<16xf32>,
        %get3A_276 = arith.index_cast %scan3A_265 : i32 to index
        %get3A_277 = arith.constant 32 : index
        %get3A_278 = tpu.vector_load %arg12[%get3A_276, %get3A_277] {strides = array<i32>} : memref<128x64xbf16, #tpu.memory_space<vmem>>, vector<32xbf16>,
        %unpack3A_279 = tpu.unpack_subelements %get3A_278, 0 {pack_format = #tpu.pack_format<interleaved>} : vector<32xbf16> -> vector<16xf32>
        %unpack3A_280 = tpu.unpack_subelements %get3A_278, 1 {pack_format = #tpu.pack_format<interleaved>} : vector<32xbf16> -> vector<16xf32>
        %mul3A_281 = arith.mulf %unpack3A_279, %gather3A : vector<16xf32>
        %swap3A_282 = arith.index_cast %scan3A_265 : i32 to index
        %swap3A_283 = arith.constant 32 : index
        %swap3A_284 = tpu.vector_load %arg14[%swap3A_282, %swap3A_283] {strides = array<i32>} : memref<128x64xf32, #tpu.memory_space<vmem>>, vector<16xf32>,
        tpu.vector_store %arg14[%swap3A_282, %swap3A_283], %mul3A_281 {strides = array<i32>} : memref<128x64xf32, #tpu.memory_space<vmem>>, vector<16xf32>,
        %mul3A_285 = arith.mulf %unpack3A_280, %gather3A : vector<16xf32>
        %swap3A_286 = arith.index_cast %scan3A_265 : i32 to index
        %swap3A_287 = arith.constant 48 : index
        %swap3A_288 = tpu.vector_load %arg14[%swap3A_286, %swap3A_287] {strides = array<i32>} : memref<128x64xf32, #tpu.memory_space<vmem>>, vector<16xf32>,
        tpu.vector_store %arg14[%swap3A_286, %swap3A_287], %mul3A_285 {strides = array<i32>} : memref<128x64xf32, #tpu.memory_space<vmem>>, vector<16xf32>,
      }
      %scan3A_219 = arith.constant 128 : i32
      %dma_start3A_220 = arith.constant 0 : i32
      %dma_start3A_221 = tpu.memref_slice %arg9[%add3A_194, %dma_start3A_220] : memref<88x128xi32, #tpu.memory_space<vmem>> -> memref<1x128xi32, #tpu.memory_space<vmem>>
      %dma_start3A_222 = tpu.memref_squeeze %dma_start3A_221 : memref<1x128xi32, #tpu.memory_space<vmem>> -> memref<128xi32, #tpu.memory_space<vmem>>
      %dma_start3A_223 = arith.constant 0 : i32
      %dma_start3A_224 = arith.constant 0 : i32
      %dma_start3A_225 = tpu.memref_slice %arg16[%dma_start3A_223, %dma_start3A_224] : memref<20480x64xf32, #tpu.memory_space<vmem_shared>> -> memref<20480x64xf32, #tpu.memory_space<vmem_shared>>
      tpu.enqueue_indirect_dma source(%arg14 : memref<128x64xf32, #tpu.memory_space<vmem>>) target(%dma_start3A_225 : memref<20480x64xf32, #tpu.memory_space<vmem_shared>>) offsets(%dma_start3A_222 : memref<128xi32, #tpu.memory_space<vmem>>) semaphore(%arg18 : memref<!tpu.dma_semaphore, #tpu.memory_space<semaphore_mem>>) {add = true}
      %mul3A_226 = arith.constant 2 : i32
      %mul3A_227 = arith.muli %mul3A_226, %scan3A_190 : i32
      %add3A_228 = arith.constant 1 : i32
      %add3A_229 = arith.addi %mul3A_227, %add3A_228 : i32
      %dma_wait3A_230 = arith.constant 2 : i32
      %dma_wait3A_231 = arith.constant 0 : i32
      %dma_wait3A_232 = tpu.memref_slice %arg4[%add3A, %dma_wait3A_230, %add3A_229, %dma_wait3A_231] : memref<32x4x88x128xf32, #tpu.memory_space<hbm>> -> memref<1x1x1x128xf32, #tpu.memory_space<hbm>>
      %dma_wait3A_233 = tpu.memref_squeeze %dma_wait3A_232 : memref<1x1x1x128xf32, #tpu.memory_space<hbm>> -> memref<128xf32, #tpu.memory_space<hbm>>
      %dma_wait3A_234 = arith.constant 0 : i32
      %dma_wait3A_235 = tpu.memref_slice %arg4[%add3A, %dma_wait3A_230, %add3A_229, %dma_wait3A_234] : memref<32x4x88x128xf32, #tpu.memory_space<hbm>> -> memref<1x1x1x128xf32, #tpu.memory_space<hbm>>
      %dma_wait3A_236 = tpu.memref_squeeze %dma_wait3A_235 : memref<1x1x1x128xf32, #tpu.memory_space<hbm>> -> memref<128xf32, #tpu.memory_space<hbm>>
      tpu.wait_dma2 semaphore(%arg17 : memref<!tpu.dma_semaphore, #tpu.memory_space<semaphore_mem>>) src(%dma_wait3A_236 : memref<128xf32, #tpu.memory_space<hbm>>) dst(%arg11 : memref<128xf32, #tpu.memory_space<vmem>>)
      %dma_wait3A_237 = arith.constant 0 : i32
      %dma_wait3A_238 = tpu.memref_slice %arg8[%add3A_229, %dma_wait3A_237] : memref<88x128xi32, #tpu.memory_space<vmem>> -> memref<1x128xi32, #tpu.memory_space<vmem>>
      %dma_wait3A_239 = tpu.memref_squeeze %dma_wait3A_238 : memref<1x128xi32, #tpu.memory_space<vmem>> -> memref<128xi32, #tpu.memory_space<vmem>>
      %dma_wait3A_240 = arith.constant 0 : i32
      %dma_wait3A_241 = arith.constant 0 : i32
      %dma_wait3A_242 = tpu.memref_slice %arg5[%dma_wait3A_240, %dma_wait3A_241] : memref<80000x64xbf16, #tpu.memory_space<hbm>> -> memref<80000x64xbf16, #tpu.memory_space<hbm>>
      tpu.wait_indirect_dma semaphore(%arg17 : memref<!tpu.dma_semaphore, #tpu.memory_space<semaphore_mem>>) src(%dma_wait3A_242 : memref<80000x64xbf16, #tpu.memory_space<hbm>>) dst(%arg13 : memref<128x64xbf16, #tpu.memory_space<vmem>>)
      %gt3A_243 = arith.constant 0 : i32
      %gt3A_244 = arith.cmpi sgt, %add3A_229, %gt3A_243 : i32
      %convert_element_type3A_245 = arith.extui %gt3A_244 : i1 to i32
      %cond3A_246 = arith.constant 0 : i32
      %cond3A_247 = arith.cmpi ne, %convert_element_type3A_245, %cond3A_246 : i32
      scf.if %cond3A_247 {
        %sub3A = arith.constant 1 : i32
        %sub3A_265 = arith.subi %add3A_229, %sub3A : i32
        %dma_wait3A_266 = arith.constant 0 : i32
        %dma_wait3A_267 = tpu.memref_slice %arg9[%sub3A_265, %dma_wait3A_266] : memref<88x128xi32, #tpu.memory_space<vmem>> -> memref<1x128xi32, #tpu.memory_space<vmem>>
        %dma_wait3A_268 = tpu.memref_squeeze %dma_wait3A_267 : memref<1x128xi32, #tpu.memory_space<vmem>> -> memref<128xi32, #tpu.memory_space<vmem>>
        %dma_wait3A_269 = arith.constant 0 : i32
        %dma_wait3A_270 = arith.constant 0 : i32
        %dma_wait3A_271 = tpu.memref_slice %arg16[%dma_wait3A_269, %dma_wait3A_270] : memref<20480x64xf32, #tpu.memory_space<vmem_shared>> -> memref<20480x64xf32, #tpu.memory_space<vmem_shared>>
        tpu.wait_indirect_dma semaphore(%arg18 : memref<!tpu.dma_semaphore, #tpu.memory_space<semaphore_mem>>) src(%arg14 : memref<128x64xf32, #tpu.memory_space<vmem>>) dst(%dma_wait3A_271 : memref<20480x64xf32, #tpu.memory_space<vmem_shared>>)
      } else {
      }
      %lt3A_248 = arith.constant 87 : i32
      %lt3A_249 = arith.cmpi slt, %add3A_229, %lt3A_248 : i32
      %convert_element_type3A_250 = arith.extui %lt3A_249 : i1 to i32
      %cond3A_251 = arith.constant 0 : i32
      %cond3A_252 = arith.cmpi ne, %convert_element_type3A_250, %cond3A_251 : i32
      scf.if %cond3A_252 {
        %add3A_265 = arith.constant 1 : i32
        %add3A_266 = arith.addi %add3A_229, %add3A_265 : i32
        %dma_start3A_267 = arith.constant 2 : i32
        %dma_start3A_268 = arith.constant 0 : i32
        %dma_start3A_269 = tpu.memref_slice %arg4[%add3A, %dma_start3A_267, %add3A_266, %dma_start3A_268] : memref<32x4x88x128xf32, #tpu.memory_space<hbm>> -> memref<1x1x1x128xf32, #tpu.memory_space<hbm>>
        %dma_start3A_270 = tpu.memref_squeeze %dma_start3A_269 : memref<1x1x1x128xf32, #tpu.memory_space<hbm>> -> memref<128xf32, #tpu.memory_space<hbm>>
        %dma_start3A_271 = arith.constant 0 : i32
        %dma_start3A_272 = tpu.memref_slice %arg4[%add3A, %dma_start3A_267, %add3A_266, %dma_start3A_271] : memref<32x4x88x128xf32, #tpu.memory_space<hbm>> -> memref<1x1x1x128xf32, #tpu.memory_space<hbm>>
        %dma_start3A_273 = tpu.memref_squeeze %dma_start3A_272 : memref<1x1x1x128xf32, #tpu.memory_space<hbm>> -> memref<128xf32, #tpu.memory_space<hbm>>
        tpu.enqueue_dma source(%dma_start3A_273 : memref<128xf32, #tpu.memory_space<hbm>>) target(%arg10 : memref<128xf32, #tpu.memory_space<vmem>>) target_semaphore(%arg17 : memref<!tpu.dma_semaphore, #tpu.memory_space<semaphore_mem>>)
        %dma_start3A_274 = arith.constant 0 : i32
        %dma_start3A_275 = tpu.memref_slice %arg8[%add3A_266, %dma_start3A_274] : memref<88x128xi32, #tpu.memory_space<vmem>> -> memref<1x128xi32, #tpu.memory_space<vmem>>
        %dma_start3A_276 = tpu.memref_squeeze %dma_start3A_275 : memref<1x128xi32, #tpu.memory_space<vmem>> -> memref<128xi32, #tpu.memory_space<vmem>>
        %dma_start3A_277 = arith.constant 0 : i32
        %dma_start3A_278 = arith.constant 0 : i32
        %dma_start3A_279 = tpu.memref_slice %arg5[%dma_start3A_277, %dma_start3A_278] : memref<80000x64xbf16, #tpu.memory_space<hbm>> -> memref<80000x64xbf16, #tpu.memory_space<hbm>>
        tpu.enqueue_indirect_dma source(%dma_start3A_279 : memref<80000x64xbf16, #tpu.memory_space<hbm>>) target(%arg12 : memref<128x64xbf16, #tpu.memory_space<vmem>>) offsets(%dma_start3A_276 : memref<128xi32, #tpu.memory_space<vmem>>) semaphore(%arg17 : memref<!tpu.dma_semaphore, #tpu.memory_space<semaphore_mem>>)
      } else {
      }
      %scan3A_253 = arith.constant 0 : i32
      %scan3A_254 = arith.constant 0 : i32
      %scan3A_255 = arith.constant 128 : i32
      %scan3A_256 = arith.addi %scan3A_254, %scan3A_255 : i32
      %scan3A_257 = arith.constant 1 : i32
      scf.for %scan3A_265 = %scan3A_254 to %scan3A_256 step %scan3A_257  : i32 {
        %broadcast_in_dim3A = vector.broadcast %scan3A_265 : i32 to vector<16xi32>
        %gather3A = tpu.vector_load_idx %arg11[%broadcast_in_dim3A] : memref<128xf32, #tpu.memory_space<vmem>>[vector<16xi32>], vector<16xf32>,
        %get3A = arith.index_cast %scan3A_265 : i32 to index
        %get3A_266 = arith.constant 0 : index
        %get3A_267 = tpu.vector_load %arg13[%get3A, %get3A_266] {strides = array<i32>} : memref<128x64xbf16, #tpu.memory_space<vmem>>, vector<32xbf16>,
        %unpack3A = tpu.unpack_subelements %get3A_267, 0 {pack_format = #tpu.pack_format<interleaved>} : vector<32xbf16> -> vector<16xf32>
        %unpack3A_268 = tpu.unpack_subelements %get3A_267, 1 {pack_format = #tpu.pack_format<interleaved>} : vector<32xbf16> -> vector<16xf32>
        %mul3A_269 = arith.mulf %unpack3A, %gather3A : vector<16xf32>
        %swap3A = arith.index_cast %scan3A_265 : i32 to index
        %swap3A_270 = arith.constant 0 : index
        %swap3A_271 = tpu.vector_load %arg15[%swap3A, %swap3A_270] {strides = array<i32>} : memref<128x64xf32, #tpu.memory_space<vmem>>, vector<16xf32>,
        tpu.vector_store %arg15[%swap3A, %swap3A_270], %mul3A_269 {strides = array<i32>} : memref<128x64xf32, #tpu.memory_space<vmem>>, vector<16xf32>,
        %mul3A_272 = arith.mulf %unpack3A_268, %gather3A : vector<16xf32>
        %swap3A_273 = arith.index_cast %scan3A_265 : i32 to index
        %swap3A_274 = arith.constant 16 : index
        %swap3A_275 = tpu.vector_load %arg15[%swap3A_273, %swap3A_274] {strides = array<i32>} : memref<128x64xf32, #tpu.memory_space<vmem>>, vector<16xf32>,
        tpu.vector_store %arg15[%swap3A_273, %swap3A_274], %mul3A_272 {strides = array<i32>} : memref<128x64xf32, #tpu.memory_space<vmem>>, vector<16xf32>,
        %get3A_276 = arith.index_cast %scan3A_265 : i32 to index
        %get3A_277 = arith.constant 32 : index
        %get3A_278 = tpu.vector_load %arg13[%get3A_276, %get3A_277] {strides = array<i32>} : memref<128x64xbf16, #tpu.memory_space<vmem>>, vector<32xbf16>,
        %unpack3A_279 = tpu.unpack_subelements %get3A_278, 0 {pack_format = #tpu.pack_format<interleaved>} : vector<32xbf16> -> vector<16xf32>
        %unpack3A_280 = tpu.unpack_subelements %get3A_278, 1 {pack_format = #tpu.pack_format<interleaved>} : vector<32xbf16> -> vector<16xf32>
        %mul3A_281 = arith.mulf %unpack3A_279, %gather3A : vector<16xf32>
        %swap3A_282 = arith.index_cast %scan3A_265 : i32 to index
        %swap3A_283 = arith.constant 32 : index
        %swap3A_284 = tpu.vector_load %arg15[%swap3A_282, %swap3A_283] {strides = array<i32>} : memref<128x64xf32, #tpu.memory_space<vmem>>, vector<16xf32>,
        tpu.vector_store %arg15[%swap3A_282, %swap3A_283], %mul3A_281 {strides = array<i32>} : memref<128x64xf32, #tpu.memory_space<vmem>>, vector<16xf32>,
        %mul3A_285 = arith.mulf %unpack3A_280, %gather3A : vector<16xf32>
        %swap3A_286 = arith.index_cast %scan3A_265 : i32 to index
        %swap3A_287 = arith.constant 48 : index
        %swap3A_288 = tpu.vector_load %arg15[%swap3A_286, %swap3A_287] {strides = array<i32>} : memref<128x64xf32, #tpu.memory_space<vmem>>, vector<16xf32>,
        tpu.vector_store %arg15[%swap3A_286, %swap3A_287], %mul3A_285 {strides = array<i32>} : memref<128x64xf32, #tpu.memory_space<vmem>>, vector<16xf32>,
      }
      %scan3A_258 = arith.constant 128 : i32
      %dma_start3A_259 = arith.constant 0 : i32
      %dma_start3A_260 = tpu.memref_slice %arg9[%add3A_229, %dma_start3A_259] : memref<88x128xi32, #tpu.memory_space<vmem>> -> memref<1x128xi32, #tpu.memory_space<vmem>>
      %dma_start3A_261 = tpu.memref_squeeze %dma_start3A_260 : memref<1x128xi32, #tpu.memory_space<vmem>> -> memref<128xi32, #tpu.memory_space<vmem>>
      %dma_start3A_262 = arith.constant 0 : i32
      %dma_start3A_263 = arith.constant 0 : i32
      %dma_start3A_264 = tpu.memref_slice %arg16[%dma_start3A_262, %dma_start3A_263] : memref<20480x64xf32, #tpu.memory_space<vmem_shared>> -> memref<20480x64xf32, #tpu.memory_space<vmem_shared>>
      tpu.enqueue_indirect_dma source(%arg15 : memref<128x64xf32, #tpu.memory_space<vmem>>) target(%dma_start3A_264 : memref<20480x64xf32, #tpu.memory_space<vmem_shared>>) offsets(%dma_start3A_261 : memref<128xi32, #tpu.memory_space<vmem>>) semaphore(%arg18 : memref<!tpu.dma_semaphore, #tpu.memory_space<semaphore_mem>>) {add = true}
    }
    %scan3A_124 = arith.constant 44 : i32
    %dma_wait3A_125 = arith.constant 87 : i32
    %dma_wait3A_126 = arith.constant 0 : i32
    %dma_wait3A_127 = tpu.memref_slice %arg9[%dma_wait3A_125, %dma_wait3A_126] : memref<88x128xi32, #tpu.memory_space<vmem>> -> memref<1x128xi32, #tpu.memory_space<vmem>>
    %dma_wait3A_128 = tpu.memref_squeeze %dma_wait3A_127 : memref<1x128xi32, #tpu.memory_space<vmem>> -> memref<128xi32, #tpu.memory_space<vmem>>
    %dma_wait3A_129 = arith.constant 0 : i32
    %dma_wait3A_130 = arith.constant 0 : i32
    %dma_wait3A_131 = tpu.memref_slice %arg16[%dma_wait3A_129, %dma_wait3A_130] : memref<20480x64xf32, #tpu.memory_space<vmem_shared>> -> memref<20480x64xf32, #tpu.memory_space<vmem_shared>>
    tpu.wait_indirect_dma semaphore(%arg18 : memref<!tpu.dma_semaphore, #tpu.memory_space<semaphore_mem>>) src(%arg15 : memref<128x64xf32, #tpu.memory_space<vmem>>) dst(%dma_wait3A_131 : memref<20480x64xf32, #tpu.memory_space<vmem_shared>>)
    %barrier3A_132 = arith.constant 0 : index
    tpu.barrier barrier_id(%barrier3A_132)
    %mul3A_133 = arith.constant 1280 : i32
    %mul3A_134 = arith.muli %arg1, %mul3A_133 : i32
    %mul3A_135 = arith.constant 4 : i32
    %mul3A_136 = arith.muli %arg0, %mul3A_135 : i32
    %add3A_137 = arith.constant 2 : i32
    %add3A_138 = arith.addi %mul3A_136, %add3A_137 : i32
    %mul3A_139 = arith.constant 1280 : i32
    %mul3A_140 = arith.muli %arg1, %mul3A_139 : i32
    "tpu.region"() ({
      %run_scoped3A_190 = tpu.sem_alloc : memref<!tpu.dma_semaphore, #tpu.memory_space<semaphore_mem>>
      %dma_start3A_191 = arith.constant 0 : i32
      %dma_start3A_192 = tpu.memref_slice %arg7[%add3A_138, %mul3A_140, %dma_start3A_191] : memref<8x20480x64xf32, #tpu.memory_space<hbm>> -> memref<1x1280x64xf32, #tpu.memory_space<hbm>>
      %dma_start3A_193 = tpu.memref_squeeze %dma_start3A_192 : memref<1x1280x64xf32, #tpu.memory_space<hbm>> -> memref<1280x64xf32, #tpu.memory_space<hbm>>
      %dma_start3A_194 = arith.constant 0 : i32
      %dma_start3A_195 = tpu.memref_slice %arg16[%mul3A_134, %dma_start3A_194] : memref<20480x64xf32, #tpu.memory_space<vmem_shared>> -> memref<1280x64xf32, #tpu.memory_space<vmem_shared>>
      tpu.enqueue_dma source(%dma_start3A_195 : memref<1280x64xf32, #tpu.memory_space<vmem_shared>>) target(%dma_start3A_193 : memref<1280x64xf32, #tpu.memory_space<hbm>>) target_semaphore(%run_scoped3A_190 : memref<!tpu.dma_semaphore, #tpu.memory_space<semaphore_mem>>)
      %dma_wait3A_196 = arith.constant 0 : i32
      %dma_wait3A_197 = tpu.memref_slice %arg7[%add3A_138, %mul3A_140, %dma_wait3A_196] : memref<8x20480x64xf32, #tpu.memory_space<hbm>> -> memref<1x1280x64xf32, #tpu.memory_space<hbm>>
      %dma_wait3A_198 = tpu.memref_squeeze %dma_wait3A_197 : memref<1x1280x64xf32, #tpu.memory_space<hbm>> -> memref<1280x64xf32, #tpu.memory_space<hbm>>
      %dma_wait3A_199 = arith.constant 0 : i32
      %dma_wait3A_200 = tpu.memref_slice %arg16[%mul3A_134, %dma_wait3A_199] : memref<20480x64xf32, #tpu.memory_space<vmem_shared>> -> memref<1280x64xf32, #tpu.memory_space<vmem_shared>>
      tpu.wait_dma2 semaphore(%run_scoped3A_190 : memref<!tpu.dma_semaphore, #tpu.memory_space<semaphore_mem>>) src(%dma_wait3A_200 : memref<1280x64xf32, #tpu.memory_space<vmem_shared>>) dst(%dma_wait3A_198 : memref<1280x64xf32, #tpu.memory_space<hbm>>)
      tpu.yield
    }) : () -> ()
    %barrier3A_141 = arith.constant 0 : index
    tpu.barrier barrier_id(%barrier3A_141)
    %mul3A_142 = arith.constant 88 : i32
    %mul3A_143 = arith.muli %add3A, %mul3A_142 : i32
    %run_scoped3A_144 = arith.constant 3 : i32
    "tpu.region"() ({
      %run_scoped3A_190 = tpu.sem_alloc : memref<!tpu.dma_semaphore, #tpu.memory_space<semaphore_mem>>
      %dma_start3A_191 = arith.constant 0 : i32
      %dma_start3A_192 = tpu.memref_slice %arg2[%run_scoped3A_144, %mul3A_143, %dma_start3A_191] : memref<4x2816x128xi32, #tpu.memory_space<hbm>> -> memref<1x88x128xi32, #tpu.memory_space<hbm>>
      %dma_start3A_193 = tpu.memref_squeeze %dma_start3A_192 : memref<1x88x128xi32, #tpu.memory_space<hbm>> -> memref<88x128xi32, #tpu.memory_space<hbm>>
      %dma_start3A_194 = arith.constant 0 : i32
      %dma_start3A_195 = tpu.memref_slice %arg2[%run_scoped3A_144, %mul3A_143, %dma_start3A_194] : memref<4x2816x128xi32, #tpu.memory_space<hbm>> -> memref<1x88x128xi32, #tpu.memory_space<hbm>>
      %dma_start3A_196 = tpu.memref_squeeze %dma_start3A_195 : memref<1x88x128xi32, #tpu.memory_space<hbm>> -> memref<88x128xi32, #tpu.memory_space<hbm>>
      tpu.enqueue_dma source(%dma_start3A_196 : memref<88x128xi32, #tpu.memory_space<hbm>>) target(%arg8 : memref<88x128xi32, #tpu.memory_space<vmem>>) target_semaphore(%run_scoped3A_190 : memref<!tpu.dma_semaphore, #tpu.memory_space<semaphore_mem>>)
      %dma_wait3A_197 = arith.constant 0 : i32
      %dma_wait3A_198 = tpu.memref_slice %arg2[%run_scoped3A_144, %mul3A_143, %dma_wait3A_197] : memref<4x2816x128xi32, #tpu.memory_space<hbm>> -> memref<1x88x128xi32, #tpu.memory_space<hbm>>
      %dma_wait3A_199 = tpu.memref_squeeze %dma_wait3A_198 : memref<1x88x128xi32, #tpu.memory_space<hbm>> -> memref<88x128xi32, #tpu.memory_space<hbm>>
      %dma_wait3A_200 = arith.constant 0 : i32
      %dma_wait3A_201 = tpu.memref_slice %arg2[%run_scoped3A_144, %mul3A_143, %dma_wait3A_200] : memref<4x2816x128xi32, #tpu.memory_space<hbm>> -> memref<1x88x128xi32, #tpu.memory_space<hbm>>
      %dma_wait3A_202 = tpu.memref_squeeze %dma_wait3A_201 : memref<1x88x128xi32, #tpu.memory_space<hbm>> -> memref<88x128xi32, #tpu.memory_space<hbm>>
      tpu.wait_dma2 semaphore(%run_scoped3A_190 : memref<!tpu.dma_semaphore, #tpu.memory_space<semaphore_mem>>) src(%dma_wait3A_202 : memref<88x128xi32, #tpu.memory_space<hbm>>) dst(%arg8 : memref<88x128xi32, #tpu.memory_space<vmem>>)
      tpu.yield
    }) : () -> ()
    %scan3A_145 = arith.constant 0 : i32
    %scan3A_146 = arith.constant 0 : i32
    %scan3A_147 = arith.constant 10 : i32
    %scan3A_148 = arith.addi %scan3A_146, %scan3A_147 : i32
    %scan3A_149 = arith.constant 1 : i32
    scf.for %scan3A_190 = %scan3A_146 to %scan3A_148 step %scan3A_149  : i32 {
      %mul3A_191 = arith.constant 128 : i32
      %mul3A_192 = arith.muli %scan3A_190, %mul3A_191 : i32
      %mul3A_193 = arith.constant 1280 : i32
      %mul3A_194 = arith.muli %arg1, %mul3A_193 : i32
      %mul3A_195 = arith.constant 128 : i32
      %mul3A_196 = arith.muli %scan3A_190, %mul3A_195 : i32
      %add3A_197 = arith.addi %mul3A_194, %mul3A_196 : i32
      "tpu.region"() ({
        %run_scoped3A_198 = tpu.sem_alloc : memref<!tpu.dma_semaphore, #tpu.memory_space<semaphore_mem>>
        %dma_start3A_199 = arith.constant 0 : i32
        %dma_start3A_200 = tpu.memref_slice %arg16[%add3A_197, %dma_start3A_199] : memref<20480x64xf32, #tpu.memory_space<vmem_shared>> -> memref<128x64xf32, #tpu.memory_space<vmem_shared>>
        %dma_start3A_201 = arith.constant 0 : i32
        %dma_start3A_202 = tpu.memref_slice %arg6[%mul3A_192, %dma_start3A_201] : memref<1280x64xf32, #tpu.memory_space<hbm>> -> memref<128x64xf32, #tpu.memory_space<hbm>>
        tpu.enqueue_dma source(%dma_start3A_202 : memref<128x64xf32, #tpu.memory_space<hbm>>) target(%dma_start3A_200 : memref<128x64xf32, #tpu.memory_space<vmem_shared>>) target_semaphore(%run_scoped3A_198 : memref<!tpu.dma_semaphore, #tpu.memory_space<semaphore_mem>>)
        %dma_wait3A_203 = arith.constant 0 : i32
        %dma_wait3A_204 = tpu.memref_slice %arg16[%add3A_197, %dma_wait3A_203] : memref<20480x64xf32, #tpu.memory_space<vmem_shared>> -> memref<128x64xf32, #tpu.memory_space<vmem_shared>>
        %dma_wait3A_205 = arith.constant 0 : i32
        %dma_wait3A_206 = tpu.memref_slice %arg6[%mul3A_192, %dma_wait3A_205] : memref<1280x64xf32, #tpu.memory_space<hbm>> -> memref<128x64xf32, #tpu.memory_space<hbm>>
        tpu.wait_dma2 semaphore(%run_scoped3A_198 : memref<!tpu.dma_semaphore, #tpu.memory_space<semaphore_mem>>) src(%dma_wait3A_206 : memref<128x64xf32, #tpu.memory_space<hbm>>) dst(%dma_wait3A_204 : memref<128x64xf32, #tpu.memory_space<vmem_shared>>)
        tpu.yield
      }) : () -> ()
    }
    %scan3A_150 = arith.constant 10 : i32
    %barrier3A_151 = arith.constant 0 : index
    tpu.barrier barrier_id(%barrier3A_151)
    %dma_start3A_152 = arith.constant 3 : i32
    %dma_start3A_153 = arith.constant 0 : i32
    %dma_start3A_154 = arith.constant 0 : i32
    %dma_start3A_155 = tpu.memref_slice %arg4[%add3A, %dma_start3A_152, %dma_start3A_153, %dma_start3A_154] : memref<32x4x88x128xf32, #tpu.memory_space<hbm>> -> memref<1x1x1x128xf32, #tpu.memory_space<hbm>>
    %dma_start3A_156 = tpu.memref_squeeze %dma_start3A_155 : memref<1x1x1x128xf32, #tpu.memory_space<hbm>> -> memref<128xf32, #tpu.memory_space<hbm>>
    %dma_start3A_157 = arith.constant 0 : i32
    %dma_start3A_158 = tpu.memref_slice %arg4[%add3A, %dma_start3A_152, %dma_start3A_153, %dma_start3A_157] : memref<32x4x88x128xf32, #tpu.memory_space<hbm>> -> memref<1x1x1x128xf32, #tpu.memory_space<hbm>>
    %dma_start3A_159 = tpu.memref_squeeze %dma_start3A_158 : memref<1x1x1x128xf32, #tpu.memory_space<hbm>> -> memref<128xf32, #tpu.memory_space<hbm>>
    tpu.enqueue_dma source(%dma_start3A_159 : memref<128xf32, #tpu.memory_space<hbm>>) target(%arg10 : memref<128xf32, #tpu.memory_space<vmem>>) target_semaphore(%arg17 : memref<!tpu.dma_semaphore, #tpu.memory_space<semaphore_mem>>)
    %dma_start3A_160 = arith.constant 0 : i32
    %dma_start3A_161 = arith.constant 0 : i32
    %dma_start3A_162 = tpu.memref_slice %arg8[%dma_start3A_160, %dma_start3A_161] : memref<88x128xi32, #tpu.memory_space<vmem>> -> memref<1x128xi32, #tpu.memory_space<vmem>>
    %dma_start3A_163 = tpu.memref_squeeze %dma_start3A_162 : memref<1x128xi32, #tpu.memory_space<vmem>> -> memref<128xi32, #tpu.memory_space<vmem>>
    %dma_start3A_164 = arith.constant 0 : i32
    %dma_start3A_165 = arith.constant 0 : i32
    %dma_start3A_166 = tpu.memref_slice %arg5[%dma_start3A_164, %dma_start3A_165] : memref<80000x64xbf16, #tpu.memory_space<hbm>> -> memref<80000x64xbf16, #tpu.memory_space<hbm>>
    tpu.enqueue_indirect_dma source(%dma_start3A_166 : memref<80000x64xbf16, #tpu.memory_space<hbm>>) target(%arg12 : memref<128x64xbf16, #tpu.memory_space<vmem>>) offsets(%dma_start3A_163 : memref<128xi32, #tpu.memory_space<vmem>>) semaphore(%arg17 : memref<!tpu.dma_semaphore, #tpu.memory_space<semaphore_mem>>)
    %scan3A_167 = arith.constant 0 : i32
    %scan3A_168 = arith.constant 0 : i32
    %scan3A_169 = arith.constant 44 : i32
    %scan3A_170 = arith.addi %scan3A_168, %scan3A_169 : i32
    %scan3A_171 = arith.constant 1 : i32
    scf.for %scan3A_190 = %scan3A_168 to %scan3A_170 step %scan3A_171  : i32 {
      %mul3A_191 = arith.constant 2 : i32
      %mul3A_192 = arith.muli %mul3A_191, %scan3A_190 : i32
      %add3A_193 = arith.constant 0 : i32
      %add3A_194 = arith.addi %mul3A_192, %add3A_193 : i32
      %dma_wait3A_195 = arith.constant 3 : i32
      %dma_wait3A_196 = arith.constant 0 : i32
      %dma_wait3A_197 = tpu.memref_slice %arg4[%add3A, %dma_wait3A_195, %add3A_194, %dma_wait3A_196] : memref<32x4x88x128xf32, #tpu.memory_space<hbm>> -> memref<1x1x1x128xf32, #tpu.memory_space<hbm>>
      %dma_wait3A_198 = tpu.memref_squeeze %dma_wait3A_197 : memref<1x1x1x128xf32, #tpu.memory_space<hbm>> -> memref<128xf32, #tpu.memory_space<hbm>>
      %dma_wait3A_199 = arith.constant 0 : i32
      %dma_wait3A_200 = tpu.memref_slice %arg4[%add3A, %dma_wait3A_195, %add3A_194, %dma_wait3A_199] : memref<32x4x88x128xf32, #tpu.memory_space<hbm>> -> memref<1x1x1x128xf32, #tpu.memory_space<hbm>>
      %dma_wait3A_201 = tpu.memref_squeeze %dma_wait3A_200 : memref<1x1x1x128xf32, #tpu.memory_space<hbm>> -> memref<128xf32, #tpu.memory_space<hbm>>
      tpu.wait_dma2 semaphore(%arg17 : memref<!tpu.dma_semaphore, #tpu.memory_space<semaphore_mem>>) src(%dma_wait3A_201 : memref<128xf32, #tpu.memory_space<hbm>>) dst(%arg10 : memref<128xf32, #tpu.memory_space<vmem>>)
      %dma_wait3A_202 = arith.constant 0 : i32
      %dma_wait3A_203 = tpu.memref_slice %arg8[%add3A_194, %dma_wait3A_202] : memref<88x128xi32, #tpu.memory_space<vmem>> -> memref<1x128xi32, #tpu.memory_space<vmem>>
      %dma_wait3A_204 = tpu.memref_squeeze %dma_wait3A_203 : memref<1x128xi32, #tpu.memory_space<vmem>> -> memref<128xi32, #tpu.memory_space<vmem>>
      %dma_wait3A_205 = arith.constant 0 : i32
      %dma_wait3A_206 = arith.constant 0 : i32
      %dma_wait3A_207 = tpu.memref_slice %arg5[%dma_wait3A_205, %dma_wait3A_206] : memref<80000x64xbf16, #tpu.memory_space<hbm>> -> memref<80000x64xbf16, #tpu.memory_space<hbm>>
      tpu.wait_indirect_dma semaphore(%arg17 : memref<!tpu.dma_semaphore, #tpu.memory_space<semaphore_mem>>) src(%dma_wait3A_207 : memref<80000x64xbf16, #tpu.memory_space<hbm>>) dst(%arg12 : memref<128x64xbf16, #tpu.memory_space<vmem>>)
      %gt3A = arith.constant 0 : i32
      %gt3A_208 = arith.cmpi sgt, %add3A_194, %gt3A : i32
      %convert_element_type3A = arith.extui %gt3A_208 : i1 to i32
      %cond3A = arith.constant 0 : i32
      %cond3A_209 = arith.cmpi ne, %convert_element_type3A, %cond3A : i32
      scf.if %cond3A_209 {
        %sub3A = arith.constant 1 : i32
        %sub3A_265 = arith.subi %add3A_194, %sub3A : i32
        %dma_wait3A_266 = arith.constant 0 : i32
        %dma_wait3A_267 = tpu.memref_slice %arg9[%sub3A_265, %dma_wait3A_266] : memref<88x128xi32, #tpu.memory_space<vmem>> -> memref<1x128xi32, #tpu.memory_space<vmem>>
        %dma_wait3A_268 = tpu.memref_squeeze %dma_wait3A_267 : memref<1x128xi32, #tpu.memory_space<vmem>> -> memref<128xi32, #tpu.memory_space<vmem>>
        %dma_wait3A_269 = arith.constant 0 : i32
        %dma_wait3A_270 = arith.constant 0 : i32
        %dma_wait3A_271 = tpu.memref_slice %arg16[%dma_wait3A_269, %dma_wait3A_270] : memref<20480x64xf32, #tpu.memory_space<vmem_shared>> -> memref<20480x64xf32, #tpu.memory_space<vmem_shared>>
        tpu.wait_indirect_dma semaphore(%arg18 : memref<!tpu.dma_semaphore, #tpu.memory_space<semaphore_mem>>) src(%arg15 : memref<128x64xf32, #tpu.memory_space<vmem>>) dst(%dma_wait3A_271 : memref<20480x64xf32, #tpu.memory_space<vmem_shared>>)
      } else {
      }
      %lt3A = arith.constant 87 : i32
      %lt3A_210 = arith.cmpi slt, %add3A_194, %lt3A : i32
      %convert_element_type3A_211 = arith.extui %lt3A_210 : i1 to i32
      %cond3A_212 = arith.constant 0 : i32
      %cond3A_213 = arith.cmpi ne, %convert_element_type3A_211, %cond3A_212 : i32
      scf.if %cond3A_213 {
        %add3A_265 = arith.constant 1 : i32
        %add3A_266 = arith.addi %add3A_194, %add3A_265 : i32
        %dma_start3A_267 = arith.constant 3 : i32
        %dma_start3A_268 = arith.constant 0 : i32
        %dma_start3A_269 = tpu.memref_slice %arg4[%add3A, %dma_start3A_267, %add3A_266, %dma_start3A_268] : memref<32x4x88x128xf32, #tpu.memory_space<hbm>> -> memref<1x1x1x128xf32, #tpu.memory_space<hbm>>
        %dma_start3A_270 = tpu.memref_squeeze %dma_start3A_269 : memref<1x1x1x128xf32, #tpu.memory_space<hbm>> -> memref<128xf32, #tpu.memory_space<hbm>>
        %dma_start3A_271 = arith.constant 0 : i32
        %dma_start3A_272 = tpu.memref_slice %arg4[%add3A, %dma_start3A_267, %add3A_266, %dma_start3A_271] : memref<32x4x88x128xf32, #tpu.memory_space<hbm>> -> memref<1x1x1x128xf32, #tpu.memory_space<hbm>>
        %dma_start3A_273 = tpu.memref_squeeze %dma_start3A_272 : memref<1x1x1x128xf32, #tpu.memory_space<hbm>> -> memref<128xf32, #tpu.memory_space<hbm>>
        tpu.enqueue_dma source(%dma_start3A_273 : memref<128xf32, #tpu.memory_space<hbm>>) target(%arg11 : memref<128xf32, #tpu.memory_space<vmem>>) target_semaphore(%arg17 : memref<!tpu.dma_semaphore, #tpu.memory_space<semaphore_mem>>)
        %dma_start3A_274 = arith.constant 0 : i32
        %dma_start3A_275 = tpu.memref_slice %arg8[%add3A_266, %dma_start3A_274] : memref<88x128xi32, #tpu.memory_space<vmem>> -> memref<1x128xi32, #tpu.memory_space<vmem>>
        %dma_start3A_276 = tpu.memref_squeeze %dma_start3A_275 : memref<1x128xi32, #tpu.memory_space<vmem>> -> memref<128xi32, #tpu.memory_space<vmem>>
        %dma_start3A_277 = arith.constant 0 : i32
        %dma_start3A_278 = arith.constant 0 : i32
        %dma_start3A_279 = tpu.memref_slice %arg5[%dma_start3A_277, %dma_start3A_278] : memref<80000x64xbf16, #tpu.memory_space<hbm>> -> memref<80000x64xbf16, #tpu.memory_space<hbm>>
        tpu.enqueue_indirect_dma source(%dma_start3A_279 : memref<80000x64xbf16, #tpu.memory_space<hbm>>) target(%arg13 : memref<128x64xbf16, #tpu.memory_space<vmem>>) offsets(%dma_start3A_276 : memref<128xi32, #tpu.memory_space<vmem>>) semaphore(%arg17 : memref<!tpu.dma_semaphore, #tpu.memory_space<semaphore_mem>>)
      } else {
      }
      %scan3A_214 = arith.constant 0 : i32
      %scan3A_215 = arith.constant 0 : i32
      %scan3A_216 = arith.constant 128 : i32
      %scan3A_217 = arith.addi %scan3A_215, %scan3A_216 : i32
      %scan3A_218 = arith.constant 1 : i32
      scf.for %scan3A_265 = %scan3A_215 to %scan3A_217 step %scan3A_218  : i32 {
        %broadcast_in_dim3A = vector.broadcast %scan3A_265 : i32 to vector<16xi32>
        %gather3A = tpu.vector_load_idx %arg10[%broadcast_in_dim3A] : memref<128xf32, #tpu.memory_space<vmem>>[vector<16xi32>], vector<16xf32>,
        %get3A = arith.index_cast %scan3A_265 : i32 to index
        %get3A_266 = arith.constant 0 : index
        %get3A_267 = tpu.vector_load %arg12[%get3A, %get3A_266] {strides = array<i32>} : memref<128x64xbf16, #tpu.memory_space<vmem>>, vector<32xbf16>,
        %unpack3A = tpu.unpack_subelements %get3A_267, 0 {pack_format = #tpu.pack_format<interleaved>} : vector<32xbf16> -> vector<16xf32>
        %unpack3A_268 = tpu.unpack_subelements %get3A_267, 1 {pack_format = #tpu.pack_format<interleaved>} : vector<32xbf16> -> vector<16xf32>
        %mul3A_269 = arith.mulf %unpack3A, %gather3A : vector<16xf32>
        %swap3A = arith.index_cast %scan3A_265 : i32 to index
        %swap3A_270 = arith.constant 0 : index
        %swap3A_271 = tpu.vector_load %arg14[%swap3A, %swap3A_270] {strides = array<i32>} : memref<128x64xf32, #tpu.memory_space<vmem>>, vector<16xf32>,
        tpu.vector_store %arg14[%swap3A, %swap3A_270], %mul3A_269 {strides = array<i32>} : memref<128x64xf32, #tpu.memory_space<vmem>>, vector<16xf32>,
        %mul3A_272 = arith.mulf %unpack3A_268, %gather3A : vector<16xf32>
        %swap3A_273 = arith.index_cast %scan3A_265 : i32 to index
        %swap3A_274 = arith.constant 16 : index
        %swap3A_275 = tpu.vector_load %arg14[%swap3A_273, %swap3A_274] {strides = array<i32>} : memref<128x64xf32, #tpu.memory_space<vmem>>, vector<16xf32>,
        tpu.vector_store %arg14[%swap3A_273, %swap3A_274], %mul3A_272 {strides = array<i32>} : memref<128x64xf32, #tpu.memory_space<vmem>>, vector<16xf32>,
        %get3A_276 = arith.index_cast %scan3A_265 : i32 to index
        %get3A_277 = arith.constant 32 : index
        %get3A_278 = tpu.vector_load %arg12[%get3A_276, %get3A_277] {strides = array<i32>} : memref<128x64xbf16, #tpu.memory_space<vmem>>, vector<32xbf16>,
        %unpack3A_279 = tpu.unpack_subelements %get3A_278, 0 {pack_format = #tpu.pack_format<interleaved>} : vector<32xbf16> -> vector<16xf32>
        %unpack3A_280 = tpu.unpack_subelements %get3A_278, 1 {pack_format = #tpu.pack_format<interleaved>} : vector<32xbf16> -> vector<16xf32>
        %mul3A_281 = arith.mulf %unpack3A_279, %gather3A : vector<16xf32>
        %swap3A_282 = arith.index_cast %scan3A_265 : i32 to index
        %swap3A_283 = arith.constant 32 : index
        %swap3A_284 = tpu.vector_load %arg14[%swap3A_282, %swap3A_283] {strides = array<i32>} : memref<128x64xf32, #tpu.memory_space<vmem>>, vector<16xf32>,
        tpu.vector_store %arg14[%swap3A_282, %swap3A_283], %mul3A_281 {strides = array<i32>} : memref<128x64xf32, #tpu.memory_space<vmem>>, vector<16xf32>,
        %mul3A_285 = arith.mulf %unpack3A_280, %gather3A : vector<16xf32>
        %swap3A_286 = arith.index_cast %scan3A_265 : i32 to index
        %swap3A_287 = arith.constant 48 : index
        %swap3A_288 = tpu.vector_load %arg14[%swap3A_286, %swap3A_287] {strides = array<i32>} : memref<128x64xf32, #tpu.memory_space<vmem>>, vector<16xf32>,
        tpu.vector_store %arg14[%swap3A_286, %swap3A_287], %mul3A_285 {strides = array<i32>} : memref<128x64xf32, #tpu.memory_space<vmem>>, vector<16xf32>,
      }
      %scan3A_219 = arith.constant 128 : i32
      %dma_start3A_220 = arith.constant 0 : i32
      %dma_start3A_221 = tpu.memref_slice %arg9[%add3A_194, %dma_start3A_220] : memref<88x128xi32, #tpu.memory_space<vmem>> -> memref<1x128xi32, #tpu.memory_space<vmem>>
      %dma_start3A_222 = tpu.memref_squeeze %dma_start3A_221 : memref<1x128xi32, #tpu.memory_space<vmem>> -> memref<128xi32, #tpu.memory_space<vmem>>
      %dma_start3A_223 = arith.constant 0 : i32
      %dma_start3A_224 = arith.constant 0 : i32
      %dma_start3A_225 = tpu.memref_slice %arg16[%dma_start3A_223, %dma_start3A_224] : memref<20480x64xf32, #tpu.memory_space<vmem_shared>> -> memref<20480x64xf32, #tpu.memory_space<vmem_shared>>
      tpu.enqueue_indirect_dma source(%arg14 : memref<128x64xf32, #tpu.memory_space<vmem>>) target(%dma_start3A_225 : memref<20480x64xf32, #tpu.memory_space<vmem_shared>>) offsets(%dma_start3A_222 : memref<128xi32, #tpu.memory_space<vmem>>) semaphore(%arg18 : memref<!tpu.dma_semaphore, #tpu.memory_space<semaphore_mem>>) {add = true}
      %mul3A_226 = arith.constant 2 : i32
      %mul3A_227 = arith.muli %mul3A_226, %scan3A_190 : i32
      %add3A_228 = arith.constant 1 : i32
      %add3A_229 = arith.addi %mul3A_227, %add3A_228 : i32
      %dma_wait3A_230 = arith.constant 3 : i32
      %dma_wait3A_231 = arith.constant 0 : i32
      %dma_wait3A_232 = tpu.memref_slice %arg4[%add3A, %dma_wait3A_230, %add3A_229, %dma_wait3A_231] : memref<32x4x88x128xf32, #tpu.memory_space<hbm>> -> memref<1x1x1x128xf32, #tpu.memory_space<hbm>>
      %dma_wait3A_233 = tpu.memref_squeeze %dma_wait3A_232 : memref<1x1x1x128xf32, #tpu.memory_space<hbm>> -> memref<128xf32, #tpu.memory_space<hbm>>
      %dma_wait3A_234 = arith.constant 0 : i32
      %dma_wait3A_235 = tpu.memref_slice %arg4[%add3A, %dma_wait3A_230, %add3A_229, %dma_wait3A_234] : memref<32x4x88x128xf32, #tpu.memory_space<hbm>> -> memref<1x1x1x128xf32, #tpu.memory_space<hbm>>
      %dma_wait3A_236 = tpu.memref_squeeze %dma_wait3A_235 : memref<1x1x1x128xf32, #tpu.memory_space<hbm>> -> memref<128xf32, #tpu.memory_space<hbm>>
      tpu.wait_dma2 semaphore(%arg17 : memref<!tpu.dma_semaphore, #tpu.memory_space<semaphore_mem>>) src(%dma_wait3A_236 : memref<128xf32, #tpu.memory_space<hbm>>) dst(%arg11 : memref<128xf32, #tpu.memory_space<vmem>>)
      %dma_wait3A_237 = arith.constant 0 : i32
      %dma_wait3A_238 = tpu.memref_slice %arg8[%add3A_229, %dma_wait3A_237] : memref<88x128xi32, #tpu.memory_space<vmem>> -> memref<1x128xi32, #tpu.memory_space<vmem>>
      %dma_wait3A_239 = tpu.memref_squeeze %dma_wait3A_238 : memref<1x128xi32, #tpu.memory_space<vmem>> -> memref<128xi32, #tpu.memory_space<vmem>>
      %dma_wait3A_240 = arith.constant 0 : i32
      %dma_wait3A_241 = arith.constant 0 : i32
      %dma_wait3A_242 = tpu.memref_slice %arg5[%dma_wait3A_240, %dma_wait3A_241] : memref<80000x64xbf16, #tpu.memory_space<hbm>> -> memref<80000x64xbf16, #tpu.memory_space<hbm>>
      tpu.wait_indirect_dma semaphore(%arg17 : memref<!tpu.dma_semaphore, #tpu.memory_space<semaphore_mem>>) src(%dma_wait3A_242 : memref<80000x64xbf16, #tpu.memory_space<hbm>>) dst(%arg13 : memref<128x64xbf16, #tpu.memory_space<vmem>>)
      %gt3A_243 = arith.constant 0 : i32
      %gt3A_244 = arith.cmpi sgt, %add3A_229, %gt3A_243 : i32
      %convert_element_type3A_245 = arith.extui %gt3A_244 : i1 to i32
      %cond3A_246 = arith.constant 0 : i32
      %cond3A_247 = arith.cmpi ne, %convert_element_type3A_245, %cond3A_246 : i32
      scf.if %cond3A_247 {
        %sub3A = arith.constant 1 : i32
        %sub3A_265 = arith.subi %add3A_229, %sub3A : i32
        %dma_wait3A_266 = arith.constant 0 : i32
        %dma_wait3A_267 = tpu.memref_slice %arg9[%sub3A_265, %dma_wait3A_266] : memref<88x128xi32, #tpu.memory_space<vmem>> -> memref<1x128xi32, #tpu.memory_space<vmem>>
        %dma_wait3A_268 = tpu.memref_squeeze %dma_wait3A_267 : memref<1x128xi32, #tpu.memory_space<vmem>> -> memref<128xi32, #tpu.memory_space<vmem>>
        %dma_wait3A_269 = arith.constant 0 : i32
        %dma_wait3A_270 = arith.constant 0 : i32
        %dma_wait3A_271 = tpu.memref_slice %arg16[%dma_wait3A_269, %dma_wait3A_270] : memref<20480x64xf32, #tpu.memory_space<vmem_shared>> -> memref<20480x64xf32, #tpu.memory_space<vmem_shared>>
        tpu.wait_indirect_dma semaphore(%arg18 : memref<!tpu.dma_semaphore, #tpu.memory_space<semaphore_mem>>) src(%arg14 : memref<128x64xf32, #tpu.memory_space<vmem>>) dst(%dma_wait3A_271 : memref<20480x64xf32, #tpu.memory_space<vmem_shared>>)
      } else {
      }
      %lt3A_248 = arith.constant 87 : i32
      %lt3A_249 = arith.cmpi slt, %add3A_229, %lt3A_248 : i32
      %convert_element_type3A_250 = arith.extui %lt3A_249 : i1 to i32
      %cond3A_251 = arith.constant 0 : i32
      %cond3A_252 = arith.cmpi ne, %convert_element_type3A_250, %cond3A_251 : i32
      scf.if %cond3A_252 {
        %add3A_265 = arith.constant 1 : i32
        %add3A_266 = arith.addi %add3A_229, %add3A_265 : i32
        %dma_start3A_267 = arith.constant 3 : i32
        %dma_start3A_268 = arith.constant 0 : i32
        %dma_start3A_269 = tpu.memref_slice %arg4[%add3A, %dma_start3A_267, %add3A_266, %dma_start3A_268] : memref<32x4x88x128xf32, #tpu.memory_space<hbm>> -> memref<1x1x1x128xf32, #tpu.memory_space<hbm>>
        %dma_start3A_270 = tpu.memref_squeeze %dma_start3A_269 : memref<1x1x1x128xf32, #tpu.memory_space<hbm>> -> memref<128xf32, #tpu.memory_space<hbm>>
        %dma_start3A_271 = arith.constant 0 : i32
        %dma_start3A_272 = tpu.memref_slice %arg4[%add3A, %dma_start3A_267, %add3A_266, %dma_start3A_271] : memref<32x4x88x128xf32, #tpu.memory_space<hbm>> -> memref<1x1x1x128xf32, #tpu.memory_space<hbm>>
        %dma_start3A_273 = tpu.memref_squeeze %dma_start3A_272 : memref<1x1x1x128xf32, #tpu.memory_space<hbm>> -> memref<128xf32, #tpu.memory_space<hbm>>
        tpu.enqueue_dma source(%dma_start3A_273 : memref<128xf32, #tpu.memory_space<hbm>>) target(%arg10 : memref<128xf32, #tpu.memory_space<vmem>>) target_semaphore(%arg17 : memref<!tpu.dma_semaphore, #tpu.memory_space<semaphore_mem>>)
        %dma_start3A_274 = arith.constant 0 : i32
        %dma_start3A_275 = tpu.memref_slice %arg8[%add3A_266, %dma_start3A_274] : memref<88x128xi32, #tpu.memory_space<vmem>> -> memref<1x128xi32, #tpu.memory_space<vmem>>
        %dma_start3A_276 = tpu.memref_squeeze %dma_start3A_275 : memref<1x128xi32, #tpu.memory_space<vmem>> -> memref<128xi32, #tpu.memory_space<vmem>>
        %dma_start3A_277 = arith.constant 0 : i32
        %dma_start3A_278 = arith.constant 0 : i32
        %dma_start3A_279 = tpu.memref_slice %arg5[%dma_start3A_277, %dma_start3A_278] : memref<80000x64xbf16, #tpu.memory_space<hbm>> -> memref<80000x64xbf16, #tpu.memory_space<hbm>>
        tpu.enqueue_indirect_dma source(%dma_start3A_279 : memref<80000x64xbf16, #tpu.memory_space<hbm>>) target(%arg12 : memref<128x64xbf16, #tpu.memory_space<vmem>>) offsets(%dma_start3A_276 : memref<128xi32, #tpu.memory_space<vmem>>) semaphore(%arg17 : memref<!tpu.dma_semaphore, #tpu.memory_space<semaphore_mem>>)
      } else {
      }
      %scan3A_253 = arith.constant 0 : i32
      %scan3A_254 = arith.constant 0 : i32
      %scan3A_255 = arith.constant 128 : i32
      %scan3A_256 = arith.addi %scan3A_254, %scan3A_255 : i32
      %scan3A_257 = arith.constant 1 : i32
      scf.for %scan3A_265 = %scan3A_254 to %scan3A_256 step %scan3A_257  : i32 {
        %broadcast_in_dim3A = vector.broadcast %scan3A_265 : i32 to vector<16xi32>
        %gather3A = tpu.vector_load_idx %arg11[%broadcast_in_dim3A] : memref<128xf32, #tpu.memory_space<vmem>>[vector<16xi32>], vector<16xf32>,
        %get3A = arith.index_cast %scan3A_265 : i32 to index
        %get3A_266 = arith.constant 0 : index
        %get3A_267 = tpu.vector_load %arg13[%get3A, %get3A_266] {strides = array<i32>} : memref<128x64xbf16, #tpu.memory_space<vmem>>, vector<32xbf16>,
        %unpack3A = tpu.unpack_subelements %get3A_267, 0 {pack_format = #tpu.pack_format<interleaved>} : vector<32xbf16> -> vector<16xf32>
        %unpack3A_268 = tpu.unpack_subelements %get3A_267, 1 {pack_format = #tpu.pack_format<interleaved>} : vector<32xbf16> -> vector<16xf32>
        %mul3A_269 = arith.mulf %unpack3A, %gather3A : vector<16xf32>
        %swap3A = arith.index_cast %scan3A_265 : i32 to index
        %swap3A_270 = arith.constant 0 : index
        %swap3A_271 = tpu.vector_load %arg15[%swap3A, %swap3A_270] {strides = array<i32>} : memref<128x64xf32, #tpu.memory_space<vmem>>, vector<16xf32>,
        tpu.vector_store %arg15[%swap3A, %swap3A_270], %mul3A_269 {strides = array<i32>} : memref<128x64xf32, #tpu.memory_space<vmem>>, vector<16xf32>,
        %mul3A_272 = arith.mulf %unpack3A_268, %gather3A : vector<16xf32>
        %swap3A_273 = arith.index_cast %scan3A_265 : i32 to index
        %swap3A_274 = arith.constant 16 : index
        %swap3A_275 = tpu.vector_load %arg15[%swap3A_273, %swap3A_274] {strides = array<i32>} : memref<128x64xf32, #tpu.memory_space<vmem>>, vector<16xf32>,
        tpu.vector_store %arg15[%swap3A_273, %swap3A_274], %mul3A_272 {strides = array<i32>} : memref<128x64xf32, #tpu.memory_space<vmem>>, vector<16xf32>,
        %get3A_276 = arith.index_cast %scan3A_265 : i32 to index
        %get3A_277 = arith.constant 32 : index
        %get3A_278 = tpu.vector_load %arg13[%get3A_276, %get3A_277] {strides = array<i32>} : memref<128x64xbf16, #tpu.memory_space<vmem>>, vector<32xbf16>,
        %unpack3A_279 = tpu.unpack_subelements %get3A_278, 0 {pack_format = #tpu.pack_format<interleaved>} : vector<32xbf16> -> vector<16xf32>
        %unpack3A_280 = tpu.unpack_subelements %get3A_278, 1 {pack_format = #tpu.pack_format<interleaved>} : vector<32xbf16> -> vector<16xf32>
        %mul3A_281 = arith.mulf %unpack3A_279, %gather3A : vector<16xf32>
        %swap3A_282 = arith.index_cast %scan3A_265 : i32 to index
        %swap3A_283 = arith.constant 32 : index
        %swap3A_284 = tpu.vector_load %arg15[%swap3A_282, %swap3A_283] {strides = array<i32>} : memref<128x64xf32, #tpu.memory_space<vmem>>, vector<16xf32>,
        tpu.vector_store %arg15[%swap3A_282, %swap3A_283], %mul3A_281 {strides = array<i32>} : memref<128x64xf32, #tpu.memory_space<vmem>>, vector<16xf32>,
        %mul3A_285 = arith.mulf %unpack3A_280, %gather3A : vector<16xf32>
        %swap3A_286 = arith.index_cast %scan3A_265 : i32 to index
        %swap3A_287 = arith.constant 48 : index
        %swap3A_288 = tpu.vector_load %arg15[%swap3A_286, %swap3A_287] {strides = array<i32>} : memref<128x64xf32, #tpu.memory_space<vmem>>, vector<16xf32>,
        tpu.vector_store %arg15[%swap3A_286, %swap3A_287], %mul3A_285 {strides = array<i32>} : memref<128x64xf32, #tpu.memory_space<vmem>>, vector<16xf32>,
      }
      %scan3A_258 = arith.constant 128 : i32
      %dma_start3A_259 = arith.constant 0 : i32
      %dma_start3A_260 = tpu.memref_slice %arg9[%add3A_229, %dma_start3A_259] : memref<88x128xi32, #tpu.memory_space<vmem>> -> memref<1x128xi32, #tpu.memory_space<vmem>>
      %dma_start3A_261 = tpu.memref_squeeze %dma_start3A_260 : memref<1x128xi32, #tpu.memory_space<vmem>> -> memref<128xi32, #tpu.memory_space<vmem>>
      %dma_start3A_262 = arith.constant 0 : i32
      %dma_start3A_263 = arith.constant 0 : i32
      %dma_start3A_264 = tpu.memref_slice %arg16[%dma_start3A_262, %dma_start3A_263] : memref<20480x64xf32, #tpu.memory_space<vmem_shared>> -> memref<20480x64xf32, #tpu.memory_space<vmem_shared>>
      tpu.enqueue_indirect_dma source(%arg15 : memref<128x64xf32, #tpu.memory_space<vmem>>) target(%dma_start3A_264 : memref<20480x64xf32, #tpu.memory_space<vmem_shared>>) offsets(%dma_start3A_261 : memref<128xi32, #tpu.memory_space<vmem>>) semaphore(%arg18 : memref<!tpu.dma_semaphore, #tpu.memory_space<semaphore_mem>>) {add = true}
    }
    %scan3A_172 = arith.constant 44 : i32
    %dma_wait3A_173 = arith.constant 87 : i32
    %dma_wait3A_174 = arith.constant 0 : i32
    %dma_wait3A_175 = tpu.memref_slice %arg9[%dma_wait3A_173, %dma_wait3A_174] : memref<88x128xi32, #tpu.memory_space<vmem>> -> memref<1x128xi32, #tpu.memory_space<vmem>>
    %dma_wait3A_176 = tpu.memref_squeeze %dma_wait3A_175 : memref<1x128xi32, #tpu.memory_space<vmem>> -> memref<128xi32, #tpu.memory_space<vmem>>
    %dma_wait3A_177 = arith.constant 0 : i32
    %dma_wait3A_178 = arith.constant 0 : i32
    %dma_wait3A_179 = tpu.memref_slice %arg16[%dma_wait3A_177, %dma_wait3A_178] : memref<20480x64xf32, #tpu.memory_space<vmem_shared>> -> memref<20480x64xf32, #tpu.memory_space<vmem_shared>>
    tpu.wait_indirect_dma semaphore(%arg18 : memref<!tpu.dma_semaphore, #tpu.memory_space<semaphore_mem>>) src(%arg15 : memref<128x64xf32, #tpu.memory_space<vmem>>) dst(%dma_wait3A_179 : memref<20480x64xf32, #tpu.memory_space<vmem_shared>>)
    %barrier3A_180 = arith.constant 0 : index
    tpu.barrier barrier_id(%barrier3A_180)
    %mul3A_181 = arith.constant 1280 : i32
    %mul3A_182 = arith.muli %arg1, %mul3A_181 : i32
    %mul3A_183 = arith.constant 4 : i32
    %mul3A_184 = arith.muli %arg0, %mul3A_183 : i32
    %add3A_185 = arith.constant 3 : i32
    %add3A_186 = arith.addi %mul3A_184, %add3A_185 : i32
    %mul3A_187 = arith.constant 1280 : i32
    %mul3A_188 = arith.muli %arg1, %mul3A_187 : i32
    "tpu.region"() ({
      %run_scoped3A_190 = tpu.sem_alloc : memref<!tpu.dma_semaphore, #tpu.memory_space<semaphore_mem>>
      %dma_start3A_191 = arith.constant 0 : i32
      %dma_start3A_192 = tpu.memref_slice %arg7[%add3A_186, %mul3A_188, %dma_start3A_191] : memref<8x20480x64xf32, #tpu.memory_space<hbm>> -> memref<1x1280x64xf32, #tpu.memory_space<hbm>>
      %dma_start3A_193 = tpu.memref_squeeze %dma_start3A_192 : memref<1x1280x64xf32, #tpu.memory_space<hbm>> -> memref<1280x64xf32, #tpu.memory_space<hbm>>
      %dma_start3A_194 = arith.constant 0 : i32
      %dma_start3A_195 = tpu.memref_slice %arg16[%mul3A_182, %dma_start3A_194] : memref<20480x64xf32, #tpu.memory_space<vmem_shared>> -> memref<1280x64xf32, #tpu.memory_space<vmem_shared>>
      tpu.enqueue_dma source(%dma_start3A_195 : memref<1280x64xf32, #tpu.memory_space<vmem_shared>>) target(%dma_start3A_193 : memref<1280x64xf32, #tpu.memory_space<hbm>>) target_semaphore(%run_scoped3A_190 : memref<!tpu.dma_semaphore, #tpu.memory_space<semaphore_mem>>)
      %dma_wait3A_196 = arith.constant 0 : i32
      %dma_wait3A_197 = tpu.memref_slice %arg7[%add3A_186, %mul3A_188, %dma_wait3A_196] : memref<8x20480x64xf32, #tpu.memory_space<hbm>> -> memref<1x1280x64xf32, #tpu.memory_space<hbm>>
      %dma_wait3A_198 = tpu.memref_squeeze %dma_wait3A_197 : memref<1x1280x64xf32, #tpu.memory_space<hbm>> -> memref<1280x64xf32, #tpu.memory_space<hbm>>
      %dma_wait3A_199 = arith.constant 0 : i32
      %dma_wait3A_200 = tpu.memref_slice %arg16[%mul3A_182, %dma_wait3A_199] : memref<20480x64xf32, #tpu.memory_space<vmem_shared>> -> memref<1280x64xf32, #tpu.memory_space<vmem_shared>>
      tpu.wait_dma2 semaphore(%run_scoped3A_190 : memref<!tpu.dma_semaphore, #tpu.memory_space<semaphore_mem>>) src(%dma_wait3A_200 : memref<1280x64xf32, #tpu.memory_space<vmem_shared>>) dst(%dma_wait3A_198 : memref<1280x64xf32, #tpu.memory_space<hbm>>)
      tpu.yield
    }) : () -> ()
    %barrier3A_189 = arith.constant 0 : index
    tpu.barrier barrier_id(%barrier3A_189)
    return
  }
}

#map = affine_map<(d0, d1) -> (0, 0)>
#map1 = affine_map<(d0, d1) -> (0, 0, 0)>
module attributes {stable_mosaic.version = 14 : i64} {
  func.func @_att_kernel(%arg0: i32, %arg1: i32, %arg2: memref<2816x128xi32, #tpu.memory_space<hbm>>, %arg3: memref<2816x128xi32, #tpu.memory_space<hbm>>, %arg4: memref<20480x16xf32, #tpu.memory_space<hbm>>, %arg5: memref<20480x16xf32, #tpu.memory_space<hbm>>, %arg6: memref<1280x16xf32, #tpu.memory_space<hbm>>, %arg7: memref<32x45056xf32, #tpu.memory_space<hbm>>, %arg8: memref<2x20480x16xf32, #tpu.memory_space<hbm>>, %arg9: memref<88x128xi32, #tpu.memory_space<vmem>>, %arg10: memref<88x128xi32, #tpu.memory_space<vmem>>, %arg11: memref<128x16xf32, #tpu.memory_space<vmem>>, %arg12: memref<128x16xf32, #tpu.memory_space<vmem>>, %arg13: memref<128x16xf32, #tpu.memory_space<vmem>>, %arg14: memref<128x16xf32, #tpu.memory_space<vmem>>, %arg15: memref<128x16xf32, #tpu.memory_space<vmem>>, %arg16: memref<128x16xf32, #tpu.memory_space<vmem>>, %arg17: memref<45056xf32, #tpu.memory_space<vmem>>, %arg18: memref<20480x16xf32, #tpu.memory_space<vmem_shared>>, %arg19: memref<!tpu.dma_semaphore, #tpu.memory_space<semaphore_mem>>, %arg20: memref<!tpu.dma_semaphore, #tpu.memory_space<semaphore_mem>>) attributes {dimension_semantics = [#tpu.dimension_semantics<core_parallel>, #tpu.dimension_semantics<subcore_parallel>], iteration_bounds = array<i64: 2, 16>, scalar_prefetch = 0 : i64, scratch_operands = 12 : i64, tpu.core_type = #tpu.core_type<sc_vector_subcore>, window_params = [{transform_indices = #map}, {transform_indices = #map}, {transform_indices = #map}, {transform_indices = #map}, {transform_indices = #map}, {transform_indices = #map}, {transform_indices = #map1}]} {
    %mul3A = arith.constant 16 : i32
    %mul3A_0 = arith.muli %arg0, %mul3A : i32
    %add3A = arith.addi %mul3A_0, %arg1 : i32
    %iota3A = tpu.iota {dimensions = array<i32: 0>} : vector<16xi32>
    %lt3A = arith.constant 4 : i32
    %lt3A_1 = vector.broadcast %lt3A : i32 to vector<16xi32>
    %lt3A_2 = arith.cmpi slt, %iota3A, %lt3A_1 : vector<16xi32>
    %jit3A = arith.constant 3 : i32
    %broadcast_in_dim3A = vector.broadcast %jit3A : i32 to vector<16xi32>
    %select_n3A = arith.select %lt3A_2, %iota3A, %broadcast_in_dim3A : vector<16xi1>, vector<16xi32>
    %mul3A_3 = arith.constant 88 : i32
    %mul3A_4 = arith.muli %add3A, %mul3A_3 : i32
    "tpu.region"() ({
      %run_scoped3A = tpu.sem_alloc : memref<!tpu.dma_semaphore, #tpu.memory_space<semaphore_mem>>
      %dma_start3A_42 = arith.constant 0 : i32
      %dma_start3A_43 = tpu.memref_slice %arg2[%mul3A_4, %dma_start3A_42] : memref<2816x128xi32, #tpu.memory_space<hbm>> -> memref<88x128xi32, #tpu.memory_space<hbm>>
      %dma_start3A_44 = arith.constant 0 : i32
      %dma_start3A_45 = tpu.memref_slice %arg2[%mul3A_4, %dma_start3A_44] : memref<2816x128xi32, #tpu.memory_space<hbm>> -> memref<88x128xi32, #tpu.memory_space<hbm>>
      tpu.enqueue_dma source(%dma_start3A_45 : memref<88x128xi32, #tpu.memory_space<hbm>>) target(%arg9 : memref<88x128xi32, #tpu.memory_space<vmem>>) target_semaphore(%run_scoped3A : memref<!tpu.dma_semaphore, #tpu.memory_space<semaphore_mem>>)
      %dma_wait3A_46 = arith.constant 0 : i32
      %dma_wait3A_47 = tpu.memref_slice %arg2[%mul3A_4, %dma_wait3A_46] : memref<2816x128xi32, #tpu.memory_space<hbm>> -> memref<88x128xi32, #tpu.memory_space<hbm>>
      %dma_wait3A_48 = arith.constant 0 : i32
      %dma_wait3A_49 = tpu.memref_slice %arg2[%mul3A_4, %dma_wait3A_48] : memref<2816x128xi32, #tpu.memory_space<hbm>> -> memref<88x128xi32, #tpu.memory_space<hbm>>
      tpu.wait_dma2 semaphore(%run_scoped3A : memref<!tpu.dma_semaphore, #tpu.memory_space<semaphore_mem>>) src(%dma_wait3A_49 : memref<88x128xi32, #tpu.memory_space<hbm>>) dst(%arg9 : memref<88x128xi32, #tpu.memory_space<vmem>>)
      tpu.yield
    }) : () -> ()
    %mul3A_5 = arith.constant 88 : i32
    %mul3A_6 = arith.muli %add3A, %mul3A_5 : i32
    "tpu.region"() ({
      %run_scoped3A = tpu.sem_alloc : memref<!tpu.dma_semaphore, #tpu.memory_space<semaphore_mem>>
      %dma_start3A_42 = arith.constant 0 : i32
      %dma_start3A_43 = tpu.memref_slice %arg3[%mul3A_6, %dma_start3A_42] : memref<2816x128xi32, #tpu.memory_space<hbm>> -> memref<88x128xi32, #tpu.memory_space<hbm>>
      %dma_start3A_44 = arith.constant 0 : i32
      %dma_start3A_45 = tpu.memref_slice %arg3[%mul3A_6, %dma_start3A_44] : memref<2816x128xi32, #tpu.memory_space<hbm>> -> memref<88x128xi32, #tpu.memory_space<hbm>>
      tpu.enqueue_dma source(%dma_start3A_45 : memref<88x128xi32, #tpu.memory_space<hbm>>) target(%arg10 : memref<88x128xi32, #tpu.memory_space<vmem>>) target_semaphore(%run_scoped3A : memref<!tpu.dma_semaphore, #tpu.memory_space<semaphore_mem>>)
      %dma_wait3A_46 = arith.constant 0 : i32
      %dma_wait3A_47 = tpu.memref_slice %arg3[%mul3A_6, %dma_wait3A_46] : memref<2816x128xi32, #tpu.memory_space<hbm>> -> memref<88x128xi32, #tpu.memory_space<hbm>>
      %dma_wait3A_48 = arith.constant 0 : i32
      %dma_wait3A_49 = tpu.memref_slice %arg3[%mul3A_6, %dma_wait3A_48] : memref<2816x128xi32, #tpu.memory_space<hbm>> -> memref<88x128xi32, #tpu.memory_space<hbm>>
      tpu.wait_dma2 semaphore(%run_scoped3A : memref<!tpu.dma_semaphore, #tpu.memory_space<semaphore_mem>>) src(%dma_wait3A_49 : memref<88x128xi32, #tpu.memory_space<hbm>>) dst(%arg10 : memref<88x128xi32, #tpu.memory_space<vmem>>)
      tpu.yield
    }) : () -> ()
    %scan3A = arith.constant 0 : i32
    %scan3A_7 = arith.constant 0 : i32
    %scan3A_8 = arith.constant 10 : i32
    %scan3A_9 = arith.addi %scan3A_7, %scan3A_8 : i32
    %scan3A_10 = arith.constant 1 : i32
    scf.for %scan3A_42 = %scan3A_7 to %scan3A_9 step %scan3A_10  : i32 {
      %mul3A_43 = arith.constant 128 : i32
      %mul3A_44 = arith.muli %scan3A_42, %mul3A_43 : i32
      %mul3A_45 = arith.constant 1280 : i32
      %mul3A_46 = arith.muli %arg1, %mul3A_45 : i32
      %mul3A_47 = arith.constant 128 : i32
      %mul3A_48 = arith.muli %scan3A_42, %mul3A_47 : i32
      %add3A_49 = arith.addi %mul3A_46, %mul3A_48 : i32
      "tpu.region"() ({
        %run_scoped3A = tpu.sem_alloc : memref<!tpu.dma_semaphore, #tpu.memory_space<semaphore_mem>>
        %dma_start3A_50 = arith.constant 0 : i32
        %dma_start3A_51 = tpu.memref_slice %arg18[%add3A_49, %dma_start3A_50] : memref<20480x16xf32, #tpu.memory_space<vmem_shared>> -> memref<128x16xf32, #tpu.memory_space<vmem_shared>>
        %dma_start3A_52 = arith.constant 0 : i32
        %dma_start3A_53 = tpu.memref_slice %arg6[%mul3A_44, %dma_start3A_52] : memref<1280x16xf32, #tpu.memory_space<hbm>> -> memref<128x16xf32, #tpu.memory_space<hbm>>
        tpu.enqueue_dma source(%dma_start3A_53 : memref<128x16xf32, #tpu.memory_space<hbm>>) target(%dma_start3A_51 : memref<128x16xf32, #tpu.memory_space<vmem_shared>>) target_semaphore(%run_scoped3A : memref<!tpu.dma_semaphore, #tpu.memory_space<semaphore_mem>>)
        %dma_wait3A_54 = arith.constant 0 : i32
        %dma_wait3A_55 = tpu.memref_slice %arg18[%add3A_49, %dma_wait3A_54] : memref<20480x16xf32, #tpu.memory_space<vmem_shared>> -> memref<128x16xf32, #tpu.memory_space<vmem_shared>>
        %dma_wait3A_56 = arith.constant 0 : i32
        %dma_wait3A_57 = tpu.memref_slice %arg6[%mul3A_44, %dma_wait3A_56] : memref<1280x16xf32, #tpu.memory_space<hbm>> -> memref<128x16xf32, #tpu.memory_space<hbm>>
        tpu.wait_dma2 semaphore(%run_scoped3A : memref<!tpu.dma_semaphore, #tpu.memory_space<semaphore_mem>>) src(%dma_wait3A_57 : memref<128x16xf32, #tpu.memory_space<hbm>>) dst(%dma_wait3A_55 : memref<128x16xf32, #tpu.memory_space<vmem_shared>>)
        tpu.yield
      }) : () -> ()
    }
    %scan3A_11 = arith.constant 10 : i32
    %barrier3A = arith.constant 0 : index
    tpu.barrier barrier_id(%barrier3A)
    %dma_start3A = arith.constant 0 : i32
    %dma_start3A_12 = arith.constant 0 : i32
    %dma_start3A_13 = tpu.memref_slice %arg9[%dma_start3A, %dma_start3A_12] : memref<88x128xi32, #tpu.memory_space<vmem>> -> memref<1x128xi32, #tpu.memory_space<vmem>>
    %dma_start3A_14 = tpu.memref_squeeze %dma_start3A_13 : memref<1x128xi32, #tpu.memory_space<vmem>> -> memref<128xi32, #tpu.memory_space<vmem>>
    %dma_start3A_15 = arith.constant 0 : i32
    %dma_start3A_16 = arith.constant 0 : i32
    %dma_start3A_17 = tpu.memref_slice %arg4[%dma_start3A_15, %dma_start3A_16] : memref<20480x16xf32, #tpu.memory_space<hbm>> -> memref<20480x16xf32, #tpu.memory_space<hbm>>
    tpu.enqueue_indirect_dma source(%dma_start3A_17 : memref<20480x16xf32, #tpu.memory_space<hbm>>) target(%arg11 : memref<128x16xf32, #tpu.memory_space<vmem>>) offsets(%dma_start3A_14 : memref<128xi32, #tpu.memory_space<vmem>>) semaphore(%arg19 : memref<!tpu.dma_semaphore, #tpu.memory_space<semaphore_mem>>)
    %dma_start3A_18 = arith.constant 0 : i32
    %dma_start3A_19 = arith.constant 0 : i32
    %dma_start3A_20 = tpu.memref_slice %arg10[%dma_start3A_18, %dma_start3A_19] : memref<88x128xi32, #tpu.memory_space<vmem>> -> memref<1x128xi32, #tpu.memory_space<vmem>>
    %dma_start3A_21 = tpu.memref_squeeze %dma_start3A_20 : memref<1x128xi32, #tpu.memory_space<vmem>> -> memref<128xi32, #tpu.memory_space<vmem>>
    %dma_start3A_22 = arith.constant 0 : i32
    %dma_start3A_23 = arith.constant 0 : i32
    %dma_start3A_24 = tpu.memref_slice %arg5[%dma_start3A_22, %dma_start3A_23] : memref<20480x16xf32, #tpu.memory_space<hbm>> -> memref<20480x16xf32, #tpu.memory_space<hbm>>
    tpu.enqueue_indirect_dma source(%dma_start3A_24 : memref<20480x16xf32, #tpu.memory_space<hbm>>) target(%arg13 : memref<128x16xf32, #tpu.memory_space<vmem>>) offsets(%dma_start3A_21 : memref<128xi32, #tpu.memory_space<vmem>>) semaphore(%arg19 : memref<!tpu.dma_semaphore, #tpu.memory_space<semaphore_mem>>)
    %scan3A_25 = arith.constant 0 : i32
    %scan3A_26 = arith.constant 0 : i32
    %scan3A_27 = arith.constant 44 : i32
    %scan3A_28 = arith.addi %scan3A_26, %scan3A_27 : i32
    %scan3A_29 = arith.constant 1 : i32
    scf.for %scan3A_42 = %scan3A_26 to %scan3A_28 step %scan3A_29  : i32 {
      %mul3A_43 = arith.constant 2 : i32
      %mul3A_44 = arith.muli %mul3A_43, %scan3A_42 : i32
      %add3A_45 = arith.constant 0 : i32
      %add3A_46 = arith.addi %mul3A_44, %add3A_45 : i32
      %dma_wait3A_47 = arith.constant 0 : i32
      %dma_wait3A_48 = tpu.memref_slice %arg9[%add3A_46, %dma_wait3A_47] : memref<88x128xi32, #tpu.memory_space<vmem>> -> memref<1x128xi32, #tpu.memory_space<vmem>>
      %dma_wait3A_49 = tpu.memref_squeeze %dma_wait3A_48 : memref<1x128xi32, #tpu.memory_space<vmem>> -> memref<128xi32, #tpu.memory_space<vmem>>
      %dma_wait3A_50 = arith.constant 0 : i32
      %dma_wait3A_51 = arith.constant 0 : i32
      %dma_wait3A_52 = tpu.memref_slice %arg4[%dma_wait3A_50, %dma_wait3A_51] : memref<20480x16xf32, #tpu.memory_space<hbm>> -> memref<20480x16xf32, #tpu.memory_space<hbm>>
      tpu.wait_indirect_dma semaphore(%arg19 : memref<!tpu.dma_semaphore, #tpu.memory_space<semaphore_mem>>) src(%dma_wait3A_52 : memref<20480x16xf32, #tpu.memory_space<hbm>>) dst(%arg11 : memref<128x16xf32, #tpu.memory_space<vmem>>)
      %dma_wait3A_53 = arith.constant 0 : i32
      %dma_wait3A_54 = tpu.memref_slice %arg10[%add3A_46, %dma_wait3A_53] : memref<88x128xi32, #tpu.memory_space<vmem>> -> memref<1x128xi32, #tpu.memory_space<vmem>>
      %dma_wait3A_55 = tpu.memref_squeeze %dma_wait3A_54 : memref<1x128xi32, #tpu.memory_space<vmem>> -> memref<128xi32, #tpu.memory_space<vmem>>
      %dma_wait3A_56 = arith.constant 0 : i32
      %dma_wait3A_57 = arith.constant 0 : i32
      %dma_wait3A_58 = tpu.memref_slice %arg5[%dma_wait3A_56, %dma_wait3A_57] : memref<20480x16xf32, #tpu.memory_space<hbm>> -> memref<20480x16xf32, #tpu.memory_space<hbm>>
      tpu.wait_indirect_dma semaphore(%arg19 : memref<!tpu.dma_semaphore, #tpu.memory_space<semaphore_mem>>) src(%dma_wait3A_58 : memref<20480x16xf32, #tpu.memory_space<hbm>>) dst(%arg13 : memref<128x16xf32, #tpu.memory_space<vmem>>)
      %gt3A = arith.constant 0 : i32
      %gt3A_59 = arith.cmpi sgt, %add3A_46, %gt3A : i32
      %convert_element_type3A = arith.extui %gt3A_59 : i1 to i32
      %cond3A = arith.constant 0 : i32
      %cond3A_60 = arith.cmpi ne, %convert_element_type3A, %cond3A : i32
      scf.if %cond3A_60 {
        %sub3A = arith.constant 1 : i32
        %sub3A_116 = arith.subi %add3A_46, %sub3A : i32
        %dma_wait3A_117 = arith.constant 0 : i32
        %dma_wait3A_118 = tpu.memref_slice %arg10[%sub3A_116, %dma_wait3A_117] : memref<88x128xi32, #tpu.memory_space<vmem>> -> memref<1x128xi32, #tpu.memory_space<vmem>>
        %dma_wait3A_119 = tpu.memref_squeeze %dma_wait3A_118 : memref<1x128xi32, #tpu.memory_space<vmem>> -> memref<128xi32, #tpu.memory_space<vmem>>
        %dma_wait3A_120 = arith.constant 0 : i32
        %dma_wait3A_121 = arith.constant 0 : i32
        %dma_wait3A_122 = tpu.memref_slice %arg18[%dma_wait3A_120, %dma_wait3A_121] : memref<20480x16xf32, #tpu.memory_space<vmem_shared>> -> memref<20480x16xf32, #tpu.memory_space<vmem_shared>>
        tpu.wait_indirect_dma semaphore(%arg20 : memref<!tpu.dma_semaphore, #tpu.memory_space<semaphore_mem>>) src(%arg16 : memref<128x16xf32, #tpu.memory_space<vmem>>) dst(%dma_wait3A_122 : memref<20480x16xf32, #tpu.memory_space<vmem_shared>>)
      } else {
      }
      %lt3A_61 = arith.constant 87 : i32
      %lt3A_62 = arith.cmpi slt, %add3A_46, %lt3A_61 : i32
      %convert_element_type3A_63 = arith.extui %lt3A_62 : i1 to i32
      %cond3A_64 = arith.constant 0 : i32
      %cond3A_65 = arith.cmpi ne, %convert_element_type3A_63, %cond3A_64 : i32
      scf.if %cond3A_65 {
        %add3A_116 = arith.constant 1 : i32
        %add3A_117 = arith.addi %add3A_46, %add3A_116 : i32
        %dma_start3A_118 = arith.constant 0 : i32
        %dma_start3A_119 = tpu.memref_slice %arg9[%add3A_117, %dma_start3A_118] : memref<88x128xi32, #tpu.memory_space<vmem>> -> memref<1x128xi32, #tpu.memory_space<vmem>>
        %dma_start3A_120 = tpu.memref_squeeze %dma_start3A_119 : memref<1x128xi32, #tpu.memory_space<vmem>> -> memref<128xi32, #tpu.memory_space<vmem>>
        %dma_start3A_121 = arith.constant 0 : i32
        %dma_start3A_122 = arith.constant 0 : i32
        %dma_start3A_123 = tpu.memref_slice %arg4[%dma_start3A_121, %dma_start3A_122] : memref<20480x16xf32, #tpu.memory_space<hbm>> -> memref<20480x16xf32, #tpu.memory_space<hbm>>
        tpu.enqueue_indirect_dma source(%dma_start3A_123 : memref<20480x16xf32, #tpu.memory_space<hbm>>) target(%arg12 : memref<128x16xf32, #tpu.memory_space<vmem>>) offsets(%dma_start3A_120 : memref<128xi32, #tpu.memory_space<vmem>>) semaphore(%arg19 : memref<!tpu.dma_semaphore, #tpu.memory_space<semaphore_mem>>)
        %dma_start3A_124 = arith.constant 0 : i32
        %dma_start3A_125 = tpu.memref_slice %arg10[%add3A_117, %dma_start3A_124] : memref<88x128xi32, #tpu.memory_space<vmem>> -> memref<1x128xi32, #tpu.memory_space<vmem>>
        %dma_start3A_126 = tpu.memref_squeeze %dma_start3A_125 : memref<1x128xi32, #tpu.memory_space<vmem>> -> memref<128xi32, #tpu.memory_space<vmem>>
        %dma_start3A_127 = arith.constant 0 : i32
        %dma_start3A_128 = arith.constant 0 : i32
        %dma_start3A_129 = tpu.memref_slice %arg5[%dma_start3A_127, %dma_start3A_128] : memref<20480x16xf32, #tpu.memory_space<hbm>> -> memref<20480x16xf32, #tpu.memory_space<hbm>>
        tpu.enqueue_indirect_dma source(%dma_start3A_129 : memref<20480x16xf32, #tpu.memory_space<hbm>>) target(%arg14 : memref<128x16xf32, #tpu.memory_space<vmem>>) offsets(%dma_start3A_126 : memref<128xi32, #tpu.memory_space<vmem>>) semaphore(%arg19 : memref<!tpu.dma_semaphore, #tpu.memory_space<semaphore_mem>>)
      } else {
      }
      %scan3A_66 = arith.constant 0 : i32
      %scan3A_67 = arith.constant 0 : i32
      %scan3A_68 = arith.constant 128 : i32
      %scan3A_69 = arith.addi %scan3A_67, %scan3A_68 : i32
      %scan3A_70 = arith.constant 1 : i32
      scf.for %scan3A_116 = %scan3A_67 to %scan3A_69 step %scan3A_70  : i32 {
        %get3A = arith.index_cast %scan3A_116 : i32 to index
        %get3A_117 = arith.constant 0 : index
        %get3A_118 = tpu.vector_load %arg11[%get3A, %get3A_117] {strides = array<i32>} : memref<128x16xf32, #tpu.memory_space<vmem>>, vector<16xf32>,
        %get3A_119 = arith.index_cast %scan3A_116 : i32 to index
        %get3A_120 = arith.constant 0 : index
        %get3A_121 = tpu.vector_load %arg13[%get3A_119, %get3A_120] {strides = array<i32>} : memref<128x16xf32, #tpu.memory_space<vmem>>, vector<16xf32>,
        %add3A_122 = arith.addf %get3A_118, %get3A_121 : vector<16xf32>
        %gt3A_123 = arith.constant 0.000000e+00 : f32
        %gt3A_124 = vector.broadcast %gt3A_123 : f32 to vector<16xf32>
        %gt3A_125 = arith.cmpf ogt, %add3A_122, %gt3A_124 : vector<16xf32>
        %mul3A_126 = arith.constant 2.000000e-01 : f32
        %mul3A_127 = vector.broadcast %mul3A_126 : f32 to vector<16xf32>
        %mul3A_128 = arith.mulf %mul3A_127, %add3A_122 : vector<16xf32>
        %select_n3A_129 = arith.select %gt3A_125, %add3A_122, %mul3A_128 : vector<16xi1>, vector<16xf32>
        %exp3A = math.exp %select_n3A_129 : vector<16xf32>
        %swap3A = arith.index_cast %scan3A_116 : i32 to index
        %swap3A_130 = arith.constant 0 : index
        %swap3A_131 = tpu.vector_load %arg15[%swap3A, %swap3A_130] {strides = array<i32>} : memref<128x16xf32, #tpu.memory_space<vmem>>, vector<16xf32>,
        tpu.vector_store %arg15[%swap3A, %swap3A_130], %exp3A {strides = array<i32>} : memref<128x16xf32, #tpu.memory_space<vmem>>, vector<16xf32>,
        %mul3A_132 = arith.constant 11264 : i32
        %mul3A_133 = vector.broadcast %mul3A_132 : i32 to vector<16xi32>
        %mul3A_134 = arith.muli %select_n3A, %mul3A_133 : vector<16xi32>
        %mul3A_135 = arith.constant 128 : i32
        %mul3A_136 = arith.muli %add3A_46, %mul3A_135 : i32
        %add3A_137 = vector.broadcast %mul3A_136 : i32 to vector<16xi32>
        %add3A_138 = arith.addi %mul3A_134, %add3A_137 : vector<16xi32>
        %add3A_139 = vector.broadcast %scan3A_116 : i32 to vector<16xi32>
        %add3A_140 = arith.addi %add3A_138, %add3A_139 : vector<16xi32>
        tpu.vector_store_idx %arg17[%add3A_140], %exp3A masked %lt3A_2 : memref<45056xf32, #tpu.memory_space<vmem>>[vector<16xi32>], vector<16xf32>, vector<16xi1>
      }
      %scan3A_71 = arith.constant 128 : i32
      %dma_start3A_72 = arith.constant 0 : i32
      %dma_start3A_73 = tpu.memref_slice %arg10[%add3A_46, %dma_start3A_72] : memref<88x128xi32, #tpu.memory_space<vmem>> -> memref<1x128xi32, #tpu.memory_space<vmem>>
      %dma_start3A_74 = tpu.memref_squeeze %dma_start3A_73 : memref<1x128xi32, #tpu.memory_space<vmem>> -> memref<128xi32, #tpu.memory_space<vmem>>
      %dma_start3A_75 = arith.constant 0 : i32
      %dma_start3A_76 = arith.constant 0 : i32
      %dma_start3A_77 = tpu.memref_slice %arg18[%dma_start3A_75, %dma_start3A_76] : memref<20480x16xf32, #tpu.memory_space<vmem_shared>> -> memref<20480x16xf32, #tpu.memory_space<vmem_shared>>
      tpu.enqueue_indirect_dma source(%arg15 : memref<128x16xf32, #tpu.memory_space<vmem>>) target(%dma_start3A_77 : memref<20480x16xf32, #tpu.memory_space<vmem_shared>>) offsets(%dma_start3A_74 : memref<128xi32, #tpu.memory_space<vmem>>) semaphore(%arg20 : memref<!tpu.dma_semaphore, #tpu.memory_space<semaphore_mem>>) {add = true}
      %mul3A_78 = arith.constant 2 : i32
      %mul3A_79 = arith.muli %mul3A_78, %scan3A_42 : i32
      %add3A_80 = arith.constant 1 : i32
      %add3A_81 = arith.addi %mul3A_79, %add3A_80 : i32
      %dma_wait3A_82 = arith.constant 0 : i32
      %dma_wait3A_83 = tpu.memref_slice %arg9[%add3A_81, %dma_wait3A_82] : memref<88x128xi32, #tpu.memory_space<vmem>> -> memref<1x128xi32, #tpu.memory_space<vmem>>
      %dma_wait3A_84 = tpu.memref_squeeze %dma_wait3A_83 : memref<1x128xi32, #tpu.memory_space<vmem>> -> memref<128xi32, #tpu.memory_space<vmem>>
      %dma_wait3A_85 = arith.constant 0 : i32
      %dma_wait3A_86 = arith.constant 0 : i32
      %dma_wait3A_87 = tpu.memref_slice %arg4[%dma_wait3A_85, %dma_wait3A_86] : memref<20480x16xf32, #tpu.memory_space<hbm>> -> memref<20480x16xf32, #tpu.memory_space<hbm>>
      tpu.wait_indirect_dma semaphore(%arg19 : memref<!tpu.dma_semaphore, #tpu.memory_space<semaphore_mem>>) src(%dma_wait3A_87 : memref<20480x16xf32, #tpu.memory_space<hbm>>) dst(%arg12 : memref<128x16xf32, #tpu.memory_space<vmem>>)
      %dma_wait3A_88 = arith.constant 0 : i32
      %dma_wait3A_89 = tpu.memref_slice %arg10[%add3A_81, %dma_wait3A_88] : memref<88x128xi32, #tpu.memory_space<vmem>> -> memref<1x128xi32, #tpu.memory_space<vmem>>
      %dma_wait3A_90 = tpu.memref_squeeze %dma_wait3A_89 : memref<1x128xi32, #tpu.memory_space<vmem>> -> memref<128xi32, #tpu.memory_space<vmem>>
      %dma_wait3A_91 = arith.constant 0 : i32
      %dma_wait3A_92 = arith.constant 0 : i32
      %dma_wait3A_93 = tpu.memref_slice %arg5[%dma_wait3A_91, %dma_wait3A_92] : memref<20480x16xf32, #tpu.memory_space<hbm>> -> memref<20480x16xf32, #tpu.memory_space<hbm>>
      tpu.wait_indirect_dma semaphore(%arg19 : memref<!tpu.dma_semaphore, #tpu.memory_space<semaphore_mem>>) src(%dma_wait3A_93 : memref<20480x16xf32, #tpu.memory_space<hbm>>) dst(%arg14 : memref<128x16xf32, #tpu.memory_space<vmem>>)
      %gt3A_94 = arith.constant 0 : i32
      %gt3A_95 = arith.cmpi sgt, %add3A_81, %gt3A_94 : i32
      %convert_element_type3A_96 = arith.extui %gt3A_95 : i1 to i32
      %cond3A_97 = arith.constant 0 : i32
      %cond3A_98 = arith.cmpi ne, %convert_element_type3A_96, %cond3A_97 : i32
      scf.if %cond3A_98 {
        %sub3A = arith.constant 1 : i32
        %sub3A_116 = arith.subi %add3A_81, %sub3A : i32
        %dma_wait3A_117 = arith.constant 0 : i32
        %dma_wait3A_118 = tpu.memref_slice %arg10[%sub3A_116, %dma_wait3A_117] : memref<88x128xi32, #tpu.memory_space<vmem>> -> memref<1x128xi32, #tpu.memory_space<vmem>>
        %dma_wait3A_119 = tpu.memref_squeeze %dma_wait3A_118 : memref<1x128xi32, #tpu.memory_space<vmem>> -> memref<128xi32, #tpu.memory_space<vmem>>
        %dma_wait3A_120 = arith.constant 0 : i32
        %dma_wait3A_121 = arith.constant 0 : i32
        %dma_wait3A_122 = tpu.memref_slice %arg18[%dma_wait3A_120, %dma_wait3A_121] : memref<20480x16xf32, #tpu.memory_space<vmem_shared>> -> memref<20480x16xf32, #tpu.memory_space<vmem_shared>>
        tpu.wait_indirect_dma semaphore(%arg20 : memref<!tpu.dma_semaphore, #tpu.memory_space<semaphore_mem>>) src(%arg15 : memref<128x16xf32, #tpu.memory_space<vmem>>) dst(%dma_wait3A_122 : memref<20480x16xf32, #tpu.memory_space<vmem_shared>>)
      } else {
      }
      %lt3A_99 = arith.constant 87 : i32
      %lt3A_100 = arith.cmpi slt, %add3A_81, %lt3A_99 : i32
      %convert_element_type3A_101 = arith.extui %lt3A_100 : i1 to i32
      %cond3A_102 = arith.constant 0 : i32
      %cond3A_103 = arith.cmpi ne, %convert_element_type3A_101, %cond3A_102 : i32
      scf.if %cond3A_103 {
        %add3A_116 = arith.constant 1 : i32
        %add3A_117 = arith.addi %add3A_81, %add3A_116 : i32
        %dma_start3A_118 = arith.constant 0 : i32
        %dma_start3A_119 = tpu.memref_slice %arg9[%add3A_117, %dma_start3A_118] : memref<88x128xi32, #tpu.memory_space<vmem>> -> memref<1x128xi32, #tpu.memory_space<vmem>>
        %dma_start3A_120 = tpu.memref_squeeze %dma_start3A_119 : memref<1x128xi32, #tpu.memory_space<vmem>> -> memref<128xi32, #tpu.memory_space<vmem>>
        %dma_start3A_121 = arith.constant 0 : i32
        %dma_start3A_122 = arith.constant 0 : i32
        %dma_start3A_123 = tpu.memref_slice %arg4[%dma_start3A_121, %dma_start3A_122] : memref<20480x16xf32, #tpu.memory_space<hbm>> -> memref<20480x16xf32, #tpu.memory_space<hbm>>
        tpu.enqueue_indirect_dma source(%dma_start3A_123 : memref<20480x16xf32, #tpu.memory_space<hbm>>) target(%arg11 : memref<128x16xf32, #tpu.memory_space<vmem>>) offsets(%dma_start3A_120 : memref<128xi32, #tpu.memory_space<vmem>>) semaphore(%arg19 : memref<!tpu.dma_semaphore, #tpu.memory_space<semaphore_mem>>)
        %dma_start3A_124 = arith.constant 0 : i32
        %dma_start3A_125 = tpu.memref_slice %arg10[%add3A_117, %dma_start3A_124] : memref<88x128xi32, #tpu.memory_space<vmem>> -> memref<1x128xi32, #tpu.memory_space<vmem>>
        %dma_start3A_126 = tpu.memref_squeeze %dma_start3A_125 : memref<1x128xi32, #tpu.memory_space<vmem>> -> memref<128xi32, #tpu.memory_space<vmem>>
        %dma_start3A_127 = arith.constant 0 : i32
        %dma_start3A_128 = arith.constant 0 : i32
        %dma_start3A_129 = tpu.memref_slice %arg5[%dma_start3A_127, %dma_start3A_128] : memref<20480x16xf32, #tpu.memory_space<hbm>> -> memref<20480x16xf32, #tpu.memory_space<hbm>>
        tpu.enqueue_indirect_dma source(%dma_start3A_129 : memref<20480x16xf32, #tpu.memory_space<hbm>>) target(%arg13 : memref<128x16xf32, #tpu.memory_space<vmem>>) offsets(%dma_start3A_126 : memref<128xi32, #tpu.memory_space<vmem>>) semaphore(%arg19 : memref<!tpu.dma_semaphore, #tpu.memory_space<semaphore_mem>>)
      } else {
      }
      %scan3A_104 = arith.constant 0 : i32
      %scan3A_105 = arith.constant 0 : i32
      %scan3A_106 = arith.constant 128 : i32
      %scan3A_107 = arith.addi %scan3A_105, %scan3A_106 : i32
      %scan3A_108 = arith.constant 1 : i32
      scf.for %scan3A_116 = %scan3A_105 to %scan3A_107 step %scan3A_108  : i32 {
        %get3A = arith.index_cast %scan3A_116 : i32 to index
        %get3A_117 = arith.constant 0 : index
        %get3A_118 = tpu.vector_load %arg12[%get3A, %get3A_117] {strides = array<i32>} : memref<128x16xf32, #tpu.memory_space<vmem>>, vector<16xf32>,
        %get3A_119 = arith.index_cast %scan3A_116 : i32 to index
        %get3A_120 = arith.constant 0 : index
        %get3A_121 = tpu.vector_load %arg14[%get3A_119, %get3A_120] {strides = array<i32>} : memref<128x16xf32, #tpu.memory_space<vmem>>, vector<16xf32>,
        %add3A_122 = arith.addf %get3A_118, %get3A_121 : vector<16xf32>
        %gt3A_123 = arith.constant 0.000000e+00 : f32
        %gt3A_124 = vector.broadcast %gt3A_123 : f32 to vector<16xf32>
        %gt3A_125 = arith.cmpf ogt, %add3A_122, %gt3A_124 : vector<16xf32>
        %mul3A_126 = arith.constant 2.000000e-01 : f32
        %mul3A_127 = vector.broadcast %mul3A_126 : f32 to vector<16xf32>
        %mul3A_128 = arith.mulf %mul3A_127, %add3A_122 : vector<16xf32>
        %select_n3A_129 = arith.select %gt3A_125, %add3A_122, %mul3A_128 : vector<16xi1>, vector<16xf32>
        %exp3A = math.exp %select_n3A_129 : vector<16xf32>
        %swap3A = arith.index_cast %scan3A_116 : i32 to index
        %swap3A_130 = arith.constant 0 : index
        %swap3A_131 = tpu.vector_load %arg16[%swap3A, %swap3A_130] {strides = array<i32>} : memref<128x16xf32, #tpu.memory_space<vmem>>, vector<16xf32>,
        tpu.vector_store %arg16[%swap3A, %swap3A_130], %exp3A {strides = array<i32>} : memref<128x16xf32, #tpu.memory_space<vmem>>, vector<16xf32>,
        %mul3A_132 = arith.constant 11264 : i32
        %mul3A_133 = vector.broadcast %mul3A_132 : i32 to vector<16xi32>
        %mul3A_134 = arith.muli %select_n3A, %mul3A_133 : vector<16xi32>
        %mul3A_135 = arith.constant 128 : i32
        %mul3A_136 = arith.muli %add3A_81, %mul3A_135 : i32
        %add3A_137 = vector.broadcast %mul3A_136 : i32 to vector<16xi32>
        %add3A_138 = arith.addi %mul3A_134, %add3A_137 : vector<16xi32>
        %add3A_139 = vector.broadcast %scan3A_116 : i32 to vector<16xi32>
        %add3A_140 = arith.addi %add3A_138, %add3A_139 : vector<16xi32>
        tpu.vector_store_idx %arg17[%add3A_140], %exp3A masked %lt3A_2 : memref<45056xf32, #tpu.memory_space<vmem>>[vector<16xi32>], vector<16xf32>, vector<16xi1>
      }
      %scan3A_109 = arith.constant 128 : i32
      %dma_start3A_110 = arith.constant 0 : i32
      %dma_start3A_111 = tpu.memref_slice %arg10[%add3A_81, %dma_start3A_110] : memref<88x128xi32, #tpu.memory_space<vmem>> -> memref<1x128xi32, #tpu.memory_space<vmem>>
      %dma_start3A_112 = tpu.memref_squeeze %dma_start3A_111 : memref<1x128xi32, #tpu.memory_space<vmem>> -> memref<128xi32, #tpu.memory_space<vmem>>
      %dma_start3A_113 = arith.constant 0 : i32
      %dma_start3A_114 = arith.constant 0 : i32
      %dma_start3A_115 = tpu.memref_slice %arg18[%dma_start3A_113, %dma_start3A_114] : memref<20480x16xf32, #tpu.memory_space<vmem_shared>> -> memref<20480x16xf32, #tpu.memory_space<vmem_shared>>
      tpu.enqueue_indirect_dma source(%arg16 : memref<128x16xf32, #tpu.memory_space<vmem>>) target(%dma_start3A_115 : memref<20480x16xf32, #tpu.memory_space<vmem_shared>>) offsets(%dma_start3A_112 : memref<128xi32, #tpu.memory_space<vmem>>) semaphore(%arg20 : memref<!tpu.dma_semaphore, #tpu.memory_space<semaphore_mem>>) {add = true}
    }
    %scan3A_30 = arith.constant 44 : i32
    %dma_wait3A = arith.constant 87 : i32
    %dma_wait3A_31 = arith.constant 0 : i32
    %dma_wait3A_32 = tpu.memref_slice %arg10[%dma_wait3A, %dma_wait3A_31] : memref<88x128xi32, #tpu.memory_space<vmem>> -> memref<1x128xi32, #tpu.memory_space<vmem>>
    %dma_wait3A_33 = tpu.memref_squeeze %dma_wait3A_32 : memref<1x128xi32, #tpu.memory_space<vmem>> -> memref<128xi32, #tpu.memory_space<vmem>>
    %dma_wait3A_34 = arith.constant 0 : i32
    %dma_wait3A_35 = arith.constant 0 : i32
    %dma_wait3A_36 = tpu.memref_slice %arg18[%dma_wait3A_34, %dma_wait3A_35] : memref<20480x16xf32, #tpu.memory_space<vmem_shared>> -> memref<20480x16xf32, #tpu.memory_space<vmem_shared>>
    tpu.wait_indirect_dma semaphore(%arg20 : memref<!tpu.dma_semaphore, #tpu.memory_space<semaphore_mem>>) src(%arg16 : memref<128x16xf32, #tpu.memory_space<vmem>>) dst(%dma_wait3A_36 : memref<20480x16xf32, #tpu.memory_space<vmem_shared>>)
    "tpu.region"() ({
      %run_scoped3A = tpu.sem_alloc : memref<!tpu.dma_semaphore, #tpu.memory_space<semaphore_mem>>
      %dma_start3A_42 = arith.constant 0 : i32
      %dma_start3A_43 = tpu.memref_slice %arg7[%add3A, %dma_start3A_42] : memref<32x45056xf32, #tpu.memory_space<hbm>> -> memref<1x45056xf32, #tpu.memory_space<hbm>>
      %dma_start3A_44 = tpu.memref_squeeze %dma_start3A_43 : memref<1x45056xf32, #tpu.memory_space<hbm>> -> memref<45056xf32, #tpu.memory_space<hbm>>
      %dma_start3A_45 = arith.constant 0 : i32
      %dma_start3A_46 = tpu.memref_slice %arg7[%add3A, %dma_start3A_45] : memref<32x45056xf32, #tpu.memory_space<hbm>> -> memref<1x45056xf32, #tpu.memory_space<hbm>>
      %dma_start3A_47 = tpu.memref_squeeze %dma_start3A_46 : memref<1x45056xf32, #tpu.memory_space<hbm>> -> memref<45056xf32, #tpu.memory_space<hbm>>
      tpu.enqueue_dma source(%arg17 : memref<45056xf32, #tpu.memory_space<vmem>>) target(%dma_start3A_47 : memref<45056xf32, #tpu.memory_space<hbm>>) target_semaphore(%run_scoped3A : memref<!tpu.dma_semaphore, #tpu.memory_space<semaphore_mem>>)
      %dma_wait3A_48 = arith.constant 0 : i32
      %dma_wait3A_49 = tpu.memref_slice %arg7[%add3A, %dma_wait3A_48] : memref<32x45056xf32, #tpu.memory_space<hbm>> -> memref<1x45056xf32, #tpu.memory_space<hbm>>
      %dma_wait3A_50 = tpu.memref_squeeze %dma_wait3A_49 : memref<1x45056xf32, #tpu.memory_space<hbm>> -> memref<45056xf32, #tpu.memory_space<hbm>>
      %dma_wait3A_51 = arith.constant 0 : i32
      %dma_wait3A_52 = tpu.memref_slice %arg7[%add3A, %dma_wait3A_51] : memref<32x45056xf32, #tpu.memory_space<hbm>> -> memref<1x45056xf32, #tpu.memory_space<hbm>>
      %dma_wait3A_53 = tpu.memref_squeeze %dma_wait3A_52 : memref<1x45056xf32, #tpu.memory_space<hbm>> -> memref<45056xf32, #tpu.memory_space<hbm>>
      tpu.wait_dma2 semaphore(%run_scoped3A : memref<!tpu.dma_semaphore, #tpu.memory_space<semaphore_mem>>) src(%arg17 : memref<45056xf32, #tpu.memory_space<vmem>>) dst(%dma_wait3A_53 : memref<45056xf32, #tpu.memory_space<hbm>>)
      tpu.yield
    }) : () -> ()
    %barrier3A_37 = arith.constant 0 : index
    tpu.barrier barrier_id(%barrier3A_37)
    %mul3A_38 = arith.constant 1280 : i32
    %mul3A_39 = arith.muli %arg1, %mul3A_38 : i32
    %mul3A_40 = arith.constant 1280 : i32
    %mul3A_41 = arith.muli %arg1, %mul3A_40 : i32
    "tpu.region"() ({
      %run_scoped3A = tpu.sem_alloc : memref<!tpu.dma_semaphore, #tpu.memory_space<semaphore_mem>>
      %dma_start3A_42 = arith.constant 0 : i32
      %dma_start3A_43 = tpu.memref_slice %arg8[%arg0, %mul3A_41, %dma_start3A_42] : memref<2x20480x16xf32, #tpu.memory_space<hbm>> -> memref<1x1280x16xf32, #tpu.memory_space<hbm>>
      %dma_start3A_44 = tpu.memref_squeeze %dma_start3A_43 : memref<1x1280x16xf32, #tpu.memory_space<hbm>> -> memref<1280x16xf32, #tpu.memory_space<hbm>>
      %dma_start3A_45 = arith.constant 0 : i32
      %dma_start3A_46 = tpu.memref_slice %arg18[%mul3A_39, %dma_start3A_45] : memref<20480x16xf32, #tpu.memory_space<vmem_shared>> -> memref<1280x16xf32, #tpu.memory_space<vmem_shared>>
      tpu.enqueue_dma source(%dma_start3A_46 : memref<1280x16xf32, #tpu.memory_space<vmem_shared>>) target(%dma_start3A_44 : memref<1280x16xf32, #tpu.memory_space<hbm>>) target_semaphore(%run_scoped3A : memref<!tpu.dma_semaphore, #tpu.memory_space<semaphore_mem>>)
      %dma_wait3A_47 = arith.constant 0 : i32
      %dma_wait3A_48 = tpu.memref_slice %arg8[%arg0, %mul3A_41, %dma_wait3A_47] : memref<2x20480x16xf32, #tpu.memory_space<hbm>> -> memref<1x1280x16xf32, #tpu.memory_space<hbm>>
      %dma_wait3A_49 = tpu.memref_squeeze %dma_wait3A_48 : memref<1x1280x16xf32, #tpu.memory_space<hbm>> -> memref<1280x16xf32, #tpu.memory_space<hbm>>
      %dma_wait3A_50 = arith.constant 0 : i32
      %dma_wait3A_51 = tpu.memref_slice %arg18[%mul3A_39, %dma_wait3A_50] : memref<20480x16xf32, #tpu.memory_space<vmem_shared>> -> memref<1280x16xf32, #tpu.memory_space<vmem_shared>>
      tpu.wait_dma2 semaphore(%run_scoped3A : memref<!tpu.dma_semaphore, #tpu.memory_space<semaphore_mem>>) src(%dma_wait3A_51 : memref<1280x16xf32, #tpu.memory_space<vmem_shared>>) dst(%dma_wait3A_49 : memref<1280x16xf32, #tpu.memory_space<hbm>>)
      tpu.yield
    }) : () -> ()
    return
  }
}

module attributes {stable_mosaic.version = 14 : i64} {
  func.func @_stage_a_body(%arg0: i32, %arg1: i32, %arg2: memref<2000x512xf32, #tpu.memory_space<vmem>>, %arg3: memref<1x512x256xf32, #tpu.memory_space<vmem>>, %arg4: memref<2000x1xf32, #tpu.memory_space<vmem>>, %arg5: memref<2000x1xf32, #tpu.memory_space<vmem>>, %arg6: memref<1x256xf32, #tpu.memory_space<vmem>>, %arg7: memref<1x256xf32, #tpu.memory_space<vmem>>, %arg8: memref<4x256x64xf32, #tpu.memory_space<vmem>>, %arg9: memref<4x64x8xf32, #tpu.memory_space<vmem>>, %arg10: memref<4x2000x64xf32, #tpu.memory_space<vmem>>, %arg11: memref<2000x8xf32, #tpu.memory_space<vmem>>) attributes {dimension_semantics = [#tpu.dimension_semantics<arbitrary>, #tpu.dimension_semantics<arbitrary>], iteration_bounds = array<i64: 2, 5>, scalar_prefetch = 0 : i64, scratch_operands = 0 : i64, tpu.core_type = #tpu.core_type<tc>, window_params = [{transform_indices = @transform_0, window_bounds = array<i64: 2000, 512>}, {transform_indices = @transform_1, window_bounds = array<i64: 1, 512, 256>}, {transform_indices = @transform_2, window_bounds = array<i64: 2000, 1>}, {transform_indices = @transform_3, window_bounds = array<i64: 2000, 1>}, {pipeline_mode = #tpu.pipeline_mode<synchronous>, transform_indices = @transform_4, window_bounds = array<i64: 1, 256>}, {pipeline_mode = #tpu.pipeline_mode<synchronous>, transform_indices = @transform_5, window_bounds = array<i64: 1, 256>}, {pipeline_mode = #tpu.pipeline_mode<synchronous>, transform_indices = @transform_6, window_bounds = array<i64: 4, 256, 64>}, {pipeline_mode = #tpu.pipeline_mode<synchronous>, transform_indices = @transform_7, window_bounds = array<i64: 4, 64, 8>}, {transform_indices = @transform_8, window_bounds = array<i64: 4, 2000, 64>}, {transform_indices = @transform_9, window_bounds = array<i64: 2000, 8>}]} {
    %get3A = arith.constant 0 : index
    %get3A_0 = arith.constant 0 : index
    %get3A_1 = vector.load %arg2[%get3A, %get3A_0] : memref<2000x512xf32, #tpu.memory_space<vmem>>, vector<2000x512xf32>
    %get3A_2 = arith.constant 0 : index
    %get3A_3 = arith.constant 0 : index
    %get3A_4 = arith.constant 0 : index
    %get3A_5 = vector.load %arg3[%get3A_2, %get3A_3, %get3A_4] : memref<1x512x256xf32, #tpu.memory_space<vmem>>, vector<1x512x256xf32>
    %get3A_6 = vector.shape_cast %get3A_5 : vector<1x512x256xf32> to vector<512x256xf32>
    %dot_general3A = arith.constant dense<0.000000e+00> : vector<2000x256xf32>
    %dot_general3A_7 = tpu.matmul %get3A_1, %get3A_6, %dot_general3A {dimension_numbers = #tpu.dot_dimension_numbers<[1], [0], [0], [1], [0, 0, 1, 1], [], []>, transpose_lhs_hint = false} : vector<2000x512xf32>, vector<512x256xf32>, vector<2000x256xf32> -> vector<2000x256xf32>
    %get3A_8 = arith.constant 0 : index
    %get3A_9 = arith.constant 0 : index
    %get3A_10 = vector.load %arg4[%get3A_8, %get3A_9] : memref<2000x1xf32, #tpu.memory_space<vmem>>, vector<2000x1xf32>
    %add3A = vector.broadcast %get3A_10 : vector<2000x1xf32> to vector<2000x256xf32>
    %add3A_11 = arith.addf %dot_general3A_7, %add3A : vector<2000x256xf32>
    %get3A_12 = arith.constant 0 : index
    %get3A_13 = arith.constant 0 : index
    %get3A_14 = vector.load %arg5[%get3A_12, %get3A_13] : memref<2000x1xf32, #tpu.memory_space<vmem>>, vector<2000x1xf32>
    %get3A_15 = arith.constant 0 : index
    %get3A_16 = arith.constant 0 : index
    %get3A_17 = vector.load %arg6[%get3A_15, %get3A_16] : memref<1x256xf32, #tpu.memory_space<vmem>>, vector<1x256xf32>
    %mul3A = vector.broadcast %get3A_14 : vector<2000x1xf32> to vector<2000x256xf32>
    %mul3A_18 = vector.broadcast %get3A_17 : vector<1x256xf32> to vector<2000x256xf32>
    %mul3A_19 = arith.mulf %mul3A, %mul3A_18 : vector<2000x256xf32>
    %add3A_20 = arith.addf %add3A_11, %mul3A_19 : vector<2000x256xf32>
    %get3A_21 = arith.constant 0 : index
    %get3A_22 = arith.constant 0 : index
    %get3A_23 = vector.load %arg7[%get3A_21, %get3A_22] : memref<1x256xf32, #tpu.memory_space<vmem>>, vector<1x256xf32>
    %add3A_24 = vector.broadcast %get3A_23 : vector<1x256xf32> to vector<2000x256xf32>
    %add3A_25 = arith.addf %add3A_20, %add3A_24 : vector<2000x256xf32>
    %broadcast_in_dim3A = arith.constant 0.000000e+00 : f32
    %broadcast_in_dim3A_26 = vector.broadcast %broadcast_in_dim3A : f32 to vector<2000x8xf32>
    %get3A_27 = arith.constant 0 : index
    %get3A_28 = arith.constant 0 : index
    %get3A_29 = arith.constant 0 : index
    %get3A_30 = vector.load %arg8[%get3A_27, %get3A_28, %get3A_29] : memref<4x256x64xf32, #tpu.memory_space<vmem>>, vector<1x256x64xf32>
    %get3A_31 = vector.shape_cast %get3A_30 : vector<1x256x64xf32> to vector<256x64xf32>
    %dot_general3A_32 = arith.constant dense<0.000000e+00> : vector<2000x64xf32>
    %dot_general3A_33 = tpu.matmul %add3A_25, %get3A_31, %dot_general3A_32 {dimension_numbers = #tpu.dot_dimension_numbers<[1], [0], [0], [1], [0, 0, 1, 1], [], []>, transpose_lhs_hint = false} : vector<2000x256xf32>, vector<256x64xf32>, vector<2000x64xf32> -> vector<2000x64xf32>
    %swap3A = arith.constant 0 : index
    %swap3A_34 = arith.constant 0 : index
    %swap3A_35 = arith.constant 0 : index
    %swap3A_36 = vector.load %arg10[%swap3A, %swap3A_34, %swap3A_35] : memref<4x2000x64xf32, #tpu.memory_space<vmem>>, vector<1x2000x64xf32>
    %swap3A_37 = vector.shape_cast %swap3A_36 : vector<1x2000x64xf32> to vector<2000x64xf32>
    %swap3A_38 = vector.shape_cast %dot_general3A_33 : vector<2000x64xf32> to vector<1x2000x64xf32>
    tpu.vector_store %arg10[%swap3A, %swap3A_34, %swap3A_35], %swap3A_38 {strides = array<i32>} : memref<4x2000x64xf32, #tpu.memory_space<vmem>>, vector<1x2000x64xf32>,
    %get3A_39 = arith.constant 0 : index
    %get3A_40 = arith.constant 0 : index
    %get3A_41 = arith.constant 0 : index
    %get3A_42 = vector.load %arg9[%get3A_39, %get3A_40, %get3A_41] : memref<4x64x8xf32, #tpu.memory_space<vmem>>, vector<1x64x8xf32>
    %get3A_43 = vector.shape_cast %get3A_42 : vector<1x64x8xf32> to vector<64x8xf32>
    %dot_general3A_44 = arith.constant dense<0.000000e+00> : vector<2000x8xf32>
    %dot_general3A_45 = tpu.matmul %dot_general3A_33, %get3A_43, %dot_general3A_44 {dimension_numbers = #tpu.dot_dimension_numbers<[1], [0], [0], [1], [0, 0, 1, 1], [], []>, transpose_lhs_hint = false} : vector<2000x64xf32>, vector<64x8xf32>, vector<2000x8xf32> -> vector<2000x8xf32>
    %add3A_46 = arith.addf %broadcast_in_dim3A_26, %dot_general3A_45 : vector<2000x8xf32>
    %get3A_47 = arith.constant 1 : index
    %get3A_48 = arith.constant 0 : index
    %get3A_49 = arith.constant 0 : index
    %get3A_50 = vector.load %arg8[%get3A_47, %get3A_48, %get3A_49] : memref<4x256x64xf32, #tpu.memory_space<vmem>>, vector<1x256x64xf32>
    %get3A_51 = vector.shape_cast %get3A_50 : vector<1x256x64xf32> to vector<256x64xf32>
    %dot_general3A_52 = arith.constant dense<0.000000e+00> : vector<2000x64xf32>
    %dot_general3A_53 = tpu.matmul %add3A_25, %get3A_51, %dot_general3A_52 {dimension_numbers = #tpu.dot_dimension_numbers<[1], [0], [0], [1], [0, 0, 1, 1], [], []>, transpose_lhs_hint = false} : vector<2000x256xf32>, vector<256x64xf32>, vector<2000x64xf32> -> vector<2000x64xf32>
    %swap3A_54 = arith.constant 1 : index
    %swap3A_55 = arith.constant 0 : index
    %swap3A_56 = arith.constant 0 : index
    %swap3A_57 = vector.load %arg10[%swap3A_54, %swap3A_55, %swap3A_56] : memref<4x2000x64xf32, #tpu.memory_space<vmem>>, vector<1x2000x64xf32>
    %swap3A_58 = vector.shape_cast %swap3A_57 : vector<1x2000x64xf32> to vector<2000x64xf32>
    %swap3A_59 = vector.shape_cast %dot_general3A_53 : vector<2000x64xf32> to vector<1x2000x64xf32>
    tpu.vector_store %arg10[%swap3A_54, %swap3A_55, %swap3A_56], %swap3A_59 {strides = array<i32>} : memref<4x2000x64xf32, #tpu.memory_space<vmem>>, vector<1x2000x64xf32>,
    %get3A_60 = arith.constant 1 : index
    %get3A_61 = arith.constant 0 : index
    %get3A_62 = arith.constant 0 : index
    %get3A_63 = vector.load %arg9[%get3A_60, %get3A_61, %get3A_62] : memref<4x64x8xf32, #tpu.memory_space<vmem>>, vector<1x64x8xf32>
    %get3A_64 = vector.shape_cast %get3A_63 : vector<1x64x8xf32> to vector<64x8xf32>
    %dot_general3A_65 = arith.constant dense<0.000000e+00> : vector<2000x8xf32>
    %dot_general3A_66 = tpu.matmul %dot_general3A_53, %get3A_64, %dot_general3A_65 {dimension_numbers = #tpu.dot_dimension_numbers<[1], [0], [0], [1], [0, 0, 1, 1], [], []>, transpose_lhs_hint = false} : vector<2000x64xf32>, vector<64x8xf32>, vector<2000x8xf32> -> vector<2000x8xf32>
    %add3A_67 = arith.addf %add3A_46, %dot_general3A_66 : vector<2000x8xf32>
    %get3A_68 = arith.constant 2 : index
    %get3A_69 = arith.constant 0 : index
    %get3A_70 = arith.constant 0 : index
    %get3A_71 = vector.load %arg8[%get3A_68, %get3A_69, %get3A_70] : memref<4x256x64xf32, #tpu.memory_space<vmem>>, vector<1x256x64xf32>
    %get3A_72 = vector.shape_cast %get3A_71 : vector<1x256x64xf32> to vector<256x64xf32>
    %dot_general3A_73 = arith.constant dense<0.000000e+00> : vector<2000x64xf32>
    %dot_general3A_74 = tpu.matmul %add3A_25, %get3A_72, %dot_general3A_73 {dimension_numbers = #tpu.dot_dimension_numbers<[1], [0], [0], [1], [0, 0, 1, 1], [], []>, transpose_lhs_hint = false} : vector<2000x256xf32>, vector<256x64xf32>, vector<2000x64xf32> -> vector<2000x64xf32>
    %swap3A_75 = arith.constant 2 : index
    %swap3A_76 = arith.constant 0 : index
    %swap3A_77 = arith.constant 0 : index
    %swap3A_78 = vector.load %arg10[%swap3A_75, %swap3A_76, %swap3A_77] : memref<4x2000x64xf32, #tpu.memory_space<vmem>>, vector<1x2000x64xf32>
    %swap3A_79 = vector.shape_cast %swap3A_78 : vector<1x2000x64xf32> to vector<2000x64xf32>
    %swap3A_80 = vector.shape_cast %dot_general3A_74 : vector<2000x64xf32> to vector<1x2000x64xf32>
    tpu.vector_store %arg10[%swap3A_75, %swap3A_76, %swap3A_77], %swap3A_80 {strides = array<i32>} : memref<4x2000x64xf32, #tpu.memory_space<vmem>>, vector<1x2000x64xf32>,
    %get3A_81 = arith.constant 2 : index
    %get3A_82 = arith.constant 0 : index
    %get3A_83 = arith.constant 0 : index
    %get3A_84 = vector.load %arg9[%get3A_81, %get3A_82, %get3A_83] : memref<4x64x8xf32, #tpu.memory_space<vmem>>, vector<1x64x8xf32>
    %get3A_85 = vector.shape_cast %get3A_84 : vector<1x64x8xf32> to vector<64x8xf32>
    %dot_general3A_86 = arith.constant dense<0.000000e+00> : vector<2000x8xf32>
    %dot_general3A_87 = tpu.matmul %dot_general3A_74, %get3A_85, %dot_general3A_86 {dimension_numbers = #tpu.dot_dimension_numbers<[1], [0], [0], [1], [0, 0, 1, 1], [], []>, transpose_lhs_hint = false} : vector<2000x64xf32>, vector<64x8xf32>, vector<2000x8xf32> -> vector<2000x8xf32>
    %add3A_88 = arith.addf %add3A_67, %dot_general3A_87 : vector<2000x8xf32>
    %get3A_89 = arith.constant 3 : index
    %get3A_90 = arith.constant 0 : index
    %get3A_91 = arith.constant 0 : index
    %get3A_92 = vector.load %arg8[%get3A_89, %get3A_90, %get3A_91] : memref<4x256x64xf32, #tpu.memory_space<vmem>>, vector<1x256x64xf32>
    %get3A_93 = vector.shape_cast %get3A_92 : vector<1x256x64xf32> to vector<256x64xf32>
    %dot_general3A_94 = arith.constant dense<0.000000e+00> : vector<2000x64xf32>
    %dot_general3A_95 = tpu.matmul %add3A_25, %get3A_93, %dot_general3A_94 {dimension_numbers = #tpu.dot_dimension_numbers<[1], [0], [0], [1], [0, 0, 1, 1], [], []>, transpose_lhs_hint = false} : vector<2000x256xf32>, vector<256x64xf32>, vector<2000x64xf32> -> vector<2000x64xf32>
    %swap3A_96 = arith.constant 3 : index
    %swap3A_97 = arith.constant 0 : index
    %swap3A_98 = arith.constant 0 : index
    %swap3A_99 = vector.load %arg10[%swap3A_96, %swap3A_97, %swap3A_98] : memref<4x2000x64xf32, #tpu.memory_space<vmem>>, vector<1x2000x64xf32>
    %swap3A_100 = vector.shape_cast %swap3A_99 : vector<1x2000x64xf32> to vector<2000x64xf32>
    %swap3A_101 = vector.shape_cast %dot_general3A_95 : vector<2000x64xf32> to vector<1x2000x64xf32>
    tpu.vector_store %arg10[%swap3A_96, %swap3A_97, %swap3A_98], %swap3A_101 {strides = array<i32>} : memref<4x2000x64xf32, #tpu.memory_space<vmem>>, vector<1x2000x64xf32>,
    %get3A_102 = arith.constant 3 : index
    %get3A_103 = arith.constant 0 : index
    %get3A_104 = arith.constant 0 : index
    %get3A_105 = vector.load %arg9[%get3A_102, %get3A_103, %get3A_104] : memref<4x64x8xf32, #tpu.memory_space<vmem>>, vector<1x64x8xf32>
    %get3A_106 = vector.shape_cast %get3A_105 : vector<1x64x8xf32> to vector<64x8xf32>
    %dot_general3A_107 = arith.constant dense<0.000000e+00> : vector<2000x8xf32>
    %dot_general3A_108 = tpu.matmul %dot_general3A_95, %get3A_106, %dot_general3A_107 {dimension_numbers = #tpu.dot_dimension_numbers<[1], [0], [0], [1], [0, 0, 1, 1], [], []>, transpose_lhs_hint = false} : vector<2000x64xf32>, vector<64x8xf32>, vector<2000x8xf32> -> vector<2000x8xf32>
    %add3A_109 = arith.addf %add3A_88, %dot_general3A_108 : vector<2000x8xf32>
    %swap3A_110 = arith.constant 0 : index
    %swap3A_111 = arith.constant 0 : index
    %swap3A_112 = vector.load %arg11[%swap3A_110, %swap3A_111] : memref<2000x8xf32, #tpu.memory_space<vmem>>, vector<2000x8xf32>
    tpu.vector_store %arg11[%swap3A_110, %swap3A_111], %add3A_109 {strides = array<i32>} : memref<2000x8xf32, #tpu.memory_space<vmem>>, vector<2000x8xf32>,
    return
  }
  func.func @transform_0(%arg0: i32, %arg1: i32) -> (i32, i32) {
    %c0_i32 = arith.constant 0 : i32
    %c0_i32_0 = arith.constant 0 : i32
    return %arg1, %c0_i32 : i32, i32
  }
  func.func @transform_1(%arg0: i32, %arg1: i32) -> (i32, i32, i32) {
    %c0_i32 = arith.constant 0 : i32
    %c0_i32_0 = arith.constant 0 : i32
    %c0_i32_1 = arith.constant 0 : i32
    return %arg0, %c0_i32, %c0_i32_0 : i32, i32, i32
  }
  func.func @transform_2(%arg0: i32, %arg1: i32) -> (i32, i32) {
    %mul3A = arith.constant 5 : i32
    %mul3A_0 = arith.muli %arg0, %mul3A : i32
    %add3A = arith.addi %mul3A_0, %arg1 : i32
    %c0_i32 = arith.constant 0 : i32
    %c0_i32_1 = arith.constant 0 : i32
    return %add3A, %c0_i32 : i32, i32
  }
  func.func @transform_3(%arg0: i32, %arg1: i32) -> (i32, i32) {
    %mul3A = arith.constant 5 : i32
    %mul3A_0 = arith.muli %arg0, %mul3A : i32
    %add3A = arith.addi %mul3A_0, %arg1 : i32
    %c0_i32 = arith.constant 0 : i32
    %c0_i32_1 = arith.constant 0 : i32
    return %add3A, %c0_i32 : i32, i32
  }
  func.func @transform_4(%arg0: i32, %arg1: i32) -> (i32, i32) {
    %c0_i32 = arith.constant 0 : i32
    %c0_i32_0 = arith.constant 0 : i32
    %c0_i32_1 = arith.constant 0 : i32
    return %c0_i32, %c0_i32_0 : i32, i32
  }
  func.func @transform_5(%arg0: i32, %arg1: i32) -> (i32, i32) {
    %c0_i32 = arith.constant 0 : i32
    %c0_i32_0 = arith.constant 0 : i32
    %c0_i32_1 = arith.constant 0 : i32
    return %c0_i32, %c0_i32_0 : i32, i32
  }
  func.func @transform_6(%arg0: i32, %arg1: i32) -> (i32, i32, i32) {
    %c0_i32 = arith.constant 0 : i32
    %c0_i32_0 = arith.constant 0 : i32
    %c0_i32_1 = arith.constant 0 : i32
    %c0_i32_2 = arith.constant 0 : i32
    return %c0_i32, %c0_i32_0, %c0_i32_1 : i32, i32, i32
  }
  func.func @transform_7(%arg0: i32, %arg1: i32) -> (i32, i32, i32) {
    %c0_i32 = arith.constant 0 : i32
    %c0_i32_0 = arith.constant 0 : i32
    %c0_i32_1 = arith.constant 0 : i32
    %c0_i32_2 = arith.constant 0 : i32
    return %c0_i32, %c0_i32_0, %c0_i32_1 : i32, i32, i32
  }
  func.func @transform_8(%arg0: i32, %arg1: i32) -> (i32, i32, i32) {
    %mul3A = arith.constant 5 : i32
    %mul3A_0 = arith.muli %arg0, %mul3A : i32
    %add3A = arith.addi %mul3A_0, %arg1 : i32
    %c0_i32 = arith.constant 0 : i32
    %c0_i32_1 = arith.constant 0 : i32
    %c0_i32_2 = arith.constant 0 : i32
    return %c0_i32, %add3A, %c0_i32_1 : i32, i32, i32
  }
  func.func @transform_9(%arg0: i32, %arg1: i32) -> (i32, i32) {
    %mul3A = arith.constant 5 : i32
    %mul3A_0 = arith.muli %arg0, %mul3A : i32
    %add3A = arith.addi %mul3A_0, %arg1 : i32
    %c0_i32 = arith.constant 0 : i32
    %c0_i32_1 = arith.constant 0 : i32
    return %add3A, %c0_i32 : i32, i32
  }
}

module attributes {stable_mosaic.version = 14 : i64} {
  func.func @_stage_c1_body(%arg0: i32, %arg1: i32, %arg2: memref<2x4x2000x64xf32, #tpu.memory_space<vmem>>, %arg3: memref<2x2000x16xf32, #tpu.memory_space<vmem>>, %arg4: memref<1x256xf32, #tpu.memory_space<vmem>>, %arg5: memref<2000x512xf32, #tpu.memory_space<vmem>>, %arg6: memref<1x512x256xf32, #tpu.memory_space<vmem>>) attributes {dimension_semantics = [#tpu.dimension_semantics<arbitrary>, #tpu.dimension_semantics<arbitrary>], iteration_bounds = array<i64: 2, 5>, scalar_prefetch = 0 : i64, scratch_operands = 0 : i64, tpu.core_type = #tpu.core_type<tc>, window_params = [{transform_indices = @transform_0, window_bounds = array<i64: 2, 4, 2000, 64>}, {transform_indices = @transform_1, window_bounds = array<i64: 2, 2000, 16>}, {pipeline_mode = #tpu.pipeline_mode<synchronous>, transform_indices = @transform_2, window_bounds = array<i64: 1, 256>}, {transform_indices = @transform_3, window_bounds = array<i64: 2000, 512>}, {transform_indices = @transform_4, window_bounds = array<i64: 1, 512, 256>}]} {
    %get3A = arith.constant 0 : index
    %get3A_0 = arith.constant 0 : index
    %get3A_1 = arith.constant 0 : index
    %get3A_2 = arith.constant 0 : index
    %get3A_3 = vector.load %arg2[%get3A, %get3A_0, %get3A_1, %get3A_2] : memref<2x4x2000x64xf32, #tpu.memory_space<vmem>>, vector<1x1x2000x64xf32>
    %get3A_4 = vector.shape_cast %get3A_3 : vector<1x1x2000x64xf32> to vector<2000x64xf32>
    %get3A_5 = arith.constant 0 : index
    %get3A_6 = arith.constant 0 : index
    %get3A_7 = arith.constant 0 : index
    %get3A_8 = vector.load %arg3[%get3A_5, %get3A_6, %get3A_7] : memref<2x2000x16xf32, #tpu.memory_space<vmem>>, vector<1x2000x1xf32>
    %get3A_9 = vector.shape_cast %get3A_8 : vector<1x2000x1xf32> to vector<2000x1xf32>
    %get3A_10 = arith.constant 1 : index
    %get3A_11 = arith.constant 0 : index
    %get3A_12 = arith.constant 0 : index
    %get3A_13 = arith.constant 0 : index
    %get3A_14 = vector.load %arg2[%get3A_10, %get3A_11, %get3A_12, %get3A_13] : memref<2x4x2000x64xf32, #tpu.memory_space<vmem>>, vector<1x1x2000x64xf32>
    %get3A_15 = vector.shape_cast %get3A_14 : vector<1x1x2000x64xf32> to vector<2000x64xf32>
    %add3A = arith.addf %get3A_4, %get3A_15 : vector<2000x64xf32>
    %get3A_16 = arith.constant 1 : index
    %get3A_17 = arith.constant 0 : index
    %get3A_18 = arith.constant 0 : index
    %get3A_19 = vector.load %arg3[%get3A_16, %get3A_17, %get3A_18] : memref<2x2000x16xf32, #tpu.memory_space<vmem>>, vector<1x2000x1xf32>
    %get3A_20 = vector.shape_cast %get3A_19 : vector<1x2000x1xf32> to vector<2000x1xf32>
    %add3A_21 = arith.addf %get3A_9, %get3A_20 : vector<2000x1xf32>
    %add3A_22 = arith.constant 1.000000e-16 : f32
    %add3A_23 = vector.broadcast %add3A_22 : f32 to vector<2000x1xf32>
    %add3A_24 = arith.addf %add3A_21, %add3A_23 : vector<2000x1xf32>
    %div3A = vector.broadcast %add3A_24 : vector<2000x1xf32> to vector<2000x64xf32>
    %div3A_25 = arith.divf %add3A, %div3A : vector<2000x64xf32>
    %get3A_26 = arith.constant 0 : index
    %get3A_27 = arith.constant 0 : index
    %get3A_28 = vector.load %arg4[%get3A_26, %get3A_27] : memref<1x256xf32, #tpu.memory_space<vmem>>, vector<1x64xf32>
    %get3A_29 = vector.shape_cast %get3A_28 : vector<1x64xf32> to vector<64xf32>
    %broadcast_in_dim3A = vector.shape_cast %get3A_29 : vector<64xf32> to vector<1x64xf32>
    %add3A_30 = vector.broadcast %broadcast_in_dim3A : vector<1x64xf32> to vector<2000x64xf32>
    %add3A_31 = arith.addf %div3A_25, %add3A_30 : vector<2000x64xf32>
    %get3A_32 = arith.constant 0 : index
    %get3A_33 = arith.constant 1 : index
    %get3A_34 = arith.constant 0 : index
    %get3A_35 = arith.constant 0 : index
    %get3A_36 = vector.load %arg2[%get3A_32, %get3A_33, %get3A_34, %get3A_35] : memref<2x4x2000x64xf32, #tpu.memory_space<vmem>>, vector<1x1x2000x64xf32>
    %get3A_37 = vector.shape_cast %get3A_36 : vector<1x1x2000x64xf32> to vector<2000x64xf32>
    %get3A_38 = arith.constant 0 : index
    %get3A_39 = arith.constant 0 : index
    %get3A_40 = arith.constant 1 : index
    %get3A_41 = vector.load %arg3[%get3A_38, %get3A_39, %get3A_40] : memref<2x2000x16xf32, #tpu.memory_space<vmem>>, vector<1x2000x1xf32>
    %get3A_42 = vector.shape_cast %get3A_41 : vector<1x2000x1xf32> to vector<2000x1xf32>
    %get3A_43 = arith.constant 1 : index
    %get3A_44 = arith.constant 1 : index
    %get3A_45 = arith.constant 0 : index
    %get3A_46 = arith.constant 0 : index
    %get3A_47 = vector.load %arg2[%get3A_43, %get3A_44, %get3A_45, %get3A_46] : memref<2x4x2000x64xf32, #tpu.memory_space<vmem>>, vector<1x1x2000x64xf32>
    %get3A_48 = vector.shape_cast %get3A_47 : vector<1x1x2000x64xf32> to vector<2000x64xf32>
    %add3A_49 = arith.addf %get3A_37, %get3A_48 : vector<2000x64xf32>
    %get3A_50 = arith.constant 1 : index
    %get3A_51 = arith.constant 0 : index
    %get3A_52 = arith.constant 1 : index
    %get3A_53 = vector.load %arg3[%get3A_50, %get3A_51, %get3A_52] : memref<2x2000x16xf32, #tpu.memory_space<vmem>>, vector<1x2000x1xf32>
    %get3A_54 = vector.shape_cast %get3A_53 : vector<1x2000x1xf32> to vector<2000x1xf32>
    %add3A_55 = arith.addf %get3A_42, %get3A_54 : vector<2000x1xf32>
    %add3A_56 = arith.constant 1.000000e-16 : f32
    %add3A_57 = vector.broadcast %add3A_56 : f32 to vector<2000x1xf32>
    %add3A_58 = arith.addf %add3A_55, %add3A_57 : vector<2000x1xf32>
    %div3A_59 = vector.broadcast %add3A_58 : vector<2000x1xf32> to vector<2000x64xf32>
    %div3A_60 = arith.divf %add3A_49, %div3A_59 : vector<2000x64xf32>
    %get3A_61 = arith.constant 0 : index
    %get3A_62 = arith.constant 64 : index
    %get3A_63 = vector.load %arg4[%get3A_61, %get3A_62] : memref<1x256xf32, #tpu.memory_space<vmem>>, vector<1x64xf32>
    %get3A_64 = vector.shape_cast %get3A_63 : vector<1x64xf32> to vector<64xf32>
    %broadcast_in_dim3A_65 = vector.shape_cast %get3A_64 : vector<64xf32> to vector<1x64xf32>
    %add3A_66 = vector.broadcast %broadcast_in_dim3A_65 : vector<1x64xf32> to vector<2000x64xf32>
    %add3A_67 = arith.addf %div3A_60, %add3A_66 : vector<2000x64xf32>
    %get3A_68 = arith.constant 0 : index
    %get3A_69 = arith.constant 2 : index
    %get3A_70 = arith.constant 0 : index
    %get3A_71 = arith.constant 0 : index
    %get3A_72 = vector.load %arg2[%get3A_68, %get3A_69, %get3A_70, %get3A_71] : memref<2x4x2000x64xf32, #tpu.memory_space<vmem>>, vector<1x1x2000x64xf32>
    %get3A_73 = vector.shape_cast %get3A_72 : vector<1x1x2000x64xf32> to vector<2000x64xf32>
    %get3A_74 = arith.constant 0 : index
    %get3A_75 = arith.constant 0 : index
    %get3A_76 = arith.constant 2 : index
    %get3A_77 = vector.load %arg3[%get3A_74, %get3A_75, %get3A_76] : memref<2x2000x16xf32, #tpu.memory_space<vmem>>, vector<1x2000x1xf32>
    %get3A_78 = vector.shape_cast %get3A_77 : vector<1x2000x1xf32> to vector<2000x1xf32>
    %get3A_79 = arith.constant 1 : index
    %get3A_80 = arith.constant 2 : index
    %get3A_81 = arith.constant 0 : index
    %get3A_82 = arith.constant 0 : index
    %get3A_83 = vector.load %arg2[%get3A_79, %get3A_80, %get3A_81, %get3A_82] : memref<2x4x2000x64xf32, #tpu.memory_space<vmem>>, vector<1x1x2000x64xf32>
    %get3A_84 = vector.shape_cast %get3A_83 : vector<1x1x2000x64xf32> to vector<2000x64xf32>
    %add3A_85 = arith.addf %get3A_73, %get3A_84 : vector<2000x64xf32>
    %get3A_86 = arith.constant 1 : index
    %get3A_87 = arith.constant 0 : index
    %get3A_88 = arith.constant 2 : index
    %get3A_89 = vector.load %arg3[%get3A_86, %get3A_87, %get3A_88] : memref<2x2000x16xf32, #tpu.memory_space<vmem>>, vector<1x2000x1xf32>
    %get3A_90 = vector.shape_cast %get3A_89 : vector<1x2000x1xf32> to vector<2000x1xf32>
    %add3A_91 = arith.addf %get3A_78, %get3A_90 : vector<2000x1xf32>
    %add3A_92 = arith.constant 1.000000e-16 : f32
    %add3A_93 = vector.broadcast %add3A_92 : f32 to vector<2000x1xf32>
    %add3A_94 = arith.addf %add3A_91, %add3A_93 : vector<2000x1xf32>
    %div3A_95 = vector.broadcast %add3A_94 : vector<2000x1xf32> to vector<2000x64xf32>
    %div3A_96 = arith.divf %add3A_85, %div3A_95 : vector<2000x64xf32>
    %get3A_97 = arith.constant 0 : index
    %get3A_98 = arith.constant 128 : index
    %get3A_99 = vector.load %arg4[%get3A_97, %get3A_98] : memref<1x256xf32, #tpu.memory_space<vmem>>, vector<1x64xf32>
    %get3A_100 = vector.shape_cast %get3A_99 : vector<1x64xf32> to vector<64xf32>
    %broadcast_in_dim3A_101 = vector.shape_cast %get3A_100 : vector<64xf32> to vector<1x64xf32>
    %add3A_102 = vector.broadcast %broadcast_in_dim3A_101 : vector<1x64xf32> to vector<2000x64xf32>
    %add3A_103 = arith.addf %div3A_96, %add3A_102 : vector<2000x64xf32>
    %get3A_104 = arith.constant 0 : index
    %get3A_105 = arith.constant 3 : index
    %get3A_106 = arith.constant 0 : index
    %get3A_107 = arith.constant 0 : index
    %get3A_108 = vector.load %arg2[%get3A_104, %get3A_105, %get3A_106, %get3A_107] : memref<2x4x2000x64xf32, #tpu.memory_space<vmem>>, vector<1x1x2000x64xf32>
    %get3A_109 = vector.shape_cast %get3A_108 : vector<1x1x2000x64xf32> to vector<2000x64xf32>
    %get3A_110 = arith.constant 0 : index
    %get3A_111 = arith.constant 0 : index
    %get3A_112 = arith.constant 3 : index
    %get3A_113 = vector.load %arg3[%get3A_110, %get3A_111, %get3A_112] : memref<2x2000x16xf32, #tpu.memory_space<vmem>>, vector<1x2000x1xf32>
    %get3A_114 = vector.shape_cast %get3A_113 : vector<1x2000x1xf32> to vector<2000x1xf32>
    %get3A_115 = arith.constant 1 : index
    %get3A_116 = arith.constant 3 : index
    %get3A_117 = arith.constant 0 : index
    %get3A_118 = arith.constant 0 : index
    %get3A_119 = vector.load %arg2[%get3A_115, %get3A_116, %get3A_117, %get3A_118] : memref<2x4x2000x64xf32, #tpu.memory_space<vmem>>, vector<1x1x2000x64xf32>
    %get3A_120 = vector.shape_cast %get3A_119 : vector<1x1x2000x64xf32> to vector<2000x64xf32>
    %add3A_121 = arith.addf %get3A_109, %get3A_120 : vector<2000x64xf32>
    %get3A_122 = arith.constant 1 : index
    %get3A_123 = arith.constant 0 : index
    %get3A_124 = arith.constant 3 : index
    %get3A_125 = vector.load %arg3[%get3A_122, %get3A_123, %get3A_124] : memref<2x2000x16xf32, #tpu.memory_space<vmem>>, vector<1x2000x1xf32>
    %get3A_126 = vector.shape_cast %get3A_125 : vector<1x2000x1xf32> to vector<2000x1xf32>
    %add3A_127 = arith.addf %get3A_114, %get3A_126 : vector<2000x1xf32>
    %add3A_128 = arith.constant 1.000000e-16 : f32
    %add3A_129 = vector.broadcast %add3A_128 : f32 to vector<2000x1xf32>
    %add3A_130 = arith.addf %add3A_127, %add3A_129 : vector<2000x1xf32>
    %div3A_131 = vector.broadcast %add3A_130 : vector<2000x1xf32> to vector<2000x64xf32>
    %div3A_132 = arith.divf %add3A_121, %div3A_131 : vector<2000x64xf32>
    %get3A_133 = arith.constant 0 : index
    %get3A_134 = arith.constant 192 : index
    %get3A_135 = vector.load %arg4[%get3A_133, %get3A_134] : memref<1x256xf32, #tpu.memory_space<vmem>>, vector<1x64xf32>
    %get3A_136 = vector.shape_cast %get3A_135 : vector<1x64xf32> to vector<64xf32>
    %broadcast_in_dim3A_137 = vector.shape_cast %get3A_136 : vector<64xf32> to vector<1x64xf32>
    %add3A_138 = vector.broadcast %broadcast_in_dim3A_137 : vector<1x64xf32> to vector<2000x64xf32>
    %add3A_139 = arith.addf %div3A_132, %add3A_138 : vector<2000x64xf32>
    %concatenate3A = tpu.concatenate %add3A_31, %add3A_67, %add3A_103, %add3A_139 in 1 : vector<2000x64xf32>, vector<2000x64xf32>, vector<2000x64xf32>, vector<2000x64xf32> -> vector<2000x256xf32>
    %get3A_140 = arith.constant 0 : index
    %get3A_141 = arith.constant 0 : index
    %get3A_142 = vector.load %arg5[%get3A_140, %get3A_141] : memref<2000x512xf32, #tpu.memory_space<vmem>>, vector<2000x512xf32>
    %dot_general3A = arith.constant dense<0.000000e+00> : vector<512x256xf32>
    %dot_general3A_143 = tpu.matmul %get3A_142, %concatenate3A, %dot_general3A {dimension_numbers = #tpu.dot_dimension_numbers<[0], [0], [1], [1], [0, 1, 1, 1], [], []>, transpose_lhs_hint = false} : vector<2000x512xf32>, vector<2000x256xf32>, vector<512x256xf32> -> vector<512x256xf32>
    %eq3A = arith.constant 0 : i32
    %eq3A_144 = arith.cmpi eq, %arg1, %eq3A : i32
    %convert_element_type3A = arith.extui %eq3A_144 : i1 to i32
    %cond3A = arith.constant 0 : i32
    %cond3A_145 = arith.cmpi ne, %convert_element_type3A, %cond3A : i32
    scf.if %cond3A_145 {
      %swap3A = arith.constant 0 : index
      %swap3A_150 = arith.constant 0 : index
      %swap3A_151 = arith.constant 0 : index
      %swap3A_152 = vector.load %arg6[%swap3A, %swap3A_150, %swap3A_151] : memref<1x512x256xf32, #tpu.memory_space<vmem>>, vector<1x512x256xf32>
      %swap3A_153 = vector.shape_cast %swap3A_152 : vector<1x512x256xf32> to vector<512x256xf32>
      %swap3A_154 = vector.shape_cast %dot_general3A_143 : vector<512x256xf32> to vector<1x512x256xf32>
      tpu.vector_store %arg6[%swap3A, %swap3A_150, %swap3A_151], %swap3A_154 {strides = array<i32>} : memref<1x512x256xf32, #tpu.memory_space<vmem>>, vector<1x512x256xf32>,
    } else {
    }
    %ne3A = arith.constant 0 : i32
    %ne3A_146 = arith.cmpi ne, %arg1, %ne3A : i32
    %convert_element_type3A_147 = arith.extui %ne3A_146 : i1 to i32
    %cond3A_148 = arith.constant 0 : i32
    %cond3A_149 = arith.cmpi ne, %convert_element_type3A_147, %cond3A_148 : i32
    scf.if %cond3A_149 {
      %get3A_150 = arith.constant 0 : index
      %get3A_151 = arith.constant 0 : index
      %get3A_152 = arith.constant 0 : index
      %get3A_153 = vector.load %arg6[%get3A_150, %get3A_151, %get3A_152] : memref<1x512x256xf32, #tpu.memory_space<vmem>>, vector<1x512x256xf32>
      %get3A_154 = vector.shape_cast %get3A_153 : vector<1x512x256xf32> to vector<512x256xf32>
      %add3A_155 = arith.addf %get3A_154, %dot_general3A_143 : vector<512x256xf32>
      %swap3A = arith.constant 0 : index
      %swap3A_156 = arith.constant 0 : index
      %swap3A_157 = arith.constant 0 : index
      %swap3A_158 = vector.load %arg6[%swap3A, %swap3A_156, %swap3A_157] : memref<1x512x256xf32, #tpu.memory_space<vmem>>, vector<1x512x256xf32>
      %swap3A_159 = vector.shape_cast %swap3A_158 : vector<1x512x256xf32> to vector<512x256xf32>
      %swap3A_160 = vector.shape_cast %add3A_155 : vector<512x256xf32> to vector<1x512x256xf32>
      tpu.vector_store %arg6[%swap3A, %swap3A_156, %swap3A_157], %swap3A_160 {strides = array<i32>} : memref<1x512x256xf32, #tpu.memory_space<vmem>>, vector<1x512x256xf32>,
    } else {
    }
    return
  }
  func.func @transform_0(%arg0: i32, %arg1: i32) -> (i32, i32, i32, i32) {
    %mul3A = arith.constant 5 : i32
    %mul3A_0 = arith.muli %arg0, %mul3A : i32
    %add3A = arith.addi %mul3A_0, %arg1 : i32
    %c0_i32 = arith.constant 0 : i32
    %c0_i32_1 = arith.constant 0 : i32
    %c0_i32_2 = arith.constant 0 : i32
    %c0_i32_3 = arith.constant 0 : i32
    return %c0_i32, %c0_i32_1, %add3A, %c0_i32_2 : i32, i32, i32, i32
  }
  func.func @transform_1(%arg0: i32, %arg1: i32) -> (i32, i32, i32) {
    %mul3A = arith.constant 5 : i32
    %mul3A_0 = arith.muli %arg0, %mul3A : i32
    %add3A = arith.addi %mul3A_0, %arg1 : i32
    %c0_i32 = arith.constant 0 : i32
    %c0_i32_1 = arith.constant 0 : i32
    %c0_i32_2 = arith.constant 0 : i32
    return %c0_i32, %add3A, %c0_i32_1 : i32, i32, i32
  }
  func.func @transform_2(%arg0: i32, %arg1: i32) -> (i32, i32) {
    %c0_i32 = arith.constant 0 : i32
    %c0_i32_0 = arith.constant 0 : i32
    %c0_i32_1 = arith.constant 0 : i32
    return %c0_i32, %c0_i32_0 : i32, i32
  }
  func.func @transform_3(%arg0: i32, %arg1: i32) -> (i32, i32) {
    %c0_i32 = arith.constant 0 : i32
    %c0_i32_0 = arith.constant 0 : i32
    return %arg1, %c0_i32 : i32, i32
  }
  func.func @transform_4(%arg0: i32, %arg1: i32) -> (i32, i32, i32) {
    %c0_i32 = arith.constant 0 : i32
    %c0_i32_0 = arith.constant 0 : i32
    %c0_i32_1 = arith.constant 0 : i32
    return %arg0, %c0_i32, %c0_i32_0 : i32, i32, i32
  }
}

module attributes {stable_mosaic.version = 14 : i64} {
  func.func @_stage_c2_body(%arg0: i32, %arg1: memref<1x512x256xf32, #tpu.memory_space<vmem>>, %arg2: memref<512x1xf32, #tpu.memory_space<vmem>>, %arg3: memref<256x256xf32, #tpu.memory_space<vmem>>, %arg4: memref<1x256xf32, #tpu.memory_space<vmem>>, %arg5: memref<1x512x256xf32, #tpu.memory_space<vmem>>) attributes {dimension_semantics = [#tpu.dimension_semantics<arbitrary>], iteration_bounds = array<i64: 2>, scalar_prefetch = 0 : i64, scratch_operands = 0 : i64, tpu.core_type = #tpu.core_type<tc>, window_params = [{transform_indices = @transform_0, window_bounds = array<i64: 1, 512, 256>}, {pipeline_mode = #tpu.pipeline_mode<synchronous>, transform_indices = @transform_1, window_bounds = array<i64: 512, 1>}, {pipeline_mode = #tpu.pipeline_mode<synchronous>, transform_indices = @transform_2, window_bounds = array<i64: 256, 256>}, {pipeline_mode = #tpu.pipeline_mode<synchronous>, transform_indices = @transform_3, window_bounds = array<i64: 1, 256>}, {transform_indices = @transform_4, window_bounds = array<i64: 1, 512, 256>}]} {
    %get3A = arith.constant 0 : index
    %get3A_0 = arith.constant 0 : index
    %get3A_1 = arith.constant 0 : index
    %get3A_2 = vector.load %arg1[%get3A, %get3A_0, %get3A_1] : memref<1x512x256xf32, #tpu.memory_space<vmem>>, vector<1x512x256xf32>
    %get3A_3 = vector.shape_cast %get3A_2 : vector<1x512x256xf32> to vector<512x256xf32>
    %get3A_4 = arith.constant 0 : index
    %get3A_5 = arith.constant 0 : index
    %get3A_6 = vector.load %arg2[%get3A_4, %get3A_5] : memref<512x1xf32, #tpu.memory_space<vmem>>, vector<512x1xf32>
    %add3A = vector.broadcast %get3A_6 : vector<512x1xf32> to vector<512x256xf32>
    %add3A_7 = arith.addf %get3A_3, %add3A : vector<512x256xf32>
    %get3A_8 = arith.constant 0 : index
    %get3A_9 = arith.constant 0 : index
    %get3A_10 = vector.load %arg3[%get3A_8, %get3A_9] : memref<256x256xf32, #tpu.memory_space<vmem>>, vector<256x256xf32>
    %dot_general3A = arith.constant dense<0.000000e+00> : vector<512x256xf32>
    %dot_general3A_11 = tpu.matmul %add3A_7, %get3A_10, %dot_general3A {dimension_numbers = #tpu.dot_dimension_numbers<[1], [0], [0], [1], [0, 0, 1, 1], [], []>, transpose_lhs_hint = false} : vector<512x256xf32>, vector<256x256xf32>, vector<512x256xf32> -> vector<512x256xf32>
    %get3A_12 = arith.constant 0 : index
    %get3A_13 = arith.constant 0 : index
    %get3A_14 = vector.load %arg4[%get3A_12, %get3A_13] : memref<1x256xf32, #tpu.memory_space<vmem>>, vector<1x256xf32>
    %add3A_15 = vector.broadcast %get3A_14 : vector<1x256xf32> to vector<512x256xf32>
    %add3A_16 = arith.addf %dot_general3A_11, %add3A_15 : vector<512x256xf32>
    %swap3A = arith.constant 0 : index
    %swap3A_17 = arith.constant 0 : index
    %swap3A_18 = arith.constant 0 : index
    %swap3A_19 = vector.load %arg5[%swap3A, %swap3A_17, %swap3A_18] : memref<1x512x256xf32, #tpu.memory_space<vmem>>, vector<1x512x256xf32>
    %swap3A_20 = vector.shape_cast %swap3A_19 : vector<1x512x256xf32> to vector<512x256xf32>
    %swap3A_21 = vector.shape_cast %add3A_16 : vector<512x256xf32> to vector<1x512x256xf32>
    tpu.vector_store %arg5[%swap3A, %swap3A_17, %swap3A_18], %swap3A_21 {strides = array<i32>} : memref<1x512x256xf32, #tpu.memory_space<vmem>>, vector<1x512x256xf32>,
    return
  }
  func.func @transform_0(%arg0: i32) -> (i32, i32, i32) {
    %c0_i32 = arith.constant 0 : i32
    %c0_i32_0 = arith.constant 0 : i32
    %c0_i32_1 = arith.constant 0 : i32
    return %arg0, %c0_i32, %c0_i32_0 : i32, i32, i32
  }
  func.func @transform_1(%arg0: i32) -> (i32, i32) {
    %c0_i32 = arith.constant 0 : i32
    %c0_i32_0 = arith.constant 0 : i32
    %c0_i32_1 = arith.constant 0 : i32
    return %c0_i32, %c0_i32_0 : i32, i32
  }
  func.func @transform_2(%arg0: i32) -> (i32, i32) {
    %c0_i32 = arith.constant 0 : i32
    %c0_i32_0 = arith.constant 0 : i32
    %c0_i32_1 = arith.constant 0 : i32
    return %c0_i32, %c0_i32_0 : i32, i32
  }
  func.func @transform_3(%arg0: i32) -> (i32, i32) {
    %c0_i32 = arith.constant 0 : i32
    %c0_i32_0 = arith.constant 0 : i32
    %c0_i32_1 = arith.constant 0 : i32
    return %c0_i32, %c0_i32_0 : i32, i32
  }
  func.func @transform_4(%arg0: i32) -> (i32, i32, i32) {
    %c0_i32 = arith.constant 0 : i32
    %c0_i32_0 = arith.constant 0 : i32
    %c0_i32_1 = arith.constant 0 : i32
    return %arg0, %c0_i32, %c0_i32_0 : i32, i32, i32
  }
}

</mosaic_0001>

<sc_bundles>
// kernel: kernel.10.cloned.1.call-start
scs
__scs_entry_jumppad:
0x0: {  	(pc) =	sbr.rel $0x88, $3  }
0x1: {  	(tag) =	ssettag $0x0;
	lr =	simm.s32 $0x1  }
0x2: {  	[smem:$0x3F92] =	sst lr;
	_ =	strace $0xD0000000  }
0x3: {  	_ = 	snop  }
0x4: {  	_ = 	snop  }
0x5: {  	_ = 	snop  }
0x6: {  	_ = 	snop  }
0x7: {  	_ = 	snop  }
__scs_overlays_trampoline_lowered:
0x8: {  	[smem:$0x3FA1] =	sst s0  }
0x9: {  	[smem:$0x3FA2] =	sst s1  }
0xa: {  	[smem:$0x3FA3] =	sst s2  }
0xb: {  	[smem:$0x3FA4] =	sst s3  }
0xc: {  	[smem:$0x3FA5] =	sst s4  }
0xd: {  	[smem:$0x3FA6] =	sst s5  }
0xe: {  	[smem:$0x3FA7] =	sst s6  }
0xf: {  	[smem:$0x3FA8] =	sst s7  }
0x10: {  	[smem:$0x3FA9] =	sst s8  }
0x11: {  	[smem:$0x3FAA] =	sst s9;
	s0 =	simm.s32 @!p0 $0x0  }
0x12: {  	s1 =	sld [smem:$0x3F90];
	s0 =	simm.s32 @p0 $0x1  }
0x13: {  	[smem:$0x3FAB] =	sst s0;
	s0 =	simm.s32 @!p1 $0x0  }
0x14: {  	s2 =	sld [smem:$0x3F8F];
	s0 =	simm.s32 @p1 $0x1  }
0x15: {  	[smem:$0x3FAC] =	sst s0;
	s0 =	simm.s32 @!p2 $0x0  }
0x16: {  	s3 =	sld [smem:$0x3FDB];
	s0 =	simm.s32 @p2 $0x1  }
0x17: {  	s4 =	simm.s32 $0x1BF5;
	[smem:$0x3FAE] =	sst s0  }
0x18: {  	s0 =	sld [smem:$0x3F91];
	_ =	swait.ge [sflag:s4], $0x0  }
0x19: {  	s7 =	sld [smem:$0x3F92]  }
0x1a: {  	s8 =	sadd.s32 $0xFFFFE003, lr  }
0x1b: {  	s9 =	sadd.s32 $0xFFFFFEF7, lr;
	s5 =	simm.s32 $0xFFFFFFFF;
	p2 =	slt.u32 s8, $0xFFFFF086  }
0x1c: {  	p1 =	slt.u32 s9, $0xF7A;
	s5 =	simm.s32 @!p2 $0x0  }
0x1d: {  	s5 =	simm.s32 @p1 $0x1;
	p0 =	seq.s32 s7, s2  }
0x1e: {  	s7 =	smul.u32 @!p0 $0xF7A, s2;
	p2 =	seq.s32 @!p0 s5, $0x0  }
0x1f: {  	s9 =	smul.u32 $0xF7A, s1;
	s8 =	simm.s32 @!p0 $0x1BF5;
	p2 =	por !p2, p0  }
0x20: {  	[sflag:s8] =	ssyncset.s32 @!p0 $0xFFFFF086;
	s6 =	sadd.s32 @!p0 s3, s7;
	s7 =	simm.s32 @!p0 $0x108  }
0x21: {  	s3 =	sadd.s32 s3, s9;
	s6 =	sadd.s32 @!p0 $0x88, s6;
	s7 =	simm.s32 @p2 $0x1082  }
0x22: {  	[simem:s7], [sflag:s8] =	dma.local @!p0 [hbm:s6], $0xF7A  }
0x23: {  	s9 =	sor.u32 $0xD0000000, s2;
	s6 =	simm.s32 $0x108;
	_ =	swait.ge @!p0 [sflag:s8], $0x0  }
0x24: {  	s3 =	sadd.s32 $0x88, s3;
	s6 =	simm.s32 @!p1 $0x1082;
	[sflag:s4] =	ssyncset.s32 $0xFFFFF086  }
0x25: {  	[simem:s6], [sflag:s4] =	dma.local [hbm:s3], $0xF7A  }
0x26: {  	[smem:$0x3F92] =	sst s1;
	(tag) =	ssettag s2;
	_ =	strace s9  }
0x27: {  	s1 =	sld [smem:$0x3FA2]  }
0x28: {  	s2 =	sld [smem:$0x3FA3]  }
0x29: {  	s4 =	sld [smem:$0x3FA5]  }
0x2a: {  	p0 =	seq.s32 s5, $0x0;
	s5 =	sld [smem:$0x3FA6]  }
0x2b: {  	s6 =	sld [smem:$0x3FA7]  }
0x2c: {  	s7 =	sld [smem:$0x3FA8]  }
0x2d: {  	s3 =	simm.s32 $0x108;
	s8 =	sld [smem:$0x3FA9]  }
0x2e: {  	s3 =	simm.s32 @!p0 $0x1082;
	s9 =	sld [smem:$0x3FAA]  }
0x2f: {  	lr =	sadd.s32 s0, s3;
	s0 =	sld [smem:$0x3FA1]  }
0x30: {  	s3 =	sld [smem:$0x3FA4]  }
0x31: {  	[smem:$0x3FAD] =	sst s10  }
0x32: {  	s10 =	sld [smem:$0x3FAB];
	_ =	sdelay $0x3  }
0x33: {  	p0 =	seq.s32 s10, $0x1;
	s10 =	sld [smem:$0x3FAD];
	_ =	sdelay $0x3  }
0x34: {  	[smem:$0x3FAD] =	sst s10  }
0x35: {  	s10 =	sld [smem:$0x3FAC];
	_ =	sdelay $0x3  }
0x36: {  	p1 =	seq.s32 s10, $0x1;
	s10 =	sld [smem:$0x3FAD];
	_ =	sdelay $0x3  }
0x37: {  	[smem:$0x3FAD] =	sst s10  }
0x38: {  	s10 =	sld [smem:$0x3FAE]  }
0x39: {  	_ = 	snop;
	(pc) =	sbr.ind lr, $3  }
0x3a: {  	_ = 	snop  }
0x3b: {  	_ = 	snop  }
0x3c: {  	p2 =	seq.s32 s10, $0x1;
	s10 =	sld [smem:$0x3FAD]  }
0x3d: {  	_ =	shalt  }
0x3e: {  	_ =	shalt  }
0x3f: {  	_ =	shalt  }
0x40: {  	_ =	shalt  }
0x41: {  	_ =	shalt  }
0x42: {  	_ =	shalt  }
0x43: {  	_ =	shalt  }
0x44: {  	_ =	shalt  }
0x45: {  	_ =	shalt  }
0x46: {  	_ =	shalt  }
0x47: {  	_ =	shalt  }
0x48: {  	_ =	shalt  }
0x49: {  	_ =	shalt  }
0x4a: {  	_ =	shalt  }
0x4b: {  	_ =	shalt  }
0x4c: {  	_ =	shalt  }
0x4d: {  	_ =	shalt  }
0x4e: {  	_ =	shalt  }
0x4f: {  	_ =	shalt  }
0x50: {  	_ =	shalt  }
0x51: {  	_ =	shalt  }
0x52: {  	_ =	shalt  }
0x53: {  	_ =	shalt  }
0x54: {  	_ =	shalt  }
0x55: {  	_ =	shalt  }
0x56: {  	_ =	shalt  }
0x57: {  	_ =	shalt  }
0x58: {  	_ =	shalt  }
0x59: {  	_ =	shalt  }
0x5a: {  	_ =	shalt  }
0x5b: {  	_ =	shalt  }
0x5c: {  	_ =	shalt  }
0x5d: {  	_ =	shalt  }
0x5e: {  	_ =	shalt  }
0x5f: {  	_ =	shalt  }
0x60: {  	_ =	shalt  }
0x61: {  	_ =	shalt  }
0x62: {  	_ =	shalt  }
0x63: {  	_ =	shalt  }
0x64: {  	_ =	shalt  }
0x65: {  	_ =	shalt  }
0x66: {  	_ =	shalt  }
0x67: {  	_ =	shalt  }
0x68: {  	_ =	shalt  }
0x69: {  	_ =	shalt  }
0x6a: {  	_ =	shalt  }
0x6b: {  	_ =	shalt  }
0x6c: {  	_ =	shalt  }
0x6d: {  	_ =	shalt  }
0x6e: {  	_ =	shalt  }
0x6f: {  	_ =	shalt  }
0x70: {  	_ =	shalt  }
0x71: {  	_ =	shalt  }
0x72: {  	_ =	shalt  }
0x73: {  	_ =	shalt  }
0x74: {  	_ =	shalt  }
0x75: {  	_ =	shalt  }
0x76: {  	_ =	shalt  }
0x77: {  	_ =	shalt  }
0x78: {  	_ =	shalt  }
0x79: {  	_ =	shalt  }
0x7a: {  	_ =	shalt  }
0x7b: {  	_ =	shalt  }
0x7c: {  	_ =	shalt  }
0x7d: {  	_ =	shalt  }
0x7e: {  	_ =	shalt  }
0x7f: {  	_ =	shalt  }
0x80: {  	_ =	shalt  }
0x81: {  	_ =	shalt  }
0x82: {  	_ =	shalt  }
0x83: {  	_ =	shalt  }
0x84: {  	_ =	shalt  }
0x85: {  	_ =	shalt  }
0x86: {  	_ =	shalt  }
0x87: {  	_ =	shalt  }
.Lfunc_end0:
.L_simem_size_0:
called_computation.1_lowered:
.L_overlay_start_0:
0x88: {  	s2 =	sld [smem:$0x3FD9]  }
0x89: {  	s3 =	sld [smem:$0x3FFE];
	_ =	sdelay $0x1  }
0x8a: {  	s1 =	srdreg.scid  }
0x8b: {  	s0 =	sand.u32 $0x1, s1  }
0x8c: {  	s17 =	sshll.u32 s0, $0xA;
	s2 =	sadd.s32 s3, s2  }
0x8d: {  	s2 =	sadd.s32 s2, s17  }
0x8e: {  	[smem:$0x3FB9] =	sst s2  }
0x8f: {  	_ = 	snop  }
0x90: {  	s2 =	sld [smem:$0x3FD0];
	(tm) =	ssettm $0x1  }
0x91: {  	s18 =	sld [smem:$0x3FFB];
	_ =	sdelay $0x3  }
0x92: {  	_ =	strace s18  }
0x93: {  	s3 =	sld [smem:$0x3FFC];
	_ =	sdelay $0x3  }
0x94: {  	_ =	strace s3  }
0x95: {  	s3 =	sld [smem:$0x3FFD];
	_ =	sdelay $0x3  }
0x96: {  	_ =	strace s3  }
0x97: {  	_ =	strace $0x8FFFFFFF  }
0x98: {  	s19 =	sld [smem:$0x3FDB];
	_ =	sdelay $0x1  }
0x99: {  	s4 =	simm.s32 $_scs_section_size  }
0x9a: {  	s5 =	simm.s32 $_size__tile_overlayer_lowered;
	s6 =	simm.s32 $_tile_overlayer_lowered  }
0x9b: {  	s22 =	simm.s32 $0x1BFF;
	s21 =	sshll.u32 s6, $0x1;
	s3 =	sadd.s32 s4, s19  }
0x9c: {  	s7 =	simm.s32 $0x0;
	s20 =	sshll.u32 s5, $0x1;
	s5 =	sadd.s32 s21, s3  }
0x9d: {  	[timem:s7], [sflag:s22] =	dma.local [hbm:s5], s20  }
0x9e: {  	_ =	swait.ge [sflag:s22], s20  }
0x9f: {  	s4 =	ssub.s32 $0x0, s20;
	[sflag:s22] =	ssyncset.done $0x0  }
0xa0: {  	[sflag:s22] =	ssyncadd.s32 s4;
	_ =	sdelay $0x1  }
0xa1: {  	s23 =	simm.s32 $0x1B8B  }
0xa2: {  	_ =	swait.ge [sflag:s23], $0x1  }
0xa3: {  	[sflag:s23] =	ssyncset.done $0x0  }
0xa4: {  	s25 =	simm.s32 $0x1B8E;
	s24 =	sld [smem:$0x3FFE];
	[sflag:s23] =	ssyncadd.s32 $0xFFFFFFFF  }
0xa5: {  	s26 =	simm.s32 $execute0_lowered;
	[smem:$0x3FD2] =	sst s25  }
0xa6: {  	s5 =	sshll.u32 s26, $0x1;
	_ =	strace $0x80000049;
	[dreg:$0x1] =	wrdreg $0xFFFFFFFF  }
0xa7: {  	s28 =	simm.s32 $_size_execute0_lowered;
	s3 =	sadd.s32 s3, s5;
	[dreg:$0x0] =	wrdreg $0x0  }
0xa8: {  	s5 =	sshll.u32 s28, $0x1;
	[dreg:$0x2] =	wrdreg s3  }
0xa9: {  	[dreg:$0x3] =	wrdreg s5  }
0xaa: {  	[dreg:$0x4] =	wrdreg $0xC0  }
0xab: {  	_ =	task [dreg:s7], $0x5FFFF  }
0xac: {  	[dreg:$0x1] =	wrdreg $0xFFFFFFFF  }
0xad: {  	[dreg:$0x0] =	wrdreg $0x60  }
0xae: {  	[dreg:$0x2] =	wrdreg s24  }
0xaf: {  	[dreg:$0x3] =	wrdreg s2  }
0xb0: {  	[dreg:$0x4] =	wrdreg $0xB9000  }
0xb1: {  	[dreg:$0x5] =	wrdreg $0x9  }
0xb2: {  	_ =	task.clear_ibuf [dreg:s7], $0x6FFFF;
	_ =	strace $0x90000049  }
0xb3: {  	s29 =	simm.s32 $0x9;
	_ =	strace $0x8000004B  }
0xb4: {  	_ =	swait.ge [sflag:s29], $0x1  }
0xb5: {  	[sflag:s29] =	ssyncadd.s32 $0xFFFFFFFF  }
0xb6: {  	_ =	strace $0x9000004B  }
0xb7: {  	_ =	sfence  }
0xb8: {  	s30 =	sld [smem:$0x0];
	_ =	sdelay $0x2  }
0xb9: {  	s31 =	sshll.u32 s1, $0xD;
	s1 =	sshrl.u32 s1, $0x2  }
0xba: {  	s3 =	sand.u32 $0x4000, s31;
	s1 =	sadd.s32 s1, s30  }
0xbb: {  	s0 =	sor.u32 s3, s0;
	s1 =	sshll.u32 s1, $0x11  }
0xbc: {  	s0 =	sor.u32 s1, s0  }
0xbd: {  	s0 =	sadd.s32 $0x8F2B, s0  }
0xbe: {  	[sflag:s0] =	ssyncadd.remote.s32 $0x1  }
0xbf: {  	_ =	sfence.sel $0xFFFF  }
0xc0: {  	[dreg:$0x0] =	wrdreg $0xFFFFFFFF;
	(pc) =	sbr.abs _section_cstart, $3  }
0xc1: {  	[dreg:$0x1] =	wrdreg $0xFFFFFFFF  }
0xc2: {  	_ =	task.clear_ibuf [dreg:s7], $0x2FFFF;
	_ =	strace $0x9FFFFFFF  }
0xc3: {  	(tm) =	ssettm $0x7FFFFFFF  }
tec
execute0_lowered:
.L_overlay_start_1:
0x0: {  	(tag) =	ssettag $0x1  }
0x1: {  	s1 =	rddreg [dreg:$0x0]  }
0x2: {  	s0 =	srdreg.scid;
	s12 =	rddreg [dreg:$0x1]  }
0x3: {  	s10 =	stileid.u32;
	s3 =	rddreg [dreg:$0x2];
	s5 =	simm.s32 $0x0  }
0x4: {  	s0 =	sand.u32 $0x1, s0;
	s8 =	smul.u32 $0x14000, s10;
	[smem:$0x7FF] =	sst s5  }
0x5: {  	s5 =	sadd.s32 $0x18A200, s1;
	s13 =	sadd.s32 $0x800, s12;
	s15 =	sadd.s32 $0xC00, s12  }
0x6: {  	s2 =	sshll.u32 s0, $0x4;
	_ =	strace $0x8000004A;
	[dreg:$0x17] =	wrdreg s13  }
0x7: {  	s7 =	smul.u32 $0x500000, s0;
	s0 =	ssub.s32 $0x2, s0;
	[dreg:$0x19] =	wrdreg s15  }
0x8: {  	s2 =	sor.u32 s10, s2;
	s9 =	sshrl.u32 s0, $0x1;
	s10 =	smul.u32 $0x50000, s10  }
0x9: {  	s7 =	sadd.s32 s8, s7;
	s0 =	ssub.s32 s0, s9;
	s8 =	sadd.s32 s8, s3  }
0xa: {  	s4 =	smul.u32 $0x2C00, s2;
	[dreg:$0x9] =	wrdreg s8;
	s0 =	smax.u32 s0, $0x1  }
0xb: {  	s18 =	sshrl.u32 s10, $0x2;
	s8 =	sadd.s32 $0x400, s12;
	[dreg:$0x13] =	wrdreg s0  }
0xc: {  	s6 =	sadd.s32 $0x41600, s1;
	s9 =	sadd.s32 s18, s3;
	[dreg:$0x15] =	wrdreg s8  }
0xd: {  	s4 =	sshrl.u32 s4, $0x3;
	s10 =	sadd.s32 $0x4000, s9;
	[dreg:$0x6] =	wrdreg s9  }
0xe: {  	s4 =	sadd.s32 s4, s1;
	s14 =	sadd.s32 $0x6000, s9;
	[dreg:$0x16] =	wrdreg s10  }
0xf: {  	s7 =	sshrl.u32 s7, $0x3;
	s16 =	sadd.s32 $0x22600, s4;
	[dreg:$0x18] =	wrdreg s14  }
0x10: {  	s1 =	sadd.s32 s7, s1;
	s17 =	sadd.s32 $0x8F800, s4;
	[dreg:$0x4] =	wrdreg s16  }
0x11: {  	s20 =	sadd.s32 $0x1B6200, s1;
	[dreg:$0x5] =	wrdreg s17  }
0x12: {  	s22 =	sadd.s32 $0x9A800, s4;
	[dreg:$0x8] =	wrdreg s20  }
0x13: {  	s23 =	sadd.s32 $0x1DE200, s1;
	[dreg:$0xa] =	wrdreg s22  }
0x14: {  	s24 =	sadd.s32 $0xA5800, s4;
	[dreg:$0xc] =	wrdreg s23  }
0x15: {  	s28 =	sadd.s32 $0xB0800, s4;
	[dreg:$0xd] =	wrdreg s24  }
0x16: {  	s31 =	sadd.s32 $0x206200, s1;
	[dreg:$0xf] =	wrdreg s28  }
0x17: {  	s1 =	sadd.s32 $0x22E200, s1;
	[dreg:$0x11] =	wrdreg s31  }
0x18: {  	s4 =	sadd.s32 $0x2000, s9;
	[dreg:$0x12] =	wrdreg s1  }
0x19: {  	s30 =	simm.s32 $0x1;
	[dreg:$0x14] =	wrdreg s4;
	s16 =	sadd.s32 $0x8000, s9  }
0x1a: {  	s8 =	simm.s32 $0x6900;
	s17 =	sadd.s32 $0x1000, s12;
	[dreg:$0x1a] =	wrdreg s16  }
0x1b: {  	s7 =	smul.u32 $0xB000, s2;
	s20 =	sadd.s32 $0xA000, s9;
	[dreg:$0x1b] =	wrdreg s17  }
0x1c: {  	s14 =	simm.s32 $0x2;
	s22 =	sadd.s32 $0xC000, s9;
	[dreg:$0x1c] =	wrdreg s20  }
0x1d: {  	s19 =	sshrl.u32 s7, $0x3;
	s23 =	sadd.s32 $0x1800, s12;
	[dreg:$0x1e] =	wrdreg s22  }
0x1e: {  	s11 =	sadd.s32 $0x2C00, s7;
	s24 =	sadd.s32 $0xE000, s9;
	[dreg:$0x1f] =	wrdreg s23  }
0x1f: {  	s18 =	sadd.s32 $0x5800, s7;
	s28 =	sadd.s32 $0x2000, s12;
	[smem:$0x7F8] =	sst s24  }
0x20: {  	s31 =	sadd.s32 $0x2400, s12;
	s1 =	simm.s32 $0x5880;
	[smem:$0x7FB] =	sst s28  }
0x21: {  	s2 =	sadd.s32 s5, s19;
	s21 =	sshrl.u32 s11, $0x3;
	[smem:$0x7FD] =	sst s31  }
0x22: {  	s19 =	sadd.s32 $0x8400, s7;
	[dreg:$0x7] =	wrdreg s2;
	s2 =	sadd.s32 s5, s21  }
0x23: {  	s25 =	sshrl.u32 s18, $0x3;
	s21 =	sadd.s32 $0x1400, s12;
	[dreg:$0xb] =	wrdreg s2  }
0x24: {  	s26 =	sshrl.u32 s19, $0x3;
	s2 =	sadd.s32 s5, s25;
	[dreg:$0x1d] =	wrdreg s21  }
0x25: {  	s24 =	simm.s32 $0x3;
	s29 =	sadd.s32 s5, s26;
	[dreg:$0xe] =	wrdreg s2  }
0x26: {  	s16 =	simm.s32 $0x9900;
	s25 =	sadd.s32 $0x1C00, s12;
	[dreg:$0x10] =	wrdreg s29  }
0x27: {  	s20 =	simm.s32 $0x0;
	s26 =	sadd.s32 $0x10000, s9;
	[smem:$0x7F9] =	sst s25  }
0x28: {  	s12 =	simm.s32 $0x7900;
	[smem:$0x7FA] =	sst s26;
	s29 =	sadd.s32 $0x12000, s9  }
0x29: {  	s25 =	simm.s32 $0x5800;
	s26 =	simm.s32 $0x80;
	[smem:$0x7FC] =	sst s29  }
.LBB2_1:
0x2a: {  	s2 =	simm.s32 $0x0;
	s0 =	rddreg [dreg:$0x4];
	s4 =	simm.s32 $0x2C00  }
0x2b: {  	[tilespmem:s4], [sflag:$0x3] =	stream.linear.gather [hbm4b:s0+s2], $0x2C00, $0x38;
	[tilespmem:$0x1F900] =	vst v63  }
0x2c: {  	_ =	swait.ge [sflag:s24], $0x2C00  }
0x2d: {  	[sflag:s24] =	ssyncset.done $0x0  }
0x2e: {  	s4 =	rddreg [dreg:$0x5];
	[sflag:s24] =	ssyncadd.s32 $0xFFFFD400  }
0x2f: {  	[tilespmem:s2], [sflag:$0x3] =	stream.linear.gather [hbm4b:s4+s2], $0x2C00, $0x38;
	[tilespmem:$0x1F900] =	vst v63  }
0x30: {  	_ =	swait.ge [sflag:s24], $0x2C00  }
0x31: {  	[sflag:s24] =	ssyncset.done $0x0  }
0x32: {  	s9 =	stileid.u32;
	s10 =	rddreg [dreg:$0x6];
	[sflag:s24] =	ssyncadd.s32 $0xFFFFD400  }
0x33: {  	s0 =	sshll.u32 s9, $0x6;
	s13 =	sshrl.u32 s10, $0x3;
	s15 =	rddreg [dreg:$0x1]  }
0x34: {  	s22 =	sor.u32 $0x1C03, s0;
	[smem:$0x7F0] =	sst s13  }
0x35: {  	[spmem:s13], [sflag:s22] =	dma.local [hbm:s15], $0x400  }
0x36: {  	_ =	swait.ge [sflag:s24], $0x400  }
0x37: {  	s17 =	rddreg [dreg:$0x14]  }
0x38: {  	[sflag:s24] =	ssyncset.done $0x0;
	s23 =	rddreg [dreg:$0x15];
	s21 =	sshrl.u32 s17, $0x3  }
0x39: {  	[sflag:s24] =	ssyncadd.s32 $0xFFFFFC00;
	[smem:$0x7F1] =	sst s21  }
0x3a: {  	[spmem:s21], [sflag:s22] =	dma.local [hbm:s23], $0x400  }
0x3b: {  	_ =	swait.ge [sflag:s24], $0x400  }
0x3c: {  	s28 =	rddreg [dreg:$0x16]  }
0x3d: {  	[sflag:s24] =	ssyncset.done $0x0;
	s31 =	rddreg [dreg:$0x17];
	s29 =	sshrl.u32 s28, $0x3  }
0x3e: {  	[sflag:s24] =	ssyncadd.s32 $0xFFFFFC00;
	[smem:$0x7F2] =	sst s29  }
0x3f: {  	[spmem:s29], [sflag:s22] =	dma.local [hbm:s31], $0x400  }
0x40: {  	_ =	swait.ge [sflag:s24], $0x400  }
0x41: {  	s9 =	rddreg [dreg:$0x18]  }
0x42: {  	[sflag:s24] =	ssyncset.done $0x0;
	s13 =	rddreg [dreg:$0x19];
	s10 =	sshrl.u32 s9, $0x3  }
0x43: {  	[sflag:s24] =	ssyncadd.s32 $0xFFFFFC00;
	[smem:$0x7F3] =	sst s10  }
0x44: {  	[spmem:s10], [sflag:s22] =	dma.local [hbm:s13], $0x400  }
0x45: {  	_ =	swait.ge [sflag:s24], $0x400  }
0x46: {  	s15 =	rddreg [dreg:$0x1a]  }
0x47: {  	[sflag:s24] =	ssyncset.done $0x0;
	s21 =	rddreg [dreg:$0x1b];
	s17 =	sshrl.u32 s15, $0x3  }
0x48: {  	[sflag:s24] =	ssyncadd.s32 $0xFFFFFC00;
	[smem:$0x7F4] =	sst s17  }
0x49: {  	[spmem:s17], [sflag:s22] =	dma.local [hbm:s21], $0x400  }
0x4a: {  	_ =	swait.ge [sflag:s24], $0x400  }
0x4b: {  	s23 =	rddreg [dreg:$0x1c]  }
0x4c: {  	[sflag:s24] =	ssyncset.done $0x0;
	s29 =	rddreg [dreg:$0x1d];
	s28 =	sshrl.u32 s23, $0x3  }
0x4d: {  	[sflag:s24] =	ssyncadd.s32 $0xFFFFFC00;
	[smem:$0x7F5] =	sst s28  }
0x4e: {  	[spmem:s28], [sflag:s22] =	dma.local [hbm:s29], $0x400  }
0x4f: {  	_ =	swait.ge [sflag:s24], $0x400  }
0x50: {  	s31 =	rddreg [dreg:$0x1e]  }
0x51: {  	[sflag:s24] =	ssyncset.done $0x0;
	s9 =	rddreg [dreg:$0x1f];
	s0 =	sshrl.u32 s31, $0x3  }
0x52: {  	[sflag:s24] =	ssyncadd.s32 $0xFFFFFC00;
	[smem:$0x7F6] =	sst s0  }
0x53: {  	[spmem:s0], [sflag:s22] =	dma.local [hbm:s9], $0x400  }
0x54: {  	_ =	swait.ge [sflag:s24], $0x400  }
0x55: {  	s10 =	sld [smem:$0x7F8];
	_ =	sdelay $0x1  }
0x56: {  	s15 =	sld [smem:$0x7F9]  }
0x57: {  	[sflag:s24] =	ssyncset.done $0x0;
	s13 =	sshrl.u32 s10, $0x3  }
0x58: {  	[sflag:s24] =	ssyncadd.s32 $0xFFFFFC00;
	[smem:$0x7F7] =	sst s13  }
0x59: {  	[spmem:s13], [sflag:s22] =	dma.local [hbm:s15], $0x400  }
0x5a: {  	_ =	swait.ge [sflag:s24], $0x400  }
0x5b: {  	s17 =	sld [smem:$0x7FA]  }
0x5c: {  	s21 =	sld [smem:$0x7FB]  }
0x5d: {  	[sflag:s24] =	ssyncset.done $0x0  }
0x5e: {  	[sflag:s24] =	ssyncadd.s32 $0xFFFFFC00;
	s13 =	sshrl.u32 s17, $0x3  }
0x5f: {  	[spmem:s13], [sflag:s22] =	dma.local [hbm:s21], $0x400  }
0x60: {  	_ =	swait.ge [sflag:s24], $0x400  }
0x61: {  	s23 =	sld [smem:$0x7FC]  }
0x62: {  	s28 =	sld [smem:$0x7FD]  }
0x63: {  	[sflag:s24] =	ssyncset.done $0x0  }
0x64: {  	[sflag:s24] =	ssyncadd.s32 $0xFFFFFC00;
	s15 =	sshrl.u32 s23, $0x3  }
0x65: {  	[spmem:s15], [sflag:s22] =	dma.local [hbm:s28], $0x400  }
0x66: {  	_ =	swait.ge [sflag:s24], $0x400  }
0x67: {  	[sflag:s24] =	ssyncset.done $0x0  }
0x68: {  	[sflag:s24] =	ssyncadd.s32 $0xFFFFFC00  }
0x69: {  	[bflag:$0x0] =	sbarrier.arrive $0xFFFF  }
0x6a: {  	s29 =	rddreg [dreg:$0x7]  }
0x6b: {  	[tilespmem:s25], [sflag:$0x1] =	stream.linear.gather [hbm4b:s29+s2], $0x80, $0x38;
	[tilespmem:$0x1F900] =	vst v63  }
0x6c: {  	s31 =	simm.s32 $0x5900;
	s17 =	simm.s32 $0x0  }
0x6d: {  	[tilespmem:s31], [sflag:$0x1] =	stream.indirect.gather [hbm4b:s6+s26], $0x20, s2, s26, $0xb8;
	[tilespmem:$0x1F900] =	vst v63  }
.LBB2_2:
0x6e: {  	_ =	swait.ge [sflag:s30], $0x80  }
0x6f: {  	[sflag:s30] =	ssyncset.done $0x0  }
0x70: {  	[sflag:s30] =	ssyncadd.s32 $0xFFFFFF80  }
0x71: {  	_ =	swait.ge [sflag:s30], $0x1000  }
0x72: {  	p0 =	seq.s32 s17, $0x0;
	s21 =	sshll.u32 s17, $0x8;
	[sflag:s30] =	ssyncset.done $0x0  }
0x73: {  	s2 =	simm.s32 @!p0 $0x2;
	s4 =	sor.u32 $0x80, s21;
	[sflag:s30] =	ssyncadd.s32 $0xFFFFF000  }
0x74: {  	s10 =	sadd.s32 s7, s4;
	_ =	swait.ge @!p0 [sflag:s2], $0x2000  }
0x75: {  	s29 =	simm.s32 $0x0;
	s10 =	sshrl.u32 s10, $0x3;
	[sflag:s2] =	ssyncset.done @!p0 $0x0  }
0x76: {  	v0 =	vmov s29;
	s23 =	sadd.s32 s5, s10;
	[sflag:s2] =	ssyncadd.s32 @!p0 $0xFFFFE000  }
0x77: {  	[tilespmem:s1], [sflag:$0x1] =	stream.linear.gather [hbm4b:s23+s29], $0x80, $0x38;
	[tilespmem:$0x1F900] =	vst v63  }
0x78: {  	s23 =	simm.s32 $0x5910  }
0x79: {  	[tilespmem:s8], [sflag:$0x1] =	stream.indirect.gather [hbm4b:s6+s26], $0x20, s4, s26, $0xb8;
	[tilespmem:$0x1F900] =	vst v63  }
0x7a: {  	v1 =	vld [tilespmem:s23+$0xFFFFFFF0]  }
0x7b: {  	v3 =	vld.idx.msk [tilespmem:v0+s25+$0x0], $0xffff;
	_ =	sdelay $0x3  }
0x7c: {  	v0 =	vunpack.i.l.bf16.f32 v1  }
0x7d: {  	v1 =	vunpack.i.u.bf16.f32 v1;
	v0 =	vmul.f32 v0, v3  }
0x7e: {  	s10 =	simm.s32 $0x7920;
	v1 =	vmul.f32 v1, v3  }
0x7f: {  	[tilespmem:s10+$0xFFFFFFE0] =	vst v0  }
0x80: {  	[tilespmem:s10+$0xFFFFFFF0] =	vst v1  }
0x81: {  	v0 =	vld [tilespmem:s23+$0x0];
	_ =	sdelay $0x4  }
0x82: {  	s31 =	simm.s32 $0x1;
	v1 =	vunpack.i.u.bf16.f32 v0;
	v2 =	vunpack.i.l.bf16.f32 v0  }
0x83: {  	s28 =	simm.s32 $0x2;
	s2 =	simm.s32 $0x7920;
	s4 =	sshll.u32 s17, $0x1;
	v0 =	vmov s31;
	v2 =	vmul.f32 v2, v3;
	v1 =	vmul.f32 v1, v3  }
.LBB2_3:
0x84: {  	s10 =	sadd.s32 $0x40, s10  }
0x85: {  	s23 =	sadd.s32 $0x20, s23;
	s29 =	smov.u32 s28;
	s31 =	sadd.s32 $0x1, s28  }
0x86: {  	p0 =	sne.s32 s28, $0x7F;
	[tilespmem:s2+$0x0] =	vst v2  }
0x87: {  	[tilespmem:s2+$0x10] =	vst v1;
	s2 =	smov.u32 s10  }
0x88: {  	v1 =	vld [tilespmem:s23+$0xFFFFFFF0]  }
0x89: {  	v3 =	vld.idx.msk [tilespmem:v0+s25+$0x0], $0xffff;
	_ =	sdelay $0x4  }
0x8a: {  	v0 =	vunpack.i.u.bf16.f32 v1;
	v1 =	vunpack.i.l.bf16.f32 v1  }
0x8b: {  	v1 =	vmul.f32 v1, v3;
	v0 =	vmul.f32 v0, v3;
	_ =	sdelay $0x1  }
0x8c: {  	[tilespmem:s10+$0xFFFFFFE0] =	vst v1  }
0x8d: {  	[tilespmem:s10+$0xFFFFFFF0] =	vst v0  }
0x8e: {  	v0 =	vld [tilespmem:s23+$0x0];
	_ =	sdelay $0x1  }
.Ltmp0:
0x8f: {  	(pc) =	sbr.rel @p0 .LBB2_3-.Ltmp0, $3  }
0x90: {  	_ =	sdelay $0x1  }
0x91: {  	v1 =	vunpack.i.u.bf16.f32 v0;
	v2 =	vunpack.i.l.bf16.f32 v0  }
0x92: {  	s28 =	smov.u32 s31;
	v0 =	vmov s29;
	v2 =	vmul.f32 v2, v3;
	v1 =	vmul.f32 v1, v3  }
0x93: {  	_ = 	snop  }
0x94: {  	[tilespmem:s2+$0x0] =	vst v2  }
0x95: {  	s23 =	sadd.s32 $0x20, s23;
	[tilespmem:s2+$0x10] =	vst v1  }
0x96: {  	v1 =	vld [tilespmem:s23+$0xFFFFFFF0]  }
0x97: {  	v0 =	vld.idx.msk [tilespmem:v0+s25+$0x0], $0xffff;
	_ =	sdelay $0x3  }
0x98: {  	v2 =	vunpack.i.l.bf16.f32 v1  }
0x99: {  	v1 =	vunpack.i.u.bf16.f32 v1;
	v2 =	vmul.f32 v2, v0  }
0x9a: {  	s10 =	sadd.s32 $0x40, s10;
	v1 =	vmul.f32 v1, v0  }
0x9b: {  	[tilespmem:s10+$0xFFFFFFE0] =	vst v2  }
0x9c: {  	[tilespmem:s10+$0xFFFFFFF0] =	vst v1  }
0x9d: {  	v1 =	vld [tilespmem:s23+$0x0];
	_ =	sdelay $0x4  }
0x9e: {  	v2 =	vunpack.i.l.bf16.f32 v1  }
0x9f: {  	v1 =	vunpack.i.u.bf16.f32 v1;
	v2 =	vmul.f32 v2, v0  }
0xa0: {  	v0 =	vmul.f32 v1, v0  }
0xa1: {  	s28 =	sand.u32 $0x3FFFFF00, s21;
	[tilespmem:s10+$0x0] =	vst v2  }
0xa2: {  	s29 =	sadd.s32 $0x2C00, s28;
	[tilespmem:s10+$0x10] =	vst v0  }
0xa3: {  	[spmem:s3] =	stream.indirect.scatter.add.f32 [tilespmem:s12], [sflag:$0x2], $0x40, s29, s26, $0xb8;
	[tilespmem:$0x1F900] =	vst v63  }
0xa4: {  	_ =	swait.ge [sflag:s30], $0x80  }
0xa5: {  	[sflag:s30] =	ssyncset.done $0x0  }
0xa6: {  	[sflag:s30] =	ssyncadd.s32 $0xFFFFFF80  }
0xa7: {  	s10 =	sor.u32 $0x1, s4;
	_ =	swait.ge [sflag:s30], $0x1000  }
0xa8: {  	p0 =	sgt.u32 s10, $0x56;
	[sflag:s30] =	ssyncset.done $0x0  }
0xa9: {  	s2 =	sadd.s32 @!p0 $0x100, s21;
	[sflag:s30] =	ssyncadd.s32 $0xFFFFF000  }
0xaa: {  	s28 =	simm.s32 $0x0;
	s4 =	sadd.s32 @!p0 s7, s2;
	_ =	swait.ge [sflag:s14], $0x2000  }
0xab: {  	s21 =	simm.s32 @!p0 $0x0;
	s4 =	sshrl.u32 @!p0 s4, $0x3;
	[sflag:s14] =	ssyncset.done $0x0  }
0xac: {  	s23 =	simm.s32 @!p0 $0x5800;
	s4 =	sadd.s32 @!p0 s5, s4;
	[sflag:s14] =	ssyncadd.s32 $0xFFFFE000  }
0xad: {  	v0 =	vmov s28;
	[tilespmem:s23], [sflag:$0x1] =	stream.linear.gather @!p0 [hbm4b:s4+s21], $0x80, $0x38;
	[tilespmem:$0x1F900] =	vst v63  }
0xae: {  	s4 =	simm.s32 @!p0 $0x80;
	s21 =	simm.s32 @!p0 $0x5900  }
0xaf: {  	[tilespmem:s21], [sflag:$0x1] =	stream.indirect.gather @!p0 [hbm4b:s6+s4], $0x20, s2, s4, $0xb8;
	[tilespmem:$0x1F900] =	vst v63  }
0xb0: {  	s2 =	simm.s32 $0x6910  }
0xb1: {  	v1 =	vld [tilespmem:s2+$0xFFFFFFF0]  }
0xb2: {  	v3 =	vld.idx.msk [tilespmem:v0+s1+$0x0], $0xffff;
	_ =	sdelay $0x3  }
0xb3: {  	v0 =	vunpack.i.l.bf16.f32 v1  }
0xb4: {  	v1 =	vunpack.i.u.bf16.f32 v1;
	v0 =	vmul.f32 v0, v3  }
0xb5: {  	s4 =	simm.s32 $0x9920;
	v1 =	vmul.f32 v1, v3  }
0xb6: {  	[tilespmem:s4+$0xFFFFFFE0] =	vst v0  }
0xb7: {  	[tilespmem:s4+$0xFFFFFFF0] =	vst v1  }
0xb8: {  	v0 =	vld [tilespmem:s2+$0x0];
	_ =	sdelay $0x4  }
0xb9: {  	s31 =	simm.s32 $0x1;
	v1 =	vunpack.i.u.bf16.f32 v0;
	v2 =	vunpack.i.l.bf16.f32 v0  }
0xba: {  	s23 =	simm.s32 $0x2;
	s21 =	simm.s32 $0x9920;
	v0 =	vmov s31;
	v2 =	vmul.f32 v2, v3;
	v1 =	vmul.f32 v1, v3  }
.LBB2_5:
0xbb: {  	s4 =	sadd.s32 $0x40, s4  }
0xbc: {  	s2 =	sadd.s32 $0x20, s2;
	s28 =	smov.u32 s23;
	s29 =	sadd.s32 $0x1, s23  }
0xbd: {  	p0 =	sne.s32 s23, $0x7F;
	[tilespmem:s21+$0x0] =	vst v2  }
0xbe: {  	[tilespmem:s21+$0x10] =	vst v1;
	s21 =	smov.u32 s4  }
0xbf: {  	v1 =	vld [tilespmem:s2+$0xFFFFFFF0]  }
0xc0: {  	v3 =	vld.idx.msk [tilespmem:v0+s1+$0x0], $0xffff;
	_ =	sdelay $0x4  }
0xc1: {  	v0 =	vunpack.i.u.bf16.f32 v1;
	v1 =	vunpack.i.l.bf16.f32 v1  }
0xc2: {  	v1 =	vmul.f32 v1, v3;
	v0 =	vmul.f32 v0, v3;
	_ =	sdelay $0x1  }
0xc3: {  	[tilespmem:s4+$0xFFFFFFE0] =	vst v1  }
0xc4: {  	[tilespmem:s4+$0xFFFFFFF0] =	vst v0  }
0xc5: {  	v0 =	vld [tilespmem:s2+$0x0];
	_ =	sdelay $0x1  }
.Ltmp1:
0xc6: {  	(pc) =	sbr.rel @p0 .LBB2_5-.Ltmp1, $3  }
0xc7: {  	_ =	sdelay $0x1  }
0xc8: {  	v1 =	vunpack.i.u.bf16.f32 v0;
	v2 =	vunpack.i.l.bf16.f32 v0  }
0xc9: {  	s23 =	smov.u32 s29;
	v0 =	vmov s28;
	v2 =	vmul.f32 v2, v3;
	v1 =	vmul.f32 v1, v3  }
0xca: {  	_ = 	snop  }
0xcb: {  	[tilespmem:s21+$0x0] =	vst v2  }
0xcc: {  	s2 =	sadd.s32 $0x20, s2;
	[tilespmem:s21+$0x10] =	vst v1  }
0xcd: {  	v1 =	vld [tilespmem:s2+$0xFFFFFFF0]  }
0xce: {  	v0 =	vld.idx.msk [tilespmem:v0+s1+$0x0], $0xffff;
	_ =	sdelay $0x3  }
0xcf: {  	v62 =	vunpack.i.l.bf16.f32 v1  }
0xd0: {  	v1 =	vunpack.i.u.bf16.f32 v1;
	v2 =	vmul.f32 v62, v0  }
0xd1: {  	s4 =	sadd.s32 $0x40, s4;
	v1 =	vmul.f32 v1, v0  }
0xd2: {  	[tilespmem:s4+$0xFFFFFFE0] =	vst v2  }
0xd3: {  	[tilespmem:s4+$0xFFFFFFF0] =	vst v1  }
0xd4: {  	v1 =	vld [tilespmem:s2+$0x0];
	_ =	sdelay $0x3  }
0xd5: {  	s17 =	sadd.s32 $0x1, s17  }
0xd6: {  	p0 =	sne.s32 s17, $0x2C;
	v63 =	vunpack.i.l.bf16.f32 v1  }
.Ltmp2:
0xd7: {  	v1 =	vunpack.i.u.bf16.f32 v1;
	v2 =	vmul.f32 v63, v0;
	(pc) =	sbr.rel @p0 .LBB2_2-.Ltmp2, $4  }
0xd8: {  	s31 =	sshll.u32 s10, $0x7;
	v0 =	vmul.f32 v1, v0  }
0xd9: {  	s2 =	sand.u32 $0x3FFFFF80, s31;
	[tilespmem:s4+$0x0] =	vst v2  }
0xda: {  	s2 =	sadd.s32 $0x2C00, s2;
	[tilespmem:s4+$0x10] =	vst v0  }
0xdb: {  	[spmem:s3] =	stream.indirect.scatter.add.f32 [tilespmem:s16], [sflag:$0x2], $0x40, s2, s26, $0xb8;
	[tilespmem:$0x1F900] =	vst v63  }
0xdc: {  	_ =	swait.ge [sflag:s14], $0x2000  }
0xdd: {  	[sflag:s14] =	ssyncset.done $0x0  }
0xde: {  	[sflag:s14] =	ssyncadd.s32 $0xFFFFE000  }
0xdf: {  	[bflag:$0x0] =	sbarrier.arrive $0xFFFF  }
0xe0: {  	s0 =	rddreg [dreg:$0x9]  }
0xe1: {  	s21 =	rddreg [dreg:$0x8];
	s17 =	sshrl.u32 s0, $0x3  }
0xe2: {  	[hbm:s21], [sflag:s22] =	dma.local [spmem:s17], $0x2800  }
0xe3: {  	_ =	swait.ge [sflag:s24], $0x2800  }
0xe4: {  	[sflag:s24] =	ssyncset.done $0x0  }
0xe5: {  	[sflag:s24] =	ssyncadd.s32 $0xFFFFD800  }
0xe6: {  	[bflag:$0x0] =	sbarrier.arrive $0xFFFF  }
0xe7: {  	s21 =	simm.s32 $0x0;
	s23 =	rddreg [dreg:$0xa]  }
0xe8: {  	[tilespmem:s21], [sflag:$0x3] =	stream.linear.gather [hbm4b:s23+s21], $0x2C00, $0x38;
	[tilespmem:$0x1F900] =	vst v63  }
0xe9: {  	_ =	swait.ge [sflag:s24], $0x2C00  }
0xea: {  	[sflag:s24] =	ssyncset.done $0x0;
	s2 =	sld [smem:$0x7F0]  }
0xeb: {  	[sflag:s24] =	ssyncadd.s32 $0xFFFFD400  }
0xec: {  	s28 =	rddreg [dreg:$0x1]  }
0xed: {  	[spmem:s2], [sflag:s22] =	dma.local [hbm:s28], $0x400  }
0xee: {  	_ =	swait.ge [sflag:s24], $0x400  }
0xef: {  	s31 =	sld [smem:$0x7F1]  }
0xf0: {  	[sflag:s24] =	ssyncset.done $0x0  }
0xf1: {  	s29 =	rddreg [dreg:$0x15];
	[sflag:s24] =	ssyncadd.s32 $0xFFFFFC00  }
0xf2: {  	[spmem:s31], [sflag:s22] =	dma.local [hbm:s29], $0x400  }
0xf3: {  	_ =	swait.ge [sflag:s24], $0x400  }
0xf4: {  	s4 =	sld [smem:$0x7F2]  }
0xf5: {  	[sflag:s24] =	ssyncset.done $0x0  }
0xf6: {  	s2 =	rddreg [dreg:$0x17];
	[sflag:s24] =	ssyncadd.s32 $0xFFFFFC00  }
0xf7: {  	[spmem:s4], [sflag:s22] =	dma.local [hbm:s2], $0x400  }
0xf8: {  	_ =	swait.ge [sflag:s24], $0x400  }
0xf9: {  	s10 =	sld [smem:$0x7F3]  }
0xfa: {  	[sflag:s24] =	ssyncset.done $0x0  }
0xfb: {  	s9 =	rddreg [dreg:$0x19];
	[sflag:s24] =	ssyncadd.s32 $0xFFFFFC00  }
0xfc: {  	[spmem:s10], [sflag:s22] =	dma.local [hbm:s9], $0x400  }
0xfd: {  	_ =	swait.ge [sflag:s24], $0x400  }
0xfe: {  	s28 =	sld [smem:$0x7F4]  }
0xff: {  	[sflag:s24] =	ssyncset.done $0x0  }
0x100: {  	s23 =	rddreg [dreg:$0x1b];
	[sflag:s24] =	ssyncadd.s32 $0xFFFFFC00  }
0x101: {  	[spmem:s28], [sflag:s22] =	dma.local [hbm:s23], $0x400  }
0x102: {  	_ =	swait.ge [sflag:s24], $0x400  }
0x103: {  	s31 =	sld [smem:$0x7F5]  }
0x104: {  	[sflag:s24] =	ssyncset.done $0x0  }
0x105: {  	s29 =	rddreg [dreg:$0x1d];
	[sflag:s24] =	ssyncadd.s32 $0xFFFFFC00  }
0x106: {  	[spmem:s31], [sflag:s22] =	dma.local [hbm:s29], $0x400  }
0x107: {  	_ =	swait.ge [sflag:s24], $0x400  }
0x108: {  	s4 =	sld [smem:$0x7F6]  }
0x109: {  	[sflag:s24] =	ssyncset.done $0x0  }
0x10a: {  	s2 =	rddreg [dreg:$0x1f];
	[sflag:s24] =	ssyncadd.s32 $0xFFFFFC00  }
0x10b: {  	[spmem:s4], [sflag:s22] =	dma.local [hbm:s2], $0x400  }
0x10c: {  	_ =	swait.ge [sflag:s24], $0x400  }
0x10d: {  	s9 =	sld [smem:$0x7F9]  }
0x10e: {  	s10 =	sld [smem:$0x7F7]  }
0x10f: {  	[sflag:s24] =	ssyncset.done $0x0  }
0x110: {  	[sflag:s24] =	ssyncadd.s32 $0xFFFFFC00  }
0x111: {  	[spmem:s10], [sflag:s22] =	dma.local [hbm:s9], $0x400  }
0x112: {  	_ =	swait.ge [sflag:s24], $0x400  }
0x113: {  	s23 =	sld [smem:$0x7FB]  }
0x114: {  	[sflag:s24] =	ssyncset.done $0x0  }
0x115: {  	[sflag:s24] =	ssyncadd.s32 $0xFFFFFC00  }
0x116: {  	[spmem:s13], [sflag:s22] =	dma.local [hbm:s23], $0x400  }
0x117: {  	_ =	swait.ge [sflag:s24], $0x400  }
0x118: {  	s28 =	sld [smem:$0x7FD]  }
0x119: {  	[sflag:s24] =	ssyncset.done $0x0  }
0x11a: {  	[sflag:s24] =	ssyncadd.s32 $0xFFFFFC00  }
0x11b: {  	[spmem:s15], [sflag:s22] =	dma.local [hbm:s28], $0x400  }
0x11c: {  	_ =	swait.ge [sflag:s24], $0x400  }
0x11d: {  	[sflag:s24] =	ssyncset.done $0x0  }
0x11e: {  	[sflag:s24] =	ssyncadd.s32 $0xFFFFFC00  }
0x11f: {  	[bflag:$0x0] =	sbarrier.arrive $0xFFFF  }
0x120: {  	s29 =	rddreg [dreg:$0xb]  }
0x121: {  	[tilespmem:s25], [sflag:$0x1] =	stream.linear.gather [hbm4b:s29+s21], $0x80, $0x38;
	[tilespmem:$0x1F900] =	vst v63  }
0x122: {  	s31 =	simm.s32 $0x5900;
	s23 =	simm.s32 $0x0  }
0x123: {  	[tilespmem:s31], [sflag:$0x1] =	stream.indirect.gather [hbm4b:s6+s26], $0x20, s21, s26, $0xb8;
	[tilespmem:$0x1F900] =	vst v63  }
.LBB2_8:
0x124: {  	_ =	swait.ge [sflag:s30], $0x80  }
0x125: {  	[sflag:s30] =	ssyncset.done $0x0  }
0x126: {  	[sflag:s30] =	ssyncadd.s32 $0xFFFFFF80  }
0x127: {  	_ =	swait.ge [sflag:s30], $0x1000  }
0x128: {  	p0 =	seq.s32 s23, $0x0;
	s10 =	sshll.u32 s23, $0x8;
	[sflag:s30] =	ssyncset.done $0x0  }
0x129: {  	s2 =	simm.s32 @!p0 $0x2;
	s4 =	sor.u32 $0x80, s10;
	[sflag:s30] =	ssyncadd.s32 $0xFFFFF000  }
0x12a: {  	s28 =	sadd.s32 s4, s11;
	_ =	swait.ge @!p0 [sflag:s2], $0x2000  }
0x12b: {  	s28 =	sshrl.u32 s28, $0x3;
	[sflag:s2] =	ssyncset.done @!p0 $0x0  }
0x12c: {  	v0 =	vmov s21;
	s9 =	sadd.s32 s5, s28;
	[sflag:s2] =	ssyncadd.s32 @!p0 $0xFFFFE000  }
0x12d: {  	[tilespmem:s1], [sflag:$0x1] =	stream.linear.gather [hbm4b:s9+s21], $0x80, $0x38;
	[tilespmem:$0x1F900] =	vst v63  }
0x12e: {  	s2 =	simm.s32 $0x5910  }
0x12f: {  	[tilespmem:s8], [sflag:$0x1] =	stream.indirect.gather [hbm4b:s6+s26], $0x20, s4, s26, $0xb8;
	[tilespmem:$0x1F900] =	vst v63  }
0x130: {  	v1 =	vld [tilespmem:s2+$0xFFFFFFF0]  }
0x131: {  	v3 =	vld.idx.msk [tilespmem:v0+s25+$0x0], $0xffff;
	_ =	sdelay $0x3  }
0x132: {  	v0 =	vunpack.i.l.bf16.f32 v1  }
0x133: {  	v1 =	vunpack.i.u.bf16.f32 v1;
	v0 =	vmul.f32 v0, v3  }
0x134: {  	s28 =	simm.s32 $0x7920;
	v1 =	vmul.f32 v1, v3  }
0x135: {  	[tilespmem:s28+$0xFFFFFFE0] =	vst v0  }
0x136: {  	[tilespmem:s28+$0xFFFFFFF0] =	vst v1  }
0x137: {  	v0 =	vld [tilespmem:s2+$0x0];
	_ =	sdelay $0x4  }
0x138: {  	s29 =	simm.s32 $0x1;
	v1 =	vunpack.i.u.bf16.f32 v0;
	v2 =	vunpack.i.l.bf16.f32 v0  }
0x139: {  	s31 =	simm.s32 $0x2;
	s4 =	sshll.u32 s23, $0x1;
	v0 =	vmov s29;
	s29 =	simm.s32 $0x7920;
	v2 =	vmul.f32 v2, v3;
	v1 =	vmul.f32 v1, v3  }
.LBB2_9:
0x13a: {  	s28 =	sadd.s32 $0x40, s28  }
0x13b: {  	s2 =	sadd.s32 $0x20, s2;
	s0 =	smov.u32 s31;
	s9 =	sadd.s32 $0x1, s31  }
0x13c: {  	p0 =	sne.s32 s31, $0x7F;
	[tilespmem:s29+$0x0] =	vst v2  }
0x13d: {  	[tilespmem:s29+$0x10] =	vst v1;
	s29 =	smov.u32 s28  }
0x13e: {  	v1 =	vld [tilespmem:s2+$0xFFFFFFF0]  }
0x13f: {  	v3 =	vld.idx.msk [tilespmem:v0+s25+$0x0], $0xffff;
	_ =	sdelay $0x4  }
0x140: {  	v0 =	vunpack.i.u.bf16.f32 v1;
	v1 =	vunpack.i.l.bf16.f32 v1  }
0x141: {  	v1 =	vmul.f32 v1, v3;
	v0 =	vmul.f32 v0, v3;
	_ =	sdelay $0x1  }
0x142: {  	[tilespmem:s28+$0xFFFFFFE0] =	vst v1  }
0x143: {  	[tilespmem:s28+$0xFFFFFFF0] =	vst v0  }
0x144: {  	v0 =	vld [tilespmem:s2+$0x0];
	_ =	sdelay $0x1  }
.Ltmp3:
0x145: {  	(pc) =	sbr.rel @p0 .LBB2_9-.Ltmp3, $3  }
0x146: {  	_ =	sdelay $0x1  }
0x147: {  	v1 =	vunpack.i.u.bf16.f32 v0;
	v2 =	vunpack.i.l.bf16.f32 v0  }
0x148: {  	s31 =	smov.u32 s9;
	v0 =	vmov s0;
	v2 =	vmul.f32 v2, v3;
	v1 =	vmul.f32 v1, v3  }
0x149: {  	_ = 	snop  }
0x14a: {  	[tilespmem:s29+$0x0] =	vst v2  }
0x14b: {  	s0 =	sadd.s32 $0x20, s2;
	[tilespmem:s29+$0x10] =	vst v1  }
0x14c: {  	v1 =	vld [tilespmem:s0+$0xFFFFFFF0]  }
0x14d: {  	v0 =	vld.idx.msk [tilespmem:v0+s25+$0x0], $0xffff;
	_ =	sdelay $0x3  }
0x14e: {  	v2 =	vunpack.i.l.bf16.f32 v1  }
0x14f: {  	v1 =	vunpack.i.u.bf16.f32 v1;
	v2 =	vmul.f32 v2, v0  }
0x150: {  	s31 =	sadd.s32 $0x40, s28;
	v1 =	vmul.f32 v1, v0  }
0x151: {  	[tilespmem:s31+$0xFFFFFFE0] =	vst v2  }
0x152: {  	[tilespmem:s31+$0xFFFFFFF0] =	vst v1  }
0x153: {  	v1 =	vld [tilespmem:s0+$0x0];
	_ =	sdelay $0x4  }
0x154: {  	v2 =	vunpack.i.l.bf16.f32 v1  }
0x155: {  	v1 =	vunpack.i.u.bf16.f32 v1;
	v2 =	vmul.f32 v2, v0  }
0x156: {  	v0 =	vmul.f32 v1, v0  }
0x157: {  	s9 =	sand.u32 $0x3FFFFF00, s10;
	[tilespmem:s31+$0x0] =	vst v2  }
0x158: {  	s0 =	sadd.s32 $0x2C00, s9;
	[tilespmem:s31+$0x10] =	vst v0  }
0x159: {  	[spmem:s3] =	stream.indirect.scatter.add.f32 [tilespmem:s12], [sflag:$0x2], $0x40, s0, s26, $0xb8;
	[tilespmem:$0x1F900] =	vst v63  }
0x15a: {  	_ =	swait.ge [sflag:s30], $0x80  }
0x15b: {  	[sflag:s30] =	ssyncset.done $0x0  }
0x15c: {  	[sflag:s30] =	ssyncadd.s32 $0xFFFFFF80  }
0x15d: {  	s4 =	sor.u32 $0x1, s4;
	_ =	swait.ge [sflag:s30], $0x1000  }
0x15e: {  	p0 =	sgt.u32 s4, $0x56;
	[sflag:s30] =	ssyncset.done $0x0  }
0x15f: {  	s0 =	sadd.s32 @!p0 $0x100, s10;
	[sflag:s30] =	ssyncadd.s32 $0xFFFFF000  }
0x160: {  	s28 =	simm.s32 $0x0;
	s2 =	sadd.s32 @!p0 s0, s11;
	_ =	swait.ge [sflag:s14], $0x2000  }
0x161: {  	s9 =	simm.s32 @!p0 $0x0;
	s2 =	sshrl.u32 @!p0 s2, $0x3;
	[sflag:s14] =	ssyncset.done $0x0  }
0x162: {  	v0 =	vmov s28;
	s10 =	simm.s32 @!p0 $0x5800;
	s2 =	sadd.s32 @!p0 s5, s2;
	[sflag:s14] =	ssyncadd.s32 $0xFFFFE000  }
0x163: {  	[tilespmem:s10], [sflag:$0x1] =	stream.linear.gather @!p0 [hbm4b:s2+s9], $0x80, $0x38;
	[tilespmem:$0x1F900] =	vst v63  }
0x164: {  	s2 =	simm.s32 @!p0 $0x80;
	s9 =	simm.s32 @!p0 $0x5900;
	s10 =	simm.s32 $0x6910  }
0x165: {  	[tilespmem:s9], [sflag:$0x1] =	stream.indirect.gather @!p0 [hbm4b:s6+s2], $0x20, s0, s2, $0xb8;
	[tilespmem:$0x1F900] =	vst v63  }
0x166: {  	v1 =	vld [tilespmem:s10+$0xFFFFFFF0]  }
0x167: {  	v3 =	vld.idx.msk [tilespmem:v0+s1+$0x0], $0xffff;
	_ =	sdelay $0x3  }
0x168: {  	v0 =	vunpack.i.l.bf16.f32 v1  }
0x169: {  	v1 =	vunpack.i.u.bf16.f32 v1;
	v0 =	vmul.f32 v0, v3  }
0x16a: {  	s2 =	simm.s32 $0x9920;
	v1 =	vmul.f32 v1, v3  }
0x16b: {  	[tilespmem:s2+$0xFFFFFFE0] =	vst v0  }
0x16c: {  	[tilespmem:s2+$0xFFFFFFF0] =	vst v1  }
0x16d: {  	v0 =	vld [tilespmem:s10+$0x0];
	_ =	sdelay $0x4  }
0x16e: {  	s31 =	simm.s32 $0x1;
	v1 =	vunpack.i.u.bf16.f32 v0;
	v2 =	vunpack.i.l.bf16.f32 v0  }
0x16f: {  	s29 =	simm.s32 $0x2;
	s28 =	simm.s32 $0x9920;
	v0 =	vmov s31;
	v2 =	vmul.f32 v2, v3;
	v1 =	vmul.f32 v1, v3  }
.LBB2_11:
0x170: {  	s2 =	sadd.s32 $0x40, s2  }
0x171: {  	s10 =	sadd.s32 $0x20, s10;
	s0 =	smov.u32 s29;
	s9 =	sadd.s32 $0x1, s29  }
0x172: {  	p0 =	sne.s32 s29, $0x7F;
	[tilespmem:s28+$0x0] =	vst v2  }
0x173: {  	[tilespmem:s28+$0x10] =	vst v1;
	s28 =	smov.u32 s2  }
0x174: {  	v1 =	vld [tilespmem:s10+$0xFFFFFFF0]  }
0x175: {  	v3 =	vld.idx.msk [tilespmem:v0+s1+$0x0], $0xffff;
	_ =	sdelay $0x4  }
0x176: {  	v0 =	vunpack.i.u.bf16.f32 v1;
	v1 =	vunpack.i.l.bf16.f32 v1  }
0x177: {  	v1 =	vmul.f32 v1, v3;
	v0 =	vmul.f32 v0, v3;
	_ =	sdelay $0x1  }
0x178: {  	[tilespmem:s2+$0xFFFFFFE0] =	vst v1  }
0x179: {  	[tilespmem:s2+$0xFFFFFFF0] =	vst v0  }
0x17a: {  	v0 =	vld [tilespmem:s10+$0x0];
	_ =	sdelay $0x1  }
.Ltmp4:
0x17b: {  	(pc) =	sbr.rel @p0 .LBB2_11-.Ltmp4, $3  }
0x17c: {  	_ =	sdelay $0x1  }
0x17d: {  	v1 =	vunpack.i.u.bf16.f32 v0;
	v2 =	vunpack.i.l.bf16.f32 v0  }
0x17e: {  	s29 =	smov.u32 s9;
	v0 =	vmov s0;
	v2 =	vmul.f32 v2, v3;
	v1 =	vmul.f32 v1, v3  }
0x17f: {  	_ = 	snop  }
0x180: {  	[tilespmem:s28+$0x0] =	vst v2  }
0x181: {  	s0 =	sadd.s32 $0x20, s10;
	[tilespmem:s28+$0x10] =	vst v1  }
0x182: {  	v1 =	vld [tilespmem:s0+$0xFFFFFFF0]  }
0x183: {  	v0 =	vld.idx.msk [tilespmem:v0+s1+$0x0], $0xffff;
	_ =	sdelay $0x3  }
0x184: {  	v62 =	vunpack.i.l.bf16.f32 v1  }
0x185: {  	v1 =	vunpack.i.u.bf16.f32 v1;
	v2 =	vmul.f32 v62, v0  }
0x186: {  	s2 =	sadd.s32 $0x40, s2;
	v1 =	vmul.f32 v1, v0  }
0x187: {  	[tilespmem:s2+$0xFFFFFFE0] =	vst v2  }
0x188: {  	[tilespmem:s2+$0xFFFFFFF0] =	vst v1  }
0x189: {  	v1 =	vld [tilespmem:s0+$0x0];
	_ =	sdelay $0x3  }
0x18a: {  	s23 =	sadd.s32 $0x1, s23  }
0x18b: {  	p0 =	sne.s32 s23, $0x2C;
	v63 =	vunpack.i.l.bf16.f32 v1  }
.Ltmp5:
0x18c: {  	v1 =	vunpack.i.u.bf16.f32 v1;
	v2 =	vmul.f32 v63, v0;
	(pc) =	sbr.rel @p0 .LBB2_8-.Ltmp5, $4  }
0x18d: {  	s31 =	sshll.u32 s4, $0x7;
	v0 =	vmul.f32 v1, v0  }
0x18e: {  	s0 =	sand.u32 $0x3FFFFF80, s31;
	[tilespmem:s2+$0x0] =	vst v2  }
0x18f: {  	s0 =	sadd.s32 $0x2C00, s0;
	[tilespmem:s2+$0x10] =	vst v0  }
0x190: {  	[spmem:s3] =	stream.indirect.scatter.add.f32 [tilespmem:s16], [sflag:$0x2], $0x40, s0, s26, $0xb8;
	[tilespmem:$0x1F900] =	vst v63  }
0x191: {  	_ =	swait.ge [sflag:s14], $0x2000  }
0x192: {  	[sflag:s14] =	ssyncset.done $0x0  }
0x193: {  	[sflag:s14] =	ssyncadd.s32 $0xFFFFE000  }
0x194: {  	[bflag:$0x0] =	sbarrier.arrive $0xFFFF  }
0x195: {  	s0 =	rddreg [dreg:$0xc]  }
0x196: {  	[hbm:s0], [sflag:s22] =	dma.local [spmem:s17], $0x2800  }
0x197: {  	_ =	swait.ge [sflag:s24], $0x2800  }
0x198: {  	[sflag:s24] =	ssyncset.done $0x0  }
0x199: {  	[sflag:s24] =	ssyncadd.s32 $0xFFFFD800  }
0x19a: {  	[bflag:$0x0] =	sbarrier.arrive $0xFFFF  }
0x19b: {  	s21 =	simm.s32 $0x0;
	s23 =	rddreg [dreg:$0xd]  }
0x19c: {  	[tilespmem:s21], [sflag:$0x3] =	stream.linear.gather [hbm4b:s23+s21], $0x2C00, $0x38;
	[tilespmem:$0x1F900] =	vst v63  }
0x19d: {  	_ =	swait.ge [sflag:s24], $0x2C00  }
0x19e: {  	[sflag:s24] =	ssyncset.done $0x0;
	s2 =	sld [smem:$0x7F0]  }
0x19f: {  	[sflag:s24] =	ssyncadd.s32 $0xFFFFD400  }
0x1a0: {  	s28 =	rddreg [dreg:$0x1]  }
0x1a1: {  	[spmem:s2], [sflag:s22] =	dma.local [hbm:s28], $0x400  }
0x1a2: {  	_ =	swait.ge [sflag:s24], $0x400  }
0x1a3: {  	s31 =	sld [smem:$0x7F1]  }
0x1a4: {  	[sflag:s24] =	ssyncset.done $0x0  }
0x1a5: {  	s29 =	rddreg [dreg:$0x15];
	[sflag:s24] =	ssyncadd.s32 $0xFFFFFC00  }
0x1a6: {  	[spmem:s31], [sflag:s22] =	dma.local [hbm:s29], $0x400  }
0x1a7: {  	_ =	swait.ge [sflag:s24], $0x400  }
0x1a8: {  	s4 =	sld [smem:$0x7F2]  }
0x1a9: {  	[sflag:s24] =	ssyncset.done $0x0  }
0x1aa: {  	s2 =	rddreg [dreg:$0x17];
	[sflag:s24] =	ssyncadd.s32 $0xFFFFFC00  }
0x1ab: {  	[spmem:s4], [sflag:s22] =	dma.local [hbm:s2], $0x400  }
0x1ac: {  	_ =	swait.ge [sflag:s24], $0x400  }
0x1ad: {  	s10 =	sld [smem:$0x7F3]  }
0x1ae: {  	[sflag:s24] =	ssyncset.done $0x0  }
0x1af: {  	s9 =	rddreg [dreg:$0x19];
	[sflag:s24] =	ssyncadd.s32 $0xFFFFFC00  }
0x1b0: {  	[spmem:s10], [sflag:s22] =	dma.local [hbm:s9], $0x400  }
0x1b1: {  	_ =	swait.ge [sflag:s24], $0x400  }
0x1b2: {  	s28 =	sld [smem:$0x7F4]  }
0x1b3: {  	[sflag:s24] =	ssyncset.done $0x0  }
0x1b4: {  	s23 =	rddreg [dreg:$0x1b];
	[sflag:s24] =	ssyncadd.s32 $0xFFFFFC00  }
0x1b5: {  	[spmem:s28], [sflag:s22] =	dma.local [hbm:s23], $0x400  }
0x1b6: {  	_ =	swait.ge [sflag:s24], $0x400  }
0x1b7: {  	s31 =	sld [smem:$0x7F5]  }
0x1b8: {  	[sflag:s24] =	ssyncset.done $0x0  }
0x1b9: {  	s29 =	rddreg [dreg:$0x1d];
	[sflag:s24] =	ssyncadd.s32 $0xFFFFFC00  }
0x1ba: {  	[spmem:s31], [sflag:s22] =	dma.local [hbm:s29], $0x400  }
0x1bb: {  	_ =	swait.ge [sflag:s24], $0x400  }
0x1bc: {  	s4 =	sld [smem:$0x7F6]  }
0x1bd: {  	[sflag:s24] =	ssyncset.done $0x0  }
0x1be: {  	s2 =	rddreg [dreg:$0x1f];
	[sflag:s24] =	ssyncadd.s32 $0xFFFFFC00  }
0x1bf: {  	[spmem:s4], [sflag:s22] =	dma.local [hbm:s2], $0x400  }
0x1c0: {  	_ =	swait.ge [sflag:s24], $0x400  }
0x1c1: {  	s9 =	sld [smem:$0x7F9]  }
0x1c2: {  	s10 =	sld [smem:$0x7F7]  }
0x1c3: {  	[sflag:s24] =	ssyncset.done $0x0  }
0x1c4: {  	[sflag:s24] =	ssyncadd.s32 $0xFFFFFC00  }
0x1c5: {  	[spmem:s10], [sflag:s22] =	dma.local [hbm:s9], $0x400  }
0x1c6: {  	_ =	swait.ge [sflag:s24], $0x400  }
0x1c7: {  	s23 =	sld [smem:$0x7FB]  }
0x1c8: {  	[sflag:s24] =	ssyncset.done $0x0  }
0x1c9: {  	[sflag:s24] =	ssyncadd.s32 $0xFFFFFC00  }
0x1ca: {  	[spmem:s13], [sflag:s22] =	dma.local [hbm:s23], $0x400  }
0x1cb: {  	_ =	swait.ge [sflag:s24], $0x400  }
0x1cc: {  	s28 =	sld [smem:$0x7FD]  }
0x1cd: {  	[sflag:s24] =	ssyncset.done $0x0  }
0x1ce: {  	[sflag:s24] =	ssyncadd.s32 $0xFFFFFC00  }
0x1cf: {  	[spmem:s15], [sflag:s22] =	dma.local [hbm:s28], $0x400  }
0x1d0: {  	_ =	swait.ge [sflag:s24], $0x400  }
0x1d1: {  	[sflag:s24] =	ssyncset.done $0x0  }
0x1d2: {  	[sflag:s24] =	ssyncadd.s32 $0xFFFFFC00  }
0x1d3: {  	[bflag:$0x0] =	sbarrier.arrive $0xFFFF  }
0x1d4: {  	s29 =	rddreg [dreg:$0xe]  }
0x1d5: {  	[tilespmem:s25], [sflag:$0x1] =	stream.linear.gather [hbm4b:s29+s21], $0x80, $0x38;
	[tilespmem:$0x1F900] =	vst v63  }
0x1d6: {  	s31 =	simm.s32 $0x5900;
	s23 =	simm.s32 $0x0  }
0x1d7: {  	[tilespmem:s31], [sflag:$0x1] =	stream.indirect.gather [hbm4b:s6+s26], $0x20, s21, s26, $0xb8;
	[tilespmem:$0x1F900] =	vst v63  }
.LBB2_14:
0x1d8: {  	_ =	swait.ge [sflag:s30], $0x80  }
0x1d9: {  	[sflag:s30] =	ssyncset.done $0x0  }
0x1da: {  	[sflag:s30] =	ssyncadd.s32 $0xFFFFFF80  }
0x1db: {  	_ =	swait.ge [sflag:s30], $0x1000  }
0x1dc: {  	p0 =	seq.s32 s23, $0x0;
	s10 =	sshll.u32 s23, $0x8;
	[sflag:s30] =	ssyncset.done $0x0  }
0x1dd: {  	s0 =	simm.s32 @!p0 $0x2;
	s2 =	sor.u32 $0x80, s10;
	[sflag:s30] =	ssyncadd.s32 $0xFFFFF000  }
0x1de: {  	s4 =	sadd.s32 s2, s18;
	_ =	swait.ge @!p0 [sflag:s0], $0x2000  }
0x1df: {  	s4 =	sshrl.u32 s4, $0x3;
	[sflag:s0] =	ssyncset.done @!p0 $0x0  }
0x1e0: {  	s4 =	sadd.s32 s5, s4;
	[sflag:s0] =	ssyncadd.s32 @!p0 $0xFFFFE000  }
0x1e1: {  	v0 =	vmov s21;
	[tilespmem:s1], [sflag:$0x1] =	stream.linear.gather [hbm4b:s4+s21], $0x80, $0x38;
	[tilespmem:$0x1F900] =	vst v63  }
0x1e2: {  	_ = 	snop  }
0x1e3: {  	[tilespmem:s8], [sflag:$0x1] =	stream.indirect.gather [hbm4b:s6+s26], $0x20, s2, s26, $0xb8;
	[tilespmem:$0x1F900] =	vst v63  }
0x1e4: {  	s2 =	simm.s32 $0x5910  }
0x1e5: {  	v1 =	vld [tilespmem:s2+$0xFFFFFFF0]  }
0x1e6: {  	v3 =	vld.idx.msk [tilespmem:v0+s25+$0x0], $0xffff;
	_ =	sdelay $0x3  }
0x1e7: {  	v0 =	vunpack.i.l.bf16.f32 v1  }
0x1e8: {  	v1 =	vunpack.i.u.bf16.f32 v1;
	v0 =	vmul.f32 v0, v3  }
0x1e9: {  	s28 =	simm.s32 $0x7920;
	v1 =	vmul.f32 v1, v3  }
0x1ea: {  	[tilespmem:s28+$0xFFFFFFE0] =	vst v0  }
0x1eb: {  	[tilespmem:s28+$0xFFFFFFF0] =	vst v1  }
0x1ec: {  	v0 =	vld [tilespmem:s2+$0x0];
	_ =	sdelay $0x4  }
0x1ed: {  	s9 =	simm.s32 $0x1;
	v1 =	vunpack.i.u.bf16.f32 v0;
	v2 =	vunpack.i.l.bf16.f32 v0  }
0x1ee: {  	s31 =	simm.s32 $0x2;
	s29 =	simm.s32 $0x7920;
	s4 =	sshll.u32 s23, $0x1;
	v0 =	vmov s9;
	v2 =	vmul.f32 v2, v3;
	v1 =	vmul.f32 v1, v3  }
.LBB2_15:
0x1ef: {  	s28 =	sadd.s32 $0x40, s28  }
0x1f0: {  	s2 =	sadd.s32 $0x20, s2;
	s0 =	smov.u32 s31;
	s9 =	sadd.s32 $0x1, s31  }
0x1f1: {  	p0 =	sne.s32 s31, $0x7F;
	[tilespmem:s29+$0x0] =	vst v2  }
0x1f2: {  	[tilespmem:s29+$0x10] =	vst v1;
	s29 =	smov.u32 s28  }
0x1f3: {  	v1 =	vld [tilespmem:s2+$0xFFFFFFF0]  }
0x1f4: {  	v3 =	vld.idx.msk [tilespmem:v0+s25+$0x0], $0xffff;
	_ =	sdelay $0x4  }
0x1f5: {  	v0 =	vunpack.i.u.bf16.f32 v1;
	v1 =	vunpack.i.l.bf16.f32 v1  }
0x1f6: {  	v1 =	vmul.f32 v1, v3;
	v0 =	vmul.f32 v0, v3;
	_ =	sdelay $0x1  }
0x1f7: {  	[tilespmem:s28+$0xFFFFFFE0] =	vst v1  }
0x1f8: {  	[tilespmem:s28+$0xFFFFFFF0] =	vst v0  }
0x1f9: {  	v0 =	vld [tilespmem:s2+$0x0];
	_ =	sdelay $0x1  }
.Ltmp6:
0x1fa: {  	(pc) =	sbr.rel @p0 .LBB2_15-.Ltmp6, $3  }
0x1fb: {  	_ =	sdelay $0x1  }
0x1fc: {  	v1 =	vunpack.i.u.bf16.f32 v0;
	v2 =	vunpack.i.l.bf16.f32 v0  }
0x1fd: {  	s31 =	smov.u32 s9;
	v0 =	vmov s0;
	v2 =	vmul.f32 v2, v3;
	v1 =	vmul.f32 v1, v3  }
0x1fe: {  	_ = 	snop  }
0x1ff: {  	[tilespmem:s29+$0x0] =	vst v2  }
0x200: {  	s0 =	sadd.s32 $0x20, s2;
	[tilespmem:s29+$0x10] =	vst v1  }
0x201: {  	v1 =	vld [tilespmem:s0+$0xFFFFFFF0]  }
0x202: {  	v0 =	vld.idx.msk [tilespmem:v0+s25+$0x0], $0xffff;
	_ =	sdelay $0x3  }
0x203: {  	v2 =	vunpack.i.l.bf16.f32 v1  }
0x204: {  	v1 =	vunpack.i.u.bf16.f32 v1;
	v2 =	vmul.f32 v2, v0  }
0x205: {  	s31 =	sadd.s32 $0x40, s28;
	v1 =	vmul.f32 v1, v0  }
0x206: {  	[tilespmem:s31+$0xFFFFFFE0] =	vst v2  }
0x207: {  	[tilespmem:s31+$0xFFFFFFF0] =	vst v1  }
0x208: {  	v1 =	vld [tilespmem:s0+$0x0];
	_ =	sdelay $0x4  }
0x209: {  	v2 =	vunpack.i.l.bf16.f32 v1  }
0x20a: {  	v1 =	vunpack.i.u.bf16.f32 v1;
	v2 =	vmul.f32 v2, v0  }
0x20b: {  	v0 =	vmul.f32 v1, v0  }
0x20c: {  	s9 =	sand.u32 $0x3FFFFF00, s10;
	[tilespmem:s31+$0x0] =	vst v2  }
0x20d: {  	s0 =	sadd.s32 $0x2C00, s9;
	[tilespmem:s31+$0x10] =	vst v0  }
0x20e: {  	[spmem:s3] =	stream.indirect.scatter.add.f32 [tilespmem:s12], [sflag:$0x2], $0x40, s0, s26, $0xb8;
	[tilespmem:$0x1F900] =	vst v63  }
0x20f: {  	_ =	swait.ge [sflag:s30], $0x80  }
0x210: {  	[sflag:s30] =	ssyncset.done $0x0  }
0x211: {  	[sflag:s30] =	ssyncadd.s32 $0xFFFFFF80  }
0x212: {  	s4 =	sor.u32 $0x1, s4;
	_ =	swait.ge [sflag:s30], $0x1000  }
0x213: {  	p0 =	sgt.u32 s4, $0x56;
	[sflag:s30] =	ssyncset.done $0x0  }
0x214: {  	s0 =	sadd.s32 @!p0 $0x100, s10;
	[sflag:s30] =	ssyncadd.s32 $0xFFFFF000  }
0x215: {  	s28 =	simm.s32 $0x0;
	s2 =	sadd.s32 @!p0 s0, s18;
	_ =	swait.ge [sflag:s14], $0x2000  }
0x216: {  	s9 =	simm.s32 @!p0 $0x0;
	s2 =	sshrl.u32 @!p0 s2, $0x3;
	[sflag:s14] =	ssyncset.done $0x0  }
0x217: {  	v0 =	vmov s28;
	s10 =	simm.s32 @!p0 $0x5800;
	s2 =	sadd.s32 @!p0 s5, s2;
	[sflag:s14] =	ssyncadd.s32 $0xFFFFE000  }
0x218: {  	[tilespmem:s10], [sflag:$0x1] =	stream.linear.gather @!p0 [hbm4b:s2+s9], $0x80, $0x38;
	[tilespmem:$0x1F900] =	vst v63  }
0x219: {  	s2 =	simm.s32 @!p0 $0x80;
	s9 =	simm.s32 @!p0 $0x5900;
	s10 =	simm.s32 $0x6910  }
0x21a: {  	[tilespmem:s9], [sflag:$0x1] =	stream.indirect.gather @!p0 [hbm4b:s6+s2], $0x20, s0, s2, $0xb8;
	[tilespmem:$0x1F900] =	vst v63  }
0x21b: {  	v1 =	vld [tilespmem:s10+$0xFFFFFFF0]  }
0x21c: {  	v3 =	vld.idx.msk [tilespmem:v0+s1+$0x0], $0xffff;
	_ =	sdelay $0x3  }
0x21d: {  	v0 =	vunpack.i.l.bf16.f32 v1  }
0x21e: {  	v1 =	vunpack.i.u.bf16.f32 v1;
	v0 =	vmul.f32 v0, v3  }
0x21f: {  	s2 =	simm.s32 $0x9920;
	v1 =	vmul.f32 v1, v3  }
0x220: {  	[tilespmem:s2+$0xFFFFFFE0] =	vst v0  }
0x221: {  	[tilespmem:s2+$0xFFFFFFF0] =	vst v1  }
0x222: {  	v0 =	vld [tilespmem:s10+$0x0];
	_ =	sdelay $0x4  }
0x223: {  	s31 =	simm.s32 $0x1;
	v1 =	vunpack.i.u.bf16.f32 v0;
	v2 =	vunpack.i.l.bf16.f32 v0  }
0x224: {  	s29 =	simm.s32 $0x2;
	s28 =	simm.s32 $0x9920;
	v0 =	vmov s31;
	v2 =	vmul.f32 v2, v3;
	v1 =	vmul.f32 v1, v3  }
.LBB2_17:
0x225: {  	s2 =	sadd.s32 $0x40, s2  }
0x226: {  	s10 =	sadd.s32 $0x20, s10;
	s0 =	smov.u32 s29;
	s9 =	sadd.s32 $0x1, s29  }
0x227: {  	p0 =	sne.s32 s29, $0x7F;
	[tilespmem:s28+$0x0] =	vst v2  }
0x228: {  	[tilespmem:s28+$0x10] =	vst v1;
	s28 =	smov.u32 s2  }
0x229: {  	v1 =	vld [tilespmem:s10+$0xFFFFFFF0]  }
0x22a: {  	v3 =	vld.idx.msk [tilespmem:v0+s1+$0x0], $0xffff;
	_ =	sdelay $0x4  }
0x22b: {  	v0 =	vunpack.i.u.bf16.f32 v1;
	v1 =	vunpack.i.l.bf16.f32 v1  }
0x22c: {  	v1 =	vmul.f32 v1, v3;
	v0 =	vmul.f32 v0, v3;
	_ =	sdelay $0x1  }
0x22d: {  	[tilespmem:s2+$0xFFFFFFE0] =	vst v1  }
0x22e: {  	[tilespmem:s2+$0xFFFFFFF0] =	vst v0  }
0x22f: {  	v0 =	vld [tilespmem:s10+$0x0];
	_ =	sdelay $0x1  }
.Ltmp7:
0x230: {  	(pc) =	sbr.rel @p0 .LBB2_17-.Ltmp7, $3  }
0x231: {  	_ =	sdelay $0x1  }
0x232: {  	v1 =	vunpack.i.u.bf16.f32 v0;
	v2 =	vunpack.i.l.bf16.f32 v0  }
0x233: {  	s29 =	smov.u32 s9;
	v0 =	vmov s0;
	v2 =	vmul.f32 v2, v3;
	v1 =	vmul.f32 v1, v3  }
0x234: {  	_ = 	snop  }
0x235: {  	[tilespmem:s28+$0x0] =	vst v2  }
0x236: {  	s0 =	sadd.s32 $0x20, s10;
	[tilespmem:s28+$0x10] =	vst v1  }
0x237: {  	v1 =	vld [tilespmem:s0+$0xFFFFFFF0]  }
0x238: {  	v0 =	vld.idx.msk [tilespmem:v0+s1+$0x0], $0xffff;
	_ =	sdelay $0x3  }
0x239: {  	v62 =	vunpack.i.l.bf16.f32 v1  }
0x23a: {  	v1 =	vunpack.i.u.bf16.f32 v1;
	v2 =	vmul.f32 v62, v0  }
0x23b: {  	s2 =	sadd.s32 $0x40, s2;
	v1 =	vmul.f32 v1, v0  }
0x23c: {  	[tilespmem:s2+$0xFFFFFFE0] =	vst v2  }
0x23d: {  	[tilespmem:s2+$0xFFFFFFF0] =	vst v1  }
0x23e: {  	v1 =	vld [tilespmem:s0+$0x0];
	_ =	sdelay $0x3  }
0x23f: {  	s23 =	sadd.s32 $0x1, s23  }
0x240: {  	p0 =	sne.s32 s23, $0x2C;
	v63 =	vunpack.i.l.bf16.f32 v1  }
.Ltmp8:
0x241: {  	v1 =	vunpack.i.u.bf16.f32 v1;
	v2 =	vmul.f32 v63, v0;
	(pc) =	sbr.rel @p0 .LBB2_14-.Ltmp8, $4  }
0x242: {  	s31 =	sshll.u32 s4, $0x7;
	v0 =	vmul.f32 v1, v0  }
0x243: {  	s0 =	sand.u32 $0x3FFFFF80, s31;
	[tilespmem:s2+$0x0] =	vst v2  }
0x244: {  	s0 =	sadd.s32 $0x2C00, s0;
	[tilespmem:s2+$0x10] =	vst v0  }
0x245: {  	[spmem:s3] =	stream.indirect.scatter.add.f32 [tilespmem:s16], [sflag:$0x2], $0x40, s0, s26, $0xb8;
	[tilespmem:$0x1F900] =	vst v63  }
0x246: {  	_ =	swait.ge [sflag:s14], $0x2000  }
0x247: {  	[sflag:s14] =	ssyncset.done $0x0  }
0x248: {  	[sflag:s14] =	ssyncadd.s32 $0xFFFFE000  }
0x249: {  	[bflag:$0x0] =	sbarrier.arrive $0xFFFF  }
0x24a: {  	s0 =	rddreg [dreg:$0x11]  }
0x24b: {  	[hbm:s0], [sflag:s22] =	dma.local [spmem:s17], $0x2800  }
0x24c: {  	_ =	swait.ge [sflag:s24], $0x2800  }
0x24d: {  	[sflag:s24] =	ssyncset.done $0x0  }
0x24e: {  	[sflag:s24] =	ssyncadd.s32 $0xFFFFD800  }
0x24f: {  	[bflag:$0x0] =	sbarrier.arrive $0xFFFF  }
0x250: {  	s21 =	simm.s32 $0x0;
	s23 =	rddreg [dreg:$0xf]  }
0x251: {  	[tilespmem:s21], [sflag:$0x3] =	stream.linear.gather [hbm4b:s23+s21], $0x2C00, $0x38;
	[tilespmem:$0x1F900] =	vst v63  }
0x252: {  	_ =	swait.ge [sflag:s24], $0x2C00  }
0x253: {  	[sflag:s24] =	ssyncset.done $0x0;
	s2 =	sld [smem:$0x7F0]  }
0x254: {  	[sflag:s24] =	ssyncadd.s32 $0xFFFFD400  }
0x255: {  	s28 =	rddreg [dreg:$0x1]  }
0x256: {  	[spmem:s2], [sflag:s22] =	dma.local [hbm:s28], $0x400  }
0x257: {  	_ =	swait.ge [sflag:s24], $0x400  }
0x258: {  	s31 =	sld [smem:$0x7F1]  }
0x259: {  	[sflag:s24] =	ssyncset.done $0x0  }
0x25a: {  	s29 =	rddreg [dreg:$0x15];
	[sflag:s24] =	ssyncadd.s32 $0xFFFFFC00  }
0x25b: {  	[spmem:s31], [sflag:s22] =	dma.local [hbm:s29], $0x400  }
0x25c: {  	_ =	swait.ge [sflag:s24], $0x400  }
0x25d: {  	s4 =	sld [smem:$0x7F2]  }
0x25e: {  	[sflag:s24] =	ssyncset.done $0x0  }
0x25f: {  	s2 =	rddreg [dreg:$0x17];
	[sflag:s24] =	ssyncadd.s32 $0xFFFFFC00  }
0x260: {  	[spmem:s4], [sflag:s22] =	dma.local [hbm:s2], $0x400  }
0x261: {  	_ =	swait.ge [sflag:s24], $0x400  }
0x262: {  	s10 =	sld [smem:$0x7F3]  }
0x263: {  	[sflag:s24] =	ssyncset.done $0x0  }
0x264: {  	s9 =	rddreg [dreg:$0x19];
	[sflag:s24] =	ssyncadd.s32 $0xFFFFFC00  }
0x265: {  	[spmem:s10], [sflag:s22] =	dma.local [hbm:s9], $0x400  }
0x266: {  	_ =	swait.ge [sflag:s24], $0x400  }
0x267: {  	s28 =	sld [smem:$0x7F4]  }
0x268: {  	[sflag:s24] =	ssyncset.done $0x0  }
0x269: {  	s23 =	rddreg [dreg:$0x1b];
	[sflag:s24] =	ssyncadd.s32 $0xFFFFFC00  }
0x26a: {  	[spmem:s28], [sflag:s22] =	dma.local [hbm:s23], $0x400  }
0x26b: {  	_ =	swait.ge [sflag:s24], $0x400  }
0x26c: {  	s31 =	sld [smem:$0x7F5]  }
0x26d: {  	[sflag:s24] =	ssyncset.done $0x0  }
0x26e: {  	s29 =	rddreg [dreg:$0x1d];
	[sflag:s24] =	ssyncadd.s32 $0xFFFFFC00  }
0x26f: {  	[spmem:s31], [sflag:s22] =	dma.local [hbm:s29], $0x400  }
0x270: {  	_ =	swait.ge [sflag:s24], $0x400  }
0x271: {  	s4 =	sld [smem:$0x7F6]  }
0x272: {  	[sflag:s24] =	ssyncset.done $0x0  }
0x273: {  	s2 =	rddreg [dreg:$0x1f];
	[sflag:s24] =	ssyncadd.s32 $0xFFFFFC00  }
0x274: {  	[spmem:s4], [sflag:s22] =	dma.local [hbm:s2], $0x400  }
0x275: {  	_ =	swait.ge [sflag:s24], $0x400  }
0x276: {  	s9 =	sld [smem:$0x7F9]  }
0x277: {  	s10 =	sld [smem:$0x7F7]  }
0x278: {  	[sflag:s24] =	ssyncset.done $0x0  }
0x279: {  	[sflag:s24] =	ssyncadd.s32 $0xFFFFFC00  }
0x27a: {  	[spmem:s10], [sflag:s22] =	dma.local [hbm:s9], $0x400  }
0x27b: {  	_ =	swait.ge [sflag:s24], $0x400  }
0x27c: {  	s23 =	sld [smem:$0x7FB]  }
0x27d: {  	[sflag:s24] =	ssyncset.done $0x0  }
0x27e: {  	[sflag:s24] =	ssyncadd.s32 $0xFFFFFC00  }
0x27f: {  	[spmem:s13], [sflag:s22] =	dma.local [hbm:s23], $0x400  }
0x280: {  	_ =	swait.ge [sflag:s24], $0x400  }
0x281: {  	s28 =	sld [smem:$0x7FD]  }
0x282: {  	[sflag:s24] =	ssyncset.done $0x0  }
0x283: {  	[sflag:s24] =	ssyncadd.s32 $0xFFFFFC00  }
0x284: {  	[spmem:s15], [sflag:s22] =	dma.local [hbm:s28], $0x400  }
0x285: {  	_ =	swait.ge [sflag:s24], $0x400  }
0x286: {  	[sflag:s24] =	ssyncset.done $0x0  }
0x287: {  	[sflag:s24] =	ssyncadd.s32 $0xFFFFFC00  }
0x288: {  	[bflag:$0x0] =	sbarrier.arrive $0xFFFF  }
0x289: {  	s29 =	rddreg [dreg:$0x10]  }
0x28a: {  	[tilespmem:s25], [sflag:$0x1] =	stream.linear.gather [hbm4b:s29+s21], $0x80, $0x38;
	[tilespmem:$0x1F900] =	vst v63  }
0x28b: {  	s0 =	simm.s32 $0x0;
	s31 =	simm.s32 $0x5900  }
0x28c: {  	[tilespmem:s31], [sflag:$0x1] =	stream.indirect.gather [hbm4b:s6+s26], $0x20, s21, s26, $0xb8;
	[tilespmem:$0x1F900] =	vst v63  }
.LBB2_20:
0x28d: {  	_ =	swait.ge [sflag:s30], $0x80  }
0x28e: {  	[sflag:s30] =	ssyncset.done $0x0  }
0x28f: {  	[sflag:s30] =	ssyncadd.s32 $0xFFFFFF80  }
0x290: {  	_ =	swait.ge [sflag:s30], $0x1000  }
0x291: {  	p0 =	seq.s32 s0, $0x0;
	s2 =	sshll.u32 s0, $0x8;
	[sflag:s30] =	ssyncset.done $0x0  }
0x292: {  	s4 =	simm.s32 @!p0 $0x2;
	s9 =	sor.u32 $0x80, s2;
	[sflag:s30] =	ssyncadd.s32 $0xFFFFF000  }
0x293: {  	s10 =	sadd.s32 s9, s19;
	_ =	swait.ge @!p0 [sflag:s4], $0x2000  }
0x294: {  	s10 =	sshrl.u32 s10, $0x3;
	[sflag:s4] =	ssyncset.done @!p0 $0x0  }
0x295: {  	v0 =	vmov s21;
	s31 =	sadd.s32 s5, s10;
	[sflag:s4] =	ssyncadd.s32 @!p0 $0xFFFFE000  }
0x296: {  	[tilespmem:s1], [sflag:$0x1] =	stream.linear.gather [hbm4b:s31+s21], $0x80, $0x38;
	[tilespmem:$0x1F900] =	vst v63  }
0x297: {  	s10 =	simm.s32 $0x5910  }
0x298: {  	[tilespmem:s8], [sflag:$0x1] =	stream.indirect.gather [hbm4b:s6+s26], $0x20, s9, s26, $0xb8;
	[tilespmem:$0x1F900] =	vst v63  }
0x299: {  	v1 =	vld [tilespmem:s10+$0xFFFFFFF0]  }
0x29a: {  	v3 =	vld.idx.msk [tilespmem:v0+s25+$0x0], $0xffff;
	_ =	sdelay $0x3  }
0x29b: {  	v0 =	vunpack.i.l.bf16.f32 v1  }
0x29c: {  	v1 =	vunpack.i.u.bf16.f32 v1;
	v0 =	vmul.f32 v0, v3  }
0x29d: {  	s9 =	simm.s32 $0x7920;
	v1 =	vmul.f32 v1, v3  }
0x29e: {  	[tilespmem:s9+$0xFFFFFFE0] =	vst v0  }
0x29f: {  	[tilespmem:s9+$0xFFFFFFF0] =	vst v1  }
0x2a0: {  	v0 =	vld [tilespmem:s10+$0x0];
	_ =	sdelay $0x4  }
0x2a1: {  	s13 =	simm.s32 $0x1;
	v1 =	vunpack.i.u.bf16.f32 v0;
	v2 =	vunpack.i.l.bf16.f32 v0  }
0x2a2: {  	s15 =	simm.s32 $0x2;
	s4 =	sshll.u32 s0, $0x1;
	v0 =	vmov s13;
	s13 =	simm.s32 $0x7920;
	v2 =	vmul.f32 v2, v3;
	v1 =	vmul.f32 v1, v3  }
.LBB2_21:
0x2a3: {  	s9 =	sadd.s32 $0x40, s9  }
0x2a4: {  	s10 =	sadd.s32 $0x20, s10;
	s23 =	smov.u32 s15;
	s28 =	sadd.s32 $0x1, s15  }
0x2a5: {  	p0 =	sne.s32 s15, $0x7F;
	[tilespmem:s13+$0x0] =	vst v2  }
0x2a6: {  	[tilespmem:s13+$0x10] =	vst v1;
	s13 =	smov.u32 s9  }
0x2a7: {  	v1 =	vld [tilespmem:s10+$0xFFFFFFF0]  }
0x2a8: {  	v3 =	vld.idx.msk [tilespmem:v0+s25+$0x0], $0xffff;
	_ =	sdelay $0x4  }
0x2a9: {  	v0 =	vunpack.i.u.bf16.f32 v1;
	v1 =	vunpack.i.l.bf16.f32 v1  }
0x2aa: {  	v1 =	vmul.f32 v1, v3;
	v0 =	vmul.f32 v0, v3;
	_ =	sdelay $0x1  }
0x2ab: {  	[tilespmem:s9+$0xFFFFFFE0] =	vst v1  }
0x2ac: {  	[tilespmem:s9+$0xFFFFFFF0] =	vst v0  }
0x2ad: {  	v0 =	vld [tilespmem:s10+$0x0];
	_ =	sdelay $0x1  }
.Ltmp9:
0x2ae: {  	(pc) =	sbr.rel @p0 .LBB2_21-.Ltmp9, $3  }
0x2af: {  	_ =	sdelay $0x1  }
0x2b0: {  	v1 =	vunpack.i.u.bf16.f32 v0;
	v2 =	vunpack.i.l.bf16.f32 v0  }
0x2b1: {  	s15 =	smov.u32 s28;
	v0 =	vmov s23;
	v2 =	vmul.f32 v2, v3;
	v1 =	vmul.f32 v1, v3  }
0x2b2: {  	_ = 	snop  }
0x2b3: {  	[tilespmem:s13+$0x0] =	vst v2  }
0x2b4: {  	s10 =	sadd.s32 $0x20, s10;
	[tilespmem:s13+$0x10] =	vst v1  }
0x2b5: {  	v1 =	vld [tilespmem:s10+$0xFFFFFFF0]  }
0x2b6: {  	v0 =	vld.idx.msk [tilespmem:v0+s25+$0x0], $0xffff;
	_ =	sdelay $0x3  }
0x2b7: {  	v2 =	vunpack.i.l.bf16.f32 v1  }
0x2b8: {  	v1 =	vunpack.i.u.bf16.f32 v1;
	v2 =	vmul.f32 v2, v0  }
0x2b9: {  	s9 =	sadd.s32 $0x40, s9;
	v1 =	vmul.f32 v1, v0  }
0x2ba: {  	[tilespmem:s9+$0xFFFFFFE0] =	vst v2  }
0x2bb: {  	[tilespmem:s9+$0xFFFFFFF0] =	vst v1  }
0x2bc: {  	v1 =	vld [tilespmem:s10+$0x0];
	_ =	sdelay $0x4  }
0x2bd: {  	v2 =	vunpack.i.l.bf16.f32 v1  }
0x2be: {  	v1 =	vunpack.i.u.bf16.f32 v1;
	v2 =	vmul.f32 v2, v0  }
0x2bf: {  	v0 =	vmul.f32 v1, v0  }
0x2c0: {  	s28 =	sand.u32 $0x3FFFFF00, s2;
	[tilespmem:s9+$0x0] =	vst v2  }
0x2c1: {  	s29 =	sadd.s32 $0x2C00, s28;
	[tilespmem:s9+$0x10] =	vst v0  }
0x2c2: {  	[spmem:s3] =	stream.indirect.scatter.add.f32 [tilespmem:s12], [sflag:$0x2], $0x40, s29, s26, $0xb8;
	[tilespmem:$0x1F900] =	vst v63  }
0x2c3: {  	_ =	swait.ge [sflag:s30], $0x80  }
0x2c4: {  	[sflag:s30] =	ssyncset.done $0x0  }
0x2c5: {  	[sflag:s30] =	ssyncadd.s32 $0xFFFFFF80  }
0x2c6: {  	s4 =	sor.u32 $0x1, s4;
	_ =	swait.ge [sflag:s30], $0x1000  }
0x2c7: {  	p0 =	sgt.u32 s4, $0x56;
	[sflag:s30] =	ssyncset.done $0x0  }
0x2c8: {  	s2 =	sadd.s32 @!p0 $0x100, s2;
	[sflag:s30] =	ssyncadd.s32 $0xFFFFF000  }
0x2c9: {  	s15 =	simm.s32 $0x0;
	s9 =	sadd.s32 @!p0 s2, s19;
	_ =	swait.ge [sflag:s14], $0x2000  }
0x2ca: {  	s13 =	simm.s32 @!p0 $0x5800;
	s9 =	sshrl.u32 @!p0 s9, $0x3;
	[sflag:s14] =	ssyncset.done $0x0  }
0x2cb: {  	s10 =	simm.s32 @!p0 $0x0;
	s9 =	sadd.s32 @!p0 s5, s9;
	[sflag:s14] =	ssyncadd.s32 $0xFFFFE000  }
0x2cc: {  	v0 =	vmov s15;
	[tilespmem:s13], [sflag:$0x1] =	stream.linear.gather @!p0 [hbm4b:s9+s10], $0x80, $0x38;
	[tilespmem:$0x1F900] =	vst v63  }
0x2cd: {  	s9 =	simm.s32 @!p0 $0x80;
	s10 =	simm.s32 @!p0 $0x5900  }
0x2ce: {  	[tilespmem:s10], [sflag:$0x1] =	stream.indirect.gather @!p0 [hbm4b:s6+s9], $0x20, s2, s9, $0xb8;
	[tilespmem:$0x1F900] =	vst v63  }
0x2cf: {  	s9 =	simm.s32 $0x6910  }
0x2d0: {  	v1 =	vld [tilespmem:s9+$0xFFFFFFF0]  }
0x2d1: {  	v3 =	vld.idx.msk [tilespmem:v0+s1+$0x0], $0xffff;
	_ =	sdelay $0x3  }
0x2d2: {  	v0 =	vunpack.i.l.bf16.f32 v1  }
0x2d3: {  	v1 =	vunpack.i.u.bf16.f32 v1;
	v0 =	vmul.f32 v0, v3  }
0x2d4: {  	s2 =	simm.s32 $0x9920;
	v1 =	vmul.f32 v1, v3  }
0x2d5: {  	[tilespmem:s2+$0xFFFFFFE0] =	vst v0  }
0x2d6: {  	[tilespmem:s2+$0xFFFFFFF0] =	vst v1  }
0x2d7: {  	v0 =	vld [tilespmem:s9+$0x0];
	_ =	sdelay $0x4  }
0x2d8: {  	s31 =	simm.s32 $0x1;
	v1 =	vunpack.i.u.bf16.f32 v0;
	v2 =	vunpack.i.l.bf16.f32 v0  }
0x2d9: {  	s13 =	simm.s32 $0x2;
	s10 =	simm.s32 $0x9920;
	v0 =	vmov s31;
	v2 =	vmul.f32 v2, v3;
	v1 =	vmul.f32 v1, v3  }
.LBB2_23:
0x2da: {  	s2 =	sadd.s32 $0x40, s2  }
0x2db: {  	s9 =	sadd.s32 $0x20, s9;
	s15 =	smov.u32 s13;
	s23 =	sadd.s32 $0x1, s13  }
0x2dc: {  	p0 =	sne.s32 s13, $0x7F;
	[tilespmem:s10+$0x0] =	vst v2  }
0x2dd: {  	[tilespmem:s10+$0x10] =	vst v1;
	s10 =	smov.u32 s2  }
0x2de: {  	v1 =	vld [tilespmem:s9+$0xFFFFFFF0]  }
0x2df: {  	v3 =	vld.idx.msk [tilespmem:v0+s1+$0x0], $0xffff;
	_ =	sdelay $0x4  }
0x2e0: {  	v0 =	vunpack.i.u.bf16.f32 v1;
	v1 =	vunpack.i.l.bf16.f32 v1  }
0x2e1: {  	v1 =	vmul.f32 v1, v3;
	v0 =	vmul.f32 v0, v3;
	_ =	sdelay $0x1  }
0x2e2: {  	[tilespmem:s2+$0xFFFFFFE0] =	vst v1  }
0x2e3: {  	[tilespmem:s2+$0xFFFFFFF0] =	vst v0  }
0x2e4: {  	v0 =	vld [tilespmem:s9+$0x0];
	_ =	sdelay $0x1  }
.Ltmp10:
0x2e5: {  	(pc) =	sbr.rel @p0 .LBB2_23-.Ltmp10, $3  }
0x2e6: {  	_ =	sdelay $0x1  }
0x2e7: {  	v1 =	vunpack.i.u.bf16.f32 v0;
	v2 =	vunpack.i.l.bf16.f32 v0  }
0x2e8: {  	s13 =	smov.u32 s23;
	v0 =	vmov s15;
	v2 =	vmul.f32 v2, v3;
	v1 =	vmul.f32 v1, v3  }
0x2e9: {  	_ = 	snop  }
0x2ea: {  	[tilespmem:s10+$0x0] =	vst v2  }
0x2eb: {  	s9 =	sadd.s32 $0x20, s9;
	[tilespmem:s10+$0x10] =	vst v1  }
0x2ec: {  	v1 =	vld [tilespmem:s9+$0xFFFFFFF0]  }
0x2ed: {  	v0 =	vld.idx.msk [tilespmem:v0+s1+$0x0], $0xffff;
	_ =	sdelay $0x3  }
0x2ee: {  	v62 =	vunpack.i.l.bf16.f32 v1  }
0x2ef: {  	v1 =	vunpack.i.u.bf16.f32 v1;
	v2 =	vmul.f32 v62, v0  }
0x2f0: {  	s2 =	sadd.s32 $0x40, s2;
	v1 =	vmul.f32 v1, v0  }
0x2f1: {  	[tilespmem:s2+$0xFFFFFFE0] =	vst v2  }
0x2f2: {  	[tilespmem:s2+$0xFFFFFFF0] =	vst v1  }
0x2f3: {  	v1 =	vld [tilespmem:s9+$0x0];
	_ =	sdelay $0x3  }
0x2f4: {  	s0 =	sadd.s32 $0x1, s0  }
0x2f5: {  	p0 =	sne.s32 s0, $0x2C;
	v63 =	vunpack.i.l.bf16.f32 v1  }
.Ltmp11:
0x2f6: {  	v1 =	vunpack.i.u.bf16.f32 v1;
	v2 =	vmul.f32 v63, v0;
	(pc) =	sbr.rel @p0 .LBB2_20-.Ltmp11, $4  }
0x2f7: {  	s4 =	sshll.u32 s4, $0x7;
	v0 =	vmul.f32 v1, v0  }
0x2f8: {  	s4 =	sand.u32 $0x3FFFFF80, s4;
	[tilespmem:s2+$0x0] =	vst v2  }
0x2f9: {  	s31 =	sadd.s32 $0x2C00, s4;
	[tilespmem:s2+$0x10] =	vst v0  }
0x2fa: {  	[spmem:s3] =	stream.indirect.scatter.add.f32 [tilespmem:s16], [sflag:$0x2], $0x40, s31, s26, $0xb8;
	[tilespmem:$0x1F900] =	vst v63  }
0x2fb: {  	_ =	swait.ge [sflag:s14], $0x2000  }
0x2fc: {  	[sflag:s14] =	ssyncset.done $0x0  }
0x2fd: {  	[sflag:s14] =	ssyncadd.s32 $0xFFFFE000  }
0x2fe: {  	[bflag:$0x0] =	sbarrier.arrive $0xFFFF  }
0x2ff: {  	s0 =	rddreg [dreg:$0x12]  }
0x300: {  	[hbm:s0], [sflag:s22] =	dma.local [spmem:s17], $0x2800  }
0x301: {  	_ =	swait.ge [sflag:s24], $0x2800  }
0x302: {  	s20 =	sadd.s32 $0x1, s20;
	s31 =	rddreg [dreg:$0x13]  }
0x303: {  	p0 =	sne.s32 s20, s31  }
.Ltmp12:
0x304: {  	_ = 	snop;
	(pc) =	sbr.rel @p0 .LBB2_1-.Ltmp12, $3  }
0x305: {  	[sflag:s24] =	ssyncset.done $0x0  }
0x306: {  	[sflag:s24] =	ssyncadd.s32 $0xFFFFD800  }
0x307: {  	[bflag:$0x0] =	sbarrier.arrive $0xFFFF;
	_ =	sdelay $0x1  }
0x308: {  	_ =	sfence.sel $0x180000  }
0x309: {  	[bflag:$0x0] =	sbarrier.arrive $0xFFFF  }
0x30a: {  	_ =	strace $0x9000004A  }
0x30b: {  	s0 =	stileid.u32;
	[bflag:$0x2] =	sbarrier.arrive $0xFFFF  }
0x30c: {  	p0 =	sne.s32 s0, $0x0;
	s0 =	rddreg [dreg:$0x3]  }
0x30d: {  	s0 =	sadd.s32 @!p0 $0x100000, s0  }
0x30e: {  	[sflag:s0] =	ssyncadd.tile.s32 @!p0 $0x1;
	_ =	shalt  }
.Lfunc_end2:
_tile_overlayer_lowered:
.L_overlay_start_2:
0x30f: {  	(tag) =	ssettag $0x2  }
0x310: {  	s0 =	rddreg [dreg:$0x0];
	s2 =	stileid.u32  }
0x311: {  	s1 =	rddreg [dreg:$0x1];
	p0 =	sne.s32 s2, $0x0  }
0x312: {  	s3 =	rddreg [dreg:$0x2];
	[bflag:$0x3] =	sbarrier.arrive $0xFFFF;
	s2 =	simm.s32 @!p0 $0x1C03  }
0x313: {  	[timem:s3], [sflag:s2] =	dma.local @!p0 [hbm:s0], s1  }
0x314: {  	s0 =	simm.s32 @!p0 $0x3  }
0x315: {  	_ =	swait.ge @!p0 [sflag:s0], s1  }
0x316: {  	s1 =	ssub.s32 @!p0 $0x0, s1;
	[sflag:s0] =	ssyncset.done @!p0 $0x0  }
0x317: {  	[sflag:s0] =	ssyncadd.s32 @!p0 s1  }
0x318: {  	[bflag:$0x3] =	sbarrier.arrive $0xFFFF  }
0x319: {  	_ =	shalt  }

// kernel: kernel.7.cloned.1.call-start
scs
__scs_entry_jumppad:
0x0: {  	(pc) =	sbr.rel $0x88, $3  }
0x1: {  	(tag) =	ssettag $0x0;
	lr =	simm.s32 $0x1  }
0x2: {  	[smem:$0x3F92] =	sst lr;
	_ =	strace $0xD0000000  }
0x3: {  	_ = 	snop  }
0x4: {  	_ = 	snop  }
0x5: {  	_ = 	snop  }
0x6: {  	_ = 	snop  }
0x7: {  	_ = 	snop  }
__scs_overlays_trampoline_lowered:
0x8: {  	[smem:$0x3FA1] =	sst s0  }
0x9: {  	[smem:$0x3FA2] =	sst s1  }
0xa: {  	[smem:$0x3FA3] =	sst s2  }
0xb: {  	[smem:$0x3FA4] =	sst s3  }
0xc: {  	[smem:$0x3FA5] =	sst s4  }
0xd: {  	[smem:$0x3FA6] =	sst s5  }
0xe: {  	[smem:$0x3FA7] =	sst s6  }
0xf: {  	[smem:$0x3FA8] =	sst s7  }
0x10: {  	[smem:$0x3FA9] =	sst s8  }
0x11: {  	[smem:$0x3FAA] =	sst s9;
	s0 =	simm.s32 @!p0 $0x0  }
0x12: {  	s1 =	sld [smem:$0x3F90];
	s0 =	simm.s32 @p0 $0x1  }
0x13: {  	[smem:$0x3FAB] =	sst s0;
	s0 =	simm.s32 @!p1 $0x0  }
0x14: {  	s2 =	sld [smem:$0x3F8F];
	s0 =	simm.s32 @p1 $0x1  }
0x15: {  	[smem:$0x3FAC] =	sst s0;
	s0 =	simm.s32 @!p2 $0x0  }
0x16: {  	s3 =	sld [smem:$0x3FDB];
	s0 =	simm.s32 @p2 $0x1  }
0x17: {  	s4 =	simm.s32 $0x1BF5;
	[smem:$0x3FAE] =	sst s0  }
0x18: {  	s0 =	sld [smem:$0x3F91];
	_ =	swait.ge [sflag:s4], $0x0  }
0x19: {  	s7 =	sld [smem:$0x3F92]  }
0x1a: {  	s8 =	sadd.s32 $0xFFFFE003, lr  }
0x1b: {  	s9 =	sadd.s32 $0xFFFFFEF7, lr;
	s5 =	simm.s32 $0xFFFFFFFF;
	p2 =	slt.u32 s8, $0xFFFFF086  }
0x1c: {  	p1 =	slt.u32 s9, $0xF7A;
	s5 =	simm.s32 @!p2 $0x0  }
0x1d: {  	s5 =	simm.s32 @p1 $0x1;
	p0 =	seq.s32 s7, s2  }
0x1e: {  	s7 =	smul.u32 @!p0 $0xF7A, s2;
	p2 =	seq.s32 @!p0 s5, $0x0  }
0x1f: {  	s9 =	smul.u32 $0xF7A, s1;
	s8 =	simm.s32 @!p0 $0x1BF5;
	p2 =	por !p2, p0  }
0x20: {  	[sflag:s8] =	ssyncset.s32 @!p0 $0xFFFFF086;
	s6 =	sadd.s32 @!p0 s3, s7;
	s7 =	simm.s32 @!p0 $0x108  }
0x21: {  	s3 =	sadd.s32 s3, s9;
	s6 =	sadd.s32 @!p0 $0x88, s6;
	s7 =	simm.s32 @p2 $0x1082  }
0x22: {  	[simem:s7], [sflag:s8] =	dma.local @!p0 [hbm:s6], $0xF7A  }
0x23: {  	s9 =	sor.u32 $0xD0000000, s2;
	s6 =	simm.s32 $0x108;
	_ =	swait.ge @!p0 [sflag:s8], $0x0  }
0x24: {  	s3 =	sadd.s32 $0x88, s3;
	s6 =	simm.s32 @!p1 $0x1082;
	[sflag:s4] =	ssyncset.s32 $0xFFFFF086  }
0x25: {  	[simem:s6], [sflag:s4] =	dma.local [hbm:s3], $0xF7A  }
0x26: {  	[smem:$0x3F92] =	sst s1;
	(tag) =	ssettag s2;
	_ =	strace s9  }
0x27: {  	s1 =	sld [smem:$0x3FA2]  }
0x28: {  	s2 =	sld [smem:$0x3FA3]  }
0x29: {  	s4 =	sld [smem:$0x3FA5]  }
0x2a: {  	p0 =	seq.s32 s5, $0x0;
	s5 =	sld [smem:$0x3FA6]  }
0x2b: {  	s6 =	sld [smem:$0x3FA7]  }
0x2c: {  	s7 =	sld [smem:$0x3FA8]  }
0x2d: {  	s3 =	simm.s32 $0x108;
	s8 =	sld [smem:$0x3FA9]  }
0x2e: {  	s3 =	simm.s32 @!p0 $0x1082;
	s9 =	sld [smem:$0x3FAA]  }
0x2f: {  	lr =	sadd.s32 s0, s3;
	s0 =	sld [smem:$0x3FA1]  }
0x30: {  	s3 =	sld [smem:$0x3FA4]  }
0x31: {  	[smem:$0x3FAD] =	sst s10  }
0x32: {  	s10 =	sld [smem:$0x3FAB];
	_ =	sdelay $0x3  }
0x33: {  	p0 =	seq.s32 s10, $0x1;
	s10 =	sld [smem:$0x3FAD];
	_ =	sdelay $0x3  }
0x34: {  	[smem:$0x3FAD] =	sst s10  }
0x35: {  	s10 =	sld [smem:$0x3FAC];
	_ =	sdelay $0x3  }
0x36: {  	p1 =	seq.s32 s10, $0x1;
	s10 =	sld [smem:$0x3FAD];
	_ =	sdelay $0x3  }
0x37: {  	[smem:$0x3FAD] =	sst s10  }
0x38: {  	s10 =	sld [smem:$0x3FAE]  }
0x39: {  	_ = 	snop;
	(pc) =	sbr.ind lr, $3  }
0x3a: {  	_ = 	snop  }
0x3b: {  	_ = 	snop  }
0x3c: {  	p2 =	seq.s32 s10, $0x1;
	s10 =	sld [smem:$0x3FAD]  }
0x3d: {  	_ =	shalt  }
0x3e: {  	_ =	shalt  }
0x3f: {  	_ =	shalt  }
0x40: {  	_ =	shalt  }
0x41: {  	_ =	shalt  }
0x42: {  	_ =	shalt  }
0x43: {  	_ =	shalt  }
0x44: {  	_ =	shalt  }
0x45: {  	_ =	shalt  }
0x46: {  	_ =	shalt  }
0x47: {  	_ =	shalt  }
0x48: {  	_ =	shalt  }
0x49: {  	_ =	shalt  }
0x4a: {  	_ =	shalt  }
0x4b: {  	_ =	shalt  }
0x4c: {  	_ =	shalt  }
0x4d: {  	_ =	shalt  }
0x4e: {  	_ =	shalt  }
0x4f: {  	_ =	shalt  }
0x50: {  	_ =	shalt  }
0x51: {  	_ =	shalt  }
0x52: {  	_ =	shalt  }
0x53: {  	_ =	shalt  }
0x54: {  	_ =	shalt  }
0x55: {  	_ =	shalt  }
0x56: {  	_ =	shalt  }
0x57: {  	_ =	shalt  }
0x58: {  	_ =	shalt  }
0x59: {  	_ =	shalt  }
0x5a: {  	_ =	shalt  }
0x5b: {  	_ =	shalt  }
0x5c: {  	_ =	shalt  }
0x5d: {  	_ =	shalt  }
0x5e: {  	_ =	shalt  }
0x5f: {  	_ =	shalt  }
0x60: {  	_ =	shalt  }
0x61: {  	_ =	shalt  }
0x62: {  	_ =	shalt  }
0x63: {  	_ =	shalt  }
0x64: {  	_ =	shalt  }
0x65: {  	_ =	shalt  }
0x66: {  	_ =	shalt  }
0x67: {  	_ =	shalt  }
0x68: {  	_ =	shalt  }
0x69: {  	_ =	shalt  }
0x6a: {  	_ =	shalt  }
0x6b: {  	_ =	shalt  }
0x6c: {  	_ =	shalt  }
0x6d: {  	_ =	shalt  }
0x6e: {  	_ =	shalt  }
0x6f: {  	_ =	shalt  }
0x70: {  	_ =	shalt  }
0x71: {  	_ =	shalt  }
0x72: {  	_ =	shalt  }
0x73: {  	_ =	shalt  }
0x74: {  	_ =	shalt  }
0x75: {  	_ =	shalt  }
0x76: {  	_ =	shalt  }
0x77: {  	_ =	shalt  }
0x78: {  	_ =	shalt  }
0x79: {  	_ =	shalt  }
0x7a: {  	_ =	shalt  }
0x7b: {  	_ =	shalt  }
0x7c: {  	_ =	shalt  }
0x7d: {  	_ =	shalt  }
0x7e: {  	_ =	shalt  }
0x7f: {  	_ =	shalt  }
0x80: {  	_ =	shalt  }
0x81: {  	_ =	shalt  }
0x82: {  	_ =	shalt  }
0x83: {  	_ =	shalt  }
0x84: {  	_ =	shalt  }
0x85: {  	_ =	shalt  }
0x86: {  	_ =	shalt  }
0x87: {  	_ =	shalt  }
.Lfunc_end0:
.L_simem_size_0:
called_computation_lowered:
.L_overlay_start_0:
0x88: {  	s2 =	sld [smem:$0x3FD9]  }
0x89: {  	s3 =	sld [smem:$0x3FFE];
	_ =	sdelay $0x1  }
0x8a: {  	s1 =	srdreg.scid  }
0x8b: {  	s0 =	sand.u32 $0x1, s1  }
0x8c: {  	s17 =	sshll.u32 s0, $0xA;
	s2 =	sadd.s32 s3, s2  }
0x8d: {  	s2 =	sadd.s32 s2, s17  }
0x8e: {  	[smem:$0x3FB9] =	sst s2  }
0x8f: {  	_ = 	snop  }
0x90: {  	s2 =	sld [smem:$0x3FD0];
	(tm) =	ssettm $0x1  }
0x91: {  	s18 =	sld [smem:$0x3FFB];
	_ =	sdelay $0x3  }
0x92: {  	_ =	strace s18  }
0x93: {  	s3 =	sld [smem:$0x3FFC];
	_ =	sdelay $0x3  }
0x94: {  	_ =	strace s3  }
0x95: {  	s3 =	sld [smem:$0x3FFD];
	_ =	sdelay $0x3  }
0x96: {  	_ =	strace s3  }
0x97: {  	_ =	strace $0x8FFFFFFF  }
0x98: {  	s19 =	sld [smem:$0x3FDB];
	_ =	sdelay $0x1  }
0x99: {  	s4 =	simm.s32 $_scs_section_size  }
0x9a: {  	s5 =	simm.s32 $_size__tile_overlayer_lowered;
	s6 =	simm.s32 $_tile_overlayer_lowered  }
0x9b: {  	s22 =	simm.s32 $0x1BFF;
	s21 =	sshll.u32 s6, $0x1;
	s3 =	sadd.s32 s4, s19  }
0x9c: {  	s7 =	simm.s32 $0x0;
	s20 =	sshll.u32 s5, $0x1;
	s5 =	sadd.s32 s21, s3  }
0x9d: {  	[timem:s7], [sflag:s22] =	dma.local [hbm:s5], s20  }
0x9e: {  	_ =	swait.ge [sflag:s22], s20  }
0x9f: {  	s4 =	ssub.s32 $0x0, s20;
	[sflag:s22] =	ssyncset.done $0x0  }
0xa0: {  	[sflag:s22] =	ssyncadd.s32 s4;
	_ =	sdelay $0x1  }
0xa1: {  	s23 =	simm.s32 $0x1B8B  }
0xa2: {  	_ =	swait.ge [sflag:s23], $0x1  }
0xa3: {  	[sflag:s23] =	ssyncset.done $0x0  }
0xa4: {  	s25 =	simm.s32 $0x1B8E;
	s24 =	sld [smem:$0x3FFE];
	[sflag:s23] =	ssyncadd.s32 $0xFFFFFFFF  }
0xa5: {  	s26 =	simm.s32 $execute0_lowered;
	[smem:$0x3FD2] =	sst s25  }
0xa6: {  	s5 =	sshll.u32 s26, $0x1;
	_ =	strace $0x80000046;
	[dreg:$0x1] =	wrdreg $0xFFFFFFFF  }
0xa7: {  	s28 =	simm.s32 $_size_execute0_lowered;
	s3 =	sadd.s32 s3, s5;
	[dreg:$0x0] =	wrdreg $0x0  }
0xa8: {  	s5 =	sshll.u32 s28, $0x1;
	[dreg:$0x2] =	wrdreg s3  }
0xa9: {  	[dreg:$0x3] =	wrdreg s5  }
0xaa: {  	[dreg:$0x4] =	wrdreg $0xC0  }
0xab: {  	_ =	task [dreg:s7], $0x5FFFF  }
0xac: {  	[dreg:$0x1] =	wrdreg $0xFFFFFFFF  }
0xad: {  	[dreg:$0x0] =	wrdreg $0x60  }
0xae: {  	[dreg:$0x2] =	wrdreg s24  }
0xaf: {  	[dreg:$0x3] =	wrdreg s2  }
0xb0: {  	[dreg:$0x4] =	wrdreg $0x138000  }
0xb1: {  	[dreg:$0x5] =	wrdreg $0x9  }
0xb2: {  	_ =	task.clear_ibuf [dreg:s7], $0x6FFFF;
	_ =	strace $0x90000046  }
0xb3: {  	s29 =	simm.s32 $0x9;
	_ =	strace $0x80000048  }
0xb4: {  	_ =	swait.ge [sflag:s29], $0x1  }
0xb5: {  	[sflag:s29] =	ssyncadd.s32 $0xFFFFFFFF  }
0xb6: {  	_ =	strace $0x90000048  }
0xb7: {  	_ =	sfence  }
0xb8: {  	s30 =	sld [smem:$0x0];
	_ =	sdelay $0x2  }
0xb9: {  	s31 =	sshll.u32 s1, $0xD;
	s1 =	sshrl.u32 s1, $0x2  }
0xba: {  	s3 =	sand.u32 $0x4000, s31;
	s1 =	sadd.s32 s1, s30  }
0xbb: {  	s0 =	sor.u32 s3, s0;
	s1 =	sshll.u32 s1, $0x11  }
0xbc: {  	s0 =	sor.u32 s1, s0  }
0xbd: {  	s0 =	sadd.s32 $0x8F2B, s0  }
0xbe: {  	[sflag:s0] =	ssyncadd.remote.s32 $0x1  }
0xbf: {  	_ =	sfence.sel $0xFFFF  }
0xc0: {  	[dreg:$0x0] =	wrdreg $0xFFFFFFFF;
	(pc) =	sbr.abs _section_cstart, $3  }
0xc1: {  	[dreg:$0x1] =	wrdreg $0xFFFFFFFF  }
0xc2: {  	_ =	task.clear_ibuf [dreg:s7], $0x2FFFF;
	_ =	strace $0x9FFFFFFF  }
0xc3: {  	(tm) =	ssettm $0x7FFFFFFF  }
tec
execute0_lowered:
.L_overlay_start_1:
0x0: {  	(tag) =	ssettag $0x1  }
0x1: {  	s1 =	rddreg [dreg:$0x0]  }
0x2: {  	s15 =	rddreg [dreg:$0x1]  }
0x3: {  	s0 =	srdreg.scid;
	s3 =	rddreg [dreg:$0x2];
	s4 =	simm.s32 $0x0  }
0x4: {  	s9 =	stileid.u32;
	s0 =	sand.u32 $0x1, s0;
	[smem:$0x7FF] =	sst s4  }
0x5: {  	s10 =	smul.u32 $0x5000, s9;
	s6 =	sadd.s32 $0xD600, s1;
	s22 =	sadd.s32 $0x100, s15  }
0x6: {  	s24 =	sadd.s32 $0x200, s15;
	s26 =	sadd.s32 $0x300, s15;
	s28 =	sadd.s32 $0x500, s15  }
0x7: {  	s29 =	sadd.s32 $0x600, s15;
	s30 =	sadd.s32 $0x700, s15;
	s31 =	sadd.s32 $0x800, s15  }
0x8: {  	s2 =	sshll.u32 s0, $0x4;
	_ =	strace $0x80000047;
	[dreg:$0x9] =	wrdreg s22  }
0x9: {  	s7 =	smul.u32 $0x50000, s0;
	s0 =	ssub.s32 $0x2, s0;
	[dreg:$0xa] =	wrdreg s24  }
0xa: {  	[dreg:$0xb] =	wrdreg s26;
	s2 =	sor.u32 s9, s2;
	s9 =	smul.u32 $0x14000, s9  }
0xb: {  	s26 =	sadd.s32 $0x400, s15;
	s11 =	sshrl.u32 s0, $0x1;
	s5 =	smul.u32 $0x580, s2  }
0xc: {  	[dreg:$0x16] =	wrdreg s26;
	s2 =	smul.u32 $0x1600, s2;
	s7 =	sadd.s32 s10, s7  }
0xd: {  	s0 =	ssub.s32 s0, s11;
	s7 =	sshrl.u32 s7, $0x3;
	s19 =	sshrl.u32 s9, $0x2  }
0xe: {  	s0 =	smax.u32 s0, $0x1;
	s8 =	sadd.s32 s5, s1;
	s5 =	sadd.s32 $0x3600, s1  }
0xf: {  	s2 =	sadd.s32 s2, s1;
	s1 =	sadd.s32 s7, s1;
	s9 =	sadd.s32 s19, s3  }
0x10: {  	[dreg:$0x8] =	wrdreg s0;
	s7 =	simm.s32 $0x80;
	s20 =	sadd.s32 $0x17600, s8  }
0x11: {  	s8 =	sadd.s32 $0x22600, s8;
	s2 =	sadd.s32 $0x18A200, s2;
	s1 =	sadd.s32 $0x2D600, s1  }
0x12: {  	s21 =	sadd.s32 $0x800, s9;
	s23 =	sadd.s32 $0x1000, s9;
	[dreg:$0x4] =	wrdreg s20  }
0x13: {  	s25 =	sadd.s32 $0x1800, s9;
	s11 =	sadd.s32 $0x2800, s9;
	[dreg:$0x5] =	wrdreg s8  }
0x14: {  	s16 =	sadd.s32 $0x3000, s9;
	s12 =	sadd.s32 $0x3800, s9;
	[dreg:$0x6] =	wrdreg s2  }
0x15: {  	s13 =	sadd.s32 $0x4000, s9;
	s14 =	sadd.s32 $0x4800, s9;
	[dreg:$0x7] =	wrdreg s1  }
0x16: {  	s1 =	sadd.s32 s10, s3;
	s10 =	sadd.s32 $0x2000, s9;
	s0 =	sshrl.u32 s21, $0x3  }
0x17: {  	s17 =	sshrl.u32 s23, $0x3;
	s18 =	sshrl.u32 s25, $0x3;
	[dreg:$0xc] =	wrdreg s0  }
0x18: {  	s20 =	sshrl.u32 s11, $0x3;
	s21 =	sshrl.u32 s16, $0x3;
	[dreg:$0xd] =	wrdreg s17  }
0x19: {  	s22 =	sshrl.u32 s12, $0x3;
	s23 =	sshrl.u32 s13, $0x3;
	[dreg:$0xe] =	wrdreg s18  }
0x1a: {  	s24 =	sshrl.u32 s14, $0x3;
	s2 =	simm.s32 $0x2C00;
	[dreg:$0x10] =	wrdreg s20  }
0x1b: {  	s8 =	simm.s32 $0x1;
	s11 =	simm.s32 $0x7000;
	[dreg:$0x11] =	wrdreg s21  }
0x1c: {  	s12 =	simm.s32 $0x8800;
	s13 =	simm.s32 $0x7800;
	[dreg:$0x12] =	wrdreg s22  }
0x1d: {  	v0 =	vimm.s32 $0x8400;
	vm0 =	vcmask $0x300;
	s14 =	simm.s32 $0x2;
	s16 =	simm.s32 $0x0;
	[dreg:$0x13] =	wrdreg s23  }
0x1e: {  	vm14 =	vcmask $0x704;
	v0 =	vsel vm0, $0x0, v0;
	s19 =	sshrl.u32 s10, $0x3;
	[dreg:$0x14] =	wrdreg s24;
	s25 =	sshrl.u32 s1, $0x3  }
0x1f: {  	vm15 =	vcmask $0xB08;
	v0 =	vsel vm14, $0x2C00, v0;
	s1 =	sadd.s32 $0x900, s15;
	s0 =	simm.s32 $0x3;
	[dreg:$0xf] =	wrdreg s19  }
0x20: {  	v0 =	vsel vm15, $0x5800, v0;
	s10 =	simm.s32 $0x6000;
	s15 =	simm.s32 $0x8000;
	[dreg:$0x15] =	wrdreg s25  }
.LBB2_1:
0x21: {  	s17 =	rddreg [dreg:$0x4]  }
0x22: {  	[tilespmem:s4], [sflag:$0x3] =	stream.linear.gather [hbm4b:s17+s4], $0x2C00, $0x38;
	[tilespmem:$0x18800] =	vst v63  }
0x23: {  	_ =	swait.ge [sflag:s0], $0x2C00  }
0x24: {  	[sflag:s0] =	ssyncset.done $0x0  }
0x25: {  	s26 =	rddreg [dreg:$0x5];
	[sflag:s0] =	ssyncadd.s32 $0xFFFFD400  }
0x26: {  	[tilespmem:s2], [sflag:$0x3] =	stream.linear.gather [hbm4b:s26+s4], $0x2C00, $0x38;
	[tilespmem:$0x18800] =	vst v63  }
0x27: {  	_ =	swait.ge [sflag:s0], $0x2C00  }
0x28: {  	s18 =	stileid.u32;
	[sflag:s0] =	ssyncset.done $0x0  }
0x29: {  	s17 =	sshll.u32 s18, $0x6;
	[sflag:s0] =	ssyncadd.s32 $0xFFFFD400  }
0x2a: {  	s18 =	sshrl.u32 s9, $0x3;
	s17 =	sor.u32 $0x1C03, s17;
	s19 =	rddreg [dreg:$0x1]  }
0x2b: {  	[spmem:s18], [sflag:s17] =	dma.local [hbm:s19], $0x100  }
0x2c: {  	_ =	swait.ge [sflag:s0], $0x100  }
0x2d: {  	[sflag:s0] =	ssyncset.done $0x0;
	s19 =	rddreg [dreg:$0x9]  }
0x2e: {  	s20 =	rddreg [dreg:$0xc];
	[sflag:s0] =	ssyncadd.s32 $0xFFFFFF00  }
0x2f: {  	[spmem:s20], [sflag:s17] =	dma.local [hbm:s19], $0x100  }
0x30: {  	_ =	swait.ge [sflag:s0], $0x100  }
0x31: {  	[sflag:s0] =	ssyncset.done $0x0;
	s21 =	rddreg [dreg:$0xa]  }
0x32: {  	s22 =	rddreg [dreg:$0xd];
	[sflag:s0] =	ssyncadd.s32 $0xFFFFFF00  }
0x33: {  	[spmem:s22], [sflag:s17] =	dma.local [hbm:s21], $0x100  }
0x34: {  	_ =	swait.ge [sflag:s0], $0x100  }
0x35: {  	[sflag:s0] =	ssyncset.done $0x0;
	s23 =	rddreg [dreg:$0xb]  }
0x36: {  	s24 =	rddreg [dreg:$0xe];
	[sflag:s0] =	ssyncadd.s32 $0xFFFFFF00  }
0x37: {  	[spmem:s24], [sflag:s17] =	dma.local [hbm:s23], $0x100  }
0x38: {  	_ =	swait.ge [sflag:s0], $0x100  }
0x39: {  	[sflag:s0] =	ssyncset.done $0x0;
	s25 =	rddreg [dreg:$0xf]  }
0x3a: {  	s26 =	rddreg [dreg:$0x16];
	[sflag:s0] =	ssyncadd.s32 $0xFFFFFF00  }
0x3b: {  	[spmem:s25], [sflag:s17] =	dma.local [hbm:s26], $0x100  }
0x3c: {  	_ =	swait.ge [sflag:s0], $0x100  }
0x3d: {  	[sflag:s0] =	ssyncset.done $0x0  }
0x3e: {  	s20 =	rddreg [dreg:$0x10];
	[sflag:s0] =	ssyncadd.s32 $0xFFFFFF00  }
0x3f: {  	[spmem:s20], [sflag:s17] =	dma.local [hbm:s28], $0x100  }
0x40: {  	_ =	swait.ge [sflag:s0], $0x100  }
0x41: {  	[sflag:s0] =	ssyncset.done $0x0  }
0x42: {  	s21 =	rddreg [dreg:$0x11];
	[sflag:s0] =	ssyncadd.s32 $0xFFFFFF00  }
0x43: {  	[spmem:s21], [sflag:s17] =	dma.local [hbm:s29], $0x100  }
0x44: {  	_ =	swait.ge [sflag:s0], $0x100  }
0x45: {  	[sflag:s0] =	ssyncset.done $0x0  }
0x46: {  	s22 =	rddreg [dreg:$0x12];
	[sflag:s0] =	ssyncadd.s32 $0xFFFFFF00  }
0x47: {  	[spmem:s22], [sflag:s17] =	dma.local [hbm:s30], $0x100  }
0x48: {  	_ =	swait.ge [sflag:s0], $0x100  }
0x49: {  	[sflag:s0] =	ssyncset.done $0x0  }
0x4a: {  	s23 =	rddreg [dreg:$0x13];
	[sflag:s0] =	ssyncadd.s32 $0xFFFFFF00  }
0x4b: {  	[spmem:s23], [sflag:s17] =	dma.local [hbm:s31], $0x100  }
0x4c: {  	_ =	swait.ge [sflag:s0], $0x100  }
0x4d: {  	[sflag:s0] =	ssyncset.done $0x0  }
0x4e: {  	s24 =	rddreg [dreg:$0x14];
	[sflag:s0] =	ssyncadd.s32 $0xFFFFFF00  }
0x4f: {  	[spmem:s24], [sflag:s17] =	dma.local [hbm:s1], $0x100  }
0x50: {  	_ =	swait.ge [sflag:s0], $0x100  }
0x51: {  	[sflag:s0] =	ssyncset.done $0x0  }
0x52: {  	[sflag:s0] =	ssyncadd.s32 $0xFFFFFF00  }
0x53: {  	s25 =	simm.s32 $0x5800;
	[bflag:$0x0] =	sbarrier.arrive $0xFFFF  }
0x54: {  	[tilespmem:s25], [sflag:$0x1] =	stream.indirect.gather [hbm4b:s5+s7], $0x10, s4, s7, $0xb8;
	[tilespmem:$0x18800] =	vst v63  }
0x55: {  	s18 =	simm.s32 $0x0;
	s26 =	simm.s32 $0x6800  }
0x56: {  	[tilespmem:s26], [sflag:$0x1] =	stream.indirect.gather [hbm4b:s6+s7], $0x10, s2, s7, $0xb8;
	[tilespmem:$0x18800] =	vst v63  }
.LBB2_2:
0x57: {  	_ =	swait.ge [sflag:s8], $0x800  }
0x58: {  	[sflag:s8] =	ssyncset.done $0x0  }
0x59: {  	[sflag:s8] =	ssyncadd.s32 $0xFFFFF800  }
0x5a: {  	_ =	swait.ge [sflag:s8], $0x800  }
0x5b: {  	p0 =	seq.s32 s18, $0x0;
	[sflag:s8] =	ssyncset.done $0x0  }
0x5c: {  	s20 =	simm.s32 @!p0 $0x2;
	[sflag:s8] =	ssyncadd.s32 $0xFFFFF800  }
0x5d: {  	_ =	swait.ge @!p0 [sflag:s20], $0x800  }
0x5e: {  	s19 =	sshll.u32 s18, $0x8;
	[sflag:s20] =	ssyncset.done @!p0 $0x0  }
0x5f: {  	s23 =	sor.u32 $0x80, s19;
	[sflag:s20] =	ssyncadd.s32 @!p0 $0xFFFFF800  }
0x60: {  	[tilespmem:s10], [sflag:$0x1] =	stream.indirect.gather [hbm4b:s5+s7], $0x10, s23, s7, $0xb8;
	[tilespmem:$0x18800] =	vst v63  }
0x61: {  	s25 =	simm.s32 $0x6800;
	s24 =	sadd.s32 $0x2C80, s19  }
0x62: {  	[tilespmem:s11], [sflag:$0x1] =	stream.indirect.gather [hbm4b:s6+s7], $0x10, s24, s7, $0xb8;
	[tilespmem:$0x18800] =	vst v63  }
0x63: {  	s21 =	simm.s32 $0x5800;
	v1 =	vld [tilespmem:s25+$0x0]  }
0x64: {  	v2 =	vld [tilespmem:s21+$0x0];
	_ =	sdelay $0x4  }
0x65: {  	v1 =	vadd.f32 v1, v2;
	_ =	sdelay $0x1  }
0x66: {  	v2 =	vmul.f32 $2.000000030e-01, v1  }
0x67: {  	vm0 =	vgt.f32 v1, $0.0e+00  }
0x68: {  	v1 =	vsel vm0, v1, v2  }
0x69: {  	v1 =	vmul.f32 $1.442695020e+00, v1;
	_ =	sdelay $0x1  }
0x6a: {  	(erf) = vpow2.f32 v1;
	_ =	sdelay $0x4  }
0x6b: {  	s26 =	sadd.s32 $0x0, s19  }
0x6c: {  	v1 =	vadd.s32 s26, v0;
	_ =	sdelay $0x2  }
0x6d: {  	s21 =	simm.s32 $0x7800;
	v2 =	vpop (erf)  }
0x6e: {  	[tilespmem:s21+$0x0] =	vst v2  }
0x6f: {  	s23 =	simm.s32 $0x6810;
	[tilespmem:v1+s12+$0x0] =	vst.idx.msk $0xf, v2  }
0x70: {  	s24 =	simm.s32 $0x5810;
	v1 =	vld [tilespmem:s23+$0x0]  }
0x71: {  	v2 =	vld [tilespmem:s24+$0x0]  }
0x72: {  	s22 =	simm.s32 $0x1;
	s20 =	sshll.u32 s18, $0x1;
	s25 =	simm.s32 $0x2  }
.LBB2_3:
0x73: {  	p0 =	sne.s32 s25, $0x7F;
	_ =	sdelay $0x2  }
0x74: {  	v1 =	vadd.f32 v1, v2;
	_ =	sdelay $0x1  }
0x75: {  	v2 =	vmul.f32 $2.000000030e-01, v1  }
0x76: {  	vm0 =	vgt.f32 v1, $0.0e+00  }
0x77: {  	v1 =	vsel vm0, v1, v2  }
0x78: {  	v1 =	vmul.f32 $1.442695020e+00, v1;
	_ =	sdelay $0x1  }
0x79: {  	(erf) = vpow2.f32 v1;
	_ =	sdelay $0x4  }
0x7a: {  	s26 =	sadd.s32 s19, s22;
	s22 =	smov.u32 s25  }
0x7b: {  	v1 =	vadd.s32 s26, v0;
	_ =	sdelay $0x2  }
0x7c: {  	s21 =	sadd.s32 $0x10, s21;
	v2 =	vpop (erf)  }
.Ltmp0:
0x7d: {  	[tilespmem:s21+$0x0] =	vst v2;
	(pc) =	sbr.rel @p0 .LBB2_3-.Ltmp0, $4  }
0x7e: {  	s23 =	sadd.s32 $0x10, s23;
	[tilespmem:v1+s12+$0x0] =	vst.idx.msk $0xf, v2  }
0x7f: {  	s24 =	sadd.s32 $0x10, s24;
	v1 =	vld [tilespmem:s23+$0x0]  }
0x80: {  	v2 =	vld [tilespmem:s24+$0x0]  }
0x81: {  	s25 =	sadd.s32 $0x1, s25  }
0x82: {  	_ =	sdelay $0x2  }
0x83: {  	v1 =	vadd.f32 v1, v2;
	_ =	sdelay $0x1  }
0x84: {  	v2 =	vmul.f32 $2.000000030e-01, v1  }
0x85: {  	vm0 =	vgt.f32 v1, $0.0e+00  }
0x86: {  	v1 =	vsel vm0, v1, v2  }
0x87: {  	v1 =	vmul.f32 $1.442695020e+00, v1;
	_ =	sdelay $0x1  }
0x88: {  	(erf) = vpow2.f32 v1;
	_ =	sdelay $0x4  }
0x89: {  	s22 =	sadd.s32 s19, s22  }
0x8a: {  	v1 =	vadd.s32 s22, v0;
	_ =	sdelay $0x2  }
0x8b: {  	s21 =	sadd.s32 $0x10, s21;
	v2 =	vpop (erf)  }
0x8c: {  	s24 =	sand.u32 $0x3FFFFF00, s19;
	[tilespmem:s21+$0x0] =	vst v2  }
0x8d: {  	s21 =	sadd.s32 $0x2C00, s24;
	[tilespmem:v1+s12+$0x0] =	vst.idx.msk $0xf, v2  }
0x8e: {  	[spmem:s3] =	stream.indirect.scatter.add.f32 [tilespmem:s13], [sflag:$0x2], $0x10, s21, s7, $0xb8;
	[tilespmem:$0x18800] =	vst v63  }
0x8f: {  	_ =	swait.ge [sflag:s8], $0x800  }
0x90: {  	[sflag:s8] =	ssyncset.done $0x0  }
0x91: {  	[sflag:s8] =	ssyncadd.s32 $0xFFFFF800  }
0x92: {  	_ =	swait.ge [sflag:s8], $0x800  }
0x93: {  	[sflag:s8] =	ssyncset.done $0x0  }
0x94: {  	s20 =	sor.u32 $0x1, s20;
	[sflag:s8] =	ssyncadd.s32 $0xFFFFF800  }
0x95: {  	p0 =	sgt.u32 s20, $0x56;
	_ =	swait.ge [sflag:s14], $0x800  }
0x96: {  	s23 =	simm.s32 @!p0 $0x5800;
	[sflag:s14] =	ssyncset.done $0x0  }
0x97: {  	s22 =	simm.s32 @!p0 $0x80;
	s21 =	sadd.s32 @!p0 $0x100, s19;
	[sflag:s14] =	ssyncadd.s32 $0xFFFFF800  }
0x98: {  	[tilespmem:s23], [sflag:$0x1] =	stream.indirect.gather @!p0 [hbm4b:s5+s22], $0x10, s21, s22, $0xb8;
	[tilespmem:$0x18800] =	vst v63  }
0x99: {  	s25 =	simm.s32 $0x7000;
	s19 =	sadd.s32 @!p0 $0x2D00, s19;
	s21 =	simm.s32 @!p0 $0x6800  }
0x9a: {  	[tilespmem:s21], [sflag:$0x1] =	stream.indirect.gather @!p0 [hbm4b:s6+s22], $0x10, s19, s22, $0xb8;
	[tilespmem:$0x18800] =	vst v63  }
0x9b: {  	s26 =	simm.s32 $0x6000;
	v1 =	vld [tilespmem:s25+$0x0]  }
0x9c: {  	v2 =	vld [tilespmem:s26+$0x0];
	_ =	sdelay $0x4  }
0x9d: {  	v1 =	vadd.f32 v1, v2;
	_ =	sdelay $0x1  }
0x9e: {  	v2 =	vmul.f32 $2.000000030e-01, v1  }
0x9f: {  	vm15 =	vgt.f32 v1, $0.0e+00  }
0xa0: {  	v1 =	vsel vm15, v1, v2  }
0xa1: {  	v1 =	vmul.f32 $1.442695020e+00, v1;
	_ =	sdelay $0x1  }
0xa2: {  	(erf) = vpow2.f32 v1;
	_ =	sdelay $0x3  }
0xa3: {  	s19 =	sshll.u32 s20, $0x7  }
0xa4: {  	s20 =	sadd.s32 $0x0, s19  }
0xa5: {  	v1 =	vadd.s32 s20, v0;
	_ =	sdelay $0x2  }
0xa6: {  	s20 =	simm.s32 $0x8000;
	v2 =	vpop (erf)  }
0xa7: {  	[tilespmem:s20+$0x0] =	vst v2  }
0xa8: {  	s22 =	simm.s32 $0x7010;
	[tilespmem:v1+s12+$0x0] =	vst.idx.msk $0xf, v2  }
0xa9: {  	s23 =	simm.s32 $0x6010;
	v1 =	vld [tilespmem:s22+$0x0]  }
0xaa: {  	v2 =	vld [tilespmem:s23+$0x0]  }
0xab: {  	s24 =	simm.s32 $0x2;
	s21 =	simm.s32 $0x1  }
.LBB2_5:
0xac: {  	p0 =	sne.s32 s24, $0x7F;
	_ =	sdelay $0x2  }
0xad: {  	v1 =	vadd.f32 v1, v2;
	_ =	sdelay $0x1  }
0xae: {  	v2 =	vmul.f32 $2.000000030e-01, v1  }
0xaf: {  	vm0 =	vgt.f32 v1, $0.0e+00  }
0xb0: {  	v1 =	vsel vm0, v1, v2  }
0xb1: {  	v1 =	vmul.f32 $1.442695020e+00, v1;
	_ =	sdelay $0x1  }
0xb2: {  	(erf) = vpow2.f32 v1;
	_ =	sdelay $0x4  }
0xb3: {  	s25 =	sadd.s32 s19, s21;
	s21 =	smov.u32 s24  }
0xb4: {  	v1 =	vadd.s32 s25, v0;
	_ =	sdelay $0x2  }
0xb5: {  	s20 =	sadd.s32 $0x10, s20;
	v2 =	vpop (erf)  }
.Ltmp1:
0xb6: {  	[tilespmem:s20+$0x0] =	vst v2;
	(pc) =	sbr.rel @p0 .LBB2_5-.Ltmp1, $4  }
0xb7: {  	s22 =	sadd.s32 $0x10, s22;
	[tilespmem:v1+s12+$0x0] =	vst.idx.msk $0xf, v2  }
0xb8: {  	s23 =	sadd.s32 $0x10, s23;
	v1 =	vld [tilespmem:s22+$0x0]  }
0xb9: {  	v2 =	vld [tilespmem:s23+$0x0]  }
0xba: {  	s24 =	sadd.s32 $0x1, s24  }
0xbb: {  	_ =	sdelay $0x2  }
0xbc: {  	v1 =	vadd.f32 v1, v2;
	_ =	sdelay $0x1  }
0xbd: {  	v2 =	vmul.f32 $2.000000030e-01, v1  }
0xbe: {  	vm0 =	vgt.f32 v1, $0.0e+00  }
0xbf: {  	v1 =	vsel vm0, v1, v2  }
0xc0: {  	v1 =	vmul.f32 $1.442695020e+00, v1;
	_ =	sdelay $0x1  }
0xc1: {  	(erf) = vpow2.f32 v1;
	_ =	sdelay $0x4  }
0xc2: {  	s21 =	sadd.s32 s19, s21  }
0xc3: {  	s18 =	sadd.s32 $0x1, s18;
	v1 =	vadd.s32 s21, v0  }
0xc4: {  	p0 =	sne.s32 s18, $0x2C  }
.Ltmp2:
0xc5: {  	_ = 	snop;
	(pc) =	sbr.rel @p0 .LBB2_2-.Ltmp2, $4  }
0xc6: {  	s20 =	sadd.s32 $0x10, s20;
	v2 =	vpop (erf)  }
0xc7: {  	s26 =	sand.u32 $0x3FFFFF80, s19;
	[tilespmem:s20+$0x0] =	vst v2  }
0xc8: {  	s19 =	sadd.s32 $0x2C00, s26;
	[tilespmem:v1+s12+$0x0] =	vst.idx.msk $0xf, v2  }
0xc9: {  	[spmem:s3] =	stream.indirect.scatter.add.f32 [tilespmem:s15], [sflag:$0x2], $0x10, s19, s7, $0xb8;
	[tilespmem:$0x18800] =	vst v63  }
0xca: {  	_ =	swait.ge [sflag:s14], $0x800  }
0xcb: {  	[sflag:s14] =	ssyncset.done $0x0  }
0xcc: {  	s18 =	rddreg [dreg:$0x6];
	[sflag:s14] =	ssyncadd.s32 $0xFFFFF800  }
0xcd: {  	[hbm4b:s18+s4] =	stream.linear.scatter [tilespmem:s12], [sflag:$0x3], $0xB000, $0x38;
	[tilespmem:$0x18800] =	vst v63  }
0xce: {  	_ =	swait.ge [sflag:s0], $0xB000  }
0xcf: {  	[sflag:s0] =	ssyncset.done $0x0  }
0xd0: {  	[sflag:s0] =	ssyncadd.s32 $0xFFFF5000  }
0xd1: {  	[bflag:$0x0] =	sbarrier.arrive $0xFFFF  }
0xd2: {  	s25 =	rddreg [dreg:$0x7]  }
0xd3: {  	s19 =	rddreg [dreg:$0x15]  }
0xd4: {  	[hbm:s25], [sflag:s17] =	dma.local [spmem:s19], $0xA00  }
0xd5: {  	_ =	swait.ge [sflag:s0], $0xA00  }
0xd6: {  	s16 =	sadd.s32 $0x1, s16;
	s26 =	rddreg [dreg:$0x8]  }
0xd7: {  	p0 =	sne.s32 s16, s26  }
.Ltmp3:
0xd8: {  	_ = 	snop;
	(pc) =	sbr.rel @p0 .LBB2_1-.Ltmp3, $3  }
0xd9: {  	_ =	sdelay $0x1  }
0xda: {  	[sflag:s0] =	ssyncset.done $0x0  }
0xdb: {  	[sflag:s0] =	ssyncadd.s32 $0xFFFFF600  }
0xdc: {  	_ =	sfence.sel $0x180000  }
0xdd: {  	[bflag:$0x0] =	sbarrier.arrive $0xFFFF  }
0xde: {  	_ =	strace $0x90000047  }
0xdf: {  	s0 =	stileid.u32;
	[bflag:$0x2] =	sbarrier.arrive $0xFFFF  }
0xe0: {  	p0 =	sne.s32 s0, $0x0;
	s0 =	rddreg [dreg:$0x3]  }
0xe1: {  	s0 =	sadd.s32 @!p0 $0x100000, s0  }
0xe2: {  	[sflag:s0] =	ssyncadd.tile.s32 @!p0 $0x1;
	_ =	shalt  }
.Lfunc_end2:
_tile_overlayer_lowered:
.L_overlay_start_2:
0xe3: {  	(tag) =	ssettag $0x2  }
0xe4: {  	s0 =	rddreg [dreg:$0x0];
	s2 =	stileid.u32  }
0xe5: {  	s1 =	rddreg [dreg:$0x1];
	p0 =	sne.s32 s2, $0x0  }
0xe6: {  	s3 =	rddreg [dreg:$0x2];
	[bflag:$0x3] =	sbarrier.arrive $0xFFFF;
	s2 =	simm.s32 @!p0 $0x1C03  }
0xe7: {  	[timem:s3], [sflag:s2] =	dma.local @!p0 [hbm:s0], s1  }
0xe8: {  	s0 =	simm.s32 @!p0 $0x3  }
0xe9: {  	_ =	swait.ge @!p0 [sflag:s0], s1  }
0xea: {  	s1 =	ssub.s32 @!p0 $0x0, s1;
	[sflag:s0] =	ssyncset.done @!p0 $0x0  }
0xeb: {  	[sflag:s0] =	ssyncadd.s32 @!p0 s1  }
0xec: {  	[bflag:$0x3] =	sbarrier.arrive $0xFFFF  }
0xed: {  	_ =	shalt  }

</sc_bundles>
